<compile_context>
chip_gen: v7x
topology: tpu7x:2x2x1
jax: 0.10.2.dev20260603
libtpu: 0.0.44.dev20260713+nightly
codegen_flags: <defaults>
</compile_context>

<pallas_src>
import functools

import jax
import jax.numpy as jnp
from jax import lax
from jax.experimental import pallas as pl
from jax.experimental.pallas import tpu as pltpu
from jax.experimental.pallas import tpu_sc as plsc

B = 4
C = 21
S = 1200
N = 512 * 512
NW = 32
NCHUNK = 16
CHUNK = N // NCHUNK
NTASK = B * NCHUNK
REPS = NTASK // NW
ACC = C * S
STEPS = CHUNK // 16


def _sc_pool_body(spx_hbm, predr_hbm, partials_hbm, sums_hbm,
                  seg_v, val0_v, val1_v, acc_v, ssum_v, sem0, sem1):
    wid = lax.axis_index("s") * 2 + lax.axis_index("c")
    bufs = (val0_v, val1_v)
    sems = (sem0, sem1)

    def val_copy(b, off, c, buf, sem):
        return pltpu.async_copy(
            predr_hbm.at[pl.ds((b * C + c) * N + off, CHUNK)], buf, sem)

    for rep in range(REPS):
        t = wid + rep * NW
        b = t // NCHUNK
        off = (t % NCHUNK) * CHUNK

        cp = val_copy(b, off, 0, bufs[0], sems[0])
        pltpu.sync_copy(spx_hbm.at[pl.ds(b * N + off, CHUNK)], seg_v)

        def zero_body(i, carry):
            acc_v[pl.ds(i * 16, 16)] = jnp.zeros((16,), jnp.float32)
            return carry
        lax.fori_loop(0, ACC // 16, zero_body, 0)

        def sum_body(i, s):
            return s + seg_v[pl.ds(i * 16, 16)]
        ssum_v[...] = lax.fori_loop(
            0, STEPS, sum_body, jnp.zeros((16,), jnp.int32))
        pltpu.sync_copy(ssum_v, sums_hbm.at[pl.ds(t * 16, 16)])

        for c in range(C):
            val_v = bufs[c % 2]
            cp.wait()
            if c + 1 < C:
                cp = val_copy(b, off, c + 1, bufs[(c + 1) % 2],
                              sems[(c + 1) % 2])
            base = jnp.full((16,), c * S, jnp.int32)

            def scat_body(i, carry):
                seg, vals = carry
                nxt = jnp.minimum(i + 1, STEPS - 1) * 16
                seg_n = seg_v[pl.ds(nxt, 16)]
                val_n = val_v[pl.ds(nxt, 16)]
                plsc.addupdate_scatter(acc_v, [seg + base], vals)
                return (seg_n, val_n)
            first = (seg_v[pl.ds(0, 16)], val_v[pl.ds(0, 16)])
            lax.fori_loop(0, STEPS, scat_body, first, unroll=4)

        pltpu.sync_copy(acc_v, partials_hbm.at[pl.ds(t * ACC, ACC)])


_sc_pool = functools.partial(
    pl.kernel,
    out_type=[
        jax.ShapeDtypeStruct((NTASK * ACC,), jnp.float32),
        jax.ShapeDtypeStruct((NTASK * 16,), jnp.int32),
    ],
    mesh=plsc.VectorSubcoreMesh(core_axis_name="c", subcore_axis_name="s"),
    compiler_params=pltpu.CompilerParams(needs_layout_passes=False),
    scratch_types=[
        pltpu.VMEM((CHUNK,), jnp.int32),
        pltpu.VMEM((CHUNK,), jnp.float32),
        pltpu.VMEM((CHUNK,), jnp.float32),
        pltpu.VMEM((ACC,), jnp.float32),
        pltpu.VMEM((16,), jnp.int32),
        pltpu.SemaphoreType.DMA,
        pltpu.SemaphoreType.DMA,
    ],
)(_sc_pool_body)


def _tc_finish_body(partials_ref, sums_ref, l_ref, w_ref, out_ref,
                    r_v, qacc_v, wacc_v):
    b = pl.program_id(0)

    @pl.when(b == 0)
    def _init():
        qacc_v[...] = jnp.zeros_like(qacc_v)
        wacc_v[0, 0] = 0.0

    denom = jnp.sum(sums_ref[...]).astype(jnp.float32) + 1e-16
    r_v[...] = jnp.sum(partials_ref[0], axis=0) / denom

    wb = w_ref[0]
    wacc_v[0, 0] += jnp.sum(wb * wb)

    r = r_v[...]
    y = lax.dot_general(r, l_ref[0], (((1,), (0,)), ((), ())),
                        precision=lax.Precision.HIGHEST,
                        preferred_element_type=jnp.float32)
    qacc_v[...] += jnp.sum(y * r, axis=1, keepdims=True)

    @pl.when(b == B - 1)
    def _fin():
        out_ref[0, 0] = (2.0 / jnp.sqrt(wacc_v[0, 0])) * (
            jnp.sum(qacc_v[...]) / C)


_tc_finish = pl.pallas_call(
    _tc_finish_body,
    grid=(B,),
    in_specs=[
        pl.BlockSpec((1, NCHUNK, C, S), lambda b: (b, 0, 0, 0)),
        pl.BlockSpec((1, NCHUNK, 16), lambda b: (b, 0, 0)),
        pl.BlockSpec((1, S, S), lambda b: (b, 0, 0)),
        pl.BlockSpec((1, S, S), lambda b: (b, 0, 0)),
    ],
    out_specs=pl.BlockSpec(memory_space=pltpu.SMEM),
    out_shape=jax.ShapeDtypeStruct((1, 1), jnp.float32),
    scratch_shapes=[
        pltpu.VMEM((C, S), jnp.float32),
        pltpu.VMEM((C, 1), jnp.float32),
        pltpu.SMEM((1, 1), jnp.float32),
    ],
)


def kernel(pred, Laplace_W_c, Laplace_L_c, image_spiex, class_num):
    predr = jnp.transpose(pred, (0, 2, 3, 1)).reshape(B * C * N)
    spx = image_spiex.reshape(B * N).astype(jnp.int32)
    partials, sums = _sc_pool(spx, predr)
    out = _tc_finish(
        partials.reshape(B, NCHUNK, C, S),
        sums.reshape(B, NCHUNK, 16),
        Laplace_L_c.astype(jnp.float32),
        Laplace_W_c.astype(jnp.float32),
    )
    return out[0, 0] + jnp.asarray(class_num - C, jnp.float32)

# --- scband reference (transcript-rebuilt; emitter-appended) ---
"""Pipeline reference for scband-laplace-loss-gpu-pzy-ori-35570919145578 (READ-ONLY COPY).

The authoritative reference and input builder live on the scoring server;
editing this copy changes nothing except your own understanding.
"""

import jax, jax.numpy as jnp
import numpy as np


def setup_inputs(seed: int = 0) -> dict:
    key = jax.random.key(seed)
    k1, k2, k3, k4 = jax.random.split(key, 4)
    pred = jax.random.normal(k1, (4, 21, 512, 512), dtype=jnp.float32)
    Laplace_W_c = jax.random.normal(k2, (4, 1200, 1200), dtype=jnp.float32)
    Laplace_L_c = jax.random.normal(k3, (4, 1200, 1200), dtype=jnp.float32)
    image_spiex = jax.random.randint(k4, (4, 512, 512), 0, 1200)
    return {
        "pred": pred,
        "Laplace_W_c": Laplace_W_c,
        "Laplace_L_c": Laplace_L_c,
        "image_spiex": image_spiex,
        "class_num": 21,
    }


def reference(pred, Laplace_W_c, Laplace_L_c, image_spiex, class_num):
    spixels_num = 1200
    class_num_s = pred.shape[1]
    Laplace_L = Laplace_L_c.astype(jnp.float32)
    Laplace_W = Laplace_W_c.astype(jnp.float32)
    b, x, y = image_spiex.shape
    # pred.permute(0,2,3,1).reshape(b, class_num, -1)
    pred_r = jnp.transpose(pred, (0, 2, 3, 1)).reshape(b, class_num_s, -1)
    # image_spiex.view(b,-1).unsqueeze(1).repeat(1, class_num, 1)
    idx = jnp.broadcast_to(image_spiex.reshape(b, -1)[:, None, :], (b, class_num_s, x * y))
    bi = jnp.arange(b)[:, None, None]
    ci = jnp.arange(class_num_s)[None, :, None]
    result = jnp.zeros((b, class_num_s, spixels_num), dtype=jnp.float32)
    # scatter_add along dim 2
    result = result.at[bi, ci, idx].add(pred_r)
    denom = idx.sum(axis=2, keepdims=True).astype(jnp.float32) + 1e-16
    result = result / denom
    result2 = jnp.matmul(jnp.matmul(result, Laplace_L), jnp.transpose(result, (0, 2, 1)))
    diag = jnp.diagonal(result2, axis1=-2, axis2=-1).sum(axis=0)
    loss = 2.0 / jnp.linalg.norm(Laplace_W.reshape(-1)) * diag
    out = loss.mean()
    return out + jnp.asarray(class_num - class_num_s, out.dtype)

if __name__ == "__main__":
    import jax
    _d = setup_inputs()
    print(jax.jit(kernel)(*tuple(_d.values())))

</pallas_src>

<mosaic_0001>
#map = affine_map<(d0, d1) -> (0)>
module attributes {stable_mosaic.version = 14 : i64} {
  func.func @_sc_pool_body(%arg0: i32, %arg1: i32, %arg2: memref<1048576xi32, #tpu.memory_space<hbm>>, %arg3: memref<22020096xf32, #tpu.memory_space<hbm>>, %arg4: memref<1612800xf32, #tpu.memory_space<hbm>>, %arg5: memref<1024xi32, #tpu.memory_space<hbm>>, %arg6: memref<16384xi32, #tpu.memory_space<vmem>>, %arg7: memref<16384xf32, #tpu.memory_space<vmem>>, %arg8: memref<16384xf32, #tpu.memory_space<vmem>>, %arg9: memref<25200xf32, #tpu.memory_space<vmem>>, %arg10: memref<16xi32, #tpu.memory_space<vmem>>, %arg11: memref<!tpu.dma_semaphore, #tpu.memory_space<semaphore_mem>>, %arg12: memref<!tpu.dma_semaphore, #tpu.memory_space<semaphore_mem>>) attributes {dimension_semantics = [#tpu.dimension_semantics<core_parallel>, #tpu.dimension_semantics<subcore_parallel>], iteration_bounds = array<i64: 2, 16>, scalar_prefetch = 0 : i64, scratch_operands = 7 : i64, tpu.core_type = #tpu.core_type<sc_vector_subcore>, window_params = [{transform_indices = #map}, {transform_indices = #map}, {transform_indices = #map}, {transform_indices = #map}]} {
    %mul3A = arith.constant 2 : i32
    %mul3A_0 = arith.muli %arg1, %mul3A : i32
    %add3A = arith.addi %mul3A_0, %arg0 : i32
    %add3A_1 = arith.constant 0 : i32
    %add3A_2 = arith.addi %add3A, %add3A_1 : i32
    %jit3A = arith.constant 16 : i32
    %div3A = arith.divsi %add3A_2, %jit3A : i32
    %sign3A = arith.constant 0 : i32
    %sign3A_3 = arith.cmpi sgt, %add3A_2, %sign3A : i32
    %sign3A_4 = arith.extui %sign3A_3 : i1 to i32
    %sign3A_5 = arith.constant 0 : i32
    %sign3A_6 = arith.cmpi slt, %add3A_2, %sign3A_5 : i32
    %sign3A_7 = arith.extui %sign3A_6 : i1 to i32
    %sign3A_8 = arith.subi %sign3A_4, %sign3A_7 : i32
    %sign3A_9 = arith.constant 0 : i32
    %sign3A_10 = arith.cmpi sgt, %jit3A, %sign3A_9 : i32
    %sign3A_11 = arith.extui %sign3A_10 : i1 to i32
    %sign3A_12 = arith.constant 0 : i32
    %sign3A_13 = arith.cmpi slt, %jit3A, %sign3A_12 : i32
    %sign3A_14 = arith.extui %sign3A_13 : i1 to i32
    %sign3A_15 = arith.subi %sign3A_11, %sign3A_14 : i32
    %ne3A = arith.cmpi ne, %sign3A_8, %sign3A_15 : i32
    %rem3A = arith.remsi %add3A_2, %jit3A : i32
    %ne3A_16 = arith.constant 0 : i32
    %ne3A_17 = arith.cmpi ne, %rem3A, %ne3A_16 : i32
    %and3A = arith.andi %ne3A, %ne3A_17 : i1
    %sub3A = arith.constant 1 : i32
    %sub3A_18 = arith.subi %div3A, %sub3A : i32
    %select_n3A = arith.select %and3A, %sub3A_18, %div3A : i32
    %jit3A_19 = arith.constant 16 : i32
    %eq3A = arith.constant 0 : i32
    %eq3A_20 = arith.cmpi eq, %jit3A_19, %eq3A : i32
    %jit3A_21 = arith.constant 1 : i32
    %select_n3A_22 = arith.select %eq3A_20, %jit3A_21, %jit3A_19 : i32
    %rem3A_23 = arith.remsi %add3A_2, %select_n3A_22 : i32
    %ne3A_24 = arith.constant 0 : i32
    %ne3A_25 = arith.cmpi ne, %rem3A_23, %ne3A_24 : i32
    %lt3A = arith.constant 0 : i32
    %lt3A_26 = arith.cmpi slt, %rem3A_23, %lt3A : i32
    %lt3A_27 = arith.constant 0 : i32
    %lt3A_28 = arith.cmpi slt, %select_n3A_22, %lt3A_27 : i32
    %ne3A_29 = arith.xori %lt3A_26, %lt3A_28 : i1
    %and3A_30 = arith.andi %ne3A_29, %ne3A_25 : i1
    %add3A_31 = arith.addi %rem3A_23, %select_n3A_22 : i32
    %select_n3A_32 = arith.select %and3A_30, %add3A_31, %rem3A_23 : i32
    %mul3A_33 = arith.constant 16384 : i32
    %mul3A_34 = arith.muli %select_n3A_32, %mul3A_33 : i32
    %mul3A_35 = arith.constant 21 : i32
    %mul3A_36 = arith.muli %select_n3A, %mul3A_35 : i32
    %add3A_37 = arith.constant 0 : i32
    %add3A_38 = arith.addi %mul3A_36, %add3A_37 : i32
    %mul3A_39 = arith.constant 262144 : i32
    %mul3A_40 = arith.muli %add3A_38, %mul3A_39 : i32
    %add3A_41 = arith.addi %mul3A_40, %mul3A_34 : i32
    %dma_start3A = tpu.memref_slice %arg3[%add3A_41] : memref<22020096xf32, #tpu.memory_space<hbm>> -> memref<16384xf32, #tpu.memory_space<hbm>>
    %dma_start3A_42 = tpu.memref_slice %arg3[%add3A_41] : memref<22020096xf32, #tpu.memory_space<hbm>> -> memref<16384xf32, #tpu.memory_space<hbm>>
    tpu.enqueue_dma source(%dma_start3A_42 : memref<16384xf32, #tpu.memory_space<hbm>>) target(%arg7 : memref<16384xf32, #tpu.memory_space<vmem>>) target_semaphore(%arg11 : memref<!tpu.dma_semaphore, #tpu.memory_space<semaphore_mem>>)
    %mul3A_43 = arith.constant 262144 : i32
    %mul3A_44 = arith.muli %select_n3A, %mul3A_43 : i32
    %add3A_45 = arith.addi %mul3A_44, %mul3A_34 : i32
    "tpu.region"() ({
      %run_scoped3A = tpu.sem_alloc : memref<!tpu.dma_semaphore, #tpu.memory_space<semaphore_mem>>
      %dma_start3A_1085 = tpu.memref_slice %arg2[%add3A_45] : memref<1048576xi32, #tpu.memory_space<hbm>> -> memref<16384xi32, #tpu.memory_space<hbm>>
      %dma_start3A_1086 = tpu.memref_slice %arg2[%add3A_45] : memref<1048576xi32, #tpu.memory_space<hbm>> -> memref<16384xi32, #tpu.memory_space<hbm>>
      tpu.enqueue_dma source(%dma_start3A_1086 : memref<16384xi32, #tpu.memory_space<hbm>>) target(%arg6 : memref<16384xi32, #tpu.memory_space<vmem>>) target_semaphore(%run_scoped3A : memref<!tpu.dma_semaphore, #tpu.memory_space<semaphore_mem>>)
      %dma_wait3A_1087 = tpu.memref_slice %arg2[%add3A_45] : memref<1048576xi32, #tpu.memory_space<hbm>> -> memref<16384xi32, #tpu.memory_space<hbm>>
      %dma_wait3A_1088 = tpu.memref_slice %arg2[%add3A_45] : memref<1048576xi32, #tpu.memory_space<hbm>> -> memref<16384xi32, #tpu.memory_space<hbm>>
      tpu.wait_dma2 semaphore(%run_scoped3A : memref<!tpu.dma_semaphore, #tpu.memory_space<semaphore_mem>>) src(%dma_wait3A_1088 : memref<16384xi32, #tpu.memory_space<hbm>>) dst(%arg6 : memref<16384xi32, #tpu.memory_space<vmem>>)
      tpu.yield
    }) : () -> ()
    %scan3A = arith.constant 0 : i32
    %scan3A_46 = arith.constant 0 : i32
    %scan3A_47 = arith.constant 1575 : i32
    %scan3A_48 = arith.addi %scan3A_46, %scan3A_47 : i32
    %scan3A_49 = arith.constant 1 : i32
    scf.for %scan3A_1085 = %scan3A_46 to %scan3A_48 step %scan3A_49  : i32 {
      %broadcast_in_dim3A_1086 = arith.constant 0.000000e+00 : f32
      %broadcast_in_dim3A_1087 = vector.broadcast %broadcast_in_dim3A_1086 : f32 to vector<16xf32>
      %mul3A_1088 = arith.constant 16 : i32
      %mul3A_1089 = arith.muli %scan3A_1085, %mul3A_1088 : i32
      %swap3A_1090 = arith.index_cast %mul3A_1089 : i32 to index
      %swap3A_1091 = tpu.vector_load %arg9[%swap3A_1090] {strides = array<i32>} : memref<25200xf32, #tpu.memory_space<vmem>>, vector<16xf32>,
      tpu.vector_store %arg9[%swap3A_1090], %broadcast_in_dim3A_1087 {strides = array<i32>} : memref<25200xf32, #tpu.memory_space<vmem>>, vector<16xf32>,
    }
    %scan3A_50 = arith.constant 1575 : i32
    %broadcast_in_dim3A = arith.constant 0 : i32
    %broadcast_in_dim3A_51 = vector.broadcast %broadcast_in_dim3A : i32 to vector<16xi32>
    %scan3A_52 = arith.constant 0 : i32
    %scan3A_53 = arith.constant 1024 : i32
    %scan3A_54 = arith.addi %scan3A_52, %scan3A_53 : i32
    %scan3A_55 = arith.constant 1 : i32
    %scan3A_56 = scf.for %scan3A_1085 = %scan3A_52 to %scan3A_54 step %scan3A_55 iter_args(%scan3A_1086 = %broadcast_in_dim3A_51) -> (vector<16xi32>)  : i32 {
      %mul3A_1087 = arith.constant 16 : i32
      %mul3A_1088 = arith.muli %scan3A_1085, %mul3A_1087 : i32
      %get3A_1089 = arith.index_cast %mul3A_1088 : i32 to index
      %get3A_1090 = tpu.vector_load %arg6[%get3A_1089] {strides = array<i32>} : memref<16384xi32, #tpu.memory_space<vmem>>, vector<16xi32>,
      %add3A_1091 = arith.addi %scan3A_1086, %get3A_1090 : vector<16xi32>
      scf.yield %add3A_1091 : vector<16xi32>
    }
    %scan3A_57 = arith.constant 1024 : i32
    %swap3A = arith.constant 0 : index
    %swap3A_58 = tpu.vector_load %arg10[%swap3A] {strides = array<i32>} : memref<16xi32, #tpu.memory_space<vmem>>, vector<16xi32>,
    tpu.vector_store %arg10[%swap3A], %scan3A_56 {strides = array<i32>} : memref<16xi32, #tpu.memory_space<vmem>>, vector<16xi32>,
    %mul3A_59 = arith.constant 16 : i32
    %mul3A_60 = arith.muli %add3A_2, %mul3A_59 : i32
    "tpu.region"() ({
      %run_scoped3A = tpu.sem_alloc : memref<!tpu.dma_semaphore, #tpu.memory_space<semaphore_mem>>
      %dma_start3A_1085 = tpu.memref_slice %arg5[%mul3A_60] : memref<1024xi32, #tpu.memory_space<hbm>> -> memref<16xi32, #tpu.memory_space<hbm>>
      %dma_start3A_1086 = tpu.memref_slice %arg5[%mul3A_60] : memref<1024xi32, #tpu.memory_space<hbm>> -> memref<16xi32, #tpu.memory_space<hbm>>
      tpu.enqueue_dma source(%arg10 : memref<16xi32, #tpu.memory_space<vmem>>) target(%dma_start3A_1086 : memref<16xi32, #tpu.memory_space<hbm>>) target_semaphore(%run_scoped3A : memref<!tpu.dma_semaphore, #tpu.memory_space<semaphore_mem>>)
      %dma_wait3A_1087 = tpu.memref_slice %arg5[%mul3A_60] : memref<1024xi32, #tpu.memory_space<hbm>> -> memref<16xi32, #tpu.memory_space<hbm>>
      %dma_wait3A_1088 = tpu.memref_slice %arg5[%mul3A_60] : memref<1024xi32, #tpu.memory_space<hbm>> -> memref<16xi32, #tpu.memory_space<hbm>>
      tpu.wait_dma2 semaphore(%run_scoped3A : memref<!tpu.dma_semaphore, #tpu.memory_space<semaphore_mem>>) src(%arg10 : memref<16xi32, #tpu.memory_space<vmem>>) dst(%dma_wait3A_1088 : memref<16xi32, #tpu.memory_space<hbm>>)
      tpu.yield
    }) : () -> ()
    %dma_wait3A = tpu.memref_slice %arg3[%add3A_41] : memref<22020096xf32, #tpu.memory_space<hbm>> -> memref<16384xf32, #tpu.memory_space<hbm>>
    %dma_wait3A_61 = tpu.memref_slice %arg3[%add3A_41] : memref<22020096xf32, #tpu.memory_space<hbm>> -> memref<16384xf32, #tpu.memory_space<hbm>>
    tpu.wait_dma2 semaphore(%arg11 : memref<!tpu.dma_semaphore, #tpu.memory_space<semaphore_mem>>) src(%dma_wait3A_61 : memref<16384xf32, #tpu.memory_space<hbm>>) dst(%arg7 : memref<16384xf32, #tpu.memory_space<vmem>>)
    %mul3A_62 = arith.constant 21 : i32
    %mul3A_63 = arith.muli %select_n3A, %mul3A_62 : i32
    %add3A_64 = arith.constant 1 : i32
    %add3A_65 = arith.addi %mul3A_63, %add3A_64 : i32
    %mul3A_66 = arith.constant 262144 : i32
    %mul3A_67 = arith.muli %add3A_65, %mul3A_66 : i32
    %add3A_68 = arith.addi %mul3A_67, %mul3A_34 : i32
    %dma_start3A_69 = tpu.memref_slice %arg3[%add3A_68] : memref<22020096xf32, #tpu.memory_space<hbm>> -> memref<16384xf32, #tpu.memory_space<hbm>>
    %dma_start3A_70 = tpu.memref_slice %arg3[%add3A_68] : memref<22020096xf32, #tpu.memory_space<hbm>> -> memref<16384xf32, #tpu.memory_space<hbm>>
    tpu.enqueue_dma source(%dma_start3A_70 : memref<16384xf32, #tpu.memory_space<hbm>>) target(%arg8 : memref<16384xf32, #tpu.memory_space<vmem>>) target_semaphore(%arg12 : memref<!tpu.dma_semaphore, #tpu.memory_space<semaphore_mem>>)
    %broadcast_in_dim3A_71 = arith.constant 0 : i32
    %broadcast_in_dim3A_72 = vector.broadcast %broadcast_in_dim3A_71 : i32 to vector<16xi32>
    %get3A = arith.constant 0 : index
    %get3A_73 = tpu.vector_load %arg6[%get3A] {strides = array<i32>} : memref<16384xi32, #tpu.memory_space<vmem>>, vector<16xi32>,
    %get3A_74 = arith.constant 0 : index
    %get3A_75 = tpu.vector_load %arg7[%get3A_74] {strides = array<i32>} : memref<16384xf32, #tpu.memory_space<vmem>>, vector<16xf32>,
    %scan3A_76 = arith.constant 0 : i32
    %scan3A_77 = arith.constant 1024 : i32
    %scan3A_78 = arith.addi %scan3A_76, %scan3A_77 : i32
    %scan3A_79 = arith.constant 4 : i32
    %scan3A_80:2 = scf.for %scan3A_1085 = %scan3A_76 to %scan3A_78 step %scan3A_79 iter_args(%scan3A_1086 = %get3A_73, %scan3A_1087 = %get3A_75) -> (vector<16xi32>, vector<16xf32>)  : i32 {
      %add3A_1088 = arith.constant 1 : i32
      %add3A_1089 = arith.addi %scan3A_1085, %add3A_1088 : i32
      %min3A = arith.constant 1023 : i32
      %min3A_1090 = arith.minsi %add3A_1089, %min3A : i32
      %mul3A_1091 = arith.constant 16 : i32
      %mul3A_1092 = arith.muli %min3A_1090, %mul3A_1091 : i32
      %get3A_1093 = arith.index_cast %mul3A_1092 : i32 to index
      %get3A_1094 = tpu.vector_load %arg6[%get3A_1093] {strides = array<i32>} : memref<16384xi32, #tpu.memory_space<vmem>>, vector<16xi32>,
      %get3A_1095 = arith.index_cast %mul3A_1092 : i32 to index
      %get3A_1096 = tpu.vector_load %arg7[%get3A_1095] {strides = array<i32>} : memref<16384xf32, #tpu.memory_space<vmem>>, vector<16xf32>,
      %add3A_1097 = arith.addi %scan3A_1086, %broadcast_in_dim3A_72 : vector<16xi32>
      tpu.vector_store_idx %arg9[%add3A_1097], %scan3A_1087 {add = true} : memref<25200xf32, #tpu.memory_space<vmem>>[vector<16xi32>], vector<16xf32>,
      %scan3A_1098 = arith.constant 1 : i32
      %scan3A_1099 = arith.addi %scan3A_1085, %scan3A_1098 : i32
      %add3A_1100 = arith.constant 1 : i32
      %add3A_1101 = arith.addi %scan3A_1099, %add3A_1100 : i32
      %min3A_1102 = arith.constant 1023 : i32
      %min3A_1103 = arith.minsi %add3A_1101, %min3A_1102 : i32
      %mul3A_1104 = arith.constant 16 : i32
      %mul3A_1105 = arith.muli %min3A_1103, %mul3A_1104 : i32
      %get3A_1106 = arith.index_cast %mul3A_1105 : i32 to index
      %get3A_1107 = tpu.vector_load %arg6[%get3A_1106] {strides = array<i32>} : memref<16384xi32, #tpu.memory_space<vmem>>, vector<16xi32>,
      %get3A_1108 = arith.index_cast %mul3A_1105 : i32 to index
      %get3A_1109 = tpu.vector_load %arg7[%get3A_1108] {strides = array<i32>} : memref<16384xf32, #tpu.memory_space<vmem>>, vector<16xf32>,
      %add3A_1110 = arith.addi %get3A_1094, %broadcast_in_dim3A_72 : vector<16xi32>
      tpu.vector_store_idx %arg9[%add3A_1110], %get3A_1096 {add = true} : memref<25200xf32, #tpu.memory_space<vmem>>[vector<16xi32>], vector<16xf32>,
      %scan3A_1111 = arith.constant 2 : i32
      %scan3A_1112 = arith.addi %scan3A_1085, %scan3A_1111 : i32
      %add3A_1113 = arith.constant 1 : i32
      %add3A_1114 = arith.addi %scan3A_1112, %add3A_1113 : i32
      %min3A_1115 = arith.constant 1023 : i32
      %min3A_1116 = arith.minsi %add3A_1114, %min3A_1115 : i32
      %mul3A_1117 = arith.constant 16 : i32
      %mul3A_1118 = arith.muli %min3A_1116, %mul3A_1117 : i32
      %get3A_1119 = arith.index_cast %mul3A_1118 : i32 to index
      %get3A_1120 = tpu.vector_load %arg6[%get3A_1119] {strides = array<i32>} : memref<16384xi32, #tpu.memory_space<vmem>>, vector<16xi32>,
      %get3A_1121 = arith.index_cast %mul3A_1118 : i32 to index
      %get3A_1122 = tpu.vector_load %arg7[%get3A_1121] {strides = array<i32>} : memref<16384xf32, #tpu.memory_space<vmem>>, vector<16xf32>,
      %add3A_1123 = arith.addi %get3A_1107, %broadcast_in_dim3A_72 : vector<16xi32>
      tpu.vector_store_idx %arg9[%add3A_1123], %get3A_1109 {add = true} : memref<25200xf32, #tpu.memory_space<vmem>>[vector<16xi32>], vector<16xf32>,
      %scan3A_1124 = arith.constant 3 : i32
      %scan3A_1125 = arith.addi %scan3A_1085, %scan3A_1124 : i32
      %add3A_1126 = arith.constant 1 : i32
      %add3A_1127 = arith.addi %scan3A_1125, %add3A_1126 : i32
      %min3A_1128 = arith.constant 1023 : i32
      %min3A_1129 = arith.minsi %add3A_1127, %min3A_1128 : i32
      %mul3A_1130 = arith.constant 16 : i32
      %mul3A_1131 = arith.muli %min3A_1129, %mul3A_1130 : i32
      %get3A_1132 = arith.index_cast %mul3A_1131 : i32 to index
      %get3A_1133 = tpu.vector_load %arg6[%get3A_1132] {strides = array<i32>} : memref<16384xi32, #tpu.memory_space<vmem>>, vector<16xi32>,
      %get3A_1134 = arith.index_cast %mul3A_1131 : i32 to index
      %get3A_1135 = tpu.vector_load %arg7[%get3A_1134] {strides = array<i32>} : memref<16384xf32, #tpu.memory_space<vmem>>, vector<16xf32>,
      %add3A_1136 = arith.addi %get3A_1120, %broadcast_in_dim3A_72 : vector<16xi32>
      tpu.vector_store_idx %arg9[%add3A_1136], %get3A_1122 {add = true} : memref<25200xf32, #tpu.memory_space<vmem>>[vector<16xi32>], vector<16xf32>,
      scf.yield %get3A_1133, %get3A_1135 : vector<16xi32>, vector<16xf32>
    }
    %scan3A_81 = arith.constant 1024 : i32
    %dma_wait3A_82 = tpu.memref_slice %arg3[%add3A_68] : memref<22020096xf32, #tpu.memory_space<hbm>> -> memref<16384xf32, #tpu.memory_space<hbm>>
    %dma_wait3A_83 = tpu.memref_slice %arg3[%add3A_68] : memref<22020096xf32, #tpu.memory_space<hbm>> -> memref<16384xf32, #tpu.memory_space<hbm>>
    tpu.wait_dma2 semaphore(%arg12 : memref<!tpu.dma_semaphore, #tpu.memory_space<semaphore_mem>>) src(%dma_wait3A_83 : memref<16384xf32, #tpu.memory_space<hbm>>) dst(%arg8 : memref<16384xf32, #tpu.memory_space<vmem>>)
    %mul3A_84 = arith.constant 21 : i32
    %mul3A_85 = arith.muli %select_n3A, %mul3A_84 : i32
    %add3A_86 = arith.constant 2 : i32
    %add3A_87 = arith.addi %mul3A_85, %add3A_86 : i32
    %mul3A_88 = arith.constant 262144 : i32
    %mul3A_89 = arith.muli %add3A_87, %mul3A_88 : i32
    %add3A_90 = arith.addi %mul3A_89, %mul3A_34 : i32
    %dma_start3A_91 = tpu.memref_slice %arg3[%add3A_90] : memref<22020096xf32, #tpu.memory_space<hbm>> -> memref<16384xf32, #tpu.memory_space<hbm>>
    %dma_start3A_92 = tpu.memref_slice %arg3[%add3A_90] : memref<22020096xf32, #tpu.memory_space<hbm>> -> memref<16384xf32, #tpu.memory_space<hbm>>
    tpu.enqueue_dma source(%dma_start3A_92 : memref<16384xf32, #tpu.memory_space<hbm>>) target(%arg7 : memref<16384xf32, #tpu.memory_space<vmem>>) target_semaphore(%arg11 : memref<!tpu.dma_semaphore, #tpu.memory_space<semaphore_mem>>)
    %broadcast_in_dim3A_93 = arith.constant 1200 : i32
    %broadcast_in_dim3A_94 = vector.broadcast %broadcast_in_dim3A_93 : i32 to vector<16xi32>
    %get3A_95 = arith.constant 0 : index
    %get3A_96 = tpu.vector_load %arg6[%get3A_95] {strides = array<i32>} : memref<16384xi32, #tpu.memory_space<vmem>>, vector<16xi32>,
    %get3A_97 = arith.constant 0 : index
    %get3A_98 = tpu.vector_load %arg8[%get3A_97] {strides = array<i32>} : memref<16384xf32, #tpu.memory_space<vmem>>, vector<16xf32>,
    %scan3A_99 = arith.constant 0 : i32
    %scan3A_100 = arith.constant 1024 : i32
    %scan3A_101 = arith.addi %scan3A_99, %scan3A_100 : i32
    %scan3A_102 = arith.constant 4 : i32
    %scan3A_103:2 = scf.for %scan3A_1085 = %scan3A_99 to %scan3A_101 step %scan3A_102 iter_args(%scan3A_1086 = %get3A_96, %scan3A_1087 = %get3A_98) -> (vector<16xi32>, vector<16xf32>)  : i32 {
      %add3A_1088 = arith.constant 1 : i32
      %add3A_1089 = arith.addi %scan3A_1085, %add3A_1088 : i32
      %min3A = arith.constant 1023 : i32
      %min3A_1090 = arith.minsi %add3A_1089, %min3A : i32
      %mul3A_1091 = arith.constant 16 : i32
      %mul3A_1092 = arith.muli %min3A_1090, %mul3A_1091 : i32
      %get3A_1093 = arith.index_cast %mul3A_1092 : i32 to index
      %get3A_1094 = tpu.vector_load %arg6[%get3A_1093] {strides = array<i32>} : memref<16384xi32, #tpu.memory_space<vmem>>, vector<16xi32>,
      %get3A_1095 = arith.index_cast %mul3A_1092 : i32 to index
      %get3A_1096 = tpu.vector_load %arg8[%get3A_1095] {strides = array<i32>} : memref<16384xf32, #tpu.memory_space<vmem>>, vector<16xf32>,
      %add3A_1097 = arith.addi %scan3A_1086, %broadcast_in_dim3A_94 : vector<16xi32>
      tpu.vector_store_idx %arg9[%add3A_1097], %scan3A_1087 {add = true} : memref<25200xf32, #tpu.memory_space<vmem>>[vector<16xi32>], vector<16xf32>,
      %scan3A_1098 = arith.constant 1 : i32
      %scan3A_1099 = arith.addi %scan3A_1085, %scan3A_1098 : i32
      %add3A_1100 = arith.constant 1 : i32
      %add3A_1101 = arith.addi %scan3A_1099, %add3A_1100 : i32
      %min3A_1102 = arith.constant 1023 : i32
      %min3A_1103 = arith.minsi %add3A_1101, %min3A_1102 : i32
      %mul3A_1104 = arith.constant 16 : i32
      %mul3A_1105 = arith.muli %min3A_1103, %mul3A_1104 : i32
      %get3A_1106 = arith.index_cast %mul3A_1105 : i32 to index
      %get3A_1107 = tpu.vector_load %arg6[%get3A_1106] {strides = array<i32>} : memref<16384xi32, #tpu.memory_space<vmem>>, vector<16xi32>,
      %get3A_1108 = arith.index_cast %mul3A_1105 : i32 to index
      %get3A_1109 = tpu.vector_load %arg8[%get3A_1108] {strides = array<i32>} : memref<16384xf32, #tpu.memory_space<vmem>>, vector<16xf32>,
      %add3A_1110 = arith.addi %get3A_1094, %broadcast_in_dim3A_94 : vector<16xi32>
      tpu.vector_store_idx %arg9[%add3A_1110], %get3A_1096 {add = true} : memref<25200xf32, #tpu.memory_space<vmem>>[vector<16xi32>], vector<16xf32>,
      %scan3A_1111 = arith.constant 2 : i32
      %scan3A_1112 = arith.addi %scan3A_1085, %scan3A_1111 : i32
      %add3A_1113 = arith.constant 1 : i32
      %add3A_1114 = arith.addi %scan3A_1112, %add3A_1113 : i32
      %min3A_1115 = arith.constant 1023 : i32
      %min3A_1116 = arith.minsi %add3A_1114, %min3A_1115 : i32
      %mul3A_1117 = arith.constant 16 : i32
      %mul3A_1118 = arith.muli %min3A_1116, %mul3A_1117 : i32
      %get3A_1119 = arith.index_cast %mul3A_1118 : i32 to index
      %get3A_1120 = tpu.vector_load %arg6[%get3A_1119] {strides = array<i32>} : memref<16384xi32, #tpu.memory_space<vmem>>, vector<16xi32>,
      %get3A_1121 = arith.index_cast %mul3A_1118 : i32 to index
      %get3A_1122 = tpu.vector_load %arg8[%get3A_1121] {strides = array<i32>} : memref<16384xf32, #tpu.memory_space<vmem>>, vector<16xf32>,
      %add3A_1123 = arith.addi %get3A_1107, %broadcast_in_dim3A_94 : vector<16xi32>
      tpu.vector_store_idx %arg9[%add3A_1123], %get3A_1109 {add = true} : memref<25200xf32, #tpu.memory_space<vmem>>[vector<16xi32>], vector<16xf32>,
      %scan3A_1124 = arith.constant 3 : i32
      %scan3A_1125 = arith.addi %scan3A_1085, %scan3A_1124 : i32
      %add3A_1126 = arith.constant 1 : i32
      %add3A_1127 = arith.addi %scan3A_1125, %add3A_1126 : i32
      %min3A_1128 = arith.constant 1023 : i32
      %min3A_1129 = arith.minsi %add3A_1127, %min3A_1128 : i32
      %mul3A_1130 = arith.constant 16 : i32
      %mul3A_1131 = arith.muli %min3A_1129, %mul3A_1130 : i32
      %get3A_1132 = arith.index_cast %mul3A_1131 : i32 to index
      %get3A_1133 = tpu.vector_load %arg6[%get3A_1132] {strides = array<i32>} : memref<16384xi32, #tpu.memory_space<vmem>>, vector<16xi32>,
      %get3A_1134 = arith.index_cast %mul3A_1131 : i32 to index
      %get3A_1135 = tpu.vector_load %arg8[%get3A_1134] {strides = array<i32>} : memref<16384xf32, #tpu.memory_space<vmem>>, vector<16xf32>,
      %add3A_1136 = arith.addi %get3A_1120, %broadcast_in_dim3A_94 : vector<16xi32>
      tpu.vector_store_idx %arg9[%add3A_1136], %get3A_1122 {add = true} : memref<25200xf32, #tpu.memory_space<vmem>>[vector<16xi32>], vector<16xf32>,
      scf.yield %get3A_1133, %get3A_1135 : vector<16xi32>, vector<16xf32>
    }
    %scan3A_104 = arith.constant 1024 : i32
    %dma_wait3A_105 = tpu.memref_slice %arg3[%add3A_90] : memref<22020096xf32, #tpu.memory_space<hbm>> -> memref<16384xf32, #tpu.memory_space<hbm>>
    %dma_wait3A_106 = tpu.memref_slice %arg3[%add3A_90] : memref<22020096xf32, #tpu.memory_space<hbm>> -> memref<16384xf32, #tpu.memory_space<hbm>>
    tpu.wait_dma2 semaphore(%arg11 : memref<!tpu.dma_semaphore, #tpu.memory_space<semaphore_mem>>) src(%dma_wait3A_106 : memref<16384xf32, #tpu.memory_space<hbm>>) dst(%arg7 : memref<16384xf32, #tpu.memory_space<vmem>>)
    %mul3A_107 = arith.constant 21 : i32
    %mul3A_108 = arith.muli %select_n3A, %mul3A_107 : i32
    %add3A_109 = arith.constant 3 : i32
    %add3A_110 = arith.addi %mul3A_108, %add3A_109 : i32
    %mul3A_111 = arith.constant 262144 : i32
    %mul3A_112 = arith.muli %add3A_110, %mul3A_111 : i32
    %add3A_113 = arith.addi %mul3A_112, %mul3A_34 : i32
    %dma_start3A_114 = tpu.memref_slice %arg3[%add3A_113] : memref<22020096xf32, #tpu.memory_space<hbm>> -> memref<16384xf32, #tpu.memory_space<hbm>>
    %dma_start3A_115 = tpu.memref_slice %arg3[%add3A_113] : memref<22020096xf32, #tpu.memory_space<hbm>> -> memref<16384xf32, #tpu.memory_space<hbm>>
    tpu.enqueue_dma source(%dma_start3A_115 : memref<16384xf32, #tpu.memory_space<hbm>>) target(%arg8 : memref<16384xf32, #tpu.memory_space<vmem>>) target_semaphore(%arg12 : memref<!tpu.dma_semaphore, #tpu.memory_space<semaphore_mem>>)
    %broadcast_in_dim3A_116 = arith.constant 2400 : i32
    %broadcast_in_dim3A_117 = vector.broadcast %broadcast_in_dim3A_116 : i32 to vector<16xi32>
    %get3A_118 = arith.constant 0 : index
    %get3A_119 = tpu.vector_load %arg6[%get3A_118] {strides = array<i32>} : memref<16384xi32, #tpu.memory_space<vmem>>, vector<16xi32>,
    %get3A_120 = arith.constant 0 : index
    %get3A_121 = tpu.vector_load %arg7[%get3A_120] {strides = array<i32>} : memref<16384xf32, #tpu.memory_space<vmem>>, vector<16xf32>,
    %scan3A_122 = arith.constant 0 : i32
    %scan3A_123 = arith.constant 1024 : i32
    %scan3A_124 = arith.addi %scan3A_122, %scan3A_123 : i32
    %scan3A_125 = arith.constant 4 : i32
    %scan3A_126:2 = scf.for %scan3A_1085 = %scan3A_122 to %scan3A_124 step %scan3A_125 iter_args(%scan3A_1086 = %get3A_119, %scan3A_1087 = %get3A_121) -> (vector<16xi32>, vector<16xf32>)  : i32 {
      %add3A_1088 = arith.constant 1 : i32
      %add3A_1089 = arith.addi %scan3A_1085, %add3A_1088 : i32
      %min3A = arith.constant 1023 : i32
      %min3A_1090 = arith.minsi %add3A_1089, %min3A : i32
      %mul3A_1091 = arith.constant 16 : i32
      %mul3A_1092 = arith.muli %min3A_1090, %mul3A_1091 : i32
      %get3A_1093 = arith.index_cast %mul3A_1092 : i32 to index
      %get3A_1094 = tpu.vector_load %arg6[%get3A_1093] {strides = array<i32>} : memref<16384xi32, #tpu.memory_space<vmem>>, vector<16xi32>,
      %get3A_1095 = arith.index_cast %mul3A_1092 : i32 to index
      %get3A_1096 = tpu.vector_load %arg7[%get3A_1095] {strides = array<i32>} : memref<16384xf32, #tpu.memory_space<vmem>>, vector<16xf32>,
      %add3A_1097 = arith.addi %scan3A_1086, %broadcast_in_dim3A_117 : vector<16xi32>
      tpu.vector_store_idx %arg9[%add3A_1097], %scan3A_1087 {add = true} : memref<25200xf32, #tpu.memory_space<vmem>>[vector<16xi32>], vector<16xf32>,
      %scan3A_1098 = arith.constant 1 : i32
      %scan3A_1099 = arith.addi %scan3A_1085, %scan3A_1098 : i32
      %add3A_1100 = arith.constant 1 : i32
      %add3A_1101 = arith.addi %scan3A_1099, %add3A_1100 : i32
      %min3A_1102 = arith.constant 1023 : i32
      %min3A_1103 = arith.minsi %add3A_1101, %min3A_1102 : i32
      %mul3A_1104 = arith.constant 16 : i32
      %mul3A_1105 = arith.muli %min3A_1103, %mul3A_1104 : i32
      %get3A_1106 = arith.index_cast %mul3A_1105 : i32 to index
      %get3A_1107 = tpu.vector_load %arg6[%get3A_1106] {strides = array<i32>} : memref<16384xi32, #tpu.memory_space<vmem>>, vector<16xi32>,
      %get3A_1108 = arith.index_cast %mul3A_1105 : i32 to index
      %get3A_1109 = tpu.vector_load %arg7[%get3A_1108] {strides = array<i32>} : memref<16384xf32, #tpu.memory_space<vmem>>, vector<16xf32>,
      %add3A_1110 = arith.addi %get3A_1094, %broadcast_in_dim3A_117 : vector<16xi32>
      tpu.vector_store_idx %arg9[%add3A_1110], %get3A_1096 {add = true} : memref<25200xf32, #tpu.memory_space<vmem>>[vector<16xi32>], vector<16xf32>,
      %scan3A_1111 = arith.constant 2 : i32
      %scan3A_1112 = arith.addi %scan3A_1085, %scan3A_1111 : i32
      %add3A_1113 = arith.constant 1 : i32
      %add3A_1114 = arith.addi %scan3A_1112, %add3A_1113 : i32
      %min3A_1115 = arith.constant 1023 : i32
      %min3A_1116 = arith.minsi %add3A_1114, %min3A_1115 : i32
      %mul3A_1117 = arith.constant 16 : i32
      %mul3A_1118 = arith.muli %min3A_1116, %mul3A_1117 : i32
      %get3A_1119 = arith.index_cast %mul3A_1118 : i32 to index
      %get3A_1120 = tpu.vector_load %arg6[%get3A_1119] {strides = array<i32>} : memref<16384xi32, #tpu.memory_space<vmem>>, vector<16xi32>,
      %get3A_1121 = arith.index_cast %mul3A_1118 : i32 to index
      %get3A_1122 = tpu.vector_load %arg7[%get3A_1121] {strides = array<i32>} : memref<16384xf32, #tpu.memory_space<vmem>>, vector<16xf32>,
      %add3A_1123 = arith.addi %get3A_1107, %broadcast_in_dim3A_117 : vector<16xi32>
      tpu.vector_store_idx %arg9[%add3A_1123], %get3A_1109 {add = true} : memref<25200xf32, #tpu.memory_space<vmem>>[vector<16xi32>], vector<16xf32>,
      %scan3A_1124 = arith.constant 3 : i32
      %scan3A_1125 = arith.addi %scan3A_1085, %scan3A_1124 : i32
      %add3A_1126 = arith.constant 1 : i32
      %add3A_1127 = arith.addi %scan3A_1125, %add3A_1126 : i32
      %min3A_1128 = arith.constant 1023 : i32
      %min3A_1129 = arith.minsi %add3A_1127, %min3A_1128 : i32
      %mul3A_1130 = arith.constant 16 : i32
      %mul3A_1131 = arith.muli %min3A_1129, %mul3A_1130 : i32
      %get3A_1132 = arith.index_cast %mul3A_1131 : i32 to index
      %get3A_1133 = tpu.vector_load %arg6[%get3A_1132] {strides = array<i32>} : memref<16384xi32, #tpu.memory_space<vmem>>, vector<16xi32>,
      %get3A_1134 = arith.index_cast %mul3A_1131 : i32 to index
      %get3A_1135 = tpu.vector_load %arg7[%get3A_1134] {strides = array<i32>} : memref<16384xf32, #tpu.memory_space<vmem>>, vector<16xf32>,
      %add3A_1136 = arith.addi %get3A_1120, %broadcast_in_dim3A_117 : vector<16xi32>
      tpu.vector_store_idx %arg9[%add3A_1136], %get3A_1122 {add = true} : memref<25200xf32, #tpu.memory_space<vmem>>[vector<16xi32>], vector<16xf32>,
      scf.yield %get3A_1133, %get3A_1135 : vector<16xi32>, vector<16xf32>
    }
    %scan3A_127 = arith.constant 1024 : i32
    %dma_wait3A_128 = tpu.memref_slice %arg3[%add3A_113] : memref<22020096xf32, #tpu.memory_space<hbm>> -> memref<16384xf32, #tpu.memory_space<hbm>>
    %dma_wait3A_129 = tpu.memref_slice %arg3[%add3A_113] : memref<22020096xf32, #tpu.memory_space<hbm>> -> memref<16384xf32, #tpu.memory_space<hbm>>
    tpu.wait_dma2 semaphore(%arg12 : memref<!tpu.dma_semaphore, #tpu.memory_space<semaphore_mem>>) src(%dma_wait3A_129 : memref<16384xf32, #tpu.memory_space<hbm>>) dst(%arg8 : memref<16384xf32, #tpu.memory_space<vmem>>)
    %mul3A_130 = arith.constant 21 : i32
    %mul3A_131 = arith.muli %select_n3A, %mul3A_130 : i32
    %add3A_132 = arith.constant 4 : i32
    %add3A_133 = arith.addi %mul3A_131, %add3A_132 : i32
    %mul3A_134 = arith.constant 262144 : i32
    %mul3A_135 = arith.muli %add3A_133, %mul3A_134 : i32
    %add3A_136 = arith.addi %mul3A_135, %mul3A_34 : i32
    %dma_start3A_137 = tpu.memref_slice %arg3[%add3A_136] : memref<22020096xf32, #tpu.memory_space<hbm>> -> memref<16384xf32, #tpu.memory_space<hbm>>
    %dma_start3A_138 = tpu.memref_slice %arg3[%add3A_136] : memref<22020096xf32, #tpu.memory_space<hbm>> -> memref<16384xf32, #tpu.memory_space<hbm>>
    tpu.enqueue_dma source(%dma_start3A_138 : memref<16384xf32, #tpu.memory_space<hbm>>) target(%arg7 : memref<16384xf32, #tpu.memory_space<vmem>>) target_semaphore(%arg11 : memref<!tpu.dma_semaphore, #tpu.memory_space<semaphore_mem>>)
    %broadcast_in_dim3A_139 = arith.constant 3600 : i32
    %broadcast_in_dim3A_140 = vector.broadcast %broadcast_in_dim3A_139 : i32 to vector<16xi32>
    %get3A_141 = arith.constant 0 : index
    %get3A_142 = tpu.vector_load %arg6[%get3A_141] {strides = array<i32>} : memref<16384xi32, #tpu.memory_space<vmem>>, vector<16xi32>,
    %get3A_143 = arith.constant 0 : index
    %get3A_144 = tpu.vector_load %arg8[%get3A_143] {strides = array<i32>} : memref<16384xf32, #tpu.memory_space<vmem>>, vector<16xf32>,
    %scan3A_145 = arith.constant 0 : i32
    %scan3A_146 = arith.constant 1024 : i32
    %scan3A_147 = arith.addi %scan3A_145, %scan3A_146 : i32
    %scan3A_148 = arith.constant 4 : i32
    %scan3A_149:2 = scf.for %scan3A_1085 = %scan3A_145 to %scan3A_147 step %scan3A_148 iter_args(%scan3A_1086 = %get3A_142, %scan3A_1087 = %get3A_144) -> (vector<16xi32>, vector<16xf32>)  : i32 {
      %add3A_1088 = arith.constant 1 : i32
      %add3A_1089 = arith.addi %scan3A_1085, %add3A_1088 : i32
      %min3A = arith.constant 1023 : i32
      %min3A_1090 = arith.minsi %add3A_1089, %min3A : i32
      %mul3A_1091 = arith.constant 16 : i32
      %mul3A_1092 = arith.muli %min3A_1090, %mul3A_1091 : i32
      %get3A_1093 = arith.index_cast %mul3A_1092 : i32 to index
      %get3A_1094 = tpu.vector_load %arg6[%get3A_1093] {strides = array<i32>} : memref<16384xi32, #tpu.memory_space<vmem>>, vector<16xi32>,
      %get3A_1095 = arith.index_cast %mul3A_1092 : i32 to index
      %get3A_1096 = tpu.vector_load %arg8[%get3A_1095] {strides = array<i32>} : memref<16384xf32, #tpu.memory_space<vmem>>, vector<16xf32>,
      %add3A_1097 = arith.addi %scan3A_1086, %broadcast_in_dim3A_140 : vector<16xi32>
      tpu.vector_store_idx %arg9[%add3A_1097], %scan3A_1087 {add = true} : memref<25200xf32, #tpu.memory_space<vmem>>[vector<16xi32>], vector<16xf32>,
      %scan3A_1098 = arith.constant 1 : i32
      %scan3A_1099 = arith.addi %scan3A_1085, %scan3A_1098 : i32
      %add3A_1100 = arith.constant 1 : i32
      %add3A_1101 = arith.addi %scan3A_1099, %add3A_1100 : i32
      %min3A_1102 = arith.constant 1023 : i32
      %min3A_1103 = arith.minsi %add3A_1101, %min3A_1102 : i32
      %mul3A_1104 = arith.constant 16 : i32
      %mul3A_1105 = arith.muli %min3A_1103, %mul3A_1104 : i32
      %get3A_1106 = arith.index_cast %mul3A_1105 : i32 to index
      %get3A_1107 = tpu.vector_load %arg6[%get3A_1106] {strides = array<i32>} : memref<16384xi32, #tpu.memory_space<vmem>>, vector<16xi32>,
      %get3A_1108 = arith.index_cast %mul3A_1105 : i32 to index
      %get3A_1109 = tpu.vector_load %arg8[%get3A_1108] {strides = array<i32>} : memref<16384xf32, #tpu.memory_space<vmem>>, vector<16xf32>,
      %add3A_1110 = arith.addi %get3A_1094, %broadcast_in_dim3A_140 : vector<16xi32>
      tpu.vector_store_idx %arg9[%add3A_1110], %get3A_1096 {add = true} : memref<25200xf32, #tpu.memory_space<vmem>>[vector<16xi32>], vector<16xf32>,
      %scan3A_1111 = arith.constant 2 : i32
      %scan3A_1112 = arith.addi %scan3A_1085, %scan3A_1111 : i32
      %add3A_1113 = arith.constant 1 : i32
      %add3A_1114 = arith.addi %scan3A_1112, %add3A_1113 : i32
      %min3A_1115 = arith.constant 1023 : i32
      %min3A_1116 = arith.minsi %add3A_1114, %min3A_1115 : i32
      %mul3A_1117 = arith.constant 16 : i32
      %mul3A_1118 = arith.muli %min3A_1116, %mul3A_1117 : i32
      %get3A_1119 = arith.index_cast %mul3A_1118 : i32 to index
      %get3A_1120 = tpu.vector_load %arg6[%get3A_1119] {strides = array<i32>} : memref<16384xi32, #tpu.memory_space<vmem>>, vector<16xi32>,
      %get3A_1121 = arith.index_cast %mul3A_1118 : i32 to index
      %get3A_1122 = tpu.vector_load %arg8[%get3A_1121] {strides = array<i32>} : memref<16384xf32, #tpu.memory_space<vmem>>, vector<16xf32>,
      %add3A_1123 = arith.addi %get3A_1107, %broadcast_in_dim3A_140 : vector<16xi32>
      tpu.vector_store_idx %arg9[%add3A_1123], %get3A_1109 {add = true} : memref<25200xf32, #tpu.memory_space<vmem>>[vector<16xi32>], vector<16xf32>,
      %scan3A_1124 = arith.constant 3 : i32
      %scan3A_1125 = arith.addi %scan3A_1085, %scan3A_1124 : i32
      %add3A_1126 = arith.constant 1 : i32
      %add3A_1127 = arith.addi %scan3A_1125, %add3A_1126 : i32
      %min3A_1128 = arith.constant 1023 : i32
      %min3A_1129 = arith.minsi %add3A_1127, %min3A_1128 : i32
      %mul3A_1130 = arith.constant 16 : i32
      %mul3A_1131 = arith.muli %min3A_1129, %mul3A_1130 : i32
      %get3A_1132 = arith.index_cast %mul3A_1131 : i32 to index
      %get3A_1133 = tpu.vector_load %arg6[%get3A_1132] {strides = array<i32>} : memref<16384xi32, #tpu.memory_space<vmem>>, vector<16xi32>,
      %get3A_1134 = arith.index_cast %mul3A_1131 : i32 to index
      %get3A_1135 = tpu.vector_load %arg8[%get3A_1134] {strides = array<i32>} : memref<16384xf32, #tpu.memory_space<vmem>>, vector<16xf32>,
      %add3A_1136 = arith.addi %get3A_1120, %broadcast_in_dim3A_140 : vector<16xi32>
      tpu.vector_store_idx %arg9[%add3A_1136], %get3A_1122 {add = true} : memref<25200xf32, #tpu.memory_space<vmem>>[vector<16xi32>], vector<16xf32>,
      scf.yield %get3A_1133, %get3A_1135 : vector<16xi32>, vector<16xf32>
    }
    %scan3A_150 = arith.constant 1024 : i32
    %dma_wait3A_151 = tpu.memref_slice %arg3[%add3A_136] : memref<22020096xf32, #tpu.memory_space<hbm>> -> memref<16384xf32, #tpu.memory_space<hbm>>
    %dma_wait3A_152 = tpu.memref_slice %arg3[%add3A_136] : memref<22020096xf32, #tpu.memory_space<hbm>> -> memref<16384xf32, #tpu.memory_space<hbm>>
    tpu.wait_dma2 semaphore(%arg11 : memref<!tpu.dma_semaphore, #tpu.memory_space<semaphore_mem>>) src(%dma_wait3A_152 : memref<16384xf32, #tpu.memory_space<hbm>>) dst(%arg7 : memref<16384xf32, #tpu.memory_space<vmem>>)
    %mul3A_153 = arith.constant 21 : i32
    %mul3A_154 = arith.muli %select_n3A, %mul3A_153 : i32
    %add3A_155 = arith.constant 5 : i32
    %add3A_156 = arith.addi %mul3A_154, %add3A_155 : i32
    %mul3A_157 = arith.constant 262144 : i32
    %mul3A_158 = arith.muli %add3A_156, %mul3A_157 : i32
    %add3A_159 = arith.addi %mul3A_158, %mul3A_34 : i32
    %dma_start3A_160 = tpu.memref_slice %arg3[%add3A_159] : memref<22020096xf32, #tpu.memory_space<hbm>> -> memref<16384xf32, #tpu.memory_space<hbm>>
    %dma_start3A_161 = tpu.memref_slice %arg3[%add3A_159] : memref<22020096xf32, #tpu.memory_space<hbm>> -> memref<16384xf32, #tpu.memory_space<hbm>>
    tpu.enqueue_dma source(%dma_start3A_161 : memref<16384xf32, #tpu.memory_space<hbm>>) target(%arg8 : memref<16384xf32, #tpu.memory_space<vmem>>) target_semaphore(%arg12 : memref<!tpu.dma_semaphore, #tpu.memory_space<semaphore_mem>>)
    %broadcast_in_dim3A_162 = arith.constant 4800 : i32
    %broadcast_in_dim3A_163 = vector.broadcast %broadcast_in_dim3A_162 : i32 to vector<16xi32>
    %get3A_164 = arith.constant 0 : index
    %get3A_165 = tpu.vector_load %arg6[%get3A_164] {strides = array<i32>} : memref<16384xi32, #tpu.memory_space<vmem>>, vector<16xi32>,
    %get3A_166 = arith.constant 0 : index
    %get3A_167 = tpu.vector_load %arg7[%get3A_166] {strides = array<i32>} : memref<16384xf32, #tpu.memory_space<vmem>>, vector<16xf32>,
    %scan3A_168 = arith.constant 0 : i32
    %scan3A_169 = arith.constant 1024 : i32
    %scan3A_170 = arith.addi %scan3A_168, %scan3A_169 : i32
    %scan3A_171 = arith.constant 4 : i32
    %scan3A_172:2 = scf.for %scan3A_1085 = %scan3A_168 to %scan3A_170 step %scan3A_171 iter_args(%scan3A_1086 = %get3A_165, %scan3A_1087 = %get3A_167) -> (vector<16xi32>, vector<16xf32>)  : i32 {
      %add3A_1088 = arith.constant 1 : i32
      %add3A_1089 = arith.addi %scan3A_1085, %add3A_1088 : i32
      %min3A = arith.constant 1023 : i32
      %min3A_1090 = arith.minsi %add3A_1089, %min3A : i32
      %mul3A_1091 = arith.constant 16 : i32
      %mul3A_1092 = arith.muli %min3A_1090, %mul3A_1091 : i32
      %get3A_1093 = arith.index_cast %mul3A_1092 : i32 to index
      %get3A_1094 = tpu.vector_load %arg6[%get3A_1093] {strides = array<i32>} : memref<16384xi32, #tpu.memory_space<vmem>>, vector<16xi32>,
      %get3A_1095 = arith.index_cast %mul3A_1092 : i32 to index
      %get3A_1096 = tpu.vector_load %arg7[%get3A_1095] {strides = array<i32>} : memref<16384xf32, #tpu.memory_space<vmem>>, vector<16xf32>,
      %add3A_1097 = arith.addi %scan3A_1086, %broadcast_in_dim3A_163 : vector<16xi32>
      tpu.vector_store_idx %arg9[%add3A_1097], %scan3A_1087 {add = true} : memref<25200xf32, #tpu.memory_space<vmem>>[vector<16xi32>], vector<16xf32>,
      %scan3A_1098 = arith.constant 1 : i32
      %scan3A_1099 = arith.addi %scan3A_1085, %scan3A_1098 : i32
      %add3A_1100 = arith.constant 1 : i32
      %add3A_1101 = arith.addi %scan3A_1099, %add3A_1100 : i32
      %min3A_1102 = arith.constant 1023 : i32
      %min3A_1103 = arith.minsi %add3A_1101, %min3A_1102 : i32
      %mul3A_1104 = arith.constant 16 : i32
      %mul3A_1105 = arith.muli %min3A_1103, %mul3A_1104 : i32
      %get3A_1106 = arith.index_cast %mul3A_1105 : i32 to index
      %get3A_1107 = tpu.vector_load %arg6[%get3A_1106] {strides = array<i32>} : memref<16384xi32, #tpu.memory_space<vmem>>, vector<16xi32>,
      %get3A_1108 = arith.index_cast %mul3A_1105 : i32 to index
      %get3A_1109 = tpu.vector_load %arg7[%get3A_1108] {strides = array<i32>} : memref<16384xf32, #tpu.memory_space<vmem>>, vector<16xf32>,
      %add3A_1110 = arith.addi %get3A_1094, %broadcast_in_dim3A_163 : vector<16xi32>
      tpu.vector_store_idx %arg9[%add3A_1110], %get3A_1096 {add = true} : memref<25200xf32, #tpu.memory_space<vmem>>[vector<16xi32>], vector<16xf32>,
      %scan3A_1111 = arith.constant 2 : i32
      %scan3A_1112 = arith.addi %scan3A_1085, %scan3A_1111 : i32
      %add3A_1113 = arith.constant 1 : i32
      %add3A_1114 = arith.addi %scan3A_1112, %add3A_1113 : i32
      %min3A_1115 = arith.constant 1023 : i32
      %min3A_1116 = arith.minsi %add3A_1114, %min3A_1115 : i32
      %mul3A_1117 = arith.constant 16 : i32
      %mul3A_1118 = arith.muli %min3A_1116, %mul3A_1117 : i32
      %get3A_1119 = arith.index_cast %mul3A_1118 : i32 to index
      %get3A_1120 = tpu.vector_load %arg6[%get3A_1119] {strides = array<i32>} : memref<16384xi32, #tpu.memory_space<vmem>>, vector<16xi32>,
      %get3A_1121 = arith.index_cast %mul3A_1118 : i32 to index
      %get3A_1122 = tpu.vector_load %arg7[%get3A_1121] {strides = array<i32>} : memref<16384xf32, #tpu.memory_space<vmem>>, vector<16xf32>,
      %add3A_1123 = arith.addi %get3A_1107, %broadcast_in_dim3A_163 : vector<16xi32>
      tpu.vector_store_idx %arg9[%add3A_1123], %get3A_1109 {add = true} : memref<25200xf32, #tpu.memory_space<vmem>>[vector<16xi32>], vector<16xf32>,
      %scan3A_1124 = arith.constant 3 : i32
      %scan3A_1125 = arith.addi %scan3A_1085, %scan3A_1124 : i32
      %add3A_1126 = arith.constant 1 : i32
      %add3A_1127 = arith.addi %scan3A_1125, %add3A_1126 : i32
      %min3A_1128 = arith.constant 1023 : i32
      %min3A_1129 = arith.minsi %add3A_1127, %min3A_1128 : i32
      %mul3A_1130 = arith.constant 16 : i32
      %mul3A_1131 = arith.muli %min3A_1129, %mul3A_1130 : i32
      %get3A_1132 = arith.index_cast %mul3A_1131 : i32 to index
      %get3A_1133 = tpu.vector_load %arg6[%get3A_1132] {strides = array<i32>} : memref<16384xi32, #tpu.memory_space<vmem>>, vector<16xi32>,
      %get3A_1134 = arith.index_cast %mul3A_1131 : i32 to index
      %get3A_1135 = tpu.vector_load %arg7[%get3A_1134] {strides = array<i32>} : memref<16384xf32, #tpu.memory_space<vmem>>, vector<16xf32>,
      %add3A_1136 = arith.addi %get3A_1120, %broadcast_in_dim3A_163 : vector<16xi32>
      tpu.vector_store_idx %arg9[%add3A_1136], %get3A_1122 {add = true} : memref<25200xf32, #tpu.memory_space<vmem>>[vector<16xi32>], vector<16xf32>,
      scf.yield %get3A_1133, %get3A_1135 : vector<16xi32>, vector<16xf32>
    }
    %scan3A_173 = arith.constant 1024 : i32
    %dma_wait3A_174 = tpu.memref_slice %arg3[%add3A_159] : memref<22020096xf32, #tpu.memory_space<hbm>> -> memref<16384xf32, #tpu.memory_space<hbm>>
    %dma_wait3A_175 = tpu.memref_slice %arg3[%add3A_159] : memref<22020096xf32, #tpu.memory_space<hbm>> -> memref<16384xf32, #tpu.memory_space<hbm>>
    tpu.wait_dma2 semaphore(%arg12 : memref<!tpu.dma_semaphore, #tpu.memory_space<semaphore_mem>>) src(%dma_wait3A_175 : memref<16384xf32, #tpu.memory_space<hbm>>) dst(%arg8 : memref<16384xf32, #tpu.memory_space<vmem>>)
    %mul3A_176 = arith.constant 21 : i32
    %mul3A_177 = arith.muli %select_n3A, %mul3A_176 : i32
    %add3A_178 = arith.constant 6 : i32
    %add3A_179 = arith.addi %mul3A_177, %add3A_178 : i32
    %mul3A_180 = arith.constant 262144 : i32
    %mul3A_181 = arith.muli %add3A_179, %mul3A_180 : i32
    %add3A_182 = arith.addi %mul3A_181, %mul3A_34 : i32
    %dma_start3A_183 = tpu.memref_slice %arg3[%add3A_182] : memref<22020096xf32, #tpu.memory_space<hbm>> -> memref<16384xf32, #tpu.memory_space<hbm>>
    %dma_start3A_184 = tpu.memref_slice %arg3[%add3A_182] : memref<22020096xf32, #tpu.memory_space<hbm>> -> memref<16384xf32, #tpu.memory_space<hbm>>
    tpu.enqueue_dma source(%dma_start3A_184 : memref<16384xf32, #tpu.memory_space<hbm>>) target(%arg7 : memref<16384xf32, #tpu.memory_space<vmem>>) target_semaphore(%arg11 : memref<!tpu.dma_semaphore, #tpu.memory_space<semaphore_mem>>)
    %broadcast_in_dim3A_185 = arith.constant 6000 : i32
    %broadcast_in_dim3A_186 = vector.broadcast %broadcast_in_dim3A_185 : i32 to vector<16xi32>
    %get3A_187 = arith.constant 0 : index
    %get3A_188 = tpu.vector_load %arg6[%get3A_187] {strides = array<i32>} : memref<16384xi32, #tpu.memory_space<vmem>>, vector<16xi32>,
    %get3A_189 = arith.constant 0 : index
    %get3A_190 = tpu.vector_load %arg8[%get3A_189] {strides = array<i32>} : memref<16384xf32, #tpu.memory_space<vmem>>, vector<16xf32>,
    %scan3A_191 = arith.constant 0 : i32
    %scan3A_192 = arith.constant 1024 : i32
    %scan3A_193 = arith.addi %scan3A_191, %scan3A_192 : i32
    %scan3A_194 = arith.constant 4 : i32
    %scan3A_195:2 = scf.for %scan3A_1085 = %scan3A_191 to %scan3A_193 step %scan3A_194 iter_args(%scan3A_1086 = %get3A_188, %scan3A_1087 = %get3A_190) -> (vector<16xi32>, vector<16xf32>)  : i32 {
      %add3A_1088 = arith.constant 1 : i32
      %add3A_1089 = arith.addi %scan3A_1085, %add3A_1088 : i32
      %min3A = arith.constant 1023 : i32
      %min3A_1090 = arith.minsi %add3A_1089, %min3A : i32
      %mul3A_1091 = arith.constant 16 : i32
      %mul3A_1092 = arith.muli %min3A_1090, %mul3A_1091 : i32
      %get3A_1093 = arith.index_cast %mul3A_1092 : i32 to index
      %get3A_1094 = tpu.vector_load %arg6[%get3A_1093] {strides = array<i32>} : memref<16384xi32, #tpu.memory_space<vmem>>, vector<16xi32>,
      %get3A_1095 = arith.index_cast %mul3A_1092 : i32 to index
      %get3A_1096 = tpu.vector_load %arg8[%get3A_1095] {strides = array<i32>} : memref<16384xf32, #tpu.memory_space<vmem>>, vector<16xf32>,
      %add3A_1097 = arith.addi %scan3A_1086, %broadcast_in_dim3A_186 : vector<16xi32>
      tpu.vector_store_idx %arg9[%add3A_1097], %scan3A_1087 {add = true} : memref<25200xf32, #tpu.memory_space<vmem>>[vector<16xi32>], vector<16xf32>,
      %scan3A_1098 = arith.constant 1 : i32
      %scan3A_1099 = arith.addi %scan3A_1085, %scan3A_1098 : i32
      %add3A_1100 = arith.constant 1 : i32
      %add3A_1101 = arith.addi %scan3A_1099, %add3A_1100 : i32
      %min3A_1102 = arith.constant 1023 : i32
      %min3A_1103 = arith.minsi %add3A_1101, %min3A_1102 : i32
      %mul3A_1104 = arith.constant 16 : i32
      %mul3A_1105 = arith.muli %min3A_1103, %mul3A_1104 : i32
      %get3A_1106 = arith.index_cast %mul3A_1105 : i32 to index
      %get3A_1107 = tpu.vector_load %arg6[%get3A_1106] {strides = array<i32>} : memref<16384xi32, #tpu.memory_space<vmem>>, vector<16xi32>,
      %get3A_1108 = arith.index_cast %mul3A_1105 : i32 to index
      %get3A_1109 = tpu.vector_load %arg8[%get3A_1108] {strides = array<i32>} : memref<16384xf32, #tpu.memory_space<vmem>>, vector<16xf32>,
      %add3A_1110 = arith.addi %get3A_1094, %broadcast_in_dim3A_186 : vector<16xi32>
      tpu.vector_store_idx %arg9[%add3A_1110], %get3A_1096 {add = true} : memref<25200xf32, #tpu.memory_space<vmem>>[vector<16xi32>], vector<16xf32>,
      %scan3A_1111 = arith.constant 2 : i32
      %scan3A_1112 = arith.addi %scan3A_1085, %scan3A_1111 : i32
      %add3A_1113 = arith.constant 1 : i32
      %add3A_1114 = arith.addi %scan3A_1112, %add3A_1113 : i32
      %min3A_1115 = arith.constant 1023 : i32
      %min3A_1116 = arith.minsi %add3A_1114, %min3A_1115 : i32
      %mul3A_1117 = arith.constant 16 : i32
      %mul3A_1118 = arith.muli %min3A_1116, %mul3A_1117 : i32
      %get3A_1119 = arith.index_cast %mul3A_1118 : i32 to index
      %get3A_1120 = tpu.vector_load %arg6[%get3A_1119] {strides = array<i32>} : memref<16384xi32, #tpu.memory_space<vmem>>, vector<16xi32>,
      %get3A_1121 = arith.index_cast %mul3A_1118 : i32 to index
      %get3A_1122 = tpu.vector_load %arg8[%get3A_1121] {strides = array<i32>} : memref<16384xf32, #tpu.memory_space<vmem>>, vector<16xf32>,
      %add3A_1123 = arith.addi %get3A_1107, %broadcast_in_dim3A_186 : vector<16xi32>
      tpu.vector_store_idx %arg9[%add3A_1123], %get3A_1109 {add = true} : memref<25200xf32, #tpu.memory_space<vmem>>[vector<16xi32>], vector<16xf32>,
      %scan3A_1124 = arith.constant 3 : i32
      %scan3A_1125 = arith.addi %scan3A_1085, %scan3A_1124 : i32
      %add3A_1126 = arith.constant 1 : i32
      %add3A_1127 = arith.addi %scan3A_1125, %add3A_1126 : i32
      %min3A_1128 = arith.constant 1023 : i32
      %min3A_1129 = arith.minsi %add3A_1127, %min3A_1128 : i32
      %mul3A_1130 = arith.constant 16 : i32
      %mul3A_1131 = arith.muli %min3A_1129, %mul3A_1130 : i32
      %get3A_1132 = arith.index_cast %mul3A_1131 : i32 to index
      %get3A_1133 = tpu.vector_load %arg6[%get3A_1132] {strides = array<i32>} : memref<16384xi32, #tpu.memory_space<vmem>>, vector<16xi32>,
      %get3A_1134 = arith.index_cast %mul3A_1131 : i32 to index
      %get3A_1135 = tpu.vector_load %arg8[%get3A_1134] {strides = array<i32>} : memref<16384xf32, #tpu.memory_space<vmem>>, vector<16xf32>,
      %add3A_1136 = arith.addi %get3A_1120, %broadcast_in_dim3A_186 : vector<16xi32>
      tpu.vector_store_idx %arg9[%add3A_1136], %get3A_1122 {add = true} : memref<25200xf32, #tpu.memory_space<vmem>>[vector<16xi32>], vector<16xf32>,
      scf.yield %get3A_1133, %get3A_1135 : vector<16xi32>, vector<16xf32>
    }
    %scan3A_196 = arith.constant 1024 : i32
    %dma_wait3A_197 = tpu.memref_slice %arg3[%add3A_182] : memref<22020096xf32, #tpu.memory_space<hbm>> -> memref<16384xf32, #tpu.memory_space<hbm>>
    %dma_wait3A_198 = tpu.memref_slice %arg3[%add3A_182] : memref<22020096xf32, #tpu.memory_space<hbm>> -> memref<16384xf32, #tpu.memory_space<hbm>>
    tpu.wait_dma2 semaphore(%arg11 : memref<!tpu.dma_semaphore, #tpu.memory_space<semaphore_mem>>) src(%dma_wait3A_198 : memref<16384xf32, #tpu.memory_space<hbm>>) dst(%arg7 : memref<16384xf32, #tpu.memory_space<vmem>>)
    %mul3A_199 = arith.constant 21 : i32
    %mul3A_200 = arith.muli %select_n3A, %mul3A_199 : i32
    %add3A_201 = arith.constant 7 : i32
    %add3A_202 = arith.addi %mul3A_200, %add3A_201 : i32
    %mul3A_203 = arith.constant 262144 : i32
    %mul3A_204 = arith.muli %add3A_202, %mul3A_203 : i32
    %add3A_205 = arith.addi %mul3A_204, %mul3A_34 : i32
    %dma_start3A_206 = tpu.memref_slice %arg3[%add3A_205] : memref<22020096xf32, #tpu.memory_space<hbm>> -> memref<16384xf32, #tpu.memory_space<hbm>>
    %dma_start3A_207 = tpu.memref_slice %arg3[%add3A_205] : memref<22020096xf32, #tpu.memory_space<hbm>> -> memref<16384xf32, #tpu.memory_space<hbm>>
    tpu.enqueue_dma source(%dma_start3A_207 : memref<16384xf32, #tpu.memory_space<hbm>>) target(%arg8 : memref<16384xf32, #tpu.memory_space<vmem>>) target_semaphore(%arg12 : memref<!tpu.dma_semaphore, #tpu.memory_space<semaphore_mem>>)
    %broadcast_in_dim3A_208 = arith.constant 7200 : i32
    %broadcast_in_dim3A_209 = vector.broadcast %broadcast_in_dim3A_208 : i32 to vector<16xi32>
    %get3A_210 = arith.constant 0 : index
    %get3A_211 = tpu.vector_load %arg6[%get3A_210] {strides = array<i32>} : memref<16384xi32, #tpu.memory_space<vmem>>, vector<16xi32>,
    %get3A_212 = arith.constant 0 : index
    %get3A_213 = tpu.vector_load %arg7[%get3A_212] {strides = array<i32>} : memref<16384xf32, #tpu.memory_space<vmem>>, vector<16xf32>,
    %scan3A_214 = arith.constant 0 : i32
    %scan3A_215 = arith.constant 1024 : i32
    %scan3A_216 = arith.addi %scan3A_214, %scan3A_215 : i32
    %scan3A_217 = arith.constant 4 : i32
    %scan3A_218:2 = scf.for %scan3A_1085 = %scan3A_214 to %scan3A_216 step %scan3A_217 iter_args(%scan3A_1086 = %get3A_211, %scan3A_1087 = %get3A_213) -> (vector<16xi32>, vector<16xf32>)  : i32 {
      %add3A_1088 = arith.constant 1 : i32
      %add3A_1089 = arith.addi %scan3A_1085, %add3A_1088 : i32
      %min3A = arith.constant 1023 : i32
      %min3A_1090 = arith.minsi %add3A_1089, %min3A : i32
      %mul3A_1091 = arith.constant 16 : i32
      %mul3A_1092 = arith.muli %min3A_1090, %mul3A_1091 : i32
      %get3A_1093 = arith.index_cast %mul3A_1092 : i32 to index
      %get3A_1094 = tpu.vector_load %arg6[%get3A_1093] {strides = array<i32>} : memref<16384xi32, #tpu.memory_space<vmem>>, vector<16xi32>,
      %get3A_1095 = arith.index_cast %mul3A_1092 : i32 to index
      %get3A_1096 = tpu.vector_load %arg7[%get3A_1095] {strides = array<i32>} : memref<16384xf32, #tpu.memory_space<vmem>>, vector<16xf32>,
      %add3A_1097 = arith.addi %scan3A_1086, %broadcast_in_dim3A_209 : vector<16xi32>
      tpu.vector_store_idx %arg9[%add3A_1097], %scan3A_1087 {add = true} : memref<25200xf32, #tpu.memory_space<vmem>>[vector<16xi32>], vector<16xf32>,
      %scan3A_1098 = arith.constant 1 : i32
      %scan3A_1099 = arith.addi %scan3A_1085, %scan3A_1098 : i32
      %add3A_1100 = arith.constant 1 : i32
      %add3A_1101 = arith.addi %scan3A_1099, %add3A_1100 : i32
      %min3A_1102 = arith.constant 1023 : i32
      %min3A_1103 = arith.minsi %add3A_1101, %min3A_1102 : i32
      %mul3A_1104 = arith.constant 16 : i32
      %mul3A_1105 = arith.muli %min3A_1103, %mul3A_1104 : i32
      %get3A_1106 = arith.index_cast %mul3A_1105 : i32 to index
      %get3A_1107 = tpu.vector_load %arg6[%get3A_1106] {strides = array<i32>} : memref<16384xi32, #tpu.memory_space<vmem>>, vector<16xi32>,
      %get3A_1108 = arith.index_cast %mul3A_1105 : i32 to index
      %get3A_1109 = tpu.vector_load %arg7[%get3A_1108] {strides = array<i32>} : memref<16384xf32, #tpu.memory_space<vmem>>, vector<16xf32>,
      %add3A_1110 = arith.addi %get3A_1094, %broadcast_in_dim3A_209 : vector<16xi32>
      tpu.vector_store_idx %arg9[%add3A_1110], %get3A_1096 {add = true} : memref<25200xf32, #tpu.memory_space<vmem>>[vector<16xi32>], vector<16xf32>,
      %scan3A_1111 = arith.constant 2 : i32
      %scan3A_1112 = arith.addi %scan3A_1085, %scan3A_1111 : i32
      %add3A_1113 = arith.constant 1 : i32
      %add3A_1114 = arith.addi %scan3A_1112, %add3A_1113 : i32
      %min3A_1115 = arith.constant 1023 : i32
      %min3A_1116 = arith.minsi %add3A_1114, %min3A_1115 : i32
      %mul3A_1117 = arith.constant 16 : i32
      %mul3A_1118 = arith.muli %min3A_1116, %mul3A_1117 : i32
      %get3A_1119 = arith.index_cast %mul3A_1118 : i32 to index
      %get3A_1120 = tpu.vector_load %arg6[%get3A_1119] {strides = array<i32>} : memref<16384xi32, #tpu.memory_space<vmem>>, vector<16xi32>,
      %get3A_1121 = arith.index_cast %mul3A_1118 : i32 to index
      %get3A_1122 = tpu.vector_load %arg7[%get3A_1121] {strides = array<i32>} : memref<16384xf32, #tpu.memory_space<vmem>>, vector<16xf32>,
      %add3A_1123 = arith.addi %get3A_1107, %broadcast_in_dim3A_209 : vector<16xi32>
      tpu.vector_store_idx %arg9[%add3A_1123], %get3A_1109 {add = true} : memref<25200xf32, #tpu.memory_space<vmem>>[vector<16xi32>], vector<16xf32>,
      %scan3A_1124 = arith.constant 3 : i32
      %scan3A_1125 = arith.addi %scan3A_1085, %scan3A_1124 : i32
      %add3A_1126 = arith.constant 1 : i32
      %add3A_1127 = arith.addi %scan3A_1125, %add3A_1126 : i32
      %min3A_1128 = arith.constant 1023 : i32
      %min3A_1129 = arith.minsi %add3A_1127, %min3A_1128 : i32
      %mul3A_1130 = arith.constant 16 : i32
      %mul3A_1131 = arith.muli %min3A_1129, %mul3A_1130 : i32
      %get3A_1132 = arith.index_cast %mul3A_1131 : i32 to index
      %get3A_1133 = tpu.vector_load %arg6[%get3A_1132] {strides = array<i32>} : memref<16384xi32, #tpu.memory_space<vmem>>, vector<16xi32>,
      %get3A_1134 = arith.index_cast %mul3A_1131 : i32 to index
      %get3A_1135 = tpu.vector_load %arg7[%get3A_1134] {strides = array<i32>} : memref<16384xf32, #tpu.memory_space<vmem>>, vector<16xf32>,
      %add3A_1136 = arith.addi %get3A_1120, %broadcast_in_dim3A_209 : vector<16xi32>
      tpu.vector_store_idx %arg9[%add3A_1136], %get3A_1122 {add = true} : memref<25200xf32, #tpu.memory_space<vmem>>[vector<16xi32>], vector<16xf32>,
      scf.yield %get3A_1133, %get3A_1135 : vector<16xi32>, vector<16xf32>
    }
    %scan3A_219 = arith.constant 1024 : i32
    %dma_wait3A_220 = tpu.memref_slice %arg3[%add3A_205] : memref<22020096xf32, #tpu.memory_space<hbm>> -> memref<16384xf32, #tpu.memory_space<hbm>>
    %dma_wait3A_221 = tpu.memref_slice %arg3[%add3A_205] : memref<22020096xf32, #tpu.memory_space<hbm>> -> memref<16384xf32, #tpu.memory_space<hbm>>
    tpu.wait_dma2 semaphore(%arg12 : memref<!tpu.dma_semaphore, #tpu.memory_space<semaphore_mem>>) src(%dma_wait3A_221 : memref<16384xf32, #tpu.memory_space<hbm>>) dst(%arg8 : memref<16384xf32, #tpu.memory_space<vmem>>)
    %mul3A_222 = arith.constant 21 : i32
    %mul3A_223 = arith.muli %select_n3A, %mul3A_222 : i32
    %add3A_224 = arith.constant 8 : i32
    %add3A_225 = arith.addi %mul3A_223, %add3A_224 : i32
    %mul3A_226 = arith.constant 262144 : i32
    %mul3A_227 = arith.muli %add3A_225, %mul3A_226 : i32
    %add3A_228 = arith.addi %mul3A_227, %mul3A_34 : i32
    %dma_start3A_229 = tpu.memref_slice %arg3[%add3A_228] : memref<22020096xf32, #tpu.memory_space<hbm>> -> memref<16384xf32, #tpu.memory_space<hbm>>
    %dma_start3A_230 = tpu.memref_slice %arg3[%add3A_228] : memref<22020096xf32, #tpu.memory_space<hbm>> -> memref<16384xf32, #tpu.memory_space<hbm>>
    tpu.enqueue_dma source(%dma_start3A_230 : memref<16384xf32, #tpu.memory_space<hbm>>) target(%arg7 : memref<16384xf32, #tpu.memory_space<vmem>>) target_semaphore(%arg11 : memref<!tpu.dma_semaphore, #tpu.memory_space<semaphore_mem>>)
    %broadcast_in_dim3A_231 = arith.constant 8400 : i32
    %broadcast_in_dim3A_232 = vector.broadcast %broadcast_in_dim3A_231 : i32 to vector<16xi32>
    %get3A_233 = arith.constant 0 : index
    %get3A_234 = tpu.vector_load %arg6[%get3A_233] {strides = array<i32>} : memref<16384xi32, #tpu.memory_space<vmem>>, vector<16xi32>,
    %get3A_235 = arith.constant 0 : index
    %get3A_236 = tpu.vector_load %arg8[%get3A_235] {strides = array<i32>} : memref<16384xf32, #tpu.memory_space<vmem>>, vector<16xf32>,
    %scan3A_237 = arith.constant 0 : i32
    %scan3A_238 = arith.constant 1024 : i32
    %scan3A_239 = arith.addi %scan3A_237, %scan3A_238 : i32
    %scan3A_240 = arith.constant 4 : i32
    %scan3A_241:2 = scf.for %scan3A_1085 = %scan3A_237 to %scan3A_239 step %scan3A_240 iter_args(%scan3A_1086 = %get3A_234, %scan3A_1087 = %get3A_236) -> (vector<16xi32>, vector<16xf32>)  : i32 {
      %add3A_1088 = arith.constant 1 : i32
      %add3A_1089 = arith.addi %scan3A_1085, %add3A_1088 : i32
      %min3A = arith.constant 1023 : i32
      %min3A_1090 = arith.minsi %add3A_1089, %min3A : i32
      %mul3A_1091 = arith.constant 16 : i32
      %mul3A_1092 = arith.muli %min3A_1090, %mul3A_1091 : i32
      %get3A_1093 = arith.index_cast %mul3A_1092 : i32 to index
      %get3A_1094 = tpu.vector_load %arg6[%get3A_1093] {strides = array<i32>} : memref<16384xi32, #tpu.memory_space<vmem>>, vector<16xi32>,
      %get3A_1095 = arith.index_cast %mul3A_1092 : i32 to index
      %get3A_1096 = tpu.vector_load %arg8[%get3A_1095] {strides = array<i32>} : memref<16384xf32, #tpu.memory_space<vmem>>, vector<16xf32>,
      %add3A_1097 = arith.addi %scan3A_1086, %broadcast_in_dim3A_232 : vector<16xi32>
      tpu.vector_store_idx %arg9[%add3A_1097], %scan3A_1087 {add = true} : memref<25200xf32, #tpu.memory_space<vmem>>[vector<16xi32>], vector<16xf32>,
      %scan3A_1098 = arith.constant 1 : i32
      %scan3A_1099 = arith.addi %scan3A_1085, %scan3A_1098 : i32
      %add3A_1100 = arith.constant 1 : i32
      %add3A_1101 = arith.addi %scan3A_1099, %add3A_1100 : i32
      %min3A_1102 = arith.constant 1023 : i32
      %min3A_1103 = arith.minsi %add3A_1101, %min3A_1102 : i32
      %mul3A_1104 = arith.constant 16 : i32
      %mul3A_1105 = arith.muli %min3A_1103, %mul3A_1104 : i32
      %get3A_1106 = arith.index_cast %mul3A_1105 : i32 to index
      %get3A_1107 = tpu.vector_load %arg6[%get3A_1106] {strides = array<i32>} : memref<16384xi32, #tpu.memory_space<vmem>>, vector<16xi32>,
      %get3A_1108 = arith.index_cast %mul3A_1105 : i32 to index
      %get3A_1109 = tpu.vector_load %arg8[%get3A_1108] {strides = array<i32>} : memref<16384xf32, #tpu.memory_space<vmem>>, vector<16xf32>,
      %add3A_1110 = arith.addi %get3A_1094, %broadcast_in_dim3A_232 : vector<16xi32>
      tpu.vector_store_idx %arg9[%add3A_1110], %get3A_1096 {add = true} : memref<25200xf32, #tpu.memory_space<vmem>>[vector<16xi32>], vector<16xf32>,
      %scan3A_1111 = arith.constant 2 : i32
      %scan3A_1112 = arith.addi %scan3A_1085, %scan3A_1111 : i32
      %add3A_1113 = arith.constant 1 : i32
      %add3A_1114 = arith.addi %scan3A_1112, %add3A_1113 : i32
      %min3A_1115 = arith.constant 1023 : i32
      %min3A_1116 = arith.minsi %add3A_1114, %min3A_1115 : i32
      %mul3A_1117 = arith.constant 16 : i32
      %mul3A_1118 = arith.muli %min3A_1116, %mul3A_1117 : i32
      %get3A_1119 = arith.index_cast %mul3A_1118 : i32 to index
      %get3A_1120 = tpu.vector_load %arg6[%get3A_1119] {strides = array<i32>} : memref<16384xi32, #tpu.memory_space<vmem>>, vector<16xi32>,
      %get3A_1121 = arith.index_cast %mul3A_1118 : i32 to index
      %get3A_1122 = tpu.vector_load %arg8[%get3A_1121] {strides = array<i32>} : memref<16384xf32, #tpu.memory_space<vmem>>, vector<16xf32>,
      %add3A_1123 = arith.addi %get3A_1107, %broadcast_in_dim3A_232 : vector<16xi32>
      tpu.vector_store_idx %arg9[%add3A_1123], %get3A_1109 {add = true} : memref<25200xf32, #tpu.memory_space<vmem>>[vector<16xi32>], vector<16xf32>,
      %scan3A_1124 = arith.constant 3 : i32
      %scan3A_1125 = arith.addi %scan3A_1085, %scan3A_1124 : i32
      %add3A_1126 = arith.constant 1 : i32
      %add3A_1127 = arith.addi %scan3A_1125, %add3A_1126 : i32
      %min3A_1128 = arith.constant 1023 : i32
      %min3A_1129 = arith.minsi %add3A_1127, %min3A_1128 : i32
      %mul3A_1130 = arith.constant 16 : i32
      %mul3A_1131 = arith.muli %min3A_1129, %mul3A_1130 : i32
      %get3A_1132 = arith.index_cast %mul3A_1131 : i32 to index
      %get3A_1133 = tpu.vector_load %arg6[%get3A_1132] {strides = array<i32>} : memref<16384xi32, #tpu.memory_space<vmem>>, vector<16xi32>,
      %get3A_1134 = arith.index_cast %mul3A_1131 : i32 to index
      %get3A_1135 = tpu.vector_load %arg8[%get3A_1134] {strides = array<i32>} : memref<16384xf32, #tpu.memory_space<vmem>>, vector<16xf32>,
      %add3A_1136 = arith.addi %get3A_1120, %broadcast_in_dim3A_232 : vector<16xi32>
      tpu.vector_store_idx %arg9[%add3A_1136], %get3A_1122 {add = true} : memref<25200xf32, #tpu.memory_space<vmem>>[vector<16xi32>], vector<16xf32>,
      scf.yield %get3A_1133, %get3A_1135 : vector<16xi32>, vector<16xf32>
    }
    %scan3A_242 = arith.constant 1024 : i32
    %dma_wait3A_243 = tpu.memref_slice %arg3[%add3A_228] : memref<22020096xf32, #tpu.memory_space<hbm>> -> memref<16384xf32, #tpu.memory_space<hbm>>
    %dma_wait3A_244 = tpu.memref_slice %arg3[%add3A_228] : memref<22020096xf32, #tpu.memory_space<hbm>> -> memref<16384xf32, #tpu.memory_space<hbm>>
    tpu.wait_dma2 semaphore(%arg11 : memref<!tpu.dma_semaphore, #tpu.memory_space<semaphore_mem>>) src(%dma_wait3A_244 : memref<16384xf32, #tpu.memory_space<hbm>>) dst(%arg7 : memref<16384xf32, #tpu.memory_space<vmem>>)
    %mul3A_245 = arith.constant 21 : i32
    %mul3A_246 = arith.muli %select_n3A, %mul3A_245 : i32
    %add3A_247 = arith.constant 9 : i32
    %add3A_248 = arith.addi %mul3A_246, %add3A_247 : i32
    %mul3A_249 = arith.constant 262144 : i32
    %mul3A_250 = arith.muli %add3A_248, %mul3A_249 : i32
    %add3A_251 = arith.addi %mul3A_250, %mul3A_34 : i32
    %dma_start3A_252 = tpu.memref_slice %arg3[%add3A_251] : memref<22020096xf32, #tpu.memory_space<hbm>> -> memref<16384xf32, #tpu.memory_space<hbm>>
    %dma_start3A_253 = tpu.memref_slice %arg3[%add3A_251] : memref<22020096xf32, #tpu.memory_space<hbm>> -> memref<16384xf32, #tpu.memory_space<hbm>>
    tpu.enqueue_dma source(%dma_start3A_253 : memref<16384xf32, #tpu.memory_space<hbm>>) target(%arg8 : memref<16384xf32, #tpu.memory_space<vmem>>) target_semaphore(%arg12 : memref<!tpu.dma_semaphore, #tpu.memory_space<semaphore_mem>>)
    %broadcast_in_dim3A_254 = arith.constant 9600 : i32
    %broadcast_in_dim3A_255 = vector.broadcast %broadcast_in_dim3A_254 : i32 to vector<16xi32>
    %get3A_256 = arith.constant 0 : index
    %get3A_257 = tpu.vector_load %arg6[%get3A_256] {strides = array<i32>} : memref<16384xi32, #tpu.memory_space<vmem>>, vector<16xi32>,
    %get3A_258 = arith.constant 0 : index
    %get3A_259 = tpu.vector_load %arg7[%get3A_258] {strides = array<i32>} : memref<16384xf32, #tpu.memory_space<vmem>>, vector<16xf32>,
    %scan3A_260 = arith.constant 0 : i32
    %scan3A_261 = arith.constant 1024 : i32
    %scan3A_262 = arith.addi %scan3A_260, %scan3A_261 : i32
    %scan3A_263 = arith.constant 4 : i32
    %scan3A_264:2 = scf.for %scan3A_1085 = %scan3A_260 to %scan3A_262 step %scan3A_263 iter_args(%scan3A_1086 = %get3A_257, %scan3A_1087 = %get3A_259) -> (vector<16xi32>, vector<16xf32>)  : i32 {
      %add3A_1088 = arith.constant 1 : i32
      %add3A_1089 = arith.addi %scan3A_1085, %add3A_1088 : i32
      %min3A = arith.constant 1023 : i32
      %min3A_1090 = arith.minsi %add3A_1089, %min3A : i32
      %mul3A_1091 = arith.constant 16 : i32
      %mul3A_1092 = arith.muli %min3A_1090, %mul3A_1091 : i32
      %get3A_1093 = arith.index_cast %mul3A_1092 : i32 to index
      %get3A_1094 = tpu.vector_load %arg6[%get3A_1093] {strides = array<i32>} : memref<16384xi32, #tpu.memory_space<vmem>>, vector<16xi32>,
      %get3A_1095 = arith.index_cast %mul3A_1092 : i32 to index
      %get3A_1096 = tpu.vector_load %arg7[%get3A_1095] {strides = array<i32>} : memref<16384xf32, #tpu.memory_space<vmem>>, vector<16xf32>,
      %add3A_1097 = arith.addi %scan3A_1086, %broadcast_in_dim3A_255 : vector<16xi32>
      tpu.vector_store_idx %arg9[%add3A_1097], %scan3A_1087 {add = true} : memref<25200xf32, #tpu.memory_space<vmem>>[vector<16xi32>], vector<16xf32>,
      %scan3A_1098 = arith.constant 1 : i32
      %scan3A_1099 = arith.addi %scan3A_1085, %scan3A_1098 : i32
      %add3A_1100 = arith.constant 1 : i32
      %add3A_1101 = arith.addi %scan3A_1099, %add3A_1100 : i32
      %min3A_1102 = arith.constant 1023 : i32
      %min3A_1103 = arith.minsi %add3A_1101, %min3A_1102 : i32
      %mul3A_1104 = arith.constant 16 : i32
      %mul3A_1105 = arith.muli %min3A_1103, %mul3A_1104 : i32
      %get3A_1106 = arith.index_cast %mul3A_1105 : i32 to index
      %get3A_1107 = tpu.vector_load %arg6[%get3A_1106] {strides = array<i32>} : memref<16384xi32, #tpu.memory_space<vmem>>, vector<16xi32>,
      %get3A_1108 = arith.index_cast %mul3A_1105 : i32 to index
      %get3A_1109 = tpu.vector_load %arg7[%get3A_1108] {strides = array<i32>} : memref<16384xf32, #tpu.memory_space<vmem>>, vector<16xf32>,
      %add3A_1110 = arith.addi %get3A_1094, %broadcast_in_dim3A_255 : vector<16xi32>
      tpu.vector_store_idx %arg9[%add3A_1110], %get3A_1096 {add = true} : memref<25200xf32, #tpu.memory_space<vmem>>[vector<16xi32>], vector<16xf32>,
      %scan3A_1111 = arith.constant 2 : i32
      %scan3A_1112 = arith.addi %scan3A_1085, %scan3A_1111 : i32
      %add3A_1113 = arith.constant 1 : i32
      %add3A_1114 = arith.addi %scan3A_1112, %add3A_1113 : i32
      %min3A_1115 = arith.constant 1023 : i32
      %min3A_1116 = arith.minsi %add3A_1114, %min3A_1115 : i32
      %mul3A_1117 = arith.constant 16 : i32
      %mul3A_1118 = arith.muli %min3A_1116, %mul3A_1117 : i32
      %get3A_1119 = arith.index_cast %mul3A_1118 : i32 to index
      %get3A_1120 = tpu.vector_load %arg6[%get3A_1119] {strides = array<i32>} : memref<16384xi32, #tpu.memory_space<vmem>>, vector<16xi32>,
      %get3A_1121 = arith.index_cast %mul3A_1118 : i32 to index
      %get3A_1122 = tpu.vector_load %arg7[%get3A_1121] {strides = array<i32>} : memref<16384xf32, #tpu.memory_space<vmem>>, vector<16xf32>,
      %add3A_1123 = arith.addi %get3A_1107, %broadcast_in_dim3A_255 : vector<16xi32>
      tpu.vector_store_idx %arg9[%add3A_1123], %get3A_1109 {add = true} : memref<25200xf32, #tpu.memory_space<vmem>>[vector<16xi32>], vector<16xf32>,
      %scan3A_1124 = arith.constant 3 : i32
      %scan3A_1125 = arith.addi %scan3A_1085, %scan3A_1124 : i32
      %add3A_1126 = arith.constant 1 : i32
      %add3A_1127 = arith.addi %scan3A_1125, %add3A_1126 : i32
      %min3A_1128 = arith.constant 1023 : i32
      %min3A_1129 = arith.minsi %add3A_1127, %min3A_1128 : i32
      %mul3A_1130 = arith.constant 16 : i32
      %mul3A_1131 = arith.muli %min3A_1129, %mul3A_1130 : i32
      %get3A_1132 = arith.index_cast %mul3A_1131 : i32 to index
      %get3A_1133 = tpu.vector_load %arg6[%get3A_1132] {strides = array<i32>} : memref<16384xi32, #tpu.memory_space<vmem>>, vector<16xi32>,
      %get3A_1134 = arith.index_cast %mul3A_1131 : i32 to index
      %get3A_1135 = tpu.vector_load %arg7[%get3A_1134] {strides = array<i32>} : memref<16384xf32, #tpu.memory_space<vmem>>, vector<16xf32>,
      %add3A_1136 = arith.addi %get3A_1120, %broadcast_in_dim3A_255 : vector<16xi32>
      tpu.vector_store_idx %arg9[%add3A_1136], %get3A_1122 {add = true} : memref<25200xf32, #tpu.memory_space<vmem>>[vector<16xi32>], vector<16xf32>,
      scf.yield %get3A_1133, %get3A_1135 : vector<16xi32>, vector<16xf32>
    }
    %scan3A_265 = arith.constant 1024 : i32
    %dma_wait3A_266 = tpu.memref_slice %arg3[%add3A_251] : memref<22020096xf32, #tpu.memory_space<hbm>> -> memref<16384xf32, #tpu.memory_space<hbm>>
    %dma_wait3A_267 = tpu.memref_slice %arg3[%add3A_251] : memref<22020096xf32, #tpu.memory_space<hbm>> -> memref<16384xf32, #tpu.memory_space<hbm>>
    tpu.wait_dma2 semaphore(%arg12 : memref<!tpu.dma_semaphore, #tpu.memory_space<semaphore_mem>>) src(%dma_wait3A_267 : memref<16384xf32, #tpu.memory_space<hbm>>) dst(%arg8 : memref<16384xf32, #tpu.memory_space<vmem>>)
    %mul3A_268 = arith.constant 21 : i32
    %mul3A_269 = arith.muli %select_n3A, %mul3A_268 : i32
    %add3A_270 = arith.constant 10 : i32
    %add3A_271 = arith.addi %mul3A_269, %add3A_270 : i32
    %mul3A_272 = arith.constant 262144 : i32
    %mul3A_273 = arith.muli %add3A_271, %mul3A_272 : i32
    %add3A_274 = arith.addi %mul3A_273, %mul3A_34 : i32
    %dma_start3A_275 = tpu.memref_slice %arg3[%add3A_274] : memref<22020096xf32, #tpu.memory_space<hbm>> -> memref<16384xf32, #tpu.memory_space<hbm>>
    %dma_start3A_276 = tpu.memref_slice %arg3[%add3A_274] : memref<22020096xf32, #tpu.memory_space<hbm>> -> memref<16384xf32, #tpu.memory_space<hbm>>
    tpu.enqueue_dma source(%dma_start3A_276 : memref<16384xf32, #tpu.memory_space<hbm>>) target(%arg7 : memref<16384xf32, #tpu.memory_space<vmem>>) target_semaphore(%arg11 : memref<!tpu.dma_semaphore, #tpu.memory_space<semaphore_mem>>)
    %broadcast_in_dim3A_277 = arith.constant 10800 : i32
    %broadcast_in_dim3A_278 = vector.broadcast %broadcast_in_dim3A_277 : i32 to vector<16xi32>
    %get3A_279 = arith.constant 0 : index
    %get3A_280 = tpu.vector_load %arg6[%get3A_279] {strides = array<i32>} : memref<16384xi32, #tpu.memory_space<vmem>>, vector<16xi32>,
    %get3A_281 = arith.constant 0 : index
    %get3A_282 = tpu.vector_load %arg8[%get3A_281] {strides = array<i32>} : memref<16384xf32, #tpu.memory_space<vmem>>, vector<16xf32>,
    %scan3A_283 = arith.constant 0 : i32
    %scan3A_284 = arith.constant 1024 : i32
    %scan3A_285 = arith.addi %scan3A_283, %scan3A_284 : i32
    %scan3A_286 = arith.constant 4 : i32
    %scan3A_287:2 = scf.for %scan3A_1085 = %scan3A_283 to %scan3A_285 step %scan3A_286 iter_args(%scan3A_1086 = %get3A_280, %scan3A_1087 = %get3A_282) -> (vector<16xi32>, vector<16xf32>)  : i32 {
      %add3A_1088 = arith.constant 1 : i32
      %add3A_1089 = arith.addi %scan3A_1085, %add3A_1088 : i32
      %min3A = arith.constant 1023 : i32
      %min3A_1090 = arith.minsi %add3A_1089, %min3A : i32
      %mul3A_1091 = arith.constant 16 : i32
      %mul3A_1092 = arith.muli %min3A_1090, %mul3A_1091 : i32
      %get3A_1093 = arith.index_cast %mul3A_1092 : i32 to index
      %get3A_1094 = tpu.vector_load %arg6[%get3A_1093] {strides = array<i32>} : memref<16384xi32, #tpu.memory_space<vmem>>, vector<16xi32>,
      %get3A_1095 = arith.index_cast %mul3A_1092 : i32 to index
      %get3A_1096 = tpu.vector_load %arg8[%get3A_1095] {strides = array<i32>} : memref<16384xf32, #tpu.memory_space<vmem>>, vector<16xf32>,
      %add3A_1097 = arith.addi %scan3A_1086, %broadcast_in_dim3A_278 : vector<16xi32>
      tpu.vector_store_idx %arg9[%add3A_1097], %scan3A_1087 {add = true} : memref<25200xf32, #tpu.memory_space<vmem>>[vector<16xi32>], vector<16xf32>,
      %scan3A_1098 = arith.constant 1 : i32
      %scan3A_1099 = arith.addi %scan3A_1085, %scan3A_1098 : i32
      %add3A_1100 = arith.constant 1 : i32
      %add3A_1101 = arith.addi %scan3A_1099, %add3A_1100 : i32
      %min3A_1102 = arith.constant 1023 : i32
      %min3A_1103 = arith.minsi %add3A_1101, %min3A_1102 : i32
      %mul3A_1104 = arith.constant 16 : i32
      %mul3A_1105 = arith.muli %min3A_1103, %mul3A_1104 : i32
      %get3A_1106 = arith.index_cast %mul3A_1105 : i32 to index
      %get3A_1107 = tpu.vector_load %arg6[%get3A_1106] {strides = array<i32>} : memref<16384xi32, #tpu.memory_space<vmem>>, vector<16xi32>,
      %get3A_1108 = arith.index_cast %mul3A_1105 : i32 to index
      %get3A_1109 = tpu.vector_load %arg8[%get3A_1108] {strides = array<i32>} : memref<16384xf32, #tpu.memory_space<vmem>>, vector<16xf32>,
      %add3A_1110 = arith.addi %get3A_1094, %broadcast_in_dim3A_278 : vector<16xi32>
      tpu.vector_store_idx %arg9[%add3A_1110], %get3A_1096 {add = true} : memref<25200xf32, #tpu.memory_space<vmem>>[vector<16xi32>], vector<16xf32>,
      %scan3A_1111 = arith.constant 2 : i32
      %scan3A_1112 = arith.addi %scan3A_1085, %scan3A_1111 : i32
      %add3A_1113 = arith.constant 1 : i32
      %add3A_1114 = arith.addi %scan3A_1112, %add3A_1113 : i32
      %min3A_1115 = arith.constant 1023 : i32
      %min3A_1116 = arith.minsi %add3A_1114, %min3A_1115 : i32
      %mul3A_1117 = arith.constant 16 : i32
      %mul3A_1118 = arith.muli %min3A_1116, %mul3A_1117 : i32
      %get3A_1119 = arith.index_cast %mul3A_1118 : i32 to index
      %get3A_1120 = tpu.vector_load %arg6[%get3A_1119] {strides = array<i32>} : memref<16384xi32, #tpu.memory_space<vmem>>, vector<16xi32>,
      %get3A_1121 = arith.index_cast %mul3A_1118 : i32 to index
      %get3A_1122 = tpu.vector_load %arg8[%get3A_1121] {strides = array<i32>} : memref<16384xf32, #tpu.memory_space<vmem>>, vector<16xf32>,
      %add3A_1123 = arith.addi %get3A_1107, %broadcast_in_dim3A_278 : vector<16xi32>
      tpu.vector_store_idx %arg9[%add3A_1123], %get3A_1109 {add = true} : memref<25200xf32, #tpu.memory_space<vmem>>[vector<16xi32>], vector<16xf32>,
      %scan3A_1124 = arith.constant 3 : i32
      %scan3A_1125 = arith.addi %scan3A_1085, %scan3A_1124 : i32
      %add3A_1126 = arith.constant 1 : i32
      %add3A_1127 = arith.addi %scan3A_1125, %add3A_1126 : i32
      %min3A_1128 = arith.constant 1023 : i32
      %min3A_1129 = arith.minsi %add3A_1127, %min3A_1128 : i32
      %mul3A_1130 = arith.constant 16 : i32
      %mul3A_1131 = arith.muli %min3A_1129, %mul3A_1130 : i32
      %get3A_1132 = arith.index_cast %mul3A_1131 : i32 to index
      %get3A_1133 = tpu.vector_load %arg6[%get3A_1132] {strides = array<i32>} : memref<16384xi32, #tpu.memory_space<vmem>>, vector<16xi32>,
      %get3A_1134 = arith.index_cast %mul3A_1131 : i32 to index
      %get3A_1135 = tpu.vector_load %arg8[%get3A_1134] {strides = array<i32>} : memref<16384xf32, #tpu.memory_space<vmem>>, vector<16xf32>,
      %add3A_1136 = arith.addi %get3A_1120, %broadcast_in_dim3A_278 : vector<16xi32>
      tpu.vector_store_idx %arg9[%add3A_1136], %get3A_1122 {add = true} : memref<25200xf32, #tpu.memory_space<vmem>>[vector<16xi32>], vector<16xf32>,
      scf.yield %get3A_1133, %get3A_1135 : vector<16xi32>, vector<16xf32>
    }
    %scan3A_288 = arith.constant 1024 : i32
    %dma_wait3A_289 = tpu.memref_slice %arg3[%add3A_274] : memref<22020096xf32, #tpu.memory_space<hbm>> -> memref<16384xf32, #tpu.memory_space<hbm>>
    %dma_wait3A_290 = tpu.memref_slice %arg3[%add3A_274] : memref<22020096xf32, #tpu.memory_space<hbm>> -> memref<16384xf32, #tpu.memory_space<hbm>>
    tpu.wait_dma2 semaphore(%arg11 : memref<!tpu.dma_semaphore, #tpu.memory_space<semaphore_mem>>) src(%dma_wait3A_290 : memref<16384xf32, #tpu.memory_space<hbm>>) dst(%arg7 : memref<16384xf32, #tpu.memory_space<vmem>>)
    %mul3A_291 = arith.constant 21 : i32
    %mul3A_292 = arith.muli %select_n3A, %mul3A_291 : i32
    %add3A_293 = arith.constant 11 : i32
    %add3A_294 = arith.addi %mul3A_292, %add3A_293 : i32
    %mul3A_295 = arith.constant 262144 : i32
    %mul3A_296 = arith.muli %add3A_294, %mul3A_295 : i32
    %add3A_297 = arith.addi %mul3A_296, %mul3A_34 : i32
    %dma_start3A_298 = tpu.memref_slice %arg3[%add3A_297] : memref<22020096xf32, #tpu.memory_space<hbm>> -> memref<16384xf32, #tpu.memory_space<hbm>>
    %dma_start3A_299 = tpu.memref_slice %arg3[%add3A_297] : memref<22020096xf32, #tpu.memory_space<hbm>> -> memref<16384xf32, #tpu.memory_space<hbm>>
    tpu.enqueue_dma source(%dma_start3A_299 : memref<16384xf32, #tpu.memory_space<hbm>>) target(%arg8 : memref<16384xf32, #tpu.memory_space<vmem>>) target_semaphore(%arg12 : memref<!tpu.dma_semaphore, #tpu.memory_space<semaphore_mem>>)
    %broadcast_in_dim3A_300 = arith.constant 12000 : i32
    %broadcast_in_dim3A_301 = vector.broadcast %broadcast_in_dim3A_300 : i32 to vector<16xi32>
    %get3A_302 = arith.constant 0 : index
    %get3A_303 = tpu.vector_load %arg6[%get3A_302] {strides = array<i32>} : memref<16384xi32, #tpu.memory_space<vmem>>, vector<16xi32>,
    %get3A_304 = arith.constant 0 : index
    %get3A_305 = tpu.vector_load %arg7[%get3A_304] {strides = array<i32>} : memref<16384xf32, #tpu.memory_space<vmem>>, vector<16xf32>,
    %scan3A_306 = arith.constant 0 : i32
    %scan3A_307 = arith.constant 1024 : i32
    %scan3A_308 = arith.addi %scan3A_306, %scan3A_307 : i32
    %scan3A_309 = arith.constant 4 : i32
    %scan3A_310:2 = scf.for %scan3A_1085 = %scan3A_306 to %scan3A_308 step %scan3A_309 iter_args(%scan3A_1086 = %get3A_303, %scan3A_1087 = %get3A_305) -> (vector<16xi32>, vector<16xf32>)  : i32 {
      %add3A_1088 = arith.constant 1 : i32
      %add3A_1089 = arith.addi %scan3A_1085, %add3A_1088 : i32
      %min3A = arith.constant 1023 : i32
      %min3A_1090 = arith.minsi %add3A_1089, %min3A : i32
      %mul3A_1091 = arith.constant 16 : i32
      %mul3A_1092 = arith.muli %min3A_1090, %mul3A_1091 : i32
      %get3A_1093 = arith.index_cast %mul3A_1092 : i32 to index
      %get3A_1094 = tpu.vector_load %arg6[%get3A_1093] {strides = array<i32>} : memref<16384xi32, #tpu.memory_space<vmem>>, vector<16xi32>,
      %get3A_1095 = arith.index_cast %mul3A_1092 : i32 to index
      %get3A_1096 = tpu.vector_load %arg7[%get3A_1095] {strides = array<i32>} : memref<16384xf32, #tpu.memory_space<vmem>>, vector<16xf32>,
      %add3A_1097 = arith.addi %scan3A_1086, %broadcast_in_dim3A_301 : vector<16xi32>
      tpu.vector_store_idx %arg9[%add3A_1097], %scan3A_1087 {add = true} : memref<25200xf32, #tpu.memory_space<vmem>>[vector<16xi32>], vector<16xf32>,
      %scan3A_1098 = arith.constant 1 : i32
      %scan3A_1099 = arith.addi %scan3A_1085, %scan3A_1098 : i32
      %add3A_1100 = arith.constant 1 : i32
      %add3A_1101 = arith.addi %scan3A_1099, %add3A_1100 : i32
      %min3A_1102 = arith.constant 1023 : i32
      %min3A_1103 = arith.minsi %add3A_1101, %min3A_1102 : i32
      %mul3A_1104 = arith.constant 16 : i32
      %mul3A_1105 = arith.muli %min3A_1103, %mul3A_1104 : i32
      %get3A_1106 = arith.index_cast %mul3A_1105 : i32 to index
      %get3A_1107 = tpu.vector_load %arg6[%get3A_1106] {strides = array<i32>} : memref<16384xi32, #tpu.memory_space<vmem>>, vector<16xi32>,
      %get3A_1108 = arith.index_cast %mul3A_1105 : i32 to index
      %get3A_1109 = tpu.vector_load %arg7[%get3A_1108] {strides = array<i32>} : memref<16384xf32, #tpu.memory_space<vmem>>, vector<16xf32>,
      %add3A_1110 = arith.addi %get3A_1094, %broadcast_in_dim3A_301 : vector<16xi32>
      tpu.vector_store_idx %arg9[%add3A_1110], %get3A_1096 {add = true} : memref<25200xf32, #tpu.memory_space<vmem>>[vector<16xi32>], vector<16xf32>,
      %scan3A_1111 = arith.constant 2 : i32
      %scan3A_1112 = arith.addi %scan3A_1085, %scan3A_1111 : i32
      %add3A_1113 = arith.constant 1 : i32
      %add3A_1114 = arith.addi %scan3A_1112, %add3A_1113 : i32
      %min3A_1115 = arith.constant 1023 : i32
      %min3A_1116 = arith.minsi %add3A_1114, %min3A_1115 : i32
      %mul3A_1117 = arith.constant 16 : i32
      %mul3A_1118 = arith.muli %min3A_1116, %mul3A_1117 : i32
      %get3A_1119 = arith.index_cast %mul3A_1118 : i32 to index
      %get3A_1120 = tpu.vector_load %arg6[%get3A_1119] {strides = array<i32>} : memref<16384xi32, #tpu.memory_space<vmem>>, vector<16xi32>,
      %get3A_1121 = arith.index_cast %mul3A_1118 : i32 to index
      %get3A_1122 = tpu.vector_load %arg7[%get3A_1121] {strides = array<i32>} : memref<16384xf32, #tpu.memory_space<vmem>>, vector<16xf32>,
      %add3A_1123 = arith.addi %get3A_1107, %broadcast_in_dim3A_301 : vector<16xi32>
      tpu.vector_store_idx %arg9[%add3A_1123], %get3A_1109 {add = true} : memref<25200xf32, #tpu.memory_space<vmem>>[vector<16xi32>], vector<16xf32>,
      %scan3A_1124 = arith.constant 3 : i32
      %scan3A_1125 = arith.addi %scan3A_1085, %scan3A_1124 : i32
      %add3A_1126 = arith.constant 1 : i32
      %add3A_1127 = arith.addi %scan3A_1125, %add3A_1126 : i32
      %min3A_1128 = arith.constant 1023 : i32
      %min3A_1129 = arith.minsi %add3A_1127, %min3A_1128 : i32
      %mul3A_1130 = arith.constant 16 : i32
      %mul3A_1131 = arith.muli %min3A_1129, %mul3A_1130 : i32
      %get3A_1132 = arith.index_cast %mul3A_1131 : i32 to index
      %get3A_1133 = tpu.vector_load %arg6[%get3A_1132] {strides = array<i32>} : memref<16384xi32, #tpu.memory_space<vmem>>, vector<16xi32>,
      %get3A_1134 = arith.index_cast %mul3A_1131 : i32 to index
      %get3A_1135 = tpu.vector_load %arg7[%get3A_1134] {strides = array<i32>} : memref<16384xf32, #tpu.memory_space<vmem>>, vector<16xf32>,
      %add3A_1136 = arith.addi %get3A_1120, %broadcast_in_dim3A_301 : vector<16xi32>
      tpu.vector_store_idx %arg9[%add3A_1136], %get3A_1122 {add = true} : memref<25200xf32, #tpu.memory_space<vmem>>[vector<16xi32>], vector<16xf32>,
      scf.yield %get3A_1133, %get3A_1135 : vector<16xi32>, vector<16xf32>
    }
    %scan3A_311 = arith.constant 1024 : i32
    %dma_wait3A_312 = tpu.memref_slice %arg3[%add3A_297] : memref<22020096xf32, #tpu.memory_space<hbm>> -> memref<16384xf32, #tpu.memory_space<hbm>>
    %dma_wait3A_313 = tpu.memref_slice %arg3[%add3A_297] : memref<22020096xf32, #tpu.memory_space<hbm>> -> memref<16384xf32, #tpu.memory_space<hbm>>
    tpu.wait_dma2 semaphore(%arg12 : memref<!tpu.dma_semaphore, #tpu.memory_space<semaphore_mem>>) src(%dma_wait3A_313 : memref<16384xf32, #tpu.memory_space<hbm>>) dst(%arg8 : memref<16384xf32, #tpu.memory_space<vmem>>)
    %mul3A_314 = arith.constant 21 : i32
    %mul3A_315 = arith.muli %select_n3A, %mul3A_314 : i32
    %add3A_316 = arith.constant 12 : i32
    %add3A_317 = arith.addi %mul3A_315, %add3A_316 : i32
    %mul3A_318 = arith.constant 262144 : i32
    %mul3A_319 = arith.muli %add3A_317, %mul3A_318 : i32
    %add3A_320 = arith.addi %mul3A_319, %mul3A_34 : i32
    %dma_start3A_321 = tpu.memref_slice %arg3[%add3A_320] : memref<22020096xf32, #tpu.memory_space<hbm>> -> memref<16384xf32, #tpu.memory_space<hbm>>
    %dma_start3A_322 = tpu.memref_slice %arg3[%add3A_320] : memref<22020096xf32, #tpu.memory_space<hbm>> -> memref<16384xf32, #tpu.memory_space<hbm>>
    tpu.enqueue_dma source(%dma_start3A_322 : memref<16384xf32, #tpu.memory_space<hbm>>) target(%arg7 : memref<16384xf32, #tpu.memory_space<vmem>>) target_semaphore(%arg11 : memref<!tpu.dma_semaphore, #tpu.memory_space<semaphore_mem>>)
    %broadcast_in_dim3A_323 = arith.constant 13200 : i32
    %broadcast_in_dim3A_324 = vector.broadcast %broadcast_in_dim3A_323 : i32 to vector<16xi32>
    %get3A_325 = arith.constant 0 : index
    %get3A_326 = tpu.vector_load %arg6[%get3A_325] {strides = array<i32>} : memref<16384xi32, #tpu.memory_space<vmem>>, vector<16xi32>,
    %get3A_327 = arith.constant 0 : index
    %get3A_328 = tpu.vector_load %arg8[%get3A_327] {strides = array<i32>} : memref<16384xf32, #tpu.memory_space<vmem>>, vector<16xf32>,
    %scan3A_329 = arith.constant 0 : i32
    %scan3A_330 = arith.constant 1024 : i32
    %scan3A_331 = arith.addi %scan3A_329, %scan3A_330 : i32
    %scan3A_332 = arith.constant 4 : i32
    %scan3A_333:2 = scf.for %scan3A_1085 = %scan3A_329 to %scan3A_331 step %scan3A_332 iter_args(%scan3A_1086 = %get3A_326, %scan3A_1087 = %get3A_328) -> (vector<16xi32>, vector<16xf32>)  : i32 {
      %add3A_1088 = arith.constant 1 : i32
      %add3A_1089 = arith.addi %scan3A_1085, %add3A_1088 : i32
      %min3A = arith.constant 1023 : i32
      %min3A_1090 = arith.minsi %add3A_1089, %min3A : i32
      %mul3A_1091 = arith.constant 16 : i32
      %mul3A_1092 = arith.muli %min3A_1090, %mul3A_1091 : i32
      %get3A_1093 = arith.index_cast %mul3A_1092 : i32 to index
      %get3A_1094 = tpu.vector_load %arg6[%get3A_1093] {strides = array<i32>} : memref<16384xi32, #tpu.memory_space<vmem>>, vector<16xi32>,
      %get3A_1095 = arith.index_cast %mul3A_1092 : i32 to index
      %get3A_1096 = tpu.vector_load %arg8[%get3A_1095] {strides = array<i32>} : memref<16384xf32, #tpu.memory_space<vmem>>, vector<16xf32>,
      %add3A_1097 = arith.addi %scan3A_1086, %broadcast_in_dim3A_324 : vector<16xi32>
      tpu.vector_store_idx %arg9[%add3A_1097], %scan3A_1087 {add = true} : memref<25200xf32, #tpu.memory_space<vmem>>[vector<16xi32>], vector<16xf32>,
      %scan3A_1098 = arith.constant 1 : i32
      %scan3A_1099 = arith.addi %scan3A_1085, %scan3A_1098 : i32
      %add3A_1100 = arith.constant 1 : i32
      %add3A_1101 = arith.addi %scan3A_1099, %add3A_1100 : i32
      %min3A_1102 = arith.constant 1023 : i32
      %min3A_1103 = arith.minsi %add3A_1101, %min3A_1102 : i32
      %mul3A_1104 = arith.constant 16 : i32
      %mul3A_1105 = arith.muli %min3A_1103, %mul3A_1104 : i32
      %get3A_1106 = arith.index_cast %mul3A_1105 : i32 to index
      %get3A_1107 = tpu.vector_load %arg6[%get3A_1106] {strides = array<i32>} : memref<16384xi32, #tpu.memory_space<vmem>>, vector<16xi32>,
      %get3A_1108 = arith.index_cast %mul3A_1105 : i32 to index
      %get3A_1109 = tpu.vector_load %arg8[%get3A_1108] {strides = array<i32>} : memref<16384xf32, #tpu.memory_space<vmem>>, vector<16xf32>,
      %add3A_1110 = arith.addi %get3A_1094, %broadcast_in_dim3A_324 : vector<16xi32>
      tpu.vector_store_idx %arg9[%add3A_1110], %get3A_1096 {add = true} : memref<25200xf32, #tpu.memory_space<vmem>>[vector<16xi32>], vector<16xf32>,
      %scan3A_1111 = arith.constant 2 : i32
      %scan3A_1112 = arith.addi %scan3A_1085, %scan3A_1111 : i32
      %add3A_1113 = arith.constant 1 : i32
      %add3A_1114 = arith.addi %scan3A_1112, %add3A_1113 : i32
      %min3A_1115 = arith.constant 1023 : i32
      %min3A_1116 = arith.minsi %add3A_1114, %min3A_1115 : i32
      %mul3A_1117 = arith.constant 16 : i32
      %mul3A_1118 = arith.muli %min3A_1116, %mul3A_1117 : i32
      %get3A_1119 = arith.index_cast %mul3A_1118 : i32 to index
      %get3A_1120 = tpu.vector_load %arg6[%get3A_1119] {strides = array<i32>} : memref<16384xi32, #tpu.memory_space<vmem>>, vector<16xi32>,
      %get3A_1121 = arith.index_cast %mul3A_1118 : i32 to index
      %get3A_1122 = tpu.vector_load %arg8[%get3A_1121] {strides = array<i32>} : memref<16384xf32, #tpu.memory_space<vmem>>, vector<16xf32>,
      %add3A_1123 = arith.addi %get3A_1107, %broadcast_in_dim3A_324 : vector<16xi32>
      tpu.vector_store_idx %arg9[%add3A_1123], %get3A_1109 {add = true} : memref<25200xf32, #tpu.memory_space<vmem>>[vector<16xi32>], vector<16xf32>,
      %scan3A_1124 = arith.constant 3 : i32
      %scan3A_1125 = arith.addi %scan3A_1085, %scan3A_1124 : i32
      %add3A_1126 = arith.constant 1 : i32
      %add3A_1127 = arith.addi %scan3A_1125, %add3A_1126 : i32
      %min3A_1128 = arith.constant 1023 : i32
      %min3A_1129 = arith.minsi %add3A_1127, %min3A_1128 : i32
      %mul3A_1130 = arith.constant 16 : i32
      %mul3A_1131 = arith.muli %min3A_1129, %mul3A_1130 : i32
      %get3A_1132 = arith.index_cast %mul3A_1131 : i32 to index
      %get3A_1133 = tpu.vector_load %arg6[%get3A_1132] {strides = array<i32>} : memref<16384xi32, #tpu.memory_space<vmem>>, vector<16xi32>,
      %get3A_1134 = arith.index_cast %mul3A_1131 : i32 to index
      %get3A_1135 = tpu.vector_load %arg8[%get3A_1134] {strides = array<i32>} : memref<16384xf32, #tpu.memory_space<vmem>>, vector<16xf32>,
      %add3A_1136 = arith.addi %get3A_1120, %broadcast_in_dim3A_324 : vector<16xi32>
      tpu.vector_store_idx %arg9[%add3A_1136], %get3A_1122 {add = true} : memref<25200xf32, #tpu.memory_space<vmem>>[vector<16xi32>], vector<16xf32>,
      scf.yield %get3A_1133, %get3A_1135 : vector<16xi32>, vector<16xf32>
    }
    %scan3A_334 = arith.constant 1024 : i32
    %dma_wait3A_335 = tpu.memref_slice %arg3[%add3A_320] : memref<22020096xf32, #tpu.memory_space<hbm>> -> memref<16384xf32, #tpu.memory_space<hbm>>
    %dma_wait3A_336 = tpu.memref_slice %arg3[%add3A_320] : memref<22020096xf32, #tpu.memory_space<hbm>> -> memref<16384xf32, #tpu.memory_space<hbm>>
    tpu.wait_dma2 semaphore(%arg11 : memref<!tpu.dma_semaphore, #tpu.memory_space<semaphore_mem>>) src(%dma_wait3A_336 : memref<16384xf32, #tpu.memory_space<hbm>>) dst(%arg7 : memref<16384xf32, #tpu.memory_space<vmem>>)
    %mul3A_337 = arith.constant 21 : i32
    %mul3A_338 = arith.muli %select_n3A, %mul3A_337 : i32
    %add3A_339 = arith.constant 13 : i32
    %add3A_340 = arith.addi %mul3A_338, %add3A_339 : i32
    %mul3A_341 = arith.constant 262144 : i32
    %mul3A_342 = arith.muli %add3A_340, %mul3A_341 : i32
    %add3A_343 = arith.addi %mul3A_342, %mul3A_34 : i32
    %dma_start3A_344 = tpu.memref_slice %arg3[%add3A_343] : memref<22020096xf32, #tpu.memory_space<hbm>> -> memref<16384xf32, #tpu.memory_space<hbm>>
    %dma_start3A_345 = tpu.memref_slice %arg3[%add3A_343] : memref<22020096xf32, #tpu.memory_space<hbm>> -> memref<16384xf32, #tpu.memory_space<hbm>>
    tpu.enqueue_dma source(%dma_start3A_345 : memref<16384xf32, #tpu.memory_space<hbm>>) target(%arg8 : memref<16384xf32, #tpu.memory_space<vmem>>) target_semaphore(%arg12 : memref<!tpu.dma_semaphore, #tpu.memory_space<semaphore_mem>>)
    %broadcast_in_dim3A_346 = arith.constant 14400 : i32
    %broadcast_in_dim3A_347 = vector.broadcast %broadcast_in_dim3A_346 : i32 to vector<16xi32>
    %get3A_348 = arith.constant 0 : index
    %get3A_349 = tpu.vector_load %arg6[%get3A_348] {strides = array<i32>} : memref<16384xi32, #tpu.memory_space<vmem>>, vector<16xi32>,
    %get3A_350 = arith.constant 0 : index
    %get3A_351 = tpu.vector_load %arg7[%get3A_350] {strides = array<i32>} : memref<16384xf32, #tpu.memory_space<vmem>>, vector<16xf32>,
    %scan3A_352 = arith.constant 0 : i32
    %scan3A_353 = arith.constant 1024 : i32
    %scan3A_354 = arith.addi %scan3A_352, %scan3A_353 : i32
    %scan3A_355 = arith.constant 4 : i32
    %scan3A_356:2 = scf.for %scan3A_1085 = %scan3A_352 to %scan3A_354 step %scan3A_355 iter_args(%scan3A_1086 = %get3A_349, %scan3A_1087 = %get3A_351) -> (vector<16xi32>, vector<16xf32>)  : i32 {
      %add3A_1088 = arith.constant 1 : i32
      %add3A_1089 = arith.addi %scan3A_1085, %add3A_1088 : i32
      %min3A = arith.constant 1023 : i32
      %min3A_1090 = arith.minsi %add3A_1089, %min3A : i32
      %mul3A_1091 = arith.constant 16 : i32
      %mul3A_1092 = arith.muli %min3A_1090, %mul3A_1091 : i32
      %get3A_1093 = arith.index_cast %mul3A_1092 : i32 to index
      %get3A_1094 = tpu.vector_load %arg6[%get3A_1093] {strides = array<i32>} : memref<16384xi32, #tpu.memory_space<vmem>>, vector<16xi32>,
      %get3A_1095 = arith.index_cast %mul3A_1092 : i32 to index
      %get3A_1096 = tpu.vector_load %arg7[%get3A_1095] {strides = array<i32>} : memref<16384xf32, #tpu.memory_space<vmem>>, vector<16xf32>,
      %add3A_1097 = arith.addi %scan3A_1086, %broadcast_in_dim3A_347 : vector<16xi32>
      tpu.vector_store_idx %arg9[%add3A_1097], %scan3A_1087 {add = true} : memref<25200xf32, #tpu.memory_space<vmem>>[vector<16xi32>], vector<16xf32>,
      %scan3A_1098 = arith.constant 1 : i32
      %scan3A_1099 = arith.addi %scan3A_1085, %scan3A_1098 : i32
      %add3A_1100 = arith.constant 1 : i32
      %add3A_1101 = arith.addi %scan3A_1099, %add3A_1100 : i32
      %min3A_1102 = arith.constant 1023 : i32
      %min3A_1103 = arith.minsi %add3A_1101, %min3A_1102 : i32
      %mul3A_1104 = arith.constant 16 : i32
      %mul3A_1105 = arith.muli %min3A_1103, %mul3A_1104 : i32
      %get3A_1106 = arith.index_cast %mul3A_1105 : i32 to index
      %get3A_1107 = tpu.vector_load %arg6[%get3A_1106] {strides = array<i32>} : memref<16384xi32, #tpu.memory_space<vmem>>, vector<16xi32>,
      %get3A_1108 = arith.index_cast %mul3A_1105 : i32 to index
      %get3A_1109 = tpu.vector_load %arg7[%get3A_1108] {strides = array<i32>} : memref<16384xf32, #tpu.memory_space<vmem>>, vector<16xf32>,
      %add3A_1110 = arith.addi %get3A_1094, %broadcast_in_dim3A_347 : vector<16xi32>
      tpu.vector_store_idx %arg9[%add3A_1110], %get3A_1096 {add = true} : memref<25200xf32, #tpu.memory_space<vmem>>[vector<16xi32>], vector<16xf32>,
      %scan3A_1111 = arith.constant 2 : i32
      %scan3A_1112 = arith.addi %scan3A_1085, %scan3A_1111 : i32
      %add3A_1113 = arith.constant 1 : i32
      %add3A_1114 = arith.addi %scan3A_1112, %add3A_1113 : i32
      %min3A_1115 = arith.constant 1023 : i32
      %min3A_1116 = arith.minsi %add3A_1114, %min3A_1115 : i32
      %mul3A_1117 = arith.constant 16 : i32
      %mul3A_1118 = arith.muli %min3A_1116, %mul3A_1117 : i32
      %get3A_1119 = arith.index_cast %mul3A_1118 : i32 to index
      %get3A_1120 = tpu.vector_load %arg6[%get3A_1119] {strides = array<i32>} : memref<16384xi32, #tpu.memory_space<vmem>>, vector<16xi32>,
      %get3A_1121 = arith.index_cast %mul3A_1118 : i32 to index
      %get3A_1122 = tpu.vector_load %arg7[%get3A_1121] {strides = array<i32>} : memref<16384xf32, #tpu.memory_space<vmem>>, vector<16xf32>,
      %add3A_1123 = arith.addi %get3A_1107, %broadcast_in_dim3A_347 : vector<16xi32>
      tpu.vector_store_idx %arg9[%add3A_1123], %get3A_1109 {add = true} : memref<25200xf32, #tpu.memory_space<vmem>>[vector<16xi32>], vector<16xf32>,
      %scan3A_1124 = arith.constant 3 : i32
      %scan3A_1125 = arith.addi %scan3A_1085, %scan3A_1124 : i32
      %add3A_1126 = arith.constant 1 : i32
      %add3A_1127 = arith.addi %scan3A_1125, %add3A_1126 : i32
      %min3A_1128 = arith.constant 1023 : i32
      %min3A_1129 = arith.minsi %add3A_1127, %min3A_1128 : i32
      %mul3A_1130 = arith.constant 16 : i32
      %mul3A_1131 = arith.muli %min3A_1129, %mul3A_1130 : i32
      %get3A_1132 = arith.index_cast %mul3A_1131 : i32 to index
      %get3A_1133 = tpu.vector_load %arg6[%get3A_1132] {strides = array<i32>} : memref<16384xi32, #tpu.memory_space<vmem>>, vector<16xi32>,
      %get3A_1134 = arith.index_cast %mul3A_1131 : i32 to index
      %get3A_1135 = tpu.vector_load %arg7[%get3A_1134] {strides = array<i32>} : memref<16384xf32, #tpu.memory_space<vmem>>, vector<16xf32>,
      %add3A_1136 = arith.addi %get3A_1120, %broadcast_in_dim3A_347 : vector<16xi32>
      tpu.vector_store_idx %arg9[%add3A_1136], %get3A_1122 {add = true} : memref<25200xf32, #tpu.memory_space<vmem>>[vector<16xi32>], vector<16xf32>,
      scf.yield %get3A_1133, %get3A_1135 : vector<16xi32>, vector<16xf32>
    }
    %scan3A_357 = arith.constant 1024 : i32
    %dma_wait3A_358 = tpu.memref_slice %arg3[%add3A_343] : memref<22020096xf32, #tpu.memory_space<hbm>> -> memref<16384xf32, #tpu.memory_space<hbm>>
    %dma_wait3A_359 = tpu.memref_slice %arg3[%add3A_343] : memref<22020096xf32, #tpu.memory_space<hbm>> -> memref<16384xf32, #tpu.memory_space<hbm>>
    tpu.wait_dma2 semaphore(%arg12 : memref<!tpu.dma_semaphore, #tpu.memory_space<semaphore_mem>>) src(%dma_wait3A_359 : memref<16384xf32, #tpu.memory_space<hbm>>) dst(%arg8 : memref<16384xf32, #tpu.memory_space<vmem>>)
    %mul3A_360 = arith.constant 21 : i32
    %mul3A_361 = arith.muli %select_n3A, %mul3A_360 : i32
    %add3A_362 = arith.constant 14 : i32
    %add3A_363 = arith.addi %mul3A_361, %add3A_362 : i32
    %mul3A_364 = arith.constant 262144 : i32
    %mul3A_365 = arith.muli %add3A_363, %mul3A_364 : i32
    %add3A_366 = arith.addi %mul3A_365, %mul3A_34 : i32
    %dma_start3A_367 = tpu.memref_slice %arg3[%add3A_366] : memref<22020096xf32, #tpu.memory_space<hbm>> -> memref<16384xf32, #tpu.memory_space<hbm>>
    %dma_start3A_368 = tpu.memref_slice %arg3[%add3A_366] : memref<22020096xf32, #tpu.memory_space<hbm>> -> memref<16384xf32, #tpu.memory_space<hbm>>
    tpu.enqueue_dma source(%dma_start3A_368 : memref<16384xf32, #tpu.memory_space<hbm>>) target(%arg7 : memref<16384xf32, #tpu.memory_space<vmem>>) target_semaphore(%arg11 : memref<!tpu.dma_semaphore, #tpu.memory_space<semaphore_mem>>)
    %broadcast_in_dim3A_369 = arith.constant 15600 : i32
    %broadcast_in_dim3A_370 = vector.broadcast %broadcast_in_dim3A_369 : i32 to vector<16xi32>
    %get3A_371 = arith.constant 0 : index
    %get3A_372 = tpu.vector_load %arg6[%get3A_371] {strides = array<i32>} : memref<16384xi32, #tpu.memory_space<vmem>>, vector<16xi32>,
    %get3A_373 = arith.constant 0 : index
    %get3A_374 = tpu.vector_load %arg8[%get3A_373] {strides = array<i32>} : memref<16384xf32, #tpu.memory_space<vmem>>, vector<16xf32>,
    %scan3A_375 = arith.constant 0 : i32
    %scan3A_376 = arith.constant 1024 : i32
    %scan3A_377 = arith.addi %scan3A_375, %scan3A_376 : i32
    %scan3A_378 = arith.constant 4 : i32
    %scan3A_379:2 = scf.for %scan3A_1085 = %scan3A_375 to %scan3A_377 step %scan3A_378 iter_args(%scan3A_1086 = %get3A_372, %scan3A_1087 = %get3A_374) -> (vector<16xi32>, vector<16xf32>)  : i32 {
      %add3A_1088 = arith.constant 1 : i32
      %add3A_1089 = arith.addi %scan3A_1085, %add3A_1088 : i32
      %min3A = arith.constant 1023 : i32
      %min3A_1090 = arith.minsi %add3A_1089, %min3A : i32
      %mul3A_1091 = arith.constant 16 : i32
      %mul3A_1092 = arith.muli %min3A_1090, %mul3A_1091 : i32
      %get3A_1093 = arith.index_cast %mul3A_1092 : i32 to index
      %get3A_1094 = tpu.vector_load %arg6[%get3A_1093] {strides = array<i32>} : memref<16384xi32, #tpu.memory_space<vmem>>, vector<16xi32>,
      %get3A_1095 = arith.index_cast %mul3A_1092 : i32 to index
      %get3A_1096 = tpu.vector_load %arg8[%get3A_1095] {strides = array<i32>} : memref<16384xf32, #tpu.memory_space<vmem>>, vector<16xf32>,
      %add3A_1097 = arith.addi %scan3A_1086, %broadcast_in_dim3A_370 : vector<16xi32>
      tpu.vector_store_idx %arg9[%add3A_1097], %scan3A_1087 {add = true} : memref<25200xf32, #tpu.memory_space<vmem>>[vector<16xi32>], vector<16xf32>,
      %scan3A_1098 = arith.constant 1 : i32
      %scan3A_1099 = arith.addi %scan3A_1085, %scan3A_1098 : i32
      %add3A_1100 = arith.constant 1 : i32
      %add3A_1101 = arith.addi %scan3A_1099, %add3A_1100 : i32
      %min3A_1102 = arith.constant 1023 : i32
      %min3A_1103 = arith.minsi %add3A_1101, %min3A_1102 : i32
      %mul3A_1104 = arith.constant 16 : i32
      %mul3A_1105 = arith.muli %min3A_1103, %mul3A_1104 : i32
      %get3A_1106 = arith.index_cast %mul3A_1105 : i32 to index
      %get3A_1107 = tpu.vector_load %arg6[%get3A_1106] {strides = array<i32>} : memref<16384xi32, #tpu.memory_space<vmem>>, vector<16xi32>,
      %get3A_1108 = arith.index_cast %mul3A_1105 : i32 to index
      %get3A_1109 = tpu.vector_load %arg8[%get3A_1108] {strides = array<i32>} : memref<16384xf32, #tpu.memory_space<vmem>>, vector<16xf32>,
      %add3A_1110 = arith.addi %get3A_1094, %broadcast_in_dim3A_370 : vector<16xi32>
      tpu.vector_store_idx %arg9[%add3A_1110], %get3A_1096 {add = true} : memref<25200xf32, #tpu.memory_space<vmem>>[vector<16xi32>], vector<16xf32>,
      %scan3A_1111 = arith.constant 2 : i32
      %scan3A_1112 = arith.addi %scan3A_1085, %scan3A_1111 : i32
      %add3A_1113 = arith.constant 1 : i32
      %add3A_1114 = arith.addi %scan3A_1112, %add3A_1113 : i32
      %min3A_1115 = arith.constant 1023 : i32
      %min3A_1116 = arith.minsi %add3A_1114, %min3A_1115 : i32
      %mul3A_1117 = arith.constant 16 : i32
      %mul3A_1118 = arith.muli %min3A_1116, %mul3A_1117 : i32
      %get3A_1119 = arith.index_cast %mul3A_1118 : i32 to index
      %get3A_1120 = tpu.vector_load %arg6[%get3A_1119] {strides = array<i32>} : memref<16384xi32, #tpu.memory_space<vmem>>, vector<16xi32>,
      %get3A_1121 = arith.index_cast %mul3A_1118 : i32 to index
      %get3A_1122 = tpu.vector_load %arg8[%get3A_1121] {strides = array<i32>} : memref<16384xf32, #tpu.memory_space<vmem>>, vector<16xf32>,
      %add3A_1123 = arith.addi %get3A_1107, %broadcast_in_dim3A_370 : vector<16xi32>
      tpu.vector_store_idx %arg9[%add3A_1123], %get3A_1109 {add = true} : memref<25200xf32, #tpu.memory_space<vmem>>[vector<16xi32>], vector<16xf32>,
      %scan3A_1124 = arith.constant 3 : i32
      %scan3A_1125 = arith.addi %scan3A_1085, %scan3A_1124 : i32
      %add3A_1126 = arith.constant 1 : i32
      %add3A_1127 = arith.addi %scan3A_1125, %add3A_1126 : i32
      %min3A_1128 = arith.constant 1023 : i32
      %min3A_1129 = arith.minsi %add3A_1127, %min3A_1128 : i32
      %mul3A_1130 = arith.constant 16 : i32
      %mul3A_1131 = arith.muli %min3A_1129, %mul3A_1130 : i32
      %get3A_1132 = arith.index_cast %mul3A_1131 : i32 to index
      %get3A_1133 = tpu.vector_load %arg6[%get3A_1132] {strides = array<i32>} : memref<16384xi32, #tpu.memory_space<vmem>>, vector<16xi32>,
      %get3A_1134 = arith.index_cast %mul3A_1131 : i32 to index
      %get3A_1135 = tpu.vector_load %arg8[%get3A_1134] {strides = array<i32>} : memref<16384xf32, #tpu.memory_space<vmem>>, vector<16xf32>,
      %add3A_1136 = arith.addi %get3A_1120, %broadcast_in_dim3A_370 : vector<16xi32>
      tpu.vector_store_idx %arg9[%add3A_1136], %get3A_1122 {add = true} : memref<25200xf32, #tpu.memory_space<vmem>>[vector<16xi32>], vector<16xf32>,
      scf.yield %get3A_1133, %get3A_1135 : vector<16xi32>, vector<16xf32>
    }
    %scan3A_380 = arith.constant 1024 : i32
    %dma_wait3A_381 = tpu.memref_slice %arg3[%add3A_366] : memref<22020096xf32, #tpu.memory_space<hbm>> -> memref<16384xf32, #tpu.memory_space<hbm>>
    %dma_wait3A_382 = tpu.memref_slice %arg3[%add3A_366] : memref<22020096xf32, #tpu.memory_space<hbm>> -> memref<16384xf32, #tpu.memory_space<hbm>>
    tpu.wait_dma2 semaphore(%arg11 : memref<!tpu.dma_semaphore, #tpu.memory_space<semaphore_mem>>) src(%dma_wait3A_382 : memref<16384xf32, #tpu.memory_space<hbm>>) dst(%arg7 : memref<16384xf32, #tpu.memory_space<vmem>>)
    %mul3A_383 = arith.constant 21 : i32
    %mul3A_384 = arith.muli %select_n3A, %mul3A_383 : i32
    %add3A_385 = arith.constant 15 : i32
    %add3A_386 = arith.addi %mul3A_384, %add3A_385 : i32
    %mul3A_387 = arith.constant 262144 : i32
    %mul3A_388 = arith.muli %add3A_386, %mul3A_387 : i32
    %add3A_389 = arith.addi %mul3A_388, %mul3A_34 : i32
    %dma_start3A_390 = tpu.memref_slice %arg3[%add3A_389] : memref<22020096xf32, #tpu.memory_space<hbm>> -> memref<16384xf32, #tpu.memory_space<hbm>>
    %dma_start3A_391 = tpu.memref_slice %arg3[%add3A_389] : memref<22020096xf32, #tpu.memory_space<hbm>> -> memref<16384xf32, #tpu.memory_space<hbm>>
    tpu.enqueue_dma source(%dma_start3A_391 : memref<16384xf32, #tpu.memory_space<hbm>>) target(%arg8 : memref<16384xf32, #tpu.memory_space<vmem>>) target_semaphore(%arg12 : memref<!tpu.dma_semaphore, #tpu.memory_space<semaphore_mem>>)
    %broadcast_in_dim3A_392 = arith.constant 16800 : i32
    %broadcast_in_dim3A_393 = vector.broadcast %broadcast_in_dim3A_392 : i32 to vector<16xi32>
    %get3A_394 = arith.constant 0 : index
    %get3A_395 = tpu.vector_load %arg6[%get3A_394] {strides = array<i32>} : memref<16384xi32, #tpu.memory_space<vmem>>, vector<16xi32>,
    %get3A_396 = arith.constant 0 : index
    %get3A_397 = tpu.vector_load %arg7[%get3A_396] {strides = array<i32>} : memref<16384xf32, #tpu.memory_space<vmem>>, vector<16xf32>,
    %scan3A_398 = arith.constant 0 : i32
    %scan3A_399 = arith.constant 1024 : i32
    %scan3A_400 = arith.addi %scan3A_398, %scan3A_399 : i32
    %scan3A_401 = arith.constant 4 : i32
    %scan3A_402:2 = scf.for %scan3A_1085 = %scan3A_398 to %scan3A_400 step %scan3A_401 iter_args(%scan3A_1086 = %get3A_395, %scan3A_1087 = %get3A_397) -> (vector<16xi32>, vector<16xf32>)  : i32 {
      %add3A_1088 = arith.constant 1 : i32
      %add3A_1089 = arith.addi %scan3A_1085, %add3A_1088 : i32
      %min3A = arith.constant 1023 : i32
      %min3A_1090 = arith.minsi %add3A_1089, %min3A : i32
      %mul3A_1091 = arith.constant 16 : i32
      %mul3A_1092 = arith.muli %min3A_1090, %mul3A_1091 : i32
      %get3A_1093 = arith.index_cast %mul3A_1092 : i32 to index
      %get3A_1094 = tpu.vector_load %arg6[%get3A_1093] {strides = array<i32>} : memref<16384xi32, #tpu.memory_space<vmem>>, vector<16xi32>,
      %get3A_1095 = arith.index_cast %mul3A_1092 : i32 to index
      %get3A_1096 = tpu.vector_load %arg7[%get3A_1095] {strides = array<i32>} : memref<16384xf32, #tpu.memory_space<vmem>>, vector<16xf32>,
      %add3A_1097 = arith.addi %scan3A_1086, %broadcast_in_dim3A_393 : vector<16xi32>
      tpu.vector_store_idx %arg9[%add3A_1097], %scan3A_1087 {add = true} : memref<25200xf32, #tpu.memory_space<vmem>>[vector<16xi32>], vector<16xf32>,
      %scan3A_1098 = arith.constant 1 : i32
      %scan3A_1099 = arith.addi %scan3A_1085, %scan3A_1098 : i32
      %add3A_1100 = arith.constant 1 : i32
      %add3A_1101 = arith.addi %scan3A_1099, %add3A_1100 : i32
      %min3A_1102 = arith.constant 1023 : i32
      %min3A_1103 = arith.minsi %add3A_1101, %min3A_1102 : i32
      %mul3A_1104 = arith.constant 16 : i32
      %mul3A_1105 = arith.muli %min3A_1103, %mul3A_1104 : i32
      %get3A_1106 = arith.index_cast %mul3A_1105 : i32 to index
      %get3A_1107 = tpu.vector_load %arg6[%get3A_1106] {strides = array<i32>} : memref<16384xi32, #tpu.memory_space<vmem>>, vector<16xi32>,
      %get3A_1108 = arith.index_cast %mul3A_1105 : i32 to index
      %get3A_1109 = tpu.vector_load %arg7[%get3A_1108] {strides = array<i32>} : memref<16384xf32, #tpu.memory_space<vmem>>, vector<16xf32>,
      %add3A_1110 = arith.addi %get3A_1094, %broadcast_in_dim3A_393 : vector<16xi32>
      tpu.vector_store_idx %arg9[%add3A_1110], %get3A_1096 {add = true} : memref<25200xf32, #tpu.memory_space<vmem>>[vector<16xi32>], vector<16xf32>,
      %scan3A_1111 = arith.constant 2 : i32
      %scan3A_1112 = arith.addi %scan3A_1085, %scan3A_1111 : i32
      %add3A_1113 = arith.constant 1 : i32
      %add3A_1114 = arith.addi %scan3A_1112, %add3A_1113 : i32
      %min3A_1115 = arith.constant 1023 : i32
      %min3A_1116 = arith.minsi %add3A_1114, %min3A_1115 : i32
      %mul3A_1117 = arith.constant 16 : i32
      %mul3A_1118 = arith.muli %min3A_1116, %mul3A_1117 : i32
      %get3A_1119 = arith.index_cast %mul3A_1118 : i32 to index
      %get3A_1120 = tpu.vector_load %arg6[%get3A_1119] {strides = array<i32>} : memref<16384xi32, #tpu.memory_space<vmem>>, vector<16xi32>,
      %get3A_1121 = arith.index_cast %mul3A_1118 : i32 to index
      %get3A_1122 = tpu.vector_load %arg7[%get3A_1121] {strides = array<i32>} : memref<16384xf32, #tpu.memory_space<vmem>>, vector<16xf32>,
      %add3A_1123 = arith.addi %get3A_1107, %broadcast_in_dim3A_393 : vector<16xi32>
      tpu.vector_store_idx %arg9[%add3A_1123], %get3A_1109 {add = true} : memref<25200xf32, #tpu.memory_space<vmem>>[vector<16xi32>], vector<16xf32>,
      %scan3A_1124 = arith.constant 3 : i32
      %scan3A_1125 = arith.addi %scan3A_1085, %scan3A_1124 : i32
      %add3A_1126 = arith.constant 1 : i32
      %add3A_1127 = arith.addi %scan3A_1125, %add3A_1126 : i32
      %min3A_1128 = arith.constant 1023 : i32
      %min3A_1129 = arith.minsi %add3A_1127, %min3A_1128 : i32
      %mul3A_1130 = arith.constant 16 : i32
      %mul3A_1131 = arith.muli %min3A_1129, %mul3A_1130 : i32
      %get3A_1132 = arith.index_cast %mul3A_1131 : i32 to index
      %get3A_1133 = tpu.vector_load %arg6[%get3A_1132] {strides = array<i32>} : memref<16384xi32, #tpu.memory_space<vmem>>, vector<16xi32>,
      %get3A_1134 = arith.index_cast %mul3A_1131 : i32 to index
      %get3A_1135 = tpu.vector_load %arg7[%get3A_1134] {strides = array<i32>} : memref<16384xf32, #tpu.memory_space<vmem>>, vector<16xf32>,
      %add3A_1136 = arith.addi %get3A_1120, %broadcast_in_dim3A_393 : vector<16xi32>
      tpu.vector_store_idx %arg9[%add3A_1136], %get3A_1122 {add = true} : memref<25200xf32, #tpu.memory_space<vmem>>[vector<16xi32>], vector<16xf32>,
      scf.yield %get3A_1133, %get3A_1135 : vector<16xi32>, vector<16xf32>
    }
    %scan3A_403 = arith.constant 1024 : i32
    %dma_wait3A_404 = tpu.memref_slice %arg3[%add3A_389] : memref<22020096xf32, #tpu.memory_space<hbm>> -> memref<16384xf32, #tpu.memory_space<hbm>>
    %dma_wait3A_405 = tpu.memref_slice %arg3[%add3A_389] : memref<22020096xf32, #tpu.memory_space<hbm>> -> memref<16384xf32, #tpu.memory_space<hbm>>
    tpu.wait_dma2 semaphore(%arg12 : memref<!tpu.dma_semaphore, #tpu.memory_space<semaphore_mem>>) src(%dma_wait3A_405 : memref<16384xf32, #tpu.memory_space<hbm>>) dst(%arg8 : memref<16384xf32, #tpu.memory_space<vmem>>)
    %mul3A_406 = arith.constant 21 : i32
    %mul3A_407 = arith.muli %select_n3A, %mul3A_406 : i32
    %add3A_408 = arith.constant 16 : i32
    %add3A_409 = arith.addi %mul3A_407, %add3A_408 : i32
    %mul3A_410 = arith.constant 262144 : i32
    %mul3A_411 = arith.muli %add3A_409, %mul3A_410 : i32
    %add3A_412 = arith.addi %mul3A_411, %mul3A_34 : i32
    %dma_start3A_413 = tpu.memref_slice %arg3[%add3A_412] : memref<22020096xf32, #tpu.memory_space<hbm>> -> memref<16384xf32, #tpu.memory_space<hbm>>
    %dma_start3A_414 = tpu.memref_slice %arg3[%add3A_412] : memref<22020096xf32, #tpu.memory_space<hbm>> -> memref<16384xf32, #tpu.memory_space<hbm>>
    tpu.enqueue_dma source(%dma_start3A_414 : memref<16384xf32, #tpu.memory_space<hbm>>) target(%arg7 : memref<16384xf32, #tpu.memory_space<vmem>>) target_semaphore(%arg11 : memref<!tpu.dma_semaphore, #tpu.memory_space<semaphore_mem>>)
    %broadcast_in_dim3A_415 = arith.constant 18000 : i32
    %broadcast_in_dim3A_416 = vector.broadcast %broadcast_in_dim3A_415 : i32 to vector<16xi32>
    %get3A_417 = arith.constant 0 : index
    %get3A_418 = tpu.vector_load %arg6[%get3A_417] {strides = array<i32>} : memref<16384xi32, #tpu.memory_space<vmem>>, vector<16xi32>,
    %get3A_419 = arith.constant 0 : index
    %get3A_420 = tpu.vector_load %arg8[%get3A_419] {strides = array<i32>} : memref<16384xf32, #tpu.memory_space<vmem>>, vector<16xf32>,
    %scan3A_421 = arith.constant 0 : i32
    %scan3A_422 = arith.constant 1024 : i32
    %scan3A_423 = arith.addi %scan3A_421, %scan3A_422 : i32
    %scan3A_424 = arith.constant 4 : i32
    %scan3A_425:2 = scf.for %scan3A_1085 = %scan3A_421 to %scan3A_423 step %scan3A_424 iter_args(%scan3A_1086 = %get3A_418, %scan3A_1087 = %get3A_420) -> (vector<16xi32>, vector<16xf32>)  : i32 {
      %add3A_1088 = arith.constant 1 : i32
      %add3A_1089 = arith.addi %scan3A_1085, %add3A_1088 : i32
      %min3A = arith.constant 1023 : i32
      %min3A_1090 = arith.minsi %add3A_1089, %min3A : i32
      %mul3A_1091 = arith.constant 16 : i32
      %mul3A_1092 = arith.muli %min3A_1090, %mul3A_1091 : i32
      %get3A_1093 = arith.index_cast %mul3A_1092 : i32 to index
      %get3A_1094 = tpu.vector_load %arg6[%get3A_1093] {strides = array<i32>} : memref<16384xi32, #tpu.memory_space<vmem>>, vector<16xi32>,
      %get3A_1095 = arith.index_cast %mul3A_1092 : i32 to index
      %get3A_1096 = tpu.vector_load %arg8[%get3A_1095] {strides = array<i32>} : memref<16384xf32, #tpu.memory_space<vmem>>, vector<16xf32>,
      %add3A_1097 = arith.addi %scan3A_1086, %broadcast_in_dim3A_416 : vector<16xi32>
      tpu.vector_store_idx %arg9[%add3A_1097], %scan3A_1087 {add = true} : memref<25200xf32, #tpu.memory_space<vmem>>[vector<16xi32>], vector<16xf32>,
      %scan3A_1098 = arith.constant 1 : i32
      %scan3A_1099 = arith.addi %scan3A_1085, %scan3A_1098 : i32
      %add3A_1100 = arith.constant 1 : i32
      %add3A_1101 = arith.addi %scan3A_1099, %add3A_1100 : i32
      %min3A_1102 = arith.constant 1023 : i32
      %min3A_1103 = arith.minsi %add3A_1101, %min3A_1102 : i32
      %mul3A_1104 = arith.constant 16 : i32
      %mul3A_1105 = arith.muli %min3A_1103, %mul3A_1104 : i32
      %get3A_1106 = arith.index_cast %mul3A_1105 : i32 to index
      %get3A_1107 = tpu.vector_load %arg6[%get3A_1106] {strides = array<i32>} : memref<16384xi32, #tpu.memory_space<vmem>>, vector<16xi32>,
      %get3A_1108 = arith.index_cast %mul3A_1105 : i32 to index
      %get3A_1109 = tpu.vector_load %arg8[%get3A_1108] {strides = array<i32>} : memref<16384xf32, #tpu.memory_space<vmem>>, vector<16xf32>,
      %add3A_1110 = arith.addi %get3A_1094, %broadcast_in_dim3A_416 : vector<16xi32>
      tpu.vector_store_idx %arg9[%add3A_1110], %get3A_1096 {add = true} : memref<25200xf32, #tpu.memory_space<vmem>>[vector<16xi32>], vector<16xf32>,
      %scan3A_1111 = arith.constant 2 : i32
      %scan3A_1112 = arith.addi %scan3A_1085, %scan3A_1111 : i32
      %add3A_1113 = arith.constant 1 : i32
      %add3A_1114 = arith.addi %scan3A_1112, %add3A_1113 : i32
      %min3A_1115 = arith.constant 1023 : i32
      %min3A_1116 = arith.minsi %add3A_1114, %min3A_1115 : i32
      %mul3A_1117 = arith.constant 16 : i32
      %mul3A_1118 = arith.muli %min3A_1116, %mul3A_1117 : i32
      %get3A_1119 = arith.index_cast %mul3A_1118 : i32 to index
      %get3A_1120 = tpu.vector_load %arg6[%get3A_1119] {strides = array<i32>} : memref<16384xi32, #tpu.memory_space<vmem>>, vector<16xi32>,
      %get3A_1121 = arith.index_cast %mul3A_1118 : i32 to index
      %get3A_1122 = tpu.vector_load %arg8[%get3A_1121] {strides = array<i32>} : memref<16384xf32, #tpu.memory_space<vmem>>, vector<16xf32>,
      %add3A_1123 = arith.addi %get3A_1107, %broadcast_in_dim3A_416 : vector<16xi32>
      tpu.vector_store_idx %arg9[%add3A_1123], %get3A_1109 {add = true} : memref<25200xf32, #tpu.memory_space<vmem>>[vector<16xi32>], vector<16xf32>,
      %scan3A_1124 = arith.constant 3 : i32
      %scan3A_1125 = arith.addi %scan3A_1085, %scan3A_1124 : i32
      %add3A_1126 = arith.constant 1 : i32
      %add3A_1127 = arith.addi %scan3A_1125, %add3A_1126 : i32
      %min3A_1128 = arith.constant 1023 : i32
      %min3A_1129 = arith.minsi %add3A_1127, %min3A_1128 : i32
      %mul3A_1130 = arith.constant 16 : i32
      %mul3A_1131 = arith.muli %min3A_1129, %mul3A_1130 : i32
      %get3A_1132 = arith.index_cast %mul3A_1131 : i32 to index
      %get3A_1133 = tpu.vector_load %arg6[%get3A_1132] {strides = array<i32>} : memref<16384xi32, #tpu.memory_space<vmem>>, vector<16xi32>,
      %get3A_1134 = arith.index_cast %mul3A_1131 : i32 to index
      %get3A_1135 = tpu.vector_load %arg8[%get3A_1134] {strides = array<i32>} : memref<16384xf32, #tpu.memory_space<vmem>>, vector<16xf32>,
      %add3A_1136 = arith.addi %get3A_1120, %broadcast_in_dim3A_416 : vector<16xi32>
      tpu.vector_store_idx %arg9[%add3A_1136], %get3A_1122 {add = true} : memref<25200xf32, #tpu.memory_space<vmem>>[vector<16xi32>], vector<16xf32>,
      scf.yield %get3A_1133, %get3A_1135 : vector<16xi32>, vector<16xf32>
    }
    %scan3A_426 = arith.constant 1024 : i32
    %dma_wait3A_427 = tpu.memref_slice %arg3[%add3A_412] : memref<22020096xf32, #tpu.memory_space<hbm>> -> memref<16384xf32, #tpu.memory_space<hbm>>
    %dma_wait3A_428 = tpu.memref_slice %arg3[%add3A_412] : memref<22020096xf32, #tpu.memory_space<hbm>> -> memref<16384xf32, #tpu.memory_space<hbm>>
    tpu.wait_dma2 semaphore(%arg11 : memref<!tpu.dma_semaphore, #tpu.memory_space<semaphore_mem>>) src(%dma_wait3A_428 : memref<16384xf32, #tpu.memory_space<hbm>>) dst(%arg7 : memref<16384xf32, #tpu.memory_space<vmem>>)
    %mul3A_429 = arith.constant 21 : i32
    %mul3A_430 = arith.muli %select_n3A, %mul3A_429 : i32
    %add3A_431 = arith.constant 17 : i32
    %add3A_432 = arith.addi %mul3A_430, %add3A_431 : i32
    %mul3A_433 = arith.constant 262144 : i32
    %mul3A_434 = arith.muli %add3A_432, %mul3A_433 : i32
    %add3A_435 = arith.addi %mul3A_434, %mul3A_34 : i32
    %dma_start3A_436 = tpu.memref_slice %arg3[%add3A_435] : memref<22020096xf32, #tpu.memory_space<hbm>> -> memref<16384xf32, #tpu.memory_space<hbm>>
    %dma_start3A_437 = tpu.memref_slice %arg3[%add3A_435] : memref<22020096xf32, #tpu.memory_space<hbm>> -> memref<16384xf32, #tpu.memory_space<hbm>>
    tpu.enqueue_dma source(%dma_start3A_437 : memref<16384xf32, #tpu.memory_space<hbm>>) target(%arg8 : memref<16384xf32, #tpu.memory_space<vmem>>) target_semaphore(%arg12 : memref<!tpu.dma_semaphore, #tpu.memory_space<semaphore_mem>>)
    %broadcast_in_dim3A_438 = arith.constant 19200 : i32
    %broadcast_in_dim3A_439 = vector.broadcast %broadcast_in_dim3A_438 : i32 to vector<16xi32>
    %get3A_440 = arith.constant 0 : index
    %get3A_441 = tpu.vector_load %arg6[%get3A_440] {strides = array<i32>} : memref<16384xi32, #tpu.memory_space<vmem>>, vector<16xi32>,
    %get3A_442 = arith.constant 0 : index
    %get3A_443 = tpu.vector_load %arg7[%get3A_442] {strides = array<i32>} : memref<16384xf32, #tpu.memory_space<vmem>>, vector<16xf32>,
    %scan3A_444 = arith.constant 0 : i32
    %scan3A_445 = arith.constant 1024 : i32
    %scan3A_446 = arith.addi %scan3A_444, %scan3A_445 : i32
    %scan3A_447 = arith.constant 4 : i32
    %scan3A_448:2 = scf.for %scan3A_1085 = %scan3A_444 to %scan3A_446 step %scan3A_447 iter_args(%scan3A_1086 = %get3A_441, %scan3A_1087 = %get3A_443) -> (vector<16xi32>, vector<16xf32>)  : i32 {
      %add3A_1088 = arith.constant 1 : i32
      %add3A_1089 = arith.addi %scan3A_1085, %add3A_1088 : i32
      %min3A = arith.constant 1023 : i32
      %min3A_1090 = arith.minsi %add3A_1089, %min3A : i32
      %mul3A_1091 = arith.constant 16 : i32
      %mul3A_1092 = arith.muli %min3A_1090, %mul3A_1091 : i32
      %get3A_1093 = arith.index_cast %mul3A_1092 : i32 to index
      %get3A_1094 = tpu.vector_load %arg6[%get3A_1093] {strides = array<i32>} : memref<16384xi32, #tpu.memory_space<vmem>>, vector<16xi32>,
      %get3A_1095 = arith.index_cast %mul3A_1092 : i32 to index
      %get3A_1096 = tpu.vector_load %arg7[%get3A_1095] {strides = array<i32>} : memref<16384xf32, #tpu.memory_space<vmem>>, vector<16xf32>,
      %add3A_1097 = arith.addi %scan3A_1086, %broadcast_in_dim3A_439 : vector<16xi32>
      tpu.vector_store_idx %arg9[%add3A_1097], %scan3A_1087 {add = true} : memref<25200xf32, #tpu.memory_space<vmem>>[vector<16xi32>], vector<16xf32>,
      %scan3A_1098 = arith.constant 1 : i32
      %scan3A_1099 = arith.addi %scan3A_1085, %scan3A_1098 : i32
      %add3A_1100 = arith.constant 1 : i32
      %add3A_1101 = arith.addi %scan3A_1099, %add3A_1100 : i32
      %min3A_1102 = arith.constant 1023 : i32
      %min3A_1103 = arith.minsi %add3A_1101, %min3A_1102 : i32
      %mul3A_1104 = arith.constant 16 : i32
      %mul3A_1105 = arith.muli %min3A_1103, %mul3A_1104 : i32
      %get3A_1106 = arith.index_cast %mul3A_1105 : i32 to index
      %get3A_1107 = tpu.vector_load %arg6[%get3A_1106] {strides = array<i32>} : memref<16384xi32, #tpu.memory_space<vmem>>, vector<16xi32>,
      %get3A_1108 = arith.index_cast %mul3A_1105 : i32 to index
      %get3A_1109 = tpu.vector_load %arg7[%get3A_1108] {strides = array<i32>} : memref<16384xf32, #tpu.memory_space<vmem>>, vector<16xf32>,
      %add3A_1110 = arith.addi %get3A_1094, %broadcast_in_dim3A_439 : vector<16xi32>
      tpu.vector_store_idx %arg9[%add3A_1110], %get3A_1096 {add = true} : memref<25200xf32, #tpu.memory_space<vmem>>[vector<16xi32>], vector<16xf32>,
      %scan3A_1111 = arith.constant 2 : i32
      %scan3A_1112 = arith.addi %scan3A_1085, %scan3A_1111 : i32
      %add3A_1113 = arith.constant 1 : i32
      %add3A_1114 = arith.addi %scan3A_1112, %add3A_1113 : i32
      %min3A_1115 = arith.constant 1023 : i32
      %min3A_1116 = arith.minsi %add3A_1114, %min3A_1115 : i32
      %mul3A_1117 = arith.constant 16 : i32
      %mul3A_1118 = arith.muli %min3A_1116, %mul3A_1117 : i32
      %get3A_1119 = arith.index_cast %mul3A_1118 : i32 to index
      %get3A_1120 = tpu.vector_load %arg6[%get3A_1119] {strides = array<i32>} : memref<16384xi32, #tpu.memory_space<vmem>>, vector<16xi32>,
      %get3A_1121 = arith.index_cast %mul3A_1118 : i32 to index
      %get3A_1122 = tpu.vector_load %arg7[%get3A_1121] {strides = array<i32>} : memref<16384xf32, #tpu.memory_space<vmem>>, vector<16xf32>,
      %add3A_1123 = arith.addi %get3A_1107, %broadcast_in_dim3A_439 : vector<16xi32>
      tpu.vector_store_idx %arg9[%add3A_1123], %get3A_1109 {add = true} : memref<25200xf32, #tpu.memory_space<vmem>>[vector<16xi32>], vector<16xf32>,
      %scan3A_1124 = arith.constant 3 : i32
      %scan3A_1125 = arith.addi %scan3A_1085, %scan3A_1124 : i32
      %add3A_1126 = arith.constant 1 : i32
      %add3A_1127 = arith.addi %scan3A_1125, %add3A_1126 : i32
      %min3A_1128 = arith.constant 1023 : i32
      %min3A_1129 = arith.minsi %add3A_1127, %min3A_1128 : i32
      %mul3A_1130 = arith.constant 16 : i32
      %mul3A_1131 = arith.muli %min3A_1129, %mul3A_1130 : i32
      %get3A_1132 = arith.index_cast %mul3A_1131 : i32 to index
      %get3A_1133 = tpu.vector_load %arg6[%get3A_1132] {strides = array<i32>} : memref<16384xi32, #tpu.memory_space<vmem>>, vector<16xi32>,
      %get3A_1134 = arith.index_cast %mul3A_1131 : i32 to index
      %get3A_1135 = tpu.vector_load %arg7[%get3A_1134] {strides = array<i32>} : memref<16384xf32, #tpu.memory_space<vmem>>, vector<16xf32>,
      %add3A_1136 = arith.addi %get3A_1120, %broadcast_in_dim3A_439 : vector<16xi32>
      tpu.vector_store_idx %arg9[%add3A_1136], %get3A_1122 {add = true} : memref<25200xf32, #tpu.memory_space<vmem>>[vector<16xi32>], vector<16xf32>,
      scf.yield %get3A_1133, %get3A_1135 : vector<16xi32>, vector<16xf32>
    }
    %scan3A_449 = arith.constant 1024 : i32
    %dma_wait3A_450 = tpu.memref_slice %arg3[%add3A_435] : memref<22020096xf32, #tpu.memory_space<hbm>> -> memref<16384xf32, #tpu.memory_space<hbm>>
    %dma_wait3A_451 = tpu.memref_slice %arg3[%add3A_435] : memref<22020096xf32, #tpu.memory_space<hbm>> -> memref<16384xf32, #tpu.memory_space<hbm>>
    tpu.wait_dma2 semaphore(%arg12 : memref<!tpu.dma_semaphore, #tpu.memory_space<semaphore_mem>>) src(%dma_wait3A_451 : memref<16384xf32, #tpu.memory_space<hbm>>) dst(%arg8 : memref<16384xf32, #tpu.memory_space<vmem>>)
    %mul3A_452 = arith.constant 21 : i32
    %mul3A_453 = arith.muli %select_n3A, %mul3A_452 : i32
    %add3A_454 = arith.constant 18 : i32
    %add3A_455 = arith.addi %mul3A_453, %add3A_454 : i32
    %mul3A_456 = arith.constant 262144 : i32
    %mul3A_457 = arith.muli %add3A_455, %mul3A_456 : i32
    %add3A_458 = arith.addi %mul3A_457, %mul3A_34 : i32
    %dma_start3A_459 = tpu.memref_slice %arg3[%add3A_458] : memref<22020096xf32, #tpu.memory_space<hbm>> -> memref<16384xf32, #tpu.memory_space<hbm>>
    %dma_start3A_460 = tpu.memref_slice %arg3[%add3A_458] : memref<22020096xf32, #tpu.memory_space<hbm>> -> memref<16384xf32, #tpu.memory_space<hbm>>
    tpu.enqueue_dma source(%dma_start3A_460 : memref<16384xf32, #tpu.memory_space<hbm>>) target(%arg7 : memref<16384xf32, #tpu.memory_space<vmem>>) target_semaphore(%arg11 : memref<!tpu.dma_semaphore, #tpu.memory_space<semaphore_mem>>)
    %broadcast_in_dim3A_461 = arith.constant 20400 : i32
    %broadcast_in_dim3A_462 = vector.broadcast %broadcast_in_dim3A_461 : i32 to vector<16xi32>
    %get3A_463 = arith.constant 0 : index
    %get3A_464 = tpu.vector_load %arg6[%get3A_463] {strides = array<i32>} : memref<16384xi32, #tpu.memory_space<vmem>>, vector<16xi32>,
    %get3A_465 = arith.constant 0 : index
    %get3A_466 = tpu.vector_load %arg8[%get3A_465] {strides = array<i32>} : memref<16384xf32, #tpu.memory_space<vmem>>, vector<16xf32>,
    %scan3A_467 = arith.constant 0 : i32
    %scan3A_468 = arith.constant 1024 : i32
    %scan3A_469 = arith.addi %scan3A_467, %scan3A_468 : i32
    %scan3A_470 = arith.constant 4 : i32
    %scan3A_471:2 = scf.for %scan3A_1085 = %scan3A_467 to %scan3A_469 step %scan3A_470 iter_args(%scan3A_1086 = %get3A_464, %scan3A_1087 = %get3A_466) -> (vector<16xi32>, vector<16xf32>)  : i32 {
      %add3A_1088 = arith.constant 1 : i32
      %add3A_1089 = arith.addi %scan3A_1085, %add3A_1088 : i32
      %min3A = arith.constant 1023 : i32
      %min3A_1090 = arith.minsi %add3A_1089, %min3A : i32
      %mul3A_1091 = arith.constant 16 : i32
      %mul3A_1092 = arith.muli %min3A_1090, %mul3A_1091 : i32
      %get3A_1093 = arith.index_cast %mul3A_1092 : i32 to index
      %get3A_1094 = tpu.vector_load %arg6[%get3A_1093] {strides = array<i32>} : memref<16384xi32, #tpu.memory_space<vmem>>, vector<16xi32>,
      %get3A_1095 = arith.index_cast %mul3A_1092 : i32 to index
      %get3A_1096 = tpu.vector_load %arg8[%get3A_1095] {strides = array<i32>} : memref<16384xf32, #tpu.memory_space<vmem>>, vector<16xf32>,
      %add3A_1097 = arith.addi %scan3A_1086, %broadcast_in_dim3A_462 : vector<16xi32>
      tpu.vector_store_idx %arg9[%add3A_1097], %scan3A_1087 {add = true} : memref<25200xf32, #tpu.memory_space<vmem>>[vector<16xi32>], vector<16xf32>,
      %scan3A_1098 = arith.constant 1 : i32
      %scan3A_1099 = arith.addi %scan3A_1085, %scan3A_1098 : i32
      %add3A_1100 = arith.constant 1 : i32
      %add3A_1101 = arith.addi %scan3A_1099, %add3A_1100 : i32
      %min3A_1102 = arith.constant 1023 : i32
      %min3A_1103 = arith.minsi %add3A_1101, %min3A_1102 : i32
      %mul3A_1104 = arith.constant 16 : i32
      %mul3A_1105 = arith.muli %min3A_1103, %mul3A_1104 : i32
      %get3A_1106 = arith.index_cast %mul3A_1105 : i32 to index
      %get3A_1107 = tpu.vector_load %arg6[%get3A_1106] {strides = array<i32>} : memref<16384xi32, #tpu.memory_space<vmem>>, vector<16xi32>,
      %get3A_1108 = arith.index_cast %mul3A_1105 : i32 to index
      %get3A_1109 = tpu.vector_load %arg8[%get3A_1108] {strides = array<i32>} : memref<16384xf32, #tpu.memory_space<vmem>>, vector<16xf32>,
      %add3A_1110 = arith.addi %get3A_1094, %broadcast_in_dim3A_462 : vector<16xi32>
      tpu.vector_store_idx %arg9[%add3A_1110], %get3A_1096 {add = true} : memref<25200xf32, #tpu.memory_space<vmem>>[vector<16xi32>], vector<16xf32>,
      %scan3A_1111 = arith.constant 2 : i32
      %scan3A_1112 = arith.addi %scan3A_1085, %scan3A_1111 : i32
      %add3A_1113 = arith.constant 1 : i32
      %add3A_1114 = arith.addi %scan3A_1112, %add3A_1113 : i32
      %min3A_1115 = arith.constant 1023 : i32
      %min3A_1116 = arith.minsi %add3A_1114, %min3A_1115 : i32
      %mul3A_1117 = arith.constant 16 : i32
      %mul3A_1118 = arith.muli %min3A_1116, %mul3A_1117 : i32
      %get3A_1119 = arith.index_cast %mul3A_1118 : i32 to index
      %get3A_1120 = tpu.vector_load %arg6[%get3A_1119] {strides = array<i32>} : memref<16384xi32, #tpu.memory_space<vmem>>, vector<16xi32>,
      %get3A_1121 = arith.index_cast %mul3A_1118 : i32 to index
      %get3A_1122 = tpu.vector_load %arg8[%get3A_1121] {strides = array<i32>} : memref<16384xf32, #tpu.memory_space<vmem>>, vector<16xf32>,
      %add3A_1123 = arith.addi %get3A_1107, %broadcast_in_dim3A_462 : vector<16xi32>
      tpu.vector_store_idx %arg9[%add3A_1123], %get3A_1109 {add = true} : memref<25200xf32, #tpu.memory_space<vmem>>[vector<16xi32>], vector<16xf32>,
      %scan3A_1124 = arith.constant 3 : i32
      %scan3A_1125 = arith.addi %scan3A_1085, %scan3A_1124 : i32
      %add3A_1126 = arith.constant 1 : i32
      %add3A_1127 = arith.addi %scan3A_1125, %add3A_1126 : i32
      %min3A_1128 = arith.constant 1023 : i32
      %min3A_1129 = arith.minsi %add3A_1127, %min3A_1128 : i32
      %mul3A_1130 = arith.constant 16 : i32
      %mul3A_1131 = arith.muli %min3A_1129, %mul3A_1130 : i32
      %get3A_1132 = arith.index_cast %mul3A_1131 : i32 to index
      %get3A_1133 = tpu.vector_load %arg6[%get3A_1132] {strides = array<i32>} : memref<16384xi32, #tpu.memory_space<vmem>>, vector<16xi32>,
      %get3A_1134 = arith.index_cast %mul3A_1131 : i32 to index
      %get3A_1135 = tpu.vector_load %arg8[%get3A_1134] {strides = array<i32>} : memref<16384xf32, #tpu.memory_space<vmem>>, vector<16xf32>,
      %add3A_1136 = arith.addi %get3A_1120, %broadcast_in_dim3A_462 : vector<16xi32>
      tpu.vector_store_idx %arg9[%add3A_1136], %get3A_1122 {add = true} : memref<25200xf32, #tpu.memory_space<vmem>>[vector<16xi32>], vector<16xf32>,
      scf.yield %get3A_1133, %get3A_1135 : vector<16xi32>, vector<16xf32>
    }
    %scan3A_472 = arith.constant 1024 : i32
    %dma_wait3A_473 = tpu.memref_slice %arg3[%add3A_458] : memref<22020096xf32, #tpu.memory_space<hbm>> -> memref<16384xf32, #tpu.memory_space<hbm>>
    %dma_wait3A_474 = tpu.memref_slice %arg3[%add3A_458] : memref<22020096xf32, #tpu.memory_space<hbm>> -> memref<16384xf32, #tpu.memory_space<hbm>>
    tpu.wait_dma2 semaphore(%arg11 : memref<!tpu.dma_semaphore, #tpu.memory_space<semaphore_mem>>) src(%dma_wait3A_474 : memref<16384xf32, #tpu.memory_space<hbm>>) dst(%arg7 : memref<16384xf32, #tpu.memory_space<vmem>>)
    %mul3A_475 = arith.constant 21 : i32
    %mul3A_476 = arith.muli %select_n3A, %mul3A_475 : i32
    %add3A_477 = arith.constant 19 : i32
    %add3A_478 = arith.addi %mul3A_476, %add3A_477 : i32
    %mul3A_479 = arith.constant 262144 : i32
    %mul3A_480 = arith.muli %add3A_478, %mul3A_479 : i32
    %add3A_481 = arith.addi %mul3A_480, %mul3A_34 : i32
    %dma_start3A_482 = tpu.memref_slice %arg3[%add3A_481] : memref<22020096xf32, #tpu.memory_space<hbm>> -> memref<16384xf32, #tpu.memory_space<hbm>>
    %dma_start3A_483 = tpu.memref_slice %arg3[%add3A_481] : memref<22020096xf32, #tpu.memory_space<hbm>> -> memref<16384xf32, #tpu.memory_space<hbm>>
    tpu.enqueue_dma source(%dma_start3A_483 : memref<16384xf32, #tpu.memory_space<hbm>>) target(%arg8 : memref<16384xf32, #tpu.memory_space<vmem>>) target_semaphore(%arg12 : memref<!tpu.dma_semaphore, #tpu.memory_space<semaphore_mem>>)
    %broadcast_in_dim3A_484 = arith.constant 21600 : i32
    %broadcast_in_dim3A_485 = vector.broadcast %broadcast_in_dim3A_484 : i32 to vector<16xi32>
    %get3A_486 = arith.constant 0 : index
    %get3A_487 = tpu.vector_load %arg6[%get3A_486] {strides = array<i32>} : memref<16384xi32, #tpu.memory_space<vmem>>, vector<16xi32>,
    %get3A_488 = arith.constant 0 : index
    %get3A_489 = tpu.vector_load %arg7[%get3A_488] {strides = array<i32>} : memref<16384xf32, #tpu.memory_space<vmem>>, vector<16xf32>,
    %scan3A_490 = arith.constant 0 : i32
    %scan3A_491 = arith.constant 1024 : i32
    %scan3A_492 = arith.addi %scan3A_490, %scan3A_491 : i32
    %scan3A_493 = arith.constant 4 : i32
    %scan3A_494:2 = scf.for %scan3A_1085 = %scan3A_490 to %scan3A_492 step %scan3A_493 iter_args(%scan3A_1086 = %get3A_487, %scan3A_1087 = %get3A_489) -> (vector<16xi32>, vector<16xf32>)  : i32 {
      %add3A_1088 = arith.constant 1 : i32
      %add3A_1089 = arith.addi %scan3A_1085, %add3A_1088 : i32
      %min3A = arith.constant 1023 : i32
      %min3A_1090 = arith.minsi %add3A_1089, %min3A : i32
      %mul3A_1091 = arith.constant 16 : i32
      %mul3A_1092 = arith.muli %min3A_1090, %mul3A_1091 : i32
      %get3A_1093 = arith.index_cast %mul3A_1092 : i32 to index
      %get3A_1094 = tpu.vector_load %arg6[%get3A_1093] {strides = array<i32>} : memref<16384xi32, #tpu.memory_space<vmem>>, vector<16xi32>,
      %get3A_1095 = arith.index_cast %mul3A_1092 : i32 to index
      %get3A_1096 = tpu.vector_load %arg7[%get3A_1095] {strides = array<i32>} : memref<16384xf32, #tpu.memory_space<vmem>>, vector<16xf32>,
      %add3A_1097 = arith.addi %scan3A_1086, %broadcast_in_dim3A_485 : vector<16xi32>
      tpu.vector_store_idx %arg9[%add3A_1097], %scan3A_1087 {add = true} : memref<25200xf32, #tpu.memory_space<vmem>>[vector<16xi32>], vector<16xf32>,
      %scan3A_1098 = arith.constant 1 : i32
      %scan3A_1099 = arith.addi %scan3A_1085, %scan3A_1098 : i32
      %add3A_1100 = arith.constant 1 : i32
      %add3A_1101 = arith.addi %scan3A_1099, %add3A_1100 : i32
      %min3A_1102 = arith.constant 1023 : i32
      %min3A_1103 = arith.minsi %add3A_1101, %min3A_1102 : i32
      %mul3A_1104 = arith.constant 16 : i32
      %mul3A_1105 = arith.muli %min3A_1103, %mul3A_1104 : i32
      %get3A_1106 = arith.index_cast %mul3A_1105 : i32 to index
      %get3A_1107 = tpu.vector_load %arg6[%get3A_1106] {strides = array<i32>} : memref<16384xi32, #tpu.memory_space<vmem>>, vector<16xi32>,
      %get3A_1108 = arith.index_cast %mul3A_1105 : i32 to index
      %get3A_1109 = tpu.vector_load %arg7[%get3A_1108] {strides = array<i32>} : memref<16384xf32, #tpu.memory_space<vmem>>, vector<16xf32>,
      %add3A_1110 = arith.addi %get3A_1094, %broadcast_in_dim3A_485 : vector<16xi32>
      tpu.vector_store_idx %arg9[%add3A_1110], %get3A_1096 {add = true} : memref<25200xf32, #tpu.memory_space<vmem>>[vector<16xi32>], vector<16xf32>,
      %scan3A_1111 = arith.constant 2 : i32
      %scan3A_1112 = arith.addi %scan3A_1085, %scan3A_1111 : i32
      %add3A_1113 = arith.constant 1 : i32
      %add3A_1114 = arith.addi %scan3A_1112, %add3A_1113 : i32
      %min3A_1115 = arith.constant 1023 : i32
      %min3A_1116 = arith.minsi %add3A_1114, %min3A_1115 : i32
      %mul3A_1117 = arith.constant 16 : i32
      %mul3A_1118 = arith.muli %min3A_1116, %mul3A_1117 : i32
      %get3A_1119 = arith.index_cast %mul3A_1118 : i32 to index
      %get3A_1120 = tpu.vector_load %arg6[%get3A_1119] {strides = array<i32>} : memref<16384xi32, #tpu.memory_space<vmem>>, vector<16xi32>,
      %get3A_1121 = arith.index_cast %mul3A_1118 : i32 to index
      %get3A_1122 = tpu.vector_load %arg7[%get3A_1121] {strides = array<i32>} : memref<16384xf32, #tpu.memory_space<vmem>>, vector<16xf32>,
      %add3A_1123 = arith.addi %get3A_1107, %broadcast_in_dim3A_485 : vector<16xi32>
      tpu.vector_store_idx %arg9[%add3A_1123], %get3A_1109 {add = true} : memref<25200xf32, #tpu.memory_space<vmem>>[vector<16xi32>], vector<16xf32>,
      %scan3A_1124 = arith.constant 3 : i32
      %scan3A_1125 = arith.addi %scan3A_1085, %scan3A_1124 : i32
      %add3A_1126 = arith.constant 1 : i32
      %add3A_1127 = arith.addi %scan3A_1125, %add3A_1126 : i32
      %min3A_1128 = arith.constant 1023 : i32
      %min3A_1129 = arith.minsi %add3A_1127, %min3A_1128 : i32
      %mul3A_1130 = arith.constant 16 : i32
      %mul3A_1131 = arith.muli %min3A_1129, %mul3A_1130 : i32
      %get3A_1132 = arith.index_cast %mul3A_1131 : i32 to index
      %get3A_1133 = tpu.vector_load %arg6[%get3A_1132] {strides = array<i32>} : memref<16384xi32, #tpu.memory_space<vmem>>, vector<16xi32>,
      %get3A_1134 = arith.index_cast %mul3A_1131 : i32 to index
      %get3A_1135 = tpu.vector_load %arg7[%get3A_1134] {strides = array<i32>} : memref<16384xf32, #tpu.memory_space<vmem>>, vector<16xf32>,
      %add3A_1136 = arith.addi %get3A_1120, %broadcast_in_dim3A_485 : vector<16xi32>
      tpu.vector_store_idx %arg9[%add3A_1136], %get3A_1122 {add = true} : memref<25200xf32, #tpu.memory_space<vmem>>[vector<16xi32>], vector<16xf32>,
      scf.yield %get3A_1133, %get3A_1135 : vector<16xi32>, vector<16xf32>
    }
    %scan3A_495 = arith.constant 1024 : i32
    %dma_wait3A_496 = tpu.memref_slice %arg3[%add3A_481] : memref<22020096xf32, #tpu.memory_space<hbm>> -> memref<16384xf32, #tpu.memory_space<hbm>>
    %dma_wait3A_497 = tpu.memref_slice %arg3[%add3A_481] : memref<22020096xf32, #tpu.memory_space<hbm>> -> memref<16384xf32, #tpu.memory_space<hbm>>
    tpu.wait_dma2 semaphore(%arg12 : memref<!tpu.dma_semaphore, #tpu.memory_space<semaphore_mem>>) src(%dma_wait3A_497 : memref<16384xf32, #tpu.memory_space<hbm>>) dst(%arg8 : memref<16384xf32, #tpu.memory_space<vmem>>)
    %mul3A_498 = arith.constant 21 : i32
    %mul3A_499 = arith.muli %select_n3A, %mul3A_498 : i32
    %add3A_500 = arith.constant 20 : i32
    %add3A_501 = arith.addi %mul3A_499, %add3A_500 : i32
    %mul3A_502 = arith.constant 262144 : i32
    %mul3A_503 = arith.muli %add3A_501, %mul3A_502 : i32
    %add3A_504 = arith.addi %mul3A_503, %mul3A_34 : i32
    %dma_start3A_505 = tpu.memref_slice %arg3[%add3A_504] : memref<22020096xf32, #tpu.memory_space<hbm>> -> memref<16384xf32, #tpu.memory_space<hbm>>
    %dma_start3A_506 = tpu.memref_slice %arg3[%add3A_504] : memref<22020096xf32, #tpu.memory_space<hbm>> -> memref<16384xf32, #tpu.memory_space<hbm>>
    tpu.enqueue_dma source(%dma_start3A_506 : memref<16384xf32, #tpu.memory_space<hbm>>) target(%arg7 : memref<16384xf32, #tpu.memory_space<vmem>>) target_semaphore(%arg11 : memref<!tpu.dma_semaphore, #tpu.memory_space<semaphore_mem>>)
    %broadcast_in_dim3A_507 = arith.constant 22800 : i32
    %broadcast_in_dim3A_508 = vector.broadcast %broadcast_in_dim3A_507 : i32 to vector<16xi32>
    %get3A_509 = arith.constant 0 : index
    %get3A_510 = tpu.vector_load %arg6[%get3A_509] {strides = array<i32>} : memref<16384xi32, #tpu.memory_space<vmem>>, vector<16xi32>,
    %get3A_511 = arith.constant 0 : index
    %get3A_512 = tpu.vector_load %arg8[%get3A_511] {strides = array<i32>} : memref<16384xf32, #tpu.memory_space<vmem>>, vector<16xf32>,
    %scan3A_513 = arith.constant 0 : i32
    %scan3A_514 = arith.constant 1024 : i32
    %scan3A_515 = arith.addi %scan3A_513, %scan3A_514 : i32
    %scan3A_516 = arith.constant 4 : i32
    %scan3A_517:2 = scf.for %scan3A_1085 = %scan3A_513 to %scan3A_515 step %scan3A_516 iter_args(%scan3A_1086 = %get3A_510, %scan3A_1087 = %get3A_512) -> (vector<16xi32>, vector<16xf32>)  : i32 {
      %add3A_1088 = arith.constant 1 : i32
      %add3A_1089 = arith.addi %scan3A_1085, %add3A_1088 : i32
      %min3A = arith.constant 1023 : i32
      %min3A_1090 = arith.minsi %add3A_1089, %min3A : i32
      %mul3A_1091 = arith.constant 16 : i32
      %mul3A_1092 = arith.muli %min3A_1090, %mul3A_1091 : i32
      %get3A_1093 = arith.index_cast %mul3A_1092 : i32 to index
      %get3A_1094 = tpu.vector_load %arg6[%get3A_1093] {strides = array<i32>} : memref<16384xi32, #tpu.memory_space<vmem>>, vector<16xi32>,
      %get3A_1095 = arith.index_cast %mul3A_1092 : i32 to index
      %get3A_1096 = tpu.vector_load %arg8[%get3A_1095] {strides = array<i32>} : memref<16384xf32, #tpu.memory_space<vmem>>, vector<16xf32>,
      %add3A_1097 = arith.addi %scan3A_1086, %broadcast_in_dim3A_508 : vector<16xi32>
      tpu.vector_store_idx %arg9[%add3A_1097], %scan3A_1087 {add = true} : memref<25200xf32, #tpu.memory_space<vmem>>[vector<16xi32>], vector<16xf32>,
      %scan3A_1098 = arith.constant 1 : i32
      %scan3A_1099 = arith.addi %scan3A_1085, %scan3A_1098 : i32
      %add3A_1100 = arith.constant 1 : i32
      %add3A_1101 = arith.addi %scan3A_1099, %add3A_1100 : i32
      %min3A_1102 = arith.constant 1023 : i32
      %min3A_1103 = arith.minsi %add3A_1101, %min3A_1102 : i32
      %mul3A_1104 = arith.constant 16 : i32
      %mul3A_1105 = arith.muli %min3A_1103, %mul3A_1104 : i32
      %get3A_1106 = arith.index_cast %mul3A_1105 : i32 to index
      %get3A_1107 = tpu.vector_load %arg6[%get3A_1106] {strides = array<i32>} : memref<16384xi32, #tpu.memory_space<vmem>>, vector<16xi32>,
      %get3A_1108 = arith.index_cast %mul3A_1105 : i32 to index
      %get3A_1109 = tpu.vector_load %arg8[%get3A_1108] {strides = array<i32>} : memref<16384xf32, #tpu.memory_space<vmem>>, vector<16xf32>,
      %add3A_1110 = arith.addi %get3A_1094, %broadcast_in_dim3A_508 : vector<16xi32>
      tpu.vector_store_idx %arg9[%add3A_1110], %get3A_1096 {add = true} : memref<25200xf32, #tpu.memory_space<vmem>>[vector<16xi32>], vector<16xf32>,
      %scan3A_1111 = arith.constant 2 : i32
      %scan3A_1112 = arith.addi %scan3A_1085, %scan3A_1111 : i32
      %add3A_1113 = arith.constant 1 : i32
      %add3A_1114 = arith.addi %scan3A_1112, %add3A_1113 : i32
      %min3A_1115 = arith.constant 1023 : i32
      %min3A_1116 = arith.minsi %add3A_1114, %min3A_1115 : i32
      %mul3A_1117 = arith.constant 16 : i32
      %mul3A_1118 = arith.muli %min3A_1116, %mul3A_1117 : i32
      %get3A_1119 = arith.index_cast %mul3A_1118 : i32 to index
      %get3A_1120 = tpu.vector_load %arg6[%get3A_1119] {strides = array<i32>} : memref<16384xi32, #tpu.memory_space<vmem>>, vector<16xi32>,
      %get3A_1121 = arith.index_cast %mul3A_1118 : i32 to index
      %get3A_1122 = tpu.vector_load %arg8[%get3A_1121] {strides = array<i32>} : memref<16384xf32, #tpu.memory_space<vmem>>, vector<16xf32>,
      %add3A_1123 = arith.addi %get3A_1107, %broadcast_in_dim3A_508 : vector<16xi32>
      tpu.vector_store_idx %arg9[%add3A_1123], %get3A_1109 {add = true} : memref<25200xf32, #tpu.memory_space<vmem>>[vector<16xi32>], vector<16xf32>,
      %scan3A_1124 = arith.constant 3 : i32
      %scan3A_1125 = arith.addi %scan3A_1085, %scan3A_1124 : i32
      %add3A_1126 = arith.constant 1 : i32
      %add3A_1127 = arith.addi %scan3A_1125, %add3A_1126 : i32
      %min3A_1128 = arith.constant 1023 : i32
      %min3A_1129 = arith.minsi %add3A_1127, %min3A_1128 : i32
      %mul3A_1130 = arith.constant 16 : i32
      %mul3A_1131 = arith.muli %min3A_1129, %mul3A_1130 : i32
      %get3A_1132 = arith.index_cast %mul3A_1131 : i32 to index
      %get3A_1133 = tpu.vector_load %arg6[%get3A_1132] {strides = array<i32>} : memref<16384xi32, #tpu.memory_space<vmem>>, vector<16xi32>,
      %get3A_1134 = arith.index_cast %mul3A_1131 : i32 to index
      %get3A_1135 = tpu.vector_load %arg8[%get3A_1134] {strides = array<i32>} : memref<16384xf32, #tpu.memory_space<vmem>>, vector<16xf32>,
      %add3A_1136 = arith.addi %get3A_1120, %broadcast_in_dim3A_508 : vector<16xi32>
      tpu.vector_store_idx %arg9[%add3A_1136], %get3A_1122 {add = true} : memref<25200xf32, #tpu.memory_space<vmem>>[vector<16xi32>], vector<16xf32>,
      scf.yield %get3A_1133, %get3A_1135 : vector<16xi32>, vector<16xf32>
    }
    %scan3A_518 = arith.constant 1024 : i32
    %dma_wait3A_519 = tpu.memref_slice %arg3[%add3A_504] : memref<22020096xf32, #tpu.memory_space<hbm>> -> memref<16384xf32, #tpu.memory_space<hbm>>
    %dma_wait3A_520 = tpu.memref_slice %arg3[%add3A_504] : memref<22020096xf32, #tpu.memory_space<hbm>> -> memref<16384xf32, #tpu.memory_space<hbm>>
    tpu.wait_dma2 semaphore(%arg11 : memref<!tpu.dma_semaphore, #tpu.memory_space<semaphore_mem>>) src(%dma_wait3A_520 : memref<16384xf32, #tpu.memory_space<hbm>>) dst(%arg7 : memref<16384xf32, #tpu.memory_space<vmem>>)
    %broadcast_in_dim3A_521 = arith.constant 24000 : i32
    %broadcast_in_dim3A_522 = vector.broadcast %broadcast_in_dim3A_521 : i32 to vector<16xi32>
    %get3A_523 = arith.constant 0 : index
    %get3A_524 = tpu.vector_load %arg6[%get3A_523] {strides = array<i32>} : memref<16384xi32, #tpu.memory_space<vmem>>, vector<16xi32>,
    %get3A_525 = arith.constant 0 : index
    %get3A_526 = tpu.vector_load %arg7[%get3A_525] {strides = array<i32>} : memref<16384xf32, #tpu.memory_space<vmem>>, vector<16xf32>,
    %scan3A_527 = arith.constant 0 : i32
    %scan3A_528 = arith.constant 1024 : i32
    %scan3A_529 = arith.addi %scan3A_527, %scan3A_528 : i32
    %scan3A_530 = arith.constant 4 : i32
    %scan3A_531:2 = scf.for %scan3A_1085 = %scan3A_527 to %scan3A_529 step %scan3A_530 iter_args(%scan3A_1086 = %get3A_524, %scan3A_1087 = %get3A_526) -> (vector<16xi32>, vector<16xf32>)  : i32 {
      %add3A_1088 = arith.constant 1 : i32
      %add3A_1089 = arith.addi %scan3A_1085, %add3A_1088 : i32
      %min3A = arith.constant 1023 : i32
      %min3A_1090 = arith.minsi %add3A_1089, %min3A : i32
      %mul3A_1091 = arith.constant 16 : i32
      %mul3A_1092 = arith.muli %min3A_1090, %mul3A_1091 : i32
      %get3A_1093 = arith.index_cast %mul3A_1092 : i32 to index
      %get3A_1094 = tpu.vector_load %arg6[%get3A_1093] {strides = array<i32>} : memref<16384xi32, #tpu.memory_space<vmem>>, vector<16xi32>,
      %get3A_1095 = arith.index_cast %mul3A_1092 : i32 to index
      %get3A_1096 = tpu.vector_load %arg7[%get3A_1095] {strides = array<i32>} : memref<16384xf32, #tpu.memory_space<vmem>>, vector<16xf32>,
      %add3A_1097 = arith.addi %scan3A_1086, %broadcast_in_dim3A_522 : vector<16xi32>
      tpu.vector_store_idx %arg9[%add3A_1097], %scan3A_1087 {add = true} : memref<25200xf32, #tpu.memory_space<vmem>>[vector<16xi32>], vector<16xf32>,
      %scan3A_1098 = arith.constant 1 : i32
      %scan3A_1099 = arith.addi %scan3A_1085, %scan3A_1098 : i32
      %add3A_1100 = arith.constant 1 : i32
      %add3A_1101 = arith.addi %scan3A_1099, %add3A_1100 : i32
      %min3A_1102 = arith.constant 1023 : i32
      %min3A_1103 = arith.minsi %add3A_1101, %min3A_1102 : i32
      %mul3A_1104 = arith.constant 16 : i32
      %mul3A_1105 = arith.muli %min3A_1103, %mul3A_1104 : i32
      %get3A_1106 = arith.index_cast %mul3A_1105 : i32 to index
      %get3A_1107 = tpu.vector_load %arg6[%get3A_1106] {strides = array<i32>} : memref<16384xi32, #tpu.memory_space<vmem>>, vector<16xi32>,
      %get3A_1108 = arith.index_cast %mul3A_1105 : i32 to index
      %get3A_1109 = tpu.vector_load %arg7[%get3A_1108] {strides = array<i32>} : memref<16384xf32, #tpu.memory_space<vmem>>, vector<16xf32>,
      %add3A_1110 = arith.addi %get3A_1094, %broadcast_in_dim3A_522 : vector<16xi32>
      tpu.vector_store_idx %arg9[%add3A_1110], %get3A_1096 {add = true} : memref<25200xf32, #tpu.memory_space<vmem>>[vector<16xi32>], vector<16xf32>,
      %scan3A_1111 = arith.constant 2 : i32
      %scan3A_1112 = arith.addi %scan3A_1085, %scan3A_1111 : i32
      %add3A_1113 = arith.constant 1 : i32
      %add3A_1114 = arith.addi %scan3A_1112, %add3A_1113 : i32
      %min3A_1115 = arith.constant 1023 : i32
      %min3A_1116 = arith.minsi %add3A_1114, %min3A_1115 : i32
      %mul3A_1117 = arith.constant 16 : i32
      %mul3A_1118 = arith.muli %min3A_1116, %mul3A_1117 : i32
      %get3A_1119 = arith.index_cast %mul3A_1118 : i32 to index
      %get3A_1120 = tpu.vector_load %arg6[%get3A_1119] {strides = array<i32>} : memref<16384xi32, #tpu.memory_space<vmem>>, vector<16xi32>,
      %get3A_1121 = arith.index_cast %mul3A_1118 : i32 to index
      %get3A_1122 = tpu.vector_load %arg7[%get3A_1121] {strides = array<i32>} : memref<16384xf32, #tpu.memory_space<vmem>>, vector<16xf32>,
      %add3A_1123 = arith.addi %get3A_1107, %broadcast_in_dim3A_522 : vector<16xi32>
      tpu.vector_store_idx %arg9[%add3A_1123], %get3A_1109 {add = true} : memref<25200xf32, #tpu.memory_space<vmem>>[vector<16xi32>], vector<16xf32>,
      %scan3A_1124 = arith.constant 3 : i32
      %scan3A_1125 = arith.addi %scan3A_1085, %scan3A_1124 : i32
      %add3A_1126 = arith.constant 1 : i32
      %add3A_1127 = arith.addi %scan3A_1125, %add3A_1126 : i32
      %min3A_1128 = arith.constant 1023 : i32
      %min3A_1129 = arith.minsi %add3A_1127, %min3A_1128 : i32
      %mul3A_1130 = arith.constant 16 : i32
      %mul3A_1131 = arith.muli %min3A_1129, %mul3A_1130 : i32
      %get3A_1132 = arith.index_cast %mul3A_1131 : i32 to index
      %get3A_1133 = tpu.vector_load %arg6[%get3A_1132] {strides = array<i32>} : memref<16384xi32, #tpu.memory_space<vmem>>, vector<16xi32>,
      %get3A_1134 = arith.index_cast %mul3A_1131 : i32 to index
      %get3A_1135 = tpu.vector_load %arg7[%get3A_1134] {strides = array<i32>} : memref<16384xf32, #tpu.memory_space<vmem>>, vector<16xf32>,
      %add3A_1136 = arith.addi %get3A_1120, %broadcast_in_dim3A_522 : vector<16xi32>
      tpu.vector_store_idx %arg9[%add3A_1136], %get3A_1122 {add = true} : memref<25200xf32, #tpu.memory_space<vmem>>[vector<16xi32>], vector<16xf32>,
      scf.yield %get3A_1133, %get3A_1135 : vector<16xi32>, vector<16xf32>
    }
    %scan3A_532 = arith.constant 1024 : i32
    %mul3A_533 = arith.constant 25200 : i32
    %mul3A_534 = arith.muli %add3A_2, %mul3A_533 : i32
    "tpu.region"() ({
      %run_scoped3A = tpu.sem_alloc : memref<!tpu.dma_semaphore, #tpu.memory_space<semaphore_mem>>
      %dma_start3A_1085 = tpu.memref_slice %arg4[%mul3A_534] : memref<1612800xf32, #tpu.memory_space<hbm>> -> memref<25200xf32, #tpu.memory_space<hbm>>
      %dma_start3A_1086 = tpu.memref_slice %arg4[%mul3A_534] : memref<1612800xf32, #tpu.memory_space<hbm>> -> memref<25200xf32, #tpu.memory_space<hbm>>
      tpu.enqueue_dma source(%arg9 : memref<25200xf32, #tpu.memory_space<vmem>>) target(%dma_start3A_1086 : memref<25200xf32, #tpu.memory_space<hbm>>) target_semaphore(%run_scoped3A : memref<!tpu.dma_semaphore, #tpu.memory_space<semaphore_mem>>)
      %dma_wait3A_1087 = tpu.memref_slice %arg4[%mul3A_534] : memref<1612800xf32, #tpu.memory_space<hbm>> -> memref<25200xf32, #tpu.memory_space<hbm>>
      %dma_wait3A_1088 = tpu.memref_slice %arg4[%mul3A_534] : memref<1612800xf32, #tpu.memory_space<hbm>> -> memref<25200xf32, #tpu.memory_space<hbm>>
      tpu.wait_dma2 semaphore(%run_scoped3A : memref<!tpu.dma_semaphore, #tpu.memory_space<semaphore_mem>>) src(%arg9 : memref<25200xf32, #tpu.memory_space<vmem>>) dst(%dma_wait3A_1088 : memref<25200xf32, #tpu.memory_space<hbm>>)
      tpu.yield
    }) : () -> ()
    %add3A_535 = arith.constant 32 : i32
    %add3A_536 = arith.addi %add3A, %add3A_535 : i32
    %jit3A_537 = arith.constant 16 : i32
    %div3A_538 = arith.divsi %add3A_536, %jit3A_537 : i32
    %sign3A_539 = arith.constant 0 : i32
    %sign3A_540 = arith.cmpi sgt, %add3A_536, %sign3A_539 : i32
    %sign3A_541 = arith.extui %sign3A_540 : i1 to i32
    %sign3A_542 = arith.constant 0 : i32
    %sign3A_543 = arith.cmpi slt, %add3A_536, %sign3A_542 : i32
    %sign3A_544 = arith.extui %sign3A_543 : i1 to i32
    %sign3A_545 = arith.subi %sign3A_541, %sign3A_544 : i32
    %sign3A_546 = arith.constant 0 : i32
    %sign3A_547 = arith.cmpi sgt, %jit3A_537, %sign3A_546 : i32
    %sign3A_548 = arith.extui %sign3A_547 : i1 to i32
    %sign3A_549 = arith.constant 0 : i32
    %sign3A_550 = arith.cmpi slt, %jit3A_537, %sign3A_549 : i32
    %sign3A_551 = arith.extui %sign3A_550 : i1 to i32
    %sign3A_552 = arith.subi %sign3A_548, %sign3A_551 : i32
    %ne3A_553 = arith.cmpi ne, %sign3A_545, %sign3A_552 : i32
    %rem3A_554 = arith.remsi %add3A_536, %jit3A_537 : i32
    %ne3A_555 = arith.constant 0 : i32
    %ne3A_556 = arith.cmpi ne, %rem3A_554, %ne3A_555 : i32
    %and3A_557 = arith.andi %ne3A_553, %ne3A_556 : i1
    %sub3A_558 = arith.constant 1 : i32
    %sub3A_559 = arith.subi %div3A_538, %sub3A_558 : i32
    %select_n3A_560 = arith.select %and3A_557, %sub3A_559, %div3A_538 : i32
    %jit3A_561 = arith.constant 16 : i32
    %eq3A_562 = arith.constant 0 : i32
    %eq3A_563 = arith.cmpi eq, %jit3A_561, %eq3A_562 : i32
    %jit3A_564 = arith.constant 1 : i32
    %select_n3A_565 = arith.select %eq3A_563, %jit3A_564, %jit3A_561 : i32
    %rem3A_566 = arith.remsi %add3A_536, %select_n3A_565 : i32
    %ne3A_567 = arith.constant 0 : i32
    %ne3A_568 = arith.cmpi ne, %rem3A_566, %ne3A_567 : i32
    %lt3A_569 = arith.constant 0 : i32
    %lt3A_570 = arith.cmpi slt, %rem3A_566, %lt3A_569 : i32
    %lt3A_571 = arith.constant 0 : i32
    %lt3A_572 = arith.cmpi slt, %select_n3A_565, %lt3A_571 : i32
    %ne3A_573 = arith.xori %lt3A_570, %lt3A_572 : i1
    %and3A_574 = arith.andi %ne3A_573, %ne3A_568 : i1
    %add3A_575 = arith.addi %rem3A_566, %select_n3A_565 : i32
    %select_n3A_576 = arith.select %and3A_574, %add3A_575, %rem3A_566 : i32
    %mul3A_577 = arith.constant 16384 : i32
    %mul3A_578 = arith.muli %select_n3A_576, %mul3A_577 : i32
    %mul3A_579 = arith.constant 21 : i32
    %mul3A_580 = arith.muli %select_n3A_560, %mul3A_579 : i32
    %add3A_581 = arith.constant 0 : i32
    %add3A_582 = arith.addi %mul3A_580, %add3A_581 : i32
    %mul3A_583 = arith.constant 262144 : i32
    %mul3A_584 = arith.muli %add3A_582, %mul3A_583 : i32
    %add3A_585 = arith.addi %mul3A_584, %mul3A_578 : i32
    %dma_start3A_586 = tpu.memref_slice %arg3[%add3A_585] : memref<22020096xf32, #tpu.memory_space<hbm>> -> memref<16384xf32, #tpu.memory_space<hbm>>
    %dma_start3A_587 = tpu.memref_slice %arg3[%add3A_585] : memref<22020096xf32, #tpu.memory_space<hbm>> -> memref<16384xf32, #tpu.memory_space<hbm>>
    tpu.enqueue_dma source(%dma_start3A_587 : memref<16384xf32, #tpu.memory_space<hbm>>) target(%arg7 : memref<16384xf32, #tpu.memory_space<vmem>>) target_semaphore(%arg11 : memref<!tpu.dma_semaphore, #tpu.memory_space<semaphore_mem>>)
    %mul3A_588 = arith.constant 262144 : i32
    %mul3A_589 = arith.muli %select_n3A_560, %mul3A_588 : i32
    %add3A_590 = arith.addi %mul3A_589, %mul3A_578 : i32
    "tpu.region"() ({
      %run_scoped3A = tpu.sem_alloc : memref<!tpu.dma_semaphore, #tpu.memory_space<semaphore_mem>>
      %dma_start3A_1085 = tpu.memref_slice %arg2[%add3A_590] : memref<1048576xi32, #tpu.memory_space<hbm>> -> memref<16384xi32, #tpu.memory_space<hbm>>
      %dma_start3A_1086 = tpu.memref_slice %arg2[%add3A_590] : memref<1048576xi32, #tpu.memory_space<hbm>> -> memref<16384xi32, #tpu.memory_space<hbm>>
      tpu.enqueue_dma source(%dma_start3A_1086 : memref<16384xi32, #tpu.memory_space<hbm>>) target(%arg6 : memref<16384xi32, #tpu.memory_space<vmem>>) target_semaphore(%run_scoped3A : memref<!tpu.dma_semaphore, #tpu.memory_space<semaphore_mem>>)
      %dma_wait3A_1087 = tpu.memref_slice %arg2[%add3A_590] : memref<1048576xi32, #tpu.memory_space<hbm>> -> memref<16384xi32, #tpu.memory_space<hbm>>
      %dma_wait3A_1088 = tpu.memref_slice %arg2[%add3A_590] : memref<1048576xi32, #tpu.memory_space<hbm>> -> memref<16384xi32, #tpu.memory_space<hbm>>
      tpu.wait_dma2 semaphore(%run_scoped3A : memref<!tpu.dma_semaphore, #tpu.memory_space<semaphore_mem>>) src(%dma_wait3A_1088 : memref<16384xi32, #tpu.memory_space<hbm>>) dst(%arg6 : memref<16384xi32, #tpu.memory_space<vmem>>)
      tpu.yield
    }) : () -> ()
    %scan3A_591 = arith.constant 0 : i32
    %scan3A_592 = arith.constant 0 : i32
    %scan3A_593 = arith.constant 1575 : i32
    %scan3A_594 = arith.addi %scan3A_592, %scan3A_593 : i32
    %scan3A_595 = arith.constant 1 : i32
    scf.for %scan3A_1085 = %scan3A_592 to %scan3A_594 step %scan3A_595  : i32 {
      %broadcast_in_dim3A_1086 = arith.constant 0.000000e+00 : f32
      %broadcast_in_dim3A_1087 = vector.broadcast %broadcast_in_dim3A_1086 : f32 to vector<16xf32>
      %mul3A_1088 = arith.constant 16 : i32
      %mul3A_1089 = arith.muli %scan3A_1085, %mul3A_1088 : i32
      %swap3A_1090 = arith.index_cast %mul3A_1089 : i32 to index
      %swap3A_1091 = tpu.vector_load %arg9[%swap3A_1090] {strides = array<i32>} : memref<25200xf32, #tpu.memory_space<vmem>>, vector<16xf32>,
      tpu.vector_store %arg9[%swap3A_1090], %broadcast_in_dim3A_1087 {strides = array<i32>} : memref<25200xf32, #tpu.memory_space<vmem>>, vector<16xf32>,
    }
    %scan3A_596 = arith.constant 1575 : i32
    %broadcast_in_dim3A_597 = arith.constant 0 : i32
    %broadcast_in_dim3A_598 = vector.broadcast %broadcast_in_dim3A_597 : i32 to vector<16xi32>
    %scan3A_599 = arith.constant 0 : i32
    %scan3A_600 = arith.constant 1024 : i32
    %scan3A_601 = arith.addi %scan3A_599, %scan3A_600 : i32
    %scan3A_602 = arith.constant 1 : i32
    %scan3A_603 = scf.for %scan3A_1085 = %scan3A_599 to %scan3A_601 step %scan3A_602 iter_args(%scan3A_1086 = %broadcast_in_dim3A_598) -> (vector<16xi32>)  : i32 {
      %mul3A_1087 = arith.constant 16 : i32
      %mul3A_1088 = arith.muli %scan3A_1085, %mul3A_1087 : i32
      %get3A_1089 = arith.index_cast %mul3A_1088 : i32 to index
      %get3A_1090 = tpu.vector_load %arg6[%get3A_1089] {strides = array<i32>} : memref<16384xi32, #tpu.memory_space<vmem>>, vector<16xi32>,
      %add3A_1091 = arith.addi %scan3A_1086, %get3A_1090 : vector<16xi32>
      scf.yield %add3A_1091 : vector<16xi32>
    }
    %scan3A_604 = arith.constant 1024 : i32
    %swap3A_605 = arith.constant 0 : index
    %swap3A_606 = tpu.vector_load %arg10[%swap3A_605] {strides = array<i32>} : memref<16xi32, #tpu.memory_space<vmem>>, vector<16xi32>,
    tpu.vector_store %arg10[%swap3A_605], %scan3A_603 {strides = array<i32>} : memref<16xi32, #tpu.memory_space<vmem>>, vector<16xi32>,
    %mul3A_607 = arith.constant 16 : i32
    %mul3A_608 = arith.muli %add3A_536, %mul3A_607 : i32
    "tpu.region"() ({
      %run_scoped3A = tpu.sem_alloc : memref<!tpu.dma_semaphore, #tpu.memory_space<semaphore_mem>>
      %dma_start3A_1085 = tpu.memref_slice %arg5[%mul3A_608] : memref<1024xi32, #tpu.memory_space<hbm>> -> memref<16xi32, #tpu.memory_space<hbm>>
      %dma_start3A_1086 = tpu.memref_slice %arg5[%mul3A_608] : memref<1024xi32, #tpu.memory_space<hbm>> -> memref<16xi32, #tpu.memory_space<hbm>>
      tpu.enqueue_dma source(%arg10 : memref<16xi32, #tpu.memory_space<vmem>>) target(%dma_start3A_1086 : memref<16xi32, #tpu.memory_space<hbm>>) target_semaphore(%run_scoped3A : memref<!tpu.dma_semaphore, #tpu.memory_space<semaphore_mem>>)
      %dma_wait3A_1087 = tpu.memref_slice %arg5[%mul3A_608] : memref<1024xi32, #tpu.memory_space<hbm>> -> memref<16xi32, #tpu.memory_space<hbm>>
      %dma_wait3A_1088 = tpu.memref_slice %arg5[%mul3A_608] : memref<1024xi32, #tpu.memory_space<hbm>> -> memref<16xi32, #tpu.memory_space<hbm>>
      tpu.wait_dma2 semaphore(%run_scoped3A : memref<!tpu.dma_semaphore, #tpu.memory_space<semaphore_mem>>) src(%arg10 : memref<16xi32, #tpu.memory_space<vmem>>) dst(%dma_wait3A_1088 : memref<16xi32, #tpu.memory_space<hbm>>)
      tpu.yield
    }) : () -> ()
    %dma_wait3A_609 = tpu.memref_slice %arg3[%add3A_585] : memref<22020096xf32, #tpu.memory_space<hbm>> -> memref<16384xf32, #tpu.memory_space<hbm>>
    %dma_wait3A_610 = tpu.memref_slice %arg3[%add3A_585] : memref<22020096xf32, #tpu.memory_space<hbm>> -> memref<16384xf32, #tpu.memory_space<hbm>>
    tpu.wait_dma2 semaphore(%arg11 : memref<!tpu.dma_semaphore, #tpu.memory_space<semaphore_mem>>) src(%dma_wait3A_610 : memref<16384xf32, #tpu.memory_space<hbm>>) dst(%arg7 : memref<16384xf32, #tpu.memory_space<vmem>>)
    %mul3A_611 = arith.constant 21 : i32
    %mul3A_612 = arith.muli %select_n3A_560, %mul3A_611 : i32
    %add3A_613 = arith.constant 1 : i32
    %add3A_614 = arith.addi %mul3A_612, %add3A_613 : i32
    %mul3A_615 = arith.constant 262144 : i32
    %mul3A_616 = arith.muli %add3A_614, %mul3A_615 : i32
    %add3A_617 = arith.addi %mul3A_616, %mul3A_578 : i32
    %dma_start3A_618 = tpu.memref_slice %arg3[%add3A_617] : memref<22020096xf32, #tpu.memory_space<hbm>> -> memref<16384xf32, #tpu.memory_space<hbm>>
    %dma_start3A_619 = tpu.memref_slice %arg3[%add3A_617] : memref<22020096xf32, #tpu.memory_space<hbm>> -> memref<16384xf32, #tpu.memory_space<hbm>>
    tpu.enqueue_dma source(%dma_start3A_619 : memref<16384xf32, #tpu.memory_space<hbm>>) target(%arg8 : memref<16384xf32, #tpu.memory_space<vmem>>) target_semaphore(%arg12 : memref<!tpu.dma_semaphore, #tpu.memory_space<semaphore_mem>>)
    %broadcast_in_dim3A_620 = arith.constant 0 : i32
    %broadcast_in_dim3A_621 = vector.broadcast %broadcast_in_dim3A_620 : i32 to vector<16xi32>
    %get3A_622 = arith.constant 0 : index
    %get3A_623 = tpu.vector_load %arg6[%get3A_622] {strides = array<i32>} : memref<16384xi32, #tpu.memory_space<vmem>>, vector<16xi32>,
    %get3A_624 = arith.constant 0 : index
    %get3A_625 = tpu.vector_load %arg7[%get3A_624] {strides = array<i32>} : memref<16384xf32, #tpu.memory_space<vmem>>, vector<16xf32>,
    %scan3A_626 = arith.constant 0 : i32
    %scan3A_627 = arith.constant 1024 : i32
    %scan3A_628 = arith.addi %scan3A_626, %scan3A_627 : i32
    %scan3A_629 = arith.constant 4 : i32
    %scan3A_630:2 = scf.for %scan3A_1085 = %scan3A_626 to %scan3A_628 step %scan3A_629 iter_args(%scan3A_1086 = %get3A_623, %scan3A_1087 = %get3A_625) -> (vector<16xi32>, vector<16xf32>)  : i32 {
      %add3A_1088 = arith.constant 1 : i32
      %add3A_1089 = arith.addi %scan3A_1085, %add3A_1088 : i32
      %min3A = arith.constant 1023 : i32
      %min3A_1090 = arith.minsi %add3A_1089, %min3A : i32
      %mul3A_1091 = arith.constant 16 : i32
      %mul3A_1092 = arith.muli %min3A_1090, %mul3A_1091 : i32
      %get3A_1093 = arith.index_cast %mul3A_1092 : i32 to index
      %get3A_1094 = tpu.vector_load %arg6[%get3A_1093] {strides = array<i32>} : memref<16384xi32, #tpu.memory_space<vmem>>, vector<16xi32>,
      %get3A_1095 = arith.index_cast %mul3A_1092 : i32 to index
      %get3A_1096 = tpu.vector_load %arg7[%get3A_1095] {strides = array<i32>} : memref<16384xf32, #tpu.memory_space<vmem>>, vector<16xf32>,
      %add3A_1097 = arith.addi %scan3A_1086, %broadcast_in_dim3A_621 : vector<16xi32>
      tpu.vector_store_idx %arg9[%add3A_1097], %scan3A_1087 {add = true} : memref<25200xf32, #tpu.memory_space<vmem>>[vector<16xi32>], vector<16xf32>,
      %scan3A_1098 = arith.constant 1 : i32
      %scan3A_1099 = arith.addi %scan3A_1085, %scan3A_1098 : i32
      %add3A_1100 = arith.constant 1 : i32
      %add3A_1101 = arith.addi %scan3A_1099, %add3A_1100 : i32
      %min3A_1102 = arith.constant 1023 : i32
      %min3A_1103 = arith.minsi %add3A_1101, %min3A_1102 : i32
      %mul3A_1104 = arith.constant 16 : i32
      %mul3A_1105 = arith.muli %min3A_1103, %mul3A_1104 : i32
      %get3A_1106 = arith.index_cast %mul3A_1105 : i32 to index
      %get3A_1107 = tpu.vector_load %arg6[%get3A_1106] {strides = array<i32>} : memref<16384xi32, #tpu.memory_space<vmem>>, vector<16xi32>,
      %get3A_1108 = arith.index_cast %mul3A_1105 : i32 to index
      %get3A_1109 = tpu.vector_load %arg7[%get3A_1108] {strides = array<i32>} : memref<16384xf32, #tpu.memory_space<vmem>>, vector<16xf32>,
      %add3A_1110 = arith.addi %get3A_1094, %broadcast_in_dim3A_621 : vector<16xi32>
      tpu.vector_store_idx %arg9[%add3A_1110], %get3A_1096 {add = true} : memref<25200xf32, #tpu.memory_space<vmem>>[vector<16xi32>], vector<16xf32>,
      %scan3A_1111 = arith.constant 2 : i32
      %scan3A_1112 = arith.addi %scan3A_1085, %scan3A_1111 : i32
      %add3A_1113 = arith.constant 1 : i32
      %add3A_1114 = arith.addi %scan3A_1112, %add3A_1113 : i32
      %min3A_1115 = arith.constant 1023 : i32
      %min3A_1116 = arith.minsi %add3A_1114, %min3A_1115 : i32
      %mul3A_1117 = arith.constant 16 : i32
      %mul3A_1118 = arith.muli %min3A_1116, %mul3A_1117 : i32
      %get3A_1119 = arith.index_cast %mul3A_1118 : i32 to index
      %get3A_1120 = tpu.vector_load %arg6[%get3A_1119] {strides = array<i32>} : memref<16384xi32, #tpu.memory_space<vmem>>, vector<16xi32>,
      %get3A_1121 = arith.index_cast %mul3A_1118 : i32 to index
      %get3A_1122 = tpu.vector_load %arg7[%get3A_1121] {strides = array<i32>} : memref<16384xf32, #tpu.memory_space<vmem>>, vector<16xf32>,
      %add3A_1123 = arith.addi %get3A_1107, %broadcast_in_dim3A_621 : vector<16xi32>
      tpu.vector_store_idx %arg9[%add3A_1123], %get3A_1109 {add = true} : memref<25200xf32, #tpu.memory_space<vmem>>[vector<16xi32>], vector<16xf32>,
      %scan3A_1124 = arith.constant 3 : i32
      %scan3A_1125 = arith.addi %scan3A_1085, %scan3A_1124 : i32
      %add3A_1126 = arith.constant 1 : i32
      %add3A_1127 = arith.addi %scan3A_1125, %add3A_1126 : i32
      %min3A_1128 = arith.constant 1023 : i32
      %min3A_1129 = arith.minsi %add3A_1127, %min3A_1128 : i32
      %mul3A_1130 = arith.constant 16 : i32
      %mul3A_1131 = arith.muli %min3A_1129, %mul3A_1130 : i32
      %get3A_1132 = arith.index_cast %mul3A_1131 : i32 to index
      %get3A_1133 = tpu.vector_load %arg6[%get3A_1132] {strides = array<i32>} : memref<16384xi32, #tpu.memory_space<vmem>>, vector<16xi32>,
      %get3A_1134 = arith.index_cast %mul3A_1131 : i32 to index
      %get3A_1135 = tpu.vector_load %arg7[%get3A_1134] {strides = array<i32>} : memref<16384xf32, #tpu.memory_space<vmem>>, vector<16xf32>,
      %add3A_1136 = arith.addi %get3A_1120, %broadcast_in_dim3A_621 : vector<16xi32>
      tpu.vector_store_idx %arg9[%add3A_1136], %get3A_1122 {add = true} : memref<25200xf32, #tpu.memory_space<vmem>>[vector<16xi32>], vector<16xf32>,
      scf.yield %get3A_1133, %get3A_1135 : vector<16xi32>, vector<16xf32>
    }
    %scan3A_631 = arith.constant 1024 : i32
    %dma_wait3A_632 = tpu.memref_slice %arg3[%add3A_617] : memref<22020096xf32, #tpu.memory_space<hbm>> -> memref<16384xf32, #tpu.memory_space<hbm>>
    %dma_wait3A_633 = tpu.memref_slice %arg3[%add3A_617] : memref<22020096xf32, #tpu.memory_space<hbm>> -> memref<16384xf32, #tpu.memory_space<hbm>>
    tpu.wait_dma2 semaphore(%arg12 : memref<!tpu.dma_semaphore, #tpu.memory_space<semaphore_mem>>) src(%dma_wait3A_633 : memref<16384xf32, #tpu.memory_space<hbm>>) dst(%arg8 : memref<16384xf32, #tpu.memory_space<vmem>>)
    %mul3A_634 = arith.constant 21 : i32
    %mul3A_635 = arith.muli %select_n3A_560, %mul3A_634 : i32
    %add3A_636 = arith.constant 2 : i32
    %add3A_637 = arith.addi %mul3A_635, %add3A_636 : i32
    %mul3A_638 = arith.constant 262144 : i32
    %mul3A_639 = arith.muli %add3A_637, %mul3A_638 : i32
    %add3A_640 = arith.addi %mul3A_639, %mul3A_578 : i32
    %dma_start3A_641 = tpu.memref_slice %arg3[%add3A_640] : memref<22020096xf32, #tpu.memory_space<hbm>> -> memref<16384xf32, #tpu.memory_space<hbm>>
    %dma_start3A_642 = tpu.memref_slice %arg3[%add3A_640] : memref<22020096xf32, #tpu.memory_space<hbm>> -> memref<16384xf32, #tpu.memory_space<hbm>>
    tpu.enqueue_dma source(%dma_start3A_642 : memref<16384xf32, #tpu.memory_space<hbm>>) target(%arg7 : memref<16384xf32, #tpu.memory_space<vmem>>) target_semaphore(%arg11 : memref<!tpu.dma_semaphore, #tpu.memory_space<semaphore_mem>>)
    %broadcast_in_dim3A_643 = arith.constant 1200 : i32
    %broadcast_in_dim3A_644 = vector.broadcast %broadcast_in_dim3A_643 : i32 to vector<16xi32>
    %get3A_645 = arith.constant 0 : index
    %get3A_646 = tpu.vector_load %arg6[%get3A_645] {strides = array<i32>} : memref<16384xi32, #tpu.memory_space<vmem>>, vector<16xi32>,
    %get3A_647 = arith.constant 0 : index
    %get3A_648 = tpu.vector_load %arg8[%get3A_647] {strides = array<i32>} : memref<16384xf32, #tpu.memory_space<vmem>>, vector<16xf32>,
    %scan3A_649 = arith.constant 0 : i32
    %scan3A_650 = arith.constant 1024 : i32
    %scan3A_651 = arith.addi %scan3A_649, %scan3A_650 : i32
    %scan3A_652 = arith.constant 4 : i32
    %scan3A_653:2 = scf.for %scan3A_1085 = %scan3A_649 to %scan3A_651 step %scan3A_652 iter_args(%scan3A_1086 = %get3A_646, %scan3A_1087 = %get3A_648) -> (vector<16xi32>, vector<16xf32>)  : i32 {
      %add3A_1088 = arith.constant 1 : i32
      %add3A_1089 = arith.addi %scan3A_1085, %add3A_1088 : i32
      %min3A = arith.constant 1023 : i32
      %min3A_1090 = arith.minsi %add3A_1089, %min3A : i32
      %mul3A_1091 = arith.constant 16 : i32
      %mul3A_1092 = arith.muli %min3A_1090, %mul3A_1091 : i32
      %get3A_1093 = arith.index_cast %mul3A_1092 : i32 to index
      %get3A_1094 = tpu.vector_load %arg6[%get3A_1093] {strides = array<i32>} : memref<16384xi32, #tpu.memory_space<vmem>>, vector<16xi32>,
      %get3A_1095 = arith.index_cast %mul3A_1092 : i32 to index
      %get3A_1096 = tpu.vector_load %arg8[%get3A_1095] {strides = array<i32>} : memref<16384xf32, #tpu.memory_space<vmem>>, vector<16xf32>,
      %add3A_1097 = arith.addi %scan3A_1086, %broadcast_in_dim3A_644 : vector<16xi32>
      tpu.vector_store_idx %arg9[%add3A_1097], %scan3A_1087 {add = true} : memref<25200xf32, #tpu.memory_space<vmem>>[vector<16xi32>], vector<16xf32>,
      %scan3A_1098 = arith.constant 1 : i32
      %scan3A_1099 = arith.addi %scan3A_1085, %scan3A_1098 : i32
      %add3A_1100 = arith.constant 1 : i32
      %add3A_1101 = arith.addi %scan3A_1099, %add3A_1100 : i32
      %min3A_1102 = arith.constant 1023 : i32
      %min3A_1103 = arith.minsi %add3A_1101, %min3A_1102 : i32
      %mul3A_1104 = arith.constant 16 : i32
      %mul3A_1105 = arith.muli %min3A_1103, %mul3A_1104 : i32
      %get3A_1106 = arith.index_cast %mul3A_1105 : i32 to index
      %get3A_1107 = tpu.vector_load %arg6[%get3A_1106] {strides = array<i32>} : memref<16384xi32, #tpu.memory_space<vmem>>, vector<16xi32>,
      %get3A_1108 = arith.index_cast %mul3A_1105 : i32 to index
      %get3A_1109 = tpu.vector_load %arg8[%get3A_1108] {strides = array<i32>} : memref<16384xf32, #tpu.memory_space<vmem>>, vector<16xf32>,
      %add3A_1110 = arith.addi %get3A_1094, %broadcast_in_dim3A_644 : vector<16xi32>
      tpu.vector_store_idx %arg9[%add3A_1110], %get3A_1096 {add = true} : memref<25200xf32, #tpu.memory_space<vmem>>[vector<16xi32>], vector<16xf32>,
      %scan3A_1111 = arith.constant 2 : i32
      %scan3A_1112 = arith.addi %scan3A_1085, %scan3A_1111 : i32
      %add3A_1113 = arith.constant 1 : i32
      %add3A_1114 = arith.addi %scan3A_1112, %add3A_1113 : i32
      %min3A_1115 = arith.constant 1023 : i32
      %min3A_1116 = arith.minsi %add3A_1114, %min3A_1115 : i32
      %mul3A_1117 = arith.constant 16 : i32
      %mul3A_1118 = arith.muli %min3A_1116, %mul3A_1117 : i32
      %get3A_1119 = arith.index_cast %mul3A_1118 : i32 to index
      %get3A_1120 = tpu.vector_load %arg6[%get3A_1119] {strides = array<i32>} : memref<16384xi32, #tpu.memory_space<vmem>>, vector<16xi32>,
      %get3A_1121 = arith.index_cast %mul3A_1118 : i32 to index
      %get3A_1122 = tpu.vector_load %arg8[%get3A_1121] {strides = array<i32>} : memref<16384xf32, #tpu.memory_space<vmem>>, vector<16xf32>,
      %add3A_1123 = arith.addi %get3A_1107, %broadcast_in_dim3A_644 : vector<16xi32>
      tpu.vector_store_idx %arg9[%add3A_1123], %get3A_1109 {add = true} : memref<25200xf32, #tpu.memory_space<vmem>>[vector<16xi32>], vector<16xf32>,
      %scan3A_1124 = arith.constant 3 : i32
      %scan3A_1125 = arith.addi %scan3A_1085, %scan3A_1124 : i32
      %add3A_1126 = arith.constant 1 : i32
      %add3A_1127 = arith.addi %scan3A_1125, %add3A_1126 : i32
      %min3A_1128 = arith.constant 1023 : i32
      %min3A_1129 = arith.minsi %add3A_1127, %min3A_1128 : i32
      %mul3A_1130 = arith.constant 16 : i32
      %mul3A_1131 = arith.muli %min3A_1129, %mul3A_1130 : i32
      %get3A_1132 = arith.index_cast %mul3A_1131 : i32 to index
      %get3A_1133 = tpu.vector_load %arg6[%get3A_1132] {strides = array<i32>} : memref<16384xi32, #tpu.memory_space<vmem>>, vector<16xi32>,
      %get3A_1134 = arith.index_cast %mul3A_1131 : i32 to index
      %get3A_1135 = tpu.vector_load %arg8[%get3A_1134] {strides = array<i32>} : memref<16384xf32, #tpu.memory_space<vmem>>, vector<16xf32>,
      %add3A_1136 = arith.addi %get3A_1120, %broadcast_in_dim3A_644 : vector<16xi32>
      tpu.vector_store_idx %arg9[%add3A_1136], %get3A_1122 {add = true} : memref<25200xf32, #tpu.memory_space<vmem>>[vector<16xi32>], vector<16xf32>,
      scf.yield %get3A_1133, %get3A_1135 : vector<16xi32>, vector<16xf32>
    }
    %scan3A_654 = arith.constant 1024 : i32
    %dma_wait3A_655 = tpu.memref_slice %arg3[%add3A_640] : memref<22020096xf32, #tpu.memory_space<hbm>> -> memref<16384xf32, #tpu.memory_space<hbm>>
    %dma_wait3A_656 = tpu.memref_slice %arg3[%add3A_640] : memref<22020096xf32, #tpu.memory_space<hbm>> -> memref<16384xf32, #tpu.memory_space<hbm>>
    tpu.wait_dma2 semaphore(%arg11 : memref<!tpu.dma_semaphore, #tpu.memory_space<semaphore_mem>>) src(%dma_wait3A_656 : memref<16384xf32, #tpu.memory_space<hbm>>) dst(%arg7 : memref<16384xf32, #tpu.memory_space<vmem>>)
    %mul3A_657 = arith.constant 21 : i32
    %mul3A_658 = arith.muli %select_n3A_560, %mul3A_657 : i32
    %add3A_659 = arith.constant 3 : i32
    %add3A_660 = arith.addi %mul3A_658, %add3A_659 : i32
    %mul3A_661 = arith.constant 262144 : i32
    %mul3A_662 = arith.muli %add3A_660, %mul3A_661 : i32
    %add3A_663 = arith.addi %mul3A_662, %mul3A_578 : i32
    %dma_start3A_664 = tpu.memref_slice %arg3[%add3A_663] : memref<22020096xf32, #tpu.memory_space<hbm>> -> memref<16384xf32, #tpu.memory_space<hbm>>
    %dma_start3A_665 = tpu.memref_slice %arg3[%add3A_663] : memref<22020096xf32, #tpu.memory_space<hbm>> -> memref<16384xf32, #tpu.memory_space<hbm>>
    tpu.enqueue_dma source(%dma_start3A_665 : memref<16384xf32, #tpu.memory_space<hbm>>) target(%arg8 : memref<16384xf32, #tpu.memory_space<vmem>>) target_semaphore(%arg12 : memref<!tpu.dma_semaphore, #tpu.memory_space<semaphore_mem>>)
    %broadcast_in_dim3A_666 = arith.constant 2400 : i32
    %broadcast_in_dim3A_667 = vector.broadcast %broadcast_in_dim3A_666 : i32 to vector<16xi32>
    %get3A_668 = arith.constant 0 : index
    %get3A_669 = tpu.vector_load %arg6[%get3A_668] {strides = array<i32>} : memref<16384xi32, #tpu.memory_space<vmem>>, vector<16xi32>,
    %get3A_670 = arith.constant 0 : index
    %get3A_671 = tpu.vector_load %arg7[%get3A_670] {strides = array<i32>} : memref<16384xf32, #tpu.memory_space<vmem>>, vector<16xf32>,
    %scan3A_672 = arith.constant 0 : i32
    %scan3A_673 = arith.constant 1024 : i32
    %scan3A_674 = arith.addi %scan3A_672, %scan3A_673 : i32
    %scan3A_675 = arith.constant 4 : i32
    %scan3A_676:2 = scf.for %scan3A_1085 = %scan3A_672 to %scan3A_674 step %scan3A_675 iter_args(%scan3A_1086 = %get3A_669, %scan3A_1087 = %get3A_671) -> (vector<16xi32>, vector<16xf32>)  : i32 {
      %add3A_1088 = arith.constant 1 : i32
      %add3A_1089 = arith.addi %scan3A_1085, %add3A_1088 : i32
      %min3A = arith.constant 1023 : i32
      %min3A_1090 = arith.minsi %add3A_1089, %min3A : i32
      %mul3A_1091 = arith.constant 16 : i32
      %mul3A_1092 = arith.muli %min3A_1090, %mul3A_1091 : i32
      %get3A_1093 = arith.index_cast %mul3A_1092 : i32 to index
      %get3A_1094 = tpu.vector_load %arg6[%get3A_1093] {strides = array<i32>} : memref<16384xi32, #tpu.memory_space<vmem>>, vector<16xi32>,
      %get3A_1095 = arith.index_cast %mul3A_1092 : i32 to index
      %get3A_1096 = tpu.vector_load %arg7[%get3A_1095] {strides = array<i32>} : memref<16384xf32, #tpu.memory_space<vmem>>, vector<16xf32>,
      %add3A_1097 = arith.addi %scan3A_1086, %broadcast_in_dim3A_667 : vector<16xi32>
      tpu.vector_store_idx %arg9[%add3A_1097], %scan3A_1087 {add = true} : memref<25200xf32, #tpu.memory_space<vmem>>[vector<16xi32>], vector<16xf32>,
      %scan3A_1098 = arith.constant 1 : i32
      %scan3A_1099 = arith.addi %scan3A_1085, %scan3A_1098 : i32
      %add3A_1100 = arith.constant 1 : i32
      %add3A_1101 = arith.addi %scan3A_1099, %add3A_1100 : i32
      %min3A_1102 = arith.constant 1023 : i32
      %min3A_1103 = arith.minsi %add3A_1101, %min3A_1102 : i32
      %mul3A_1104 = arith.constant 16 : i32
      %mul3A_1105 = arith.muli %min3A_1103, %mul3A_1104 : i32
      %get3A_1106 = arith.index_cast %mul3A_1105 : i32 to index
      %get3A_1107 = tpu.vector_load %arg6[%get3A_1106] {strides = array<i32>} : memref<16384xi32, #tpu.memory_space<vmem>>, vector<16xi32>,
      %get3A_1108 = arith.index_cast %mul3A_1105 : i32 to index
      %get3A_1109 = tpu.vector_load %arg7[%get3A_1108] {strides = array<i32>} : memref<16384xf32, #tpu.memory_space<vmem>>, vector<16xf32>,
      %add3A_1110 = arith.addi %get3A_1094, %broadcast_in_dim3A_667 : vector<16xi32>
      tpu.vector_store_idx %arg9[%add3A_1110], %get3A_1096 {add = true} : memref<25200xf32, #tpu.memory_space<vmem>>[vector<16xi32>], vector<16xf32>,
      %scan3A_1111 = arith.constant 2 : i32
      %scan3A_1112 = arith.addi %scan3A_1085, %scan3A_1111 : i32
      %add3A_1113 = arith.constant 1 : i32
      %add3A_1114 = arith.addi %scan3A_1112, %add3A_1113 : i32
      %min3A_1115 = arith.constant 1023 : i32
      %min3A_1116 = arith.minsi %add3A_1114, %min3A_1115 : i32
      %mul3A_1117 = arith.constant 16 : i32
      %mul3A_1118 = arith.muli %min3A_1116, %mul3A_1117 : i32
      %get3A_1119 = arith.index_cast %mul3A_1118 : i32 to index
      %get3A_1120 = tpu.vector_load %arg6[%get3A_1119] {strides = array<i32>} : memref<16384xi32, #tpu.memory_space<vmem>>, vector<16xi32>,
      %get3A_1121 = arith.index_cast %mul3A_1118 : i32 to index
      %get3A_1122 = tpu.vector_load %arg7[%get3A_1121] {strides = array<i32>} : memref<16384xf32, #tpu.memory_space<vmem>>, vector<16xf32>,
      %add3A_1123 = arith.addi %get3A_1107, %broadcast_in_dim3A_667 : vector<16xi32>
      tpu.vector_store_idx %arg9[%add3A_1123], %get3A_1109 {add = true} : memref<25200xf32, #tpu.memory_space<vmem>>[vector<16xi32>], vector<16xf32>,
      %scan3A_1124 = arith.constant 3 : i32
      %scan3A_1125 = arith.addi %scan3A_1085, %scan3A_1124 : i32
      %add3A_1126 = arith.constant 1 : i32
      %add3A_1127 = arith.addi %scan3A_1125, %add3A_1126 : i32
      %min3A_1128 = arith.constant 1023 : i32
      %min3A_1129 = arith.minsi %add3A_1127, %min3A_1128 : i32
      %mul3A_1130 = arith.constant 16 : i32
      %mul3A_1131 = arith.muli %min3A_1129, %mul3A_1130 : i32
      %get3A_1132 = arith.index_cast %mul3A_1131 : i32 to index
      %get3A_1133 = tpu.vector_load %arg6[%get3A_1132] {strides = array<i32>} : memref<16384xi32, #tpu.memory_space<vmem>>, vector<16xi32>,
      %get3A_1134 = arith.index_cast %mul3A_1131 : i32 to index
      %get3A_1135 = tpu.vector_load %arg7[%get3A_1134] {strides = array<i32>} : memref<16384xf32, #tpu.memory_space<vmem>>, vector<16xf32>,
      %add3A_1136 = arith.addi %get3A_1120, %broadcast_in_dim3A_667 : vector<16xi32>
      tpu.vector_store_idx %arg9[%add3A_1136], %get3A_1122 {add = true} : memref<25200xf32, #tpu.memory_space<vmem>>[vector<16xi32>], vector<16xf32>,
      scf.yield %get3A_1133, %get3A_1135 : vector<16xi32>, vector<16xf32>
    }
    %scan3A_677 = arith.constant 1024 : i32
    %dma_wait3A_678 = tpu.memref_slice %arg3[%add3A_663] : memref<22020096xf32, #tpu.memory_space<hbm>> -> memref<16384xf32, #tpu.memory_space<hbm>>
    %dma_wait3A_679 = tpu.memref_slice %arg3[%add3A_663] : memref<22020096xf32, #tpu.memory_space<hbm>> -> memref<16384xf32, #tpu.memory_space<hbm>>
    tpu.wait_dma2 semaphore(%arg12 : memref<!tpu.dma_semaphore, #tpu.memory_space<semaphore_mem>>) src(%dma_wait3A_679 : memref<16384xf32, #tpu.memory_space<hbm>>) dst(%arg8 : memref<16384xf32, #tpu.memory_space<vmem>>)
    %mul3A_680 = arith.constant 21 : i32
    %mul3A_681 = arith.muli %select_n3A_560, %mul3A_680 : i32
    %add3A_682 = arith.constant 4 : i32
    %add3A_683 = arith.addi %mul3A_681, %add3A_682 : i32
    %mul3A_684 = arith.constant 262144 : i32
    %mul3A_685 = arith.muli %add3A_683, %mul3A_684 : i32
    %add3A_686 = arith.addi %mul3A_685, %mul3A_578 : i32
    %dma_start3A_687 = tpu.memref_slice %arg3[%add3A_686] : memref<22020096xf32, #tpu.memory_space<hbm>> -> memref<16384xf32, #tpu.memory_space<hbm>>
    %dma_start3A_688 = tpu.memref_slice %arg3[%add3A_686] : memref<22020096xf32, #tpu.memory_space<hbm>> -> memref<16384xf32, #tpu.memory_space<hbm>>
    tpu.enqueue_dma source(%dma_start3A_688 : memref<16384xf32, #tpu.memory_space<hbm>>) target(%arg7 : memref<16384xf32, #tpu.memory_space<vmem>>) target_semaphore(%arg11 : memref<!tpu.dma_semaphore, #tpu.memory_space<semaphore_mem>>)
    %broadcast_in_dim3A_689 = arith.constant 3600 : i32
    %broadcast_in_dim3A_690 = vector.broadcast %broadcast_in_dim3A_689 : i32 to vector<16xi32>
    %get3A_691 = arith.constant 0 : index
    %get3A_692 = tpu.vector_load %arg6[%get3A_691] {strides = array<i32>} : memref<16384xi32, #tpu.memory_space<vmem>>, vector<16xi32>,
    %get3A_693 = arith.constant 0 : index
    %get3A_694 = tpu.vector_load %arg8[%get3A_693] {strides = array<i32>} : memref<16384xf32, #tpu.memory_space<vmem>>, vector<16xf32>,
    %scan3A_695 = arith.constant 0 : i32
    %scan3A_696 = arith.constant 1024 : i32
    %scan3A_697 = arith.addi %scan3A_695, %scan3A_696 : i32
    %scan3A_698 = arith.constant 4 : i32
    %scan3A_699:2 = scf.for %scan3A_1085 = %scan3A_695 to %scan3A_697 step %scan3A_698 iter_args(%scan3A_1086 = %get3A_692, %scan3A_1087 = %get3A_694) -> (vector<16xi32>, vector<16xf32>)  : i32 {
      %add3A_1088 = arith.constant 1 : i32
      %add3A_1089 = arith.addi %scan3A_1085, %add3A_1088 : i32
      %min3A = arith.constant 1023 : i32
      %min3A_1090 = arith.minsi %add3A_1089, %min3A : i32
      %mul3A_1091 = arith.constant 16 : i32
      %mul3A_1092 = arith.muli %min3A_1090, %mul3A_1091 : i32
      %get3A_1093 = arith.index_cast %mul3A_1092 : i32 to index
      %get3A_1094 = tpu.vector_load %arg6[%get3A_1093] {strides = array<i32>} : memref<16384xi32, #tpu.memory_space<vmem>>, vector<16xi32>,
      %get3A_1095 = arith.index_cast %mul3A_1092 : i32 to index
      %get3A_1096 = tpu.vector_load %arg8[%get3A_1095] {strides = array<i32>} : memref<16384xf32, #tpu.memory_space<vmem>>, vector<16xf32>,
      %add3A_1097 = arith.addi %scan3A_1086, %broadcast_in_dim3A_690 : vector<16xi32>
      tpu.vector_store_idx %arg9[%add3A_1097], %scan3A_1087 {add = true} : memref<25200xf32, #tpu.memory_space<vmem>>[vector<16xi32>], vector<16xf32>,
      %scan3A_1098 = arith.constant 1 : i32
      %scan3A_1099 = arith.addi %scan3A_1085, %scan3A_1098 : i32
      %add3A_1100 = arith.constant 1 : i32
      %add3A_1101 = arith.addi %scan3A_1099, %add3A_1100 : i32
      %min3A_1102 = arith.constant 1023 : i32
      %min3A_1103 = arith.minsi %add3A_1101, %min3A_1102 : i32
      %mul3A_1104 = arith.constant 16 : i32
      %mul3A_1105 = arith.muli %min3A_1103, %mul3A_1104 : i32
      %get3A_1106 = arith.index_cast %mul3A_1105 : i32 to index
      %get3A_1107 = tpu.vector_load %arg6[%get3A_1106] {strides = array<i32>} : memref<16384xi32, #tpu.memory_space<vmem>>, vector<16xi32>,
      %get3A_1108 = arith.index_cast %mul3A_1105 : i32 to index
      %get3A_1109 = tpu.vector_load %arg8[%get3A_1108] {strides = array<i32>} : memref<16384xf32, #tpu.memory_space<vmem>>, vector<16xf32>,
      %add3A_1110 = arith.addi %get3A_1094, %broadcast_in_dim3A_690 : vector<16xi32>
      tpu.vector_store_idx %arg9[%add3A_1110], %get3A_1096 {add = true} : memref<25200xf32, #tpu.memory_space<vmem>>[vector<16xi32>], vector<16xf32>,
      %scan3A_1111 = arith.constant 2 : i32
      %scan3A_1112 = arith.addi %scan3A_1085, %scan3A_1111 : i32
      %add3A_1113 = arith.constant 1 : i32
      %add3A_1114 = arith.addi %scan3A_1112, %add3A_1113 : i32
      %min3A_1115 = arith.constant 1023 : i32
      %min3A_1116 = arith.minsi %add3A_1114, %min3A_1115 : i32
      %mul3A_1117 = arith.constant 16 : i32
      %mul3A_1118 = arith.muli %min3A_1116, %mul3A_1117 : i32
      %get3A_1119 = arith.index_cast %mul3A_1118 : i32 to index
      %get3A_1120 = tpu.vector_load %arg6[%get3A_1119] {strides = array<i32>} : memref<16384xi32, #tpu.memory_space<vmem>>, vector<16xi32>,
      %get3A_1121 = arith.index_cast %mul3A_1118 : i32 to index
      %get3A_1122 = tpu.vector_load %arg8[%get3A_1121] {strides = array<i32>} : memref<16384xf32, #tpu.memory_space<vmem>>, vector<16xf32>,
      %add3A_1123 = arith.addi %get3A_1107, %broadcast_in_dim3A_690 : vector<16xi32>
      tpu.vector_store_idx %arg9[%add3A_1123], %get3A_1109 {add = true} : memref<25200xf32, #tpu.memory_space<vmem>>[vector<16xi32>], vector<16xf32>,
      %scan3A_1124 = arith.constant 3 : i32
      %scan3A_1125 = arith.addi %scan3A_1085, %scan3A_1124 : i32
      %add3A_1126 = arith.constant 1 : i32
      %add3A_1127 = arith.addi %scan3A_1125, %add3A_1126 : i32
      %min3A_1128 = arith.constant 1023 : i32
      %min3A_1129 = arith.minsi %add3A_1127, %min3A_1128 : i32
      %mul3A_1130 = arith.constant 16 : i32
      %mul3A_1131 = arith.muli %min3A_1129, %mul3A_1130 : i32
      %get3A_1132 = arith.index_cast %mul3A_1131 : i32 to index
      %get3A_1133 = tpu.vector_load %arg6[%get3A_1132] {strides = array<i32>} : memref<16384xi32, #tpu.memory_space<vmem>>, vector<16xi32>,
      %get3A_1134 = arith.index_cast %mul3A_1131 : i32 to index
      %get3A_1135 = tpu.vector_load %arg8[%get3A_1134] {strides = array<i32>} : memref<16384xf32, #tpu.memory_space<vmem>>, vector<16xf32>,
      %add3A_1136 = arith.addi %get3A_1120, %broadcast_in_dim3A_690 : vector<16xi32>
      tpu.vector_store_idx %arg9[%add3A_1136], %get3A_1122 {add = true} : memref<25200xf32, #tpu.memory_space<vmem>>[vector<16xi32>], vector<16xf32>,
      scf.yield %get3A_1133, %get3A_1135 : vector<16xi32>, vector<16xf32>
    }
    %scan3A_700 = arith.constant 1024 : i32
    %dma_wait3A_701 = tpu.memref_slice %arg3[%add3A_686] : memref<22020096xf32, #tpu.memory_space<hbm>> -> memref<16384xf32, #tpu.memory_space<hbm>>
    %dma_wait3A_702 = tpu.memref_slice %arg3[%add3A_686] : memref<22020096xf32, #tpu.memory_space<hbm>> -> memref<16384xf32, #tpu.memory_space<hbm>>
    tpu.wait_dma2 semaphore(%arg11 : memref<!tpu.dma_semaphore, #tpu.memory_space<semaphore_mem>>) src(%dma_wait3A_702 : memref<16384xf32, #tpu.memory_space<hbm>>) dst(%arg7 : memref<16384xf32, #tpu.memory_space<vmem>>)
    %mul3A_703 = arith.constant 21 : i32
    %mul3A_704 = arith.muli %select_n3A_560, %mul3A_703 : i32
    %add3A_705 = arith.constant 5 : i32
    %add3A_706 = arith.addi %mul3A_704, %add3A_705 : i32
    %mul3A_707 = arith.constant 262144 : i32
    %mul3A_708 = arith.muli %add3A_706, %mul3A_707 : i32
    %add3A_709 = arith.addi %mul3A_708, %mul3A_578 : i32
    %dma_start3A_710 = tpu.memref_slice %arg3[%add3A_709] : memref<22020096xf32, #tpu.memory_space<hbm>> -> memref<16384xf32, #tpu.memory_space<hbm>>
    %dma_start3A_711 = tpu.memref_slice %arg3[%add3A_709] : memref<22020096xf32, #tpu.memory_space<hbm>> -> memref<16384xf32, #tpu.memory_space<hbm>>
    tpu.enqueue_dma source(%dma_start3A_711 : memref<16384xf32, #tpu.memory_space<hbm>>) target(%arg8 : memref<16384xf32, #tpu.memory_space<vmem>>) target_semaphore(%arg12 : memref<!tpu.dma_semaphore, #tpu.memory_space<semaphore_mem>>)
    %broadcast_in_dim3A_712 = arith.constant 4800 : i32
    %broadcast_in_dim3A_713 = vector.broadcast %broadcast_in_dim3A_712 : i32 to vector<16xi32>
    %get3A_714 = arith.constant 0 : index
    %get3A_715 = tpu.vector_load %arg6[%get3A_714] {strides = array<i32>} : memref<16384xi32, #tpu.memory_space<vmem>>, vector<16xi32>,
    %get3A_716 = arith.constant 0 : index
    %get3A_717 = tpu.vector_load %arg7[%get3A_716] {strides = array<i32>} : memref<16384xf32, #tpu.memory_space<vmem>>, vector<16xf32>,
    %scan3A_718 = arith.constant 0 : i32
    %scan3A_719 = arith.constant 1024 : i32
    %scan3A_720 = arith.addi %scan3A_718, %scan3A_719 : i32
    %scan3A_721 = arith.constant 4 : i32
    %scan3A_722:2 = scf.for %scan3A_1085 = %scan3A_718 to %scan3A_720 step %scan3A_721 iter_args(%scan3A_1086 = %get3A_715, %scan3A_1087 = %get3A_717) -> (vector<16xi32>, vector<16xf32>)  : i32 {
      %add3A_1088 = arith.constant 1 : i32
      %add3A_1089 = arith.addi %scan3A_1085, %add3A_1088 : i32
      %min3A = arith.constant 1023 : i32
      %min3A_1090 = arith.minsi %add3A_1089, %min3A : i32
      %mul3A_1091 = arith.constant 16 : i32
      %mul3A_1092 = arith.muli %min3A_1090, %mul3A_1091 : i32
      %get3A_1093 = arith.index_cast %mul3A_1092 : i32 to index
      %get3A_1094 = tpu.vector_load %arg6[%get3A_1093] {strides = array<i32>} : memref<16384xi32, #tpu.memory_space<vmem>>, vector<16xi32>,
      %get3A_1095 = arith.index_cast %mul3A_1092 : i32 to index
      %get3A_1096 = tpu.vector_load %arg7[%get3A_1095] {strides = array<i32>} : memref<16384xf32, #tpu.memory_space<vmem>>, vector<16xf32>,
      %add3A_1097 = arith.addi %scan3A_1086, %broadcast_in_dim3A_713 : vector<16xi32>
      tpu.vector_store_idx %arg9[%add3A_1097], %scan3A_1087 {add = true} : memref<25200xf32, #tpu.memory_space<vmem>>[vector<16xi32>], vector<16xf32>,
      %scan3A_1098 = arith.constant 1 : i32
      %scan3A_1099 = arith.addi %scan3A_1085, %scan3A_1098 : i32
      %add3A_1100 = arith.constant 1 : i32
      %add3A_1101 = arith.addi %scan3A_1099, %add3A_1100 : i32
      %min3A_1102 = arith.constant 1023 : i32
      %min3A_1103 = arith.minsi %add3A_1101, %min3A_1102 : i32
      %mul3A_1104 = arith.constant 16 : i32
      %mul3A_1105 = arith.muli %min3A_1103, %mul3A_1104 : i32
      %get3A_1106 = arith.index_cast %mul3A_1105 : i32 to index
      %get3A_1107 = tpu.vector_load %arg6[%get3A_1106] {strides = array<i32>} : memref<16384xi32, #tpu.memory_space<vmem>>, vector<16xi32>,
      %get3A_1108 = arith.index_cast %mul3A_1105 : i32 to index
      %get3A_1109 = tpu.vector_load %arg7[%get3A_1108] {strides = array<i32>} : memref<16384xf32, #tpu.memory_space<vmem>>, vector<16xf32>,
      %add3A_1110 = arith.addi %get3A_1094, %broadcast_in_dim3A_713 : vector<16xi32>
      tpu.vector_store_idx %arg9[%add3A_1110], %get3A_1096 {add = true} : memref<25200xf32, #tpu.memory_space<vmem>>[vector<16xi32>], vector<16xf32>,
      %scan3A_1111 = arith.constant 2 : i32
      %scan3A_1112 = arith.addi %scan3A_1085, %scan3A_1111 : i32
      %add3A_1113 = arith.constant 1 : i32
      %add3A_1114 = arith.addi %scan3A_1112, %add3A_1113 : i32
      %min3A_1115 = arith.constant 1023 : i32
      %min3A_1116 = arith.minsi %add3A_1114, %min3A_1115 : i32
      %mul3A_1117 = arith.constant 16 : i32
      %mul3A_1118 = arith.muli %min3A_1116, %mul3A_1117 : i32
      %get3A_1119 = arith.index_cast %mul3A_1118 : i32 to index
      %get3A_1120 = tpu.vector_load %arg6[%get3A_1119] {strides = array<i32>} : memref<16384xi32, #tpu.memory_space<vmem>>, vector<16xi32>,
      %get3A_1121 = arith.index_cast %mul3A_1118 : i32 to index
      %get3A_1122 = tpu.vector_load %arg7[%get3A_1121] {strides = array<i32>} : memref<16384xf32, #tpu.memory_space<vmem>>, vector<16xf32>,
      %add3A_1123 = arith.addi %get3A_1107, %broadcast_in_dim3A_713 : vector<16xi32>
      tpu.vector_store_idx %arg9[%add3A_1123], %get3A_1109 {add = true} : memref<25200xf32, #tpu.memory_space<vmem>>[vector<16xi32>], vector<16xf32>,
      %scan3A_1124 = arith.constant 3 : i32
      %scan3A_1125 = arith.addi %scan3A_1085, %scan3A_1124 : i32
      %add3A_1126 = arith.constant 1 : i32
      %add3A_1127 = arith.addi %scan3A_1125, %add3A_1126 : i32
      %min3A_1128 = arith.constant 1023 : i32
      %min3A_1129 = arith.minsi %add3A_1127, %min3A_1128 : i32
      %mul3A_1130 = arith.constant 16 : i32
      %mul3A_1131 = arith.muli %min3A_1129, %mul3A_1130 : i32
      %get3A_1132 = arith.index_cast %mul3A_1131 : i32 to index
      %get3A_1133 = tpu.vector_load %arg6[%get3A_1132] {strides = array<i32>} : memref<16384xi32, #tpu.memory_space<vmem>>, vector<16xi32>,
      %get3A_1134 = arith.index_cast %mul3A_1131 : i32 to index
      %get3A_1135 = tpu.vector_load %arg7[%get3A_1134] {strides = array<i32>} : memref<16384xf32, #tpu.memory_space<vmem>>, vector<16xf32>,
      %add3A_1136 = arith.addi %get3A_1120, %broadcast_in_dim3A_713 : vector<16xi32>
      tpu.vector_store_idx %arg9[%add3A_1136], %get3A_1122 {add = true} : memref<25200xf32, #tpu.memory_space<vmem>>[vector<16xi32>], vector<16xf32>,
      scf.yield %get3A_1133, %get3A_1135 : vector<16xi32>, vector<16xf32>
    }
    %scan3A_723 = arith.constant 1024 : i32
    %dma_wait3A_724 = tpu.memref_slice %arg3[%add3A_709] : memref<22020096xf32, #tpu.memory_space<hbm>> -> memref<16384xf32, #tpu.memory_space<hbm>>
    %dma_wait3A_725 = tpu.memref_slice %arg3[%add3A_709] : memref<22020096xf32, #tpu.memory_space<hbm>> -> memref<16384xf32, #tpu.memory_space<hbm>>
    tpu.wait_dma2 semaphore(%arg12 : memref<!tpu.dma_semaphore, #tpu.memory_space<semaphore_mem>>) src(%dma_wait3A_725 : memref<16384xf32, #tpu.memory_space<hbm>>) dst(%arg8 : memref<16384xf32, #tpu.memory_space<vmem>>)
    %mul3A_726 = arith.constant 21 : i32
    %mul3A_727 = arith.muli %select_n3A_560, %mul3A_726 : i32
    %add3A_728 = arith.constant 6 : i32
    %add3A_729 = arith.addi %mul3A_727, %add3A_728 : i32
    %mul3A_730 = arith.constant 262144 : i32
    %mul3A_731 = arith.muli %add3A_729, %mul3A_730 : i32
    %add3A_732 = arith.addi %mul3A_731, %mul3A_578 : i32
    %dma_start3A_733 = tpu.memref_slice %arg3[%add3A_732] : memref<22020096xf32, #tpu.memory_space<hbm>> -> memref<16384xf32, #tpu.memory_space<hbm>>
    %dma_start3A_734 = tpu.memref_slice %arg3[%add3A_732] : memref<22020096xf32, #tpu.memory_space<hbm>> -> memref<16384xf32, #tpu.memory_space<hbm>>
    tpu.enqueue_dma source(%dma_start3A_734 : memref<16384xf32, #tpu.memory_space<hbm>>) target(%arg7 : memref<16384xf32, #tpu.memory_space<vmem>>) target_semaphore(%arg11 : memref<!tpu.dma_semaphore, #tpu.memory_space<semaphore_mem>>)
    %broadcast_in_dim3A_735 = arith.constant 6000 : i32
    %broadcast_in_dim3A_736 = vector.broadcast %broadcast_in_dim3A_735 : i32 to vector<16xi32>
    %get3A_737 = arith.constant 0 : index
    %get3A_738 = tpu.vector_load %arg6[%get3A_737] {strides = array<i32>} : memref<16384xi32, #tpu.memory_space<vmem>>, vector<16xi32>,
    %get3A_739 = arith.constant 0 : index
    %get3A_740 = tpu.vector_load %arg8[%get3A_739] {strides = array<i32>} : memref<16384xf32, #tpu.memory_space<vmem>>, vector<16xf32>,
    %scan3A_741 = arith.constant 0 : i32
    %scan3A_742 = arith.constant 1024 : i32
    %scan3A_743 = arith.addi %scan3A_741, %scan3A_742 : i32
    %scan3A_744 = arith.constant 4 : i32
    %scan3A_745:2 = scf.for %scan3A_1085 = %scan3A_741 to %scan3A_743 step %scan3A_744 iter_args(%scan3A_1086 = %get3A_738, %scan3A_1087 = %get3A_740) -> (vector<16xi32>, vector<16xf32>)  : i32 {
      %add3A_1088 = arith.constant 1 : i32
      %add3A_1089 = arith.addi %scan3A_1085, %add3A_1088 : i32
      %min3A = arith.constant 1023 : i32
      %min3A_1090 = arith.minsi %add3A_1089, %min3A : i32
      %mul3A_1091 = arith.constant 16 : i32
      %mul3A_1092 = arith.muli %min3A_1090, %mul3A_1091 : i32
      %get3A_1093 = arith.index_cast %mul3A_1092 : i32 to index
      %get3A_1094 = tpu.vector_load %arg6[%get3A_1093] {strides = array<i32>} : memref<16384xi32, #tpu.memory_space<vmem>>, vector<16xi32>,
      %get3A_1095 = arith.index_cast %mul3A_1092 : i32 to index
      %get3A_1096 = tpu.vector_load %arg8[%get3A_1095] {strides = array<i32>} : memref<16384xf32, #tpu.memory_space<vmem>>, vector<16xf32>,
      %add3A_1097 = arith.addi %scan3A_1086, %broadcast_in_dim3A_736 : vector<16xi32>
      tpu.vector_store_idx %arg9[%add3A_1097], %scan3A_1087 {add = true} : memref<25200xf32, #tpu.memory_space<vmem>>[vector<16xi32>], vector<16xf32>,
      %scan3A_1098 = arith.constant 1 : i32
      %scan3A_1099 = arith.addi %scan3A_1085, %scan3A_1098 : i32
      %add3A_1100 = arith.constant 1 : i32
      %add3A_1101 = arith.addi %scan3A_1099, %add3A_1100 : i32
      %min3A_1102 = arith.constant 1023 : i32
      %min3A_1103 = arith.minsi %add3A_1101, %min3A_1102 : i32
      %mul3A_1104 = arith.constant 16 : i32
      %mul3A_1105 = arith.muli %min3A_1103, %mul3A_1104 : i32
      %get3A_1106 = arith.index_cast %mul3A_1105 : i32 to index
      %get3A_1107 = tpu.vector_load %arg6[%get3A_1106] {strides = array<i32>} : memref<16384xi32, #tpu.memory_space<vmem>>, vector<16xi32>,
      %get3A_1108 = arith.index_cast %mul3A_1105 : i32 to index
      %get3A_1109 = tpu.vector_load %arg8[%get3A_1108] {strides = array<i32>} : memref<16384xf32, #tpu.memory_space<vmem>>, vector<16xf32>,
      %add3A_1110 = arith.addi %get3A_1094, %broadcast_in_dim3A_736 : vector<16xi32>
      tpu.vector_store_idx %arg9[%add3A_1110], %get3A_1096 {add = true} : memref<25200xf32, #tpu.memory_space<vmem>>[vector<16xi32>], vector<16xf32>,
      %scan3A_1111 = arith.constant 2 : i32
      %scan3A_1112 = arith.addi %scan3A_1085, %scan3A_1111 : i32
      %add3A_1113 = arith.constant 1 : i32
      %add3A_1114 = arith.addi %scan3A_1112, %add3A_1113 : i32
      %min3A_1115 = arith.constant 1023 : i32
      %min3A_1116 = arith.minsi %add3A_1114, %min3A_1115 : i32
      %mul3A_1117 = arith.constant 16 : i32
      %mul3A_1118 = arith.muli %min3A_1116, %mul3A_1117 : i32
      %get3A_1119 = arith.index_cast %mul3A_1118 : i32 to index
      %get3A_1120 = tpu.vector_load %arg6[%get3A_1119] {strides = array<i32>} : memref<16384xi32, #tpu.memory_space<vmem>>, vector<16xi32>,
      %get3A_1121 = arith.index_cast %mul3A_1118 : i32 to index
      %get3A_1122 = tpu.vector_load %arg8[%get3A_1121] {strides = array<i32>} : memref<16384xf32, #tpu.memory_space<vmem>>, vector<16xf32>,
      %add3A_1123 = arith.addi %get3A_1107, %broadcast_in_dim3A_736 : vector<16xi32>
      tpu.vector_store_idx %arg9[%add3A_1123], %get3A_1109 {add = true} : memref<25200xf32, #tpu.memory_space<vmem>>[vector<16xi32>], vector<16xf32>,
      %scan3A_1124 = arith.constant 3 : i32
      %scan3A_1125 = arith.addi %scan3A_1085, %scan3A_1124 : i32
      %add3A_1126 = arith.constant 1 : i32
      %add3A_1127 = arith.addi %scan3A_1125, %add3A_1126 : i32
      %min3A_1128 = arith.constant 1023 : i32
      %min3A_1129 = arith.minsi %add3A_1127, %min3A_1128 : i32
      %mul3A_1130 = arith.constant 16 : i32
      %mul3A_1131 = arith.muli %min3A_1129, %mul3A_1130 : i32
      %get3A_1132 = arith.index_cast %mul3A_1131 : i32 to index
      %get3A_1133 = tpu.vector_load %arg6[%get3A_1132] {strides = array<i32>} : memref<16384xi32, #tpu.memory_space<vmem>>, vector<16xi32>,
      %get3A_1134 = arith.index_cast %mul3A_1131 : i32 to index
      %get3A_1135 = tpu.vector_load %arg8[%get3A_1134] {strides = array<i32>} : memref<16384xf32, #tpu.memory_space<vmem>>, vector<16xf32>,
      %add3A_1136 = arith.addi %get3A_1120, %broadcast_in_dim3A_736 : vector<16xi32>
      tpu.vector_store_idx %arg9[%add3A_1136], %get3A_1122 {add = true} : memref<25200xf32, #tpu.memory_space<vmem>>[vector<16xi32>], vector<16xf32>,
      scf.yield %get3A_1133, %get3A_1135 : vector<16xi32>, vector<16xf32>
    }
    %scan3A_746 = arith.constant 1024 : i32
    %dma_wait3A_747 = tpu.memref_slice %arg3[%add3A_732] : memref<22020096xf32, #tpu.memory_space<hbm>> -> memref<16384xf32, #tpu.memory_space<hbm>>
    %dma_wait3A_748 = tpu.memref_slice %arg3[%add3A_732] : memref<22020096xf32, #tpu.memory_space<hbm>> -> memref<16384xf32, #tpu.memory_space<hbm>>
    tpu.wait_dma2 semaphore(%arg11 : memref<!tpu.dma_semaphore, #tpu.memory_space<semaphore_mem>>) src(%dma_wait3A_748 : memref<16384xf32, #tpu.memory_space<hbm>>) dst(%arg7 : memref<16384xf32, #tpu.memory_space<vmem>>)
    %mul3A_749 = arith.constant 21 : i32
    %mul3A_750 = arith.muli %select_n3A_560, %mul3A_749 : i32
    %add3A_751 = arith.constant 7 : i32
    %add3A_752 = arith.addi %mul3A_750, %add3A_751 : i32
    %mul3A_753 = arith.constant 262144 : i32
    %mul3A_754 = arith.muli %add3A_752, %mul3A_753 : i32
    %add3A_755 = arith.addi %mul3A_754, %mul3A_578 : i32
    %dma_start3A_756 = tpu.memref_slice %arg3[%add3A_755] : memref<22020096xf32, #tpu.memory_space<hbm>> -> memref<16384xf32, #tpu.memory_space<hbm>>
    %dma_start3A_757 = tpu.memref_slice %arg3[%add3A_755] : memref<22020096xf32, #tpu.memory_space<hbm>> -> memref<16384xf32, #tpu.memory_space<hbm>>
    tpu.enqueue_dma source(%dma_start3A_757 : memref<16384xf32, #tpu.memory_space<hbm>>) target(%arg8 : memref<16384xf32, #tpu.memory_space<vmem>>) target_semaphore(%arg12 : memref<!tpu.dma_semaphore, #tpu.memory_space<semaphore_mem>>)
    %broadcast_in_dim3A_758 = arith.constant 7200 : i32
    %broadcast_in_dim3A_759 = vector.broadcast %broadcast_in_dim3A_758 : i32 to vector<16xi32>
    %get3A_760 = arith.constant 0 : index
    %get3A_761 = tpu.vector_load %arg6[%get3A_760] {strides = array<i32>} : memref<16384xi32, #tpu.memory_space<vmem>>, vector<16xi32>,
    %get3A_762 = arith.constant 0 : index
    %get3A_763 = tpu.vector_load %arg7[%get3A_762] {strides = array<i32>} : memref<16384xf32, #tpu.memory_space<vmem>>, vector<16xf32>,
    %scan3A_764 = arith.constant 0 : i32
    %scan3A_765 = arith.constant 1024 : i32
    %scan3A_766 = arith.addi %scan3A_764, %scan3A_765 : i32
    %scan3A_767 = arith.constant 4 : i32
    %scan3A_768:2 = scf.for %scan3A_1085 = %scan3A_764 to %scan3A_766 step %scan3A_767 iter_args(%scan3A_1086 = %get3A_761, %scan3A_1087 = %get3A_763) -> (vector<16xi32>, vector<16xf32>)  : i32 {
      %add3A_1088 = arith.constant 1 : i32
      %add3A_1089 = arith.addi %scan3A_1085, %add3A_1088 : i32
      %min3A = arith.constant 1023 : i32
      %min3A_1090 = arith.minsi %add3A_1089, %min3A : i32
      %mul3A_1091 = arith.constant 16 : i32
      %mul3A_1092 = arith.muli %min3A_1090, %mul3A_1091 : i32
      %get3A_1093 = arith.index_cast %mul3A_1092 : i32 to index
      %get3A_1094 = tpu.vector_load %arg6[%get3A_1093] {strides = array<i32>} : memref<16384xi32, #tpu.memory_space<vmem>>, vector<16xi32>,
      %get3A_1095 = arith.index_cast %mul3A_1092 : i32 to index
      %get3A_1096 = tpu.vector_load %arg7[%get3A_1095] {strides = array<i32>} : memref<16384xf32, #tpu.memory_space<vmem>>, vector<16xf32>,
      %add3A_1097 = arith.addi %scan3A_1086, %broadcast_in_dim3A_759 : vector<16xi32>
      tpu.vector_store_idx %arg9[%add3A_1097], %scan3A_1087 {add = true} : memref<25200xf32, #tpu.memory_space<vmem>>[vector<16xi32>], vector<16xf32>,
      %scan3A_1098 = arith.constant 1 : i32
      %scan3A_1099 = arith.addi %scan3A_1085, %scan3A_1098 : i32
      %add3A_1100 = arith.constant 1 : i32
      %add3A_1101 = arith.addi %scan3A_1099, %add3A_1100 : i32
      %min3A_1102 = arith.constant 1023 : i32
      %min3A_1103 = arith.minsi %add3A_1101, %min3A_1102 : i32
      %mul3A_1104 = arith.constant 16 : i32
      %mul3A_1105 = arith.muli %min3A_1103, %mul3A_1104 : i32
      %get3A_1106 = arith.index_cast %mul3A_1105 : i32 to index
      %get3A_1107 = tpu.vector_load %arg6[%get3A_1106] {strides = array<i32>} : memref<16384xi32, #tpu.memory_space<vmem>>, vector<16xi32>,
      %get3A_1108 = arith.index_cast %mul3A_1105 : i32 to index
      %get3A_1109 = tpu.vector_load %arg7[%get3A_1108] {strides = array<i32>} : memref<16384xf32, #tpu.memory_space<vmem>>, vector<16xf32>,
      %add3A_1110 = arith.addi %get3A_1094, %broadcast_in_dim3A_759 : vector<16xi32>
      tpu.vector_store_idx %arg9[%add3A_1110], %get3A_1096 {add = true} : memref<25200xf32, #tpu.memory_space<vmem>>[vector<16xi32>], vector<16xf32>,
      %scan3A_1111 = arith.constant 2 : i32
      %scan3A_1112 = arith.addi %scan3A_1085, %scan3A_1111 : i32
      %add3A_1113 = arith.constant 1 : i32
      %add3A_1114 = arith.addi %scan3A_1112, %add3A_1113 : i32
      %min3A_1115 = arith.constant 1023 : i32
      %min3A_1116 = arith.minsi %add3A_1114, %min3A_1115 : i32
      %mul3A_1117 = arith.constant 16 : i32
      %mul3A_1118 = arith.muli %min3A_1116, %mul3A_1117 : i32
      %get3A_1119 = arith.index_cast %mul3A_1118 : i32 to index
      %get3A_1120 = tpu.vector_load %arg6[%get3A_1119] {strides = array<i32>} : memref<16384xi32, #tpu.memory_space<vmem>>, vector<16xi32>,
      %get3A_1121 = arith.index_cast %mul3A_1118 : i32 to index
      %get3A_1122 = tpu.vector_load %arg7[%get3A_1121] {strides = array<i32>} : memref<16384xf32, #tpu.memory_space<vmem>>, vector<16xf32>,
      %add3A_1123 = arith.addi %get3A_1107, %broadcast_in_dim3A_759 : vector<16xi32>
      tpu.vector_store_idx %arg9[%add3A_1123], %get3A_1109 {add = true} : memref<25200xf32, #tpu.memory_space<vmem>>[vector<16xi32>], vector<16xf32>,
      %scan3A_1124 = arith.constant 3 : i32
      %scan3A_1125 = arith.addi %scan3A_1085, %scan3A_1124 : i32
      %add3A_1126 = arith.constant 1 : i32
      %add3A_1127 = arith.addi %scan3A_1125, %add3A_1126 : i32
      %min3A_1128 = arith.constant 1023 : i32
      %min3A_1129 = arith.minsi %add3A_1127, %min3A_1128 : i32
      %mul3A_1130 = arith.constant 16 : i32
      %mul3A_1131 = arith.muli %min3A_1129, %mul3A_1130 : i32
      %get3A_1132 = arith.index_cast %mul3A_1131 : i32 to index
      %get3A_1133 = tpu.vector_load %arg6[%get3A_1132] {strides = array<i32>} : memref<16384xi32, #tpu.memory_space<vmem>>, vector<16xi32>,
      %get3A_1134 = arith.index_cast %mul3A_1131 : i32 to index
      %get3A_1135 = tpu.vector_load %arg7[%get3A_1134] {strides = array<i32>} : memref<16384xf32, #tpu.memory_space<vmem>>, vector<16xf32>,
      %add3A_1136 = arith.addi %get3A_1120, %broadcast_in_dim3A_759 : vector<16xi32>
      tpu.vector_store_idx %arg9[%add3A_1136], %get3A_1122 {add = true} : memref<25200xf32, #tpu.memory_space<vmem>>[vector<16xi32>], vector<16xf32>,
      scf.yield %get3A_1133, %get3A_1135 : vector<16xi32>, vector<16xf32>
    }
    %scan3A_769 = arith.constant 1024 : i32
    %dma_wait3A_770 = tpu.memref_slice %arg3[%add3A_755] : memref<22020096xf32, #tpu.memory_space<hbm>> -> memref<16384xf32, #tpu.memory_space<hbm>>
    %dma_wait3A_771 = tpu.memref_slice %arg3[%add3A_755] : memref<22020096xf32, #tpu.memory_space<hbm>> -> memref<16384xf32, #tpu.memory_space<hbm>>
    tpu.wait_dma2 semaphore(%arg12 : memref<!tpu.dma_semaphore, #tpu.memory_space<semaphore_mem>>) src(%dma_wait3A_771 : memref<16384xf32, #tpu.memory_space<hbm>>) dst(%arg8 : memref<16384xf32, #tpu.memory_space<vmem>>)
    %mul3A_772 = arith.constant 21 : i32
    %mul3A_773 = arith.muli %select_n3A_560, %mul3A_772 : i32
    %add3A_774 = arith.constant 8 : i32
    %add3A_775 = arith.addi %mul3A_773, %add3A_774 : i32
    %mul3A_776 = arith.constant 262144 : i32
    %mul3A_777 = arith.muli %add3A_775, %mul3A_776 : i32
    %add3A_778 = arith.addi %mul3A_777, %mul3A_578 : i32
    %dma_start3A_779 = tpu.memref_slice %arg3[%add3A_778] : memref<22020096xf32, #tpu.memory_space<hbm>> -> memref<16384xf32, #tpu.memory_space<hbm>>
    %dma_start3A_780 = tpu.memref_slice %arg3[%add3A_778] : memref<22020096xf32, #tpu.memory_space<hbm>> -> memref<16384xf32, #tpu.memory_space<hbm>>
    tpu.enqueue_dma source(%dma_start3A_780 : memref<16384xf32, #tpu.memory_space<hbm>>) target(%arg7 : memref<16384xf32, #tpu.memory_space<vmem>>) target_semaphore(%arg11 : memref<!tpu.dma_semaphore, #tpu.memory_space<semaphore_mem>>)
    %broadcast_in_dim3A_781 = arith.constant 8400 : i32
    %broadcast_in_dim3A_782 = vector.broadcast %broadcast_in_dim3A_781 : i32 to vector<16xi32>
    %get3A_783 = arith.constant 0 : index
    %get3A_784 = tpu.vector_load %arg6[%get3A_783] {strides = array<i32>} : memref<16384xi32, #tpu.memory_space<vmem>>, vector<16xi32>,
    %get3A_785 = arith.constant 0 : index
    %get3A_786 = tpu.vector_load %arg8[%get3A_785] {strides = array<i32>} : memref<16384xf32, #tpu.memory_space<vmem>>, vector<16xf32>,
    %scan3A_787 = arith.constant 0 : i32
    %scan3A_788 = arith.constant 1024 : i32
    %scan3A_789 = arith.addi %scan3A_787, %scan3A_788 : i32
    %scan3A_790 = arith.constant 4 : i32
    %scan3A_791:2 = scf.for %scan3A_1085 = %scan3A_787 to %scan3A_789 step %scan3A_790 iter_args(%scan3A_1086 = %get3A_784, %scan3A_1087 = %get3A_786) -> (vector<16xi32>, vector<16xf32>)  : i32 {
      %add3A_1088 = arith.constant 1 : i32
      %add3A_1089 = arith.addi %scan3A_1085, %add3A_1088 : i32
      %min3A = arith.constant 1023 : i32
      %min3A_1090 = arith.minsi %add3A_1089, %min3A : i32
      %mul3A_1091 = arith.constant 16 : i32
      %mul3A_1092 = arith.muli %min3A_1090, %mul3A_1091 : i32
      %get3A_1093 = arith.index_cast %mul3A_1092 : i32 to index
      %get3A_1094 = tpu.vector_load %arg6[%get3A_1093] {strides = array<i32>} : memref<16384xi32, #tpu.memory_space<vmem>>, vector<16xi32>,
      %get3A_1095 = arith.index_cast %mul3A_1092 : i32 to index
      %get3A_1096 = tpu.vector_load %arg8[%get3A_1095] {strides = array<i32>} : memref<16384xf32, #tpu.memory_space<vmem>>, vector<16xf32>,
      %add3A_1097 = arith.addi %scan3A_1086, %broadcast_in_dim3A_782 : vector<16xi32>
      tpu.vector_store_idx %arg9[%add3A_1097], %scan3A_1087 {add = true} : memref<25200xf32, #tpu.memory_space<vmem>>[vector<16xi32>], vector<16xf32>,
      %scan3A_1098 = arith.constant 1 : i32
      %scan3A_1099 = arith.addi %scan3A_1085, %scan3A_1098 : i32
      %add3A_1100 = arith.constant 1 : i32
      %add3A_1101 = arith.addi %scan3A_1099, %add3A_1100 : i32
      %min3A_1102 = arith.constant 1023 : i32
      %min3A_1103 = arith.minsi %add3A_1101, %min3A_1102 : i32
      %mul3A_1104 = arith.constant 16 : i32
      %mul3A_1105 = arith.muli %min3A_1103, %mul3A_1104 : i32
      %get3A_1106 = arith.index_cast %mul3A_1105 : i32 to index
      %get3A_1107 = tpu.vector_load %arg6[%get3A_1106] {strides = array<i32>} : memref<16384xi32, #tpu.memory_space<vmem>>, vector<16xi32>,
      %get3A_1108 = arith.index_cast %mul3A_1105 : i32 to index
      %get3A_1109 = tpu.vector_load %arg8[%get3A_1108] {strides = array<i32>} : memref<16384xf32, #tpu.memory_space<vmem>>, vector<16xf32>,
      %add3A_1110 = arith.addi %get3A_1094, %broadcast_in_dim3A_782 : vector<16xi32>
      tpu.vector_store_idx %arg9[%add3A_1110], %get3A_1096 {add = true} : memref<25200xf32, #tpu.memory_space<vmem>>[vector<16xi32>], vector<16xf32>,
      %scan3A_1111 = arith.constant 2 : i32
      %scan3A_1112 = arith.addi %scan3A_1085, %scan3A_1111 : i32
      %add3A_1113 = arith.constant 1 : i32
      %add3A_1114 = arith.addi %scan3A_1112, %add3A_1113 : i32
      %min3A_1115 = arith.constant 1023 : i32
      %min3A_1116 = arith.minsi %add3A_1114, %min3A_1115 : i32
      %mul3A_1117 = arith.constant 16 : i32
      %mul3A_1118 = arith.muli %min3A_1116, %mul3A_1117 : i32
      %get3A_1119 = arith.index_cast %mul3A_1118 : i32 to index
      %get3A_1120 = tpu.vector_load %arg6[%get3A_1119] {strides = array<i32>} : memref<16384xi32, #tpu.memory_space<vmem>>, vector<16xi32>,
      %get3A_1121 = arith.index_cast %mul3A_1118 : i32 to index
      %get3A_1122 = tpu.vector_load %arg8[%get3A_1121] {strides = array<i32>} : memref<16384xf32, #tpu.memory_space<vmem>>, vector<16xf32>,
      %add3A_1123 = arith.addi %get3A_1107, %broadcast_in_dim3A_782 : vector<16xi32>
      tpu.vector_store_idx %arg9[%add3A_1123], %get3A_1109 {add = true} : memref<25200xf32, #tpu.memory_space<vmem>>[vector<16xi32>], vector<16xf32>,
      %scan3A_1124 = arith.constant 3 : i32
      %scan3A_1125 = arith.addi %scan3A_1085, %scan3A_1124 : i32
      %add3A_1126 = arith.constant 1 : i32
      %add3A_1127 = arith.addi %scan3A_1125, %add3A_1126 : i32
      %min3A_1128 = arith.constant 1023 : i32
      %min3A_1129 = arith.minsi %add3A_1127, %min3A_1128 : i32
      %mul3A_1130 = arith.constant 16 : i32
      %mul3A_1131 = arith.muli %min3A_1129, %mul3A_1130 : i32
      %get3A_1132 = arith.index_cast %mul3A_1131 : i32 to index
      %get3A_1133 = tpu.vector_load %arg6[%get3A_1132] {strides = array<i32>} : memref<16384xi32, #tpu.memory_space<vmem>>, vector<16xi32>,
      %get3A_1134 = arith.index_cast %mul3A_1131 : i32 to index
      %get3A_1135 = tpu.vector_load %arg8[%get3A_1134] {strides = array<i32>} : memref<16384xf32, #tpu.memory_space<vmem>>, vector<16xf32>,
      %add3A_1136 = arith.addi %get3A_1120, %broadcast_in_dim3A_782 : vector<16xi32>
      tpu.vector_store_idx %arg9[%add3A_1136], %get3A_1122 {add = true} : memref<25200xf32, #tpu.memory_space<vmem>>[vector<16xi32>], vector<16xf32>,
      scf.yield %get3A_1133, %get3A_1135 : vector<16xi32>, vector<16xf32>
    }
    %scan3A_792 = arith.constant 1024 : i32
    %dma_wait3A_793 = tpu.memref_slice %arg3[%add3A_778] : memref<22020096xf32, #tpu.memory_space<hbm>> -> memref<16384xf32, #tpu.memory_space<hbm>>
    %dma_wait3A_794 = tpu.memref_slice %arg3[%add3A_778] : memref<22020096xf32, #tpu.memory_space<hbm>> -> memref<16384xf32, #tpu.memory_space<hbm>>
    tpu.wait_dma2 semaphore(%arg11 : memref<!tpu.dma_semaphore, #tpu.memory_space<semaphore_mem>>) src(%dma_wait3A_794 : memref<16384xf32, #tpu.memory_space<hbm>>) dst(%arg7 : memref<16384xf32, #tpu.memory_space<vmem>>)
    %mul3A_795 = arith.constant 21 : i32
    %mul3A_796 = arith.muli %select_n3A_560, %mul3A_795 : i32
    %add3A_797 = arith.constant 9 : i32
    %add3A_798 = arith.addi %mul3A_796, %add3A_797 : i32
    %mul3A_799 = arith.constant 262144 : i32
    %mul3A_800 = arith.muli %add3A_798, %mul3A_799 : i32
    %add3A_801 = arith.addi %mul3A_800, %mul3A_578 : i32
    %dma_start3A_802 = tpu.memref_slice %arg3[%add3A_801] : memref<22020096xf32, #tpu.memory_space<hbm>> -> memref<16384xf32, #tpu.memory_space<hbm>>
    %dma_start3A_803 = tpu.memref_slice %arg3[%add3A_801] : memref<22020096xf32, #tpu.memory_space<hbm>> -> memref<16384xf32, #tpu.memory_space<hbm>>
    tpu.enqueue_dma source(%dma_start3A_803 : memref<16384xf32, #tpu.memory_space<hbm>>) target(%arg8 : memref<16384xf32, #tpu.memory_space<vmem>>) target_semaphore(%arg12 : memref<!tpu.dma_semaphore, #tpu.memory_space<semaphore_mem>>)
    %broadcast_in_dim3A_804 = arith.constant 9600 : i32
    %broadcast_in_dim3A_805 = vector.broadcast %broadcast_in_dim3A_804 : i32 to vector<16xi32>
    %get3A_806 = arith.constant 0 : index
    %get3A_807 = tpu.vector_load %arg6[%get3A_806] {strides = array<i32>} : memref<16384xi32, #tpu.memory_space<vmem>>, vector<16xi32>,
    %get3A_808 = arith.constant 0 : index
    %get3A_809 = tpu.vector_load %arg7[%get3A_808] {strides = array<i32>} : memref<16384xf32, #tpu.memory_space<vmem>>, vector<16xf32>,
    %scan3A_810 = arith.constant 0 : i32
    %scan3A_811 = arith.constant 1024 : i32
    %scan3A_812 = arith.addi %scan3A_810, %scan3A_811 : i32
    %scan3A_813 = arith.constant 4 : i32
    %scan3A_814:2 = scf.for %scan3A_1085 = %scan3A_810 to %scan3A_812 step %scan3A_813 iter_args(%scan3A_1086 = %get3A_807, %scan3A_1087 = %get3A_809) -> (vector<16xi32>, vector<16xf32>)  : i32 {
      %add3A_1088 = arith.constant 1 : i32
      %add3A_1089 = arith.addi %scan3A_1085, %add3A_1088 : i32
      %min3A = arith.constant 1023 : i32
      %min3A_1090 = arith.minsi %add3A_1089, %min3A : i32
      %mul3A_1091 = arith.constant 16 : i32
      %mul3A_1092 = arith.muli %min3A_1090, %mul3A_1091 : i32
      %get3A_1093 = arith.index_cast %mul3A_1092 : i32 to index
      %get3A_1094 = tpu.vector_load %arg6[%get3A_1093] {strides = array<i32>} : memref<16384xi32, #tpu.memory_space<vmem>>, vector<16xi32>,
      %get3A_1095 = arith.index_cast %mul3A_1092 : i32 to index
      %get3A_1096 = tpu.vector_load %arg7[%get3A_1095] {strides = array<i32>} : memref<16384xf32, #tpu.memory_space<vmem>>, vector<16xf32>,
      %add3A_1097 = arith.addi %scan3A_1086, %broadcast_in_dim3A_805 : vector<16xi32>
      tpu.vector_store_idx %arg9[%add3A_1097], %scan3A_1087 {add = true} : memref<25200xf32, #tpu.memory_space<vmem>>[vector<16xi32>], vector<16xf32>,
      %scan3A_1098 = arith.constant 1 : i32
      %scan3A_1099 = arith.addi %scan3A_1085, %scan3A_1098 : i32
      %add3A_1100 = arith.constant 1 : i32
      %add3A_1101 = arith.addi %scan3A_1099, %add3A_1100 : i32
      %min3A_1102 = arith.constant 1023 : i32
      %min3A_1103 = arith.minsi %add3A_1101, %min3A_1102 : i32
      %mul3A_1104 = arith.constant 16 : i32
      %mul3A_1105 = arith.muli %min3A_1103, %mul3A_1104 : i32
      %get3A_1106 = arith.index_cast %mul3A_1105 : i32 to index
      %get3A_1107 = tpu.vector_load %arg6[%get3A_1106] {strides = array<i32>} : memref<16384xi32, #tpu.memory_space<vmem>>, vector<16xi32>,
      %get3A_1108 = arith.index_cast %mul3A_1105 : i32 to index
      %get3A_1109 = tpu.vector_load %arg7[%get3A_1108] {strides = array<i32>} : memref<16384xf32, #tpu.memory_space<vmem>>, vector<16xf32>,
      %add3A_1110 = arith.addi %get3A_1094, %broadcast_in_dim3A_805 : vector<16xi32>
      tpu.vector_store_idx %arg9[%add3A_1110], %get3A_1096 {add = true} : memref<25200xf32, #tpu.memory_space<vmem>>[vector<16xi32>], vector<16xf32>,
      %scan3A_1111 = arith.constant 2 : i32
      %scan3A_1112 = arith.addi %scan3A_1085, %scan3A_1111 : i32
      %add3A_1113 = arith.constant 1 : i32
      %add3A_1114 = arith.addi %scan3A_1112, %add3A_1113 : i32
      %min3A_1115 = arith.constant 1023 : i32
      %min3A_1116 = arith.minsi %add3A_1114, %min3A_1115 : i32
      %mul3A_1117 = arith.constant 16 : i32
      %mul3A_1118 = arith.muli %min3A_1116, %mul3A_1117 : i32
      %get3A_1119 = arith.index_cast %mul3A_1118 : i32 to index
      %get3A_1120 = tpu.vector_load %arg6[%get3A_1119] {strides = array<i32>} : memref<16384xi32, #tpu.memory_space<vmem>>, vector<16xi32>,
      %get3A_1121 = arith.index_cast %mul3A_1118 : i32 to index
      %get3A_1122 = tpu.vector_load %arg7[%get3A_1121] {strides = array<i32>} : memref<16384xf32, #tpu.memory_space<vmem>>, vector<16xf32>,
      %add3A_1123 = arith.addi %get3A_1107, %broadcast_in_dim3A_805 : vector<16xi32>
      tpu.vector_store_idx %arg9[%add3A_1123], %get3A_1109 {add = true} : memref<25200xf32, #tpu.memory_space<vmem>>[vector<16xi32>], vector<16xf32>,
      %scan3A_1124 = arith.constant 3 : i32
      %scan3A_1125 = arith.addi %scan3A_1085, %scan3A_1124 : i32
      %add3A_1126 = arith.constant 1 : i32
      %add3A_1127 = arith.addi %scan3A_1125, %add3A_1126 : i32
      %min3A_1128 = arith.constant 1023 : i32
      %min3A_1129 = arith.minsi %add3A_1127, %min3A_1128 : i32
      %mul3A_1130 = arith.constant 16 : i32
      %mul3A_1131 = arith.muli %min3A_1129, %mul3A_1130 : i32
      %get3A_1132 = arith.index_cast %mul3A_1131 : i32 to index
      %get3A_1133 = tpu.vector_load %arg6[%get3A_1132] {strides = array<i32>} : memref<16384xi32, #tpu.memory_space<vmem>>, vector<16xi32>,
      %get3A_1134 = arith.index_cast %mul3A_1131 : i32 to index
      %get3A_1135 = tpu.vector_load %arg7[%get3A_1134] {strides = array<i32>} : memref<16384xf32, #tpu.memory_space<vmem>>, vector<16xf32>,
      %add3A_1136 = arith.addi %get3A_1120, %broadcast_in_dim3A_805 : vector<16xi32>
      tpu.vector_store_idx %arg9[%add3A_1136], %get3A_1122 {add = true} : memref<25200xf32, #tpu.memory_space<vmem>>[vector<16xi32>], vector<16xf32>,
      scf.yield %get3A_1133, %get3A_1135 : vector<16xi32>, vector<16xf32>
    }
    %scan3A_815 = arith.constant 1024 : i32
    %dma_wait3A_816 = tpu.memref_slice %arg3[%add3A_801] : memref<22020096xf32, #tpu.memory_space<hbm>> -> memref<16384xf32, #tpu.memory_space<hbm>>
    %dma_wait3A_817 = tpu.memref_slice %arg3[%add3A_801] : memref<22020096xf32, #tpu.memory_space<hbm>> -> memref<16384xf32, #tpu.memory_space<hbm>>
    tpu.wait_dma2 semaphore(%arg12 : memref<!tpu.dma_semaphore, #tpu.memory_space<semaphore_mem>>) src(%dma_wait3A_817 : memref<16384xf32, #tpu.memory_space<hbm>>) dst(%arg8 : memref<16384xf32, #tpu.memory_space<vmem>>)
    %mul3A_818 = arith.constant 21 : i32
    %mul3A_819 = arith.muli %select_n3A_560, %mul3A_818 : i32
    %add3A_820 = arith.constant 10 : i32
    %add3A_821 = arith.addi %mul3A_819, %add3A_820 : i32
    %mul3A_822 = arith.constant 262144 : i32
    %mul3A_823 = arith.muli %add3A_821, %mul3A_822 : i32
    %add3A_824 = arith.addi %mul3A_823, %mul3A_578 : i32
    %dma_start3A_825 = tpu.memref_slice %arg3[%add3A_824] : memref<22020096xf32, #tpu.memory_space<hbm>> -> memref<16384xf32, #tpu.memory_space<hbm>>
    %dma_start3A_826 = tpu.memref_slice %arg3[%add3A_824] : memref<22020096xf32, #tpu.memory_space<hbm>> -> memref<16384xf32, #tpu.memory_space<hbm>>
    tpu.enqueue_dma source(%dma_start3A_826 : memref<16384xf32, #tpu.memory_space<hbm>>) target(%arg7 : memref<16384xf32, #tpu.memory_space<vmem>>) target_semaphore(%arg11 : memref<!tpu.dma_semaphore, #tpu.memory_space<semaphore_mem>>)
    %broadcast_in_dim3A_827 = arith.constant 10800 : i32
    %broadcast_in_dim3A_828 = vector.broadcast %broadcast_in_dim3A_827 : i32 to vector<16xi32>
    %get3A_829 = arith.constant 0 : index
    %get3A_830 = tpu.vector_load %arg6[%get3A_829] {strides = array<i32>} : memref<16384xi32, #tpu.memory_space<vmem>>, vector<16xi32>,
    %get3A_831 = arith.constant 0 : index
    %get3A_832 = tpu.vector_load %arg8[%get3A_831] {strides = array<i32>} : memref<16384xf32, #tpu.memory_space<vmem>>, vector<16xf32>,
    %scan3A_833 = arith.constant 0 : i32
    %scan3A_834 = arith.constant 1024 : i32
    %scan3A_835 = arith.addi %scan3A_833, %scan3A_834 : i32
    %scan3A_836 = arith.constant 4 : i32
    %scan3A_837:2 = scf.for %scan3A_1085 = %scan3A_833 to %scan3A_835 step %scan3A_836 iter_args(%scan3A_1086 = %get3A_830, %scan3A_1087 = %get3A_832) -> (vector<16xi32>, vector<16xf32>)  : i32 {
      %add3A_1088 = arith.constant 1 : i32
      %add3A_1089 = arith.addi %scan3A_1085, %add3A_1088 : i32
      %min3A = arith.constant 1023 : i32
      %min3A_1090 = arith.minsi %add3A_1089, %min3A : i32
      %mul3A_1091 = arith.constant 16 : i32
      %mul3A_1092 = arith.muli %min3A_1090, %mul3A_1091 : i32
      %get3A_1093 = arith.index_cast %mul3A_1092 : i32 to index
      %get3A_1094 = tpu.vector_load %arg6[%get3A_1093] {strides = array<i32>} : memref<16384xi32, #tpu.memory_space<vmem>>, vector<16xi32>,
      %get3A_1095 = arith.index_cast %mul3A_1092 : i32 to index
      %get3A_1096 = tpu.vector_load %arg8[%get3A_1095] {strides = array<i32>} : memref<16384xf32, #tpu.memory_space<vmem>>, vector<16xf32>,
      %add3A_1097 = arith.addi %scan3A_1086, %broadcast_in_dim3A_828 : vector<16xi32>
      tpu.vector_store_idx %arg9[%add3A_1097], %scan3A_1087 {add = true} : memref<25200xf32, #tpu.memory_space<vmem>>[vector<16xi32>], vector<16xf32>,
      %scan3A_1098 = arith.constant 1 : i32
      %scan3A_1099 = arith.addi %scan3A_1085, %scan3A_1098 : i32
      %add3A_1100 = arith.constant 1 : i32
      %add3A_1101 = arith.addi %scan3A_1099, %add3A_1100 : i32
      %min3A_1102 = arith.constant 1023 : i32
      %min3A_1103 = arith.minsi %add3A_1101, %min3A_1102 : i32
      %mul3A_1104 = arith.constant 16 : i32
      %mul3A_1105 = arith.muli %min3A_1103, %mul3A_1104 : i32
      %get3A_1106 = arith.index_cast %mul3A_1105 : i32 to index
      %get3A_1107 = tpu.vector_load %arg6[%get3A_1106] {strides = array<i32>} : memref<16384xi32, #tpu.memory_space<vmem>>, vector<16xi32>,
      %get3A_1108 = arith.index_cast %mul3A_1105 : i32 to index
      %get3A_1109 = tpu.vector_load %arg8[%get3A_1108] {strides = array<i32>} : memref<16384xf32, #tpu.memory_space<vmem>>, vector<16xf32>,
      %add3A_1110 = arith.addi %get3A_1094, %broadcast_in_dim3A_828 : vector<16xi32>
      tpu.vector_store_idx %arg9[%add3A_1110], %get3A_1096 {add = true} : memref<25200xf32, #tpu.memory_space<vmem>>[vector<16xi32>], vector<16xf32>,
      %scan3A_1111 = arith.constant 2 : i32
      %scan3A_1112 = arith.addi %scan3A_1085, %scan3A_1111 : i32
      %add3A_1113 = arith.constant 1 : i32
      %add3A_1114 = arith.addi %scan3A_1112, %add3A_1113 : i32
      %min3A_1115 = arith.constant 1023 : i32
      %min3A_1116 = arith.minsi %add3A_1114, %min3A_1115 : i32
      %mul3A_1117 = arith.constant 16 : i32
      %mul3A_1118 = arith.muli %min3A_1116, %mul3A_1117 : i32
      %get3A_1119 = arith.index_cast %mul3A_1118 : i32 to index
      %get3A_1120 = tpu.vector_load %arg6[%get3A_1119] {strides = array<i32>} : memref<16384xi32, #tpu.memory_space<vmem>>, vector<16xi32>,
      %get3A_1121 = arith.index_cast %mul3A_1118 : i32 to index
      %get3A_1122 = tpu.vector_load %arg8[%get3A_1121] {strides = array<i32>} : memref<16384xf32, #tpu.memory_space<vmem>>, vector<16xf32>,
      %add3A_1123 = arith.addi %get3A_1107, %broadcast_in_dim3A_828 : vector<16xi32>
      tpu.vector_store_idx %arg9[%add3A_1123], %get3A_1109 {add = true} : memref<25200xf32, #tpu.memory_space<vmem>>[vector<16xi32>], vector<16xf32>,
      %scan3A_1124 = arith.constant 3 : i32
      %scan3A_1125 = arith.addi %scan3A_1085, %scan3A_1124 : i32
      %add3A_1126 = arith.constant 1 : i32
      %add3A_1127 = arith.addi %scan3A_1125, %add3A_1126 : i32
      %min3A_1128 = arith.constant 1023 : i32
      %min3A_1129 = arith.minsi %add3A_1127, %min3A_1128 : i32
      %mul3A_1130 = arith.constant 16 : i32
      %mul3A_1131 = arith.muli %min3A_1129, %mul3A_1130 : i32
      %get3A_1132 = arith.index_cast %mul3A_1131 : i32 to index
      %get3A_1133 = tpu.vector_load %arg6[%get3A_1132] {strides = array<i32>} : memref<16384xi32, #tpu.memory_space<vmem>>, vector<16xi32>,
      %get3A_1134 = arith.index_cast %mul3A_1131 : i32 to index
      %get3A_1135 = tpu.vector_load %arg8[%get3A_1134] {strides = array<i32>} : memref<16384xf32, #tpu.memory_space<vmem>>, vector<16xf32>,
      %add3A_1136 = arith.addi %get3A_1120, %broadcast_in_dim3A_828 : vector<16xi32>
      tpu.vector_store_idx %arg9[%add3A_1136], %get3A_1122 {add = true} : memref<25200xf32, #tpu.memory_space<vmem>>[vector<16xi32>], vector<16xf32>,
      scf.yield %get3A_1133, %get3A_1135 : vector<16xi32>, vector<16xf32>
    }
    %scan3A_838 = arith.constant 1024 : i32
    %dma_wait3A_839 = tpu.memref_slice %arg3[%add3A_824] : memref<22020096xf32, #tpu.memory_space<hbm>> -> memref<16384xf32, #tpu.memory_space<hbm>>
    %dma_wait3A_840 = tpu.memref_slice %arg3[%add3A_824] : memref<22020096xf32, #tpu.memory_space<hbm>> -> memref<16384xf32, #tpu.memory_space<hbm>>
    tpu.wait_dma2 semaphore(%arg11 : memref<!tpu.dma_semaphore, #tpu.memory_space<semaphore_mem>>) src(%dma_wait3A_840 : memref<16384xf32, #tpu.memory_space<hbm>>) dst(%arg7 : memref<16384xf32, #tpu.memory_space<vmem>>)
    %mul3A_841 = arith.constant 21 : i32
    %mul3A_842 = arith.muli %select_n3A_560, %mul3A_841 : i32
    %add3A_843 = arith.constant 11 : i32
    %add3A_844 = arith.addi %mul3A_842, %add3A_843 : i32
    %mul3A_845 = arith.constant 262144 : i32
    %mul3A_846 = arith.muli %add3A_844, %mul3A_845 : i32
    %add3A_847 = arith.addi %mul3A_846, %mul3A_578 : i32
    %dma_start3A_848 = tpu.memref_slice %arg3[%add3A_847] : memref<22020096xf32, #tpu.memory_space<hbm>> -> memref<16384xf32, #tpu.memory_space<hbm>>
    %dma_start3A_849 = tpu.memref_slice %arg3[%add3A_847] : memref<22020096xf32, #tpu.memory_space<hbm>> -> memref<16384xf32, #tpu.memory_space<hbm>>
    tpu.enqueue_dma source(%dma_start3A_849 : memref<16384xf32, #tpu.memory_space<hbm>>) target(%arg8 : memref<16384xf32, #tpu.memory_space<vmem>>) target_semaphore(%arg12 : memref<!tpu.dma_semaphore, #tpu.memory_space<semaphore_mem>>)
    %broadcast_in_dim3A_850 = arith.constant 12000 : i32
    %broadcast_in_dim3A_851 = vector.broadcast %broadcast_in_dim3A_850 : i32 to vector<16xi32>
    %get3A_852 = arith.constant 0 : index
    %get3A_853 = tpu.vector_load %arg6[%get3A_852] {strides = array<i32>} : memref<16384xi32, #tpu.memory_space<vmem>>, vector<16xi32>,
    %get3A_854 = arith.constant 0 : index
    %get3A_855 = tpu.vector_load %arg7[%get3A_854] {strides = array<i32>} : memref<16384xf32, #tpu.memory_space<vmem>>, vector<16xf32>,
    %scan3A_856 = arith.constant 0 : i32
    %scan3A_857 = arith.constant 1024 : i32
    %scan3A_858 = arith.addi %scan3A_856, %scan3A_857 : i32
    %scan3A_859 = arith.constant 4 : i32
    %scan3A_860:2 = scf.for %scan3A_1085 = %scan3A_856 to %scan3A_858 step %scan3A_859 iter_args(%scan3A_1086 = %get3A_853, %scan3A_1087 = %get3A_855) -> (vector<16xi32>, vector<16xf32>)  : i32 {
      %add3A_1088 = arith.constant 1 : i32
      %add3A_1089 = arith.addi %scan3A_1085, %add3A_1088 : i32
      %min3A = arith.constant 1023 : i32
      %min3A_1090 = arith.minsi %add3A_1089, %min3A : i32
      %mul3A_1091 = arith.constant 16 : i32
      %mul3A_1092 = arith.muli %min3A_1090, %mul3A_1091 : i32
      %get3A_1093 = arith.index_cast %mul3A_1092 : i32 to index
      %get3A_1094 = tpu.vector_load %arg6[%get3A_1093] {strides = array<i32>} : memref<16384xi32, #tpu.memory_space<vmem>>, vector<16xi32>,
      %get3A_1095 = arith.index_cast %mul3A_1092 : i32 to index
      %get3A_1096 = tpu.vector_load %arg7[%get3A_1095] {strides = array<i32>} : memref<16384xf32, #tpu.memory_space<vmem>>, vector<16xf32>,
      %add3A_1097 = arith.addi %scan3A_1086, %broadcast_in_dim3A_851 : vector<16xi32>
      tpu.vector_store_idx %arg9[%add3A_1097], %scan3A_1087 {add = true} : memref<25200xf32, #tpu.memory_space<vmem>>[vector<16xi32>], vector<16xf32>,
      %scan3A_1098 = arith.constant 1 : i32
      %scan3A_1099 = arith.addi %scan3A_1085, %scan3A_1098 : i32
      %add3A_1100 = arith.constant 1 : i32
      %add3A_1101 = arith.addi %scan3A_1099, %add3A_1100 : i32
      %min3A_1102 = arith.constant 1023 : i32
      %min3A_1103 = arith.minsi %add3A_1101, %min3A_1102 : i32
      %mul3A_1104 = arith.constant 16 : i32
      %mul3A_1105 = arith.muli %min3A_1103, %mul3A_1104 : i32
      %get3A_1106 = arith.index_cast %mul3A_1105 : i32 to index
      %get3A_1107 = tpu.vector_load %arg6[%get3A_1106] {strides = array<i32>} : memref<16384xi32, #tpu.memory_space<vmem>>, vector<16xi32>,
      %get3A_1108 = arith.index_cast %mul3A_1105 : i32 to index
      %get3A_1109 = tpu.vector_load %arg7[%get3A_1108] {strides = array<i32>} : memref<16384xf32, #tpu.memory_space<vmem>>, vector<16xf32>,
      %add3A_1110 = arith.addi %get3A_1094, %broadcast_in_dim3A_851 : vector<16xi32>
      tpu.vector_store_idx %arg9[%add3A_1110], %get3A_1096 {add = true} : memref<25200xf32, #tpu.memory_space<vmem>>[vector<16xi32>], vector<16xf32>,
      %scan3A_1111 = arith.constant 2 : i32
      %scan3A_1112 = arith.addi %scan3A_1085, %scan3A_1111 : i32
      %add3A_1113 = arith.constant 1 : i32
      %add3A_1114 = arith.addi %scan3A_1112, %add3A_1113 : i32
      %min3A_1115 = arith.constant 1023 : i32
      %min3A_1116 = arith.minsi %add3A_1114, %min3A_1115 : i32
      %mul3A_1117 = arith.constant 16 : i32
      %mul3A_1118 = arith.muli %min3A_1116, %mul3A_1117 : i32
      %get3A_1119 = arith.index_cast %mul3A_1118 : i32 to index
      %get3A_1120 = tpu.vector_load %arg6[%get3A_1119] {strides = array<i32>} : memref<16384xi32, #tpu.memory_space<vmem>>, vector<16xi32>,
      %get3A_1121 = arith.index_cast %mul3A_1118 : i32 to index
      %get3A_1122 = tpu.vector_load %arg7[%get3A_1121] {strides = array<i32>} : memref<16384xf32, #tpu.memory_space<vmem>>, vector<16xf32>,
      %add3A_1123 = arith.addi %get3A_1107, %broadcast_in_dim3A_851 : vector<16xi32>
      tpu.vector_store_idx %arg9[%add3A_1123], %get3A_1109 {add = true} : memref<25200xf32, #tpu.memory_space<vmem>>[vector<16xi32>], vector<16xf32>,
      %scan3A_1124 = arith.constant 3 : i32
      %scan3A_1125 = arith.addi %scan3A_1085, %scan3A_1124 : i32
      %add3A_1126 = arith.constant 1 : i32
      %add3A_1127 = arith.addi %scan3A_1125, %add3A_1126 : i32
      %min3A_1128 = arith.constant 1023 : i32
      %min3A_1129 = arith.minsi %add3A_1127, %min3A_1128 : i32
      %mul3A_1130 = arith.constant 16 : i32
      %mul3A_1131 = arith.muli %min3A_1129, %mul3A_1130 : i32
      %get3A_1132 = arith.index_cast %mul3A_1131 : i32 to index
      %get3A_1133 = tpu.vector_load %arg6[%get3A_1132] {strides = array<i32>} : memref<16384xi32, #tpu.memory_space<vmem>>, vector<16xi32>,
      %get3A_1134 = arith.index_cast %mul3A_1131 : i32 to index
      %get3A_1135 = tpu.vector_load %arg7[%get3A_1134] {strides = array<i32>} : memref<16384xf32, #tpu.memory_space<vmem>>, vector<16xf32>,
      %add3A_1136 = arith.addi %get3A_1120, %broadcast_in_dim3A_851 : vector<16xi32>
      tpu.vector_store_idx %arg9[%add3A_1136], %get3A_1122 {add = true} : memref<25200xf32, #tpu.memory_space<vmem>>[vector<16xi32>], vector<16xf32>,
      scf.yield %get3A_1133, %get3A_1135 : vector<16xi32>, vector<16xf32>
    }
    %scan3A_861 = arith.constant 1024 : i32
    %dma_wait3A_862 = tpu.memref_slice %arg3[%add3A_847] : memref<22020096xf32, #tpu.memory_space<hbm>> -> memref<16384xf32, #tpu.memory_space<hbm>>
    %dma_wait3A_863 = tpu.memref_slice %arg3[%add3A_847] : memref<22020096xf32, #tpu.memory_space<hbm>> -> memref<16384xf32, #tpu.memory_space<hbm>>
    tpu.wait_dma2 semaphore(%arg12 : memref<!tpu.dma_semaphore, #tpu.memory_space<semaphore_mem>>) src(%dma_wait3A_863 : memref<16384xf32, #tpu.memory_space<hbm>>) dst(%arg8 : memref<16384xf32, #tpu.memory_space<vmem>>)
    %mul3A_864 = arith.constant 21 : i32
    %mul3A_865 = arith.muli %select_n3A_560, %mul3A_864 : i32
    %add3A_866 = arith.constant 12 : i32
    %add3A_867 = arith.addi %mul3A_865, %add3A_866 : i32
    %mul3A_868 = arith.constant 262144 : i32
    %mul3A_869 = arith.muli %add3A_867, %mul3A_868 : i32
    %add3A_870 = arith.addi %mul3A_869, %mul3A_578 : i32
    %dma_start3A_871 = tpu.memref_slice %arg3[%add3A_870] : memref<22020096xf32, #tpu.memory_space<hbm>> -> memref<16384xf32, #tpu.memory_space<hbm>>
    %dma_start3A_872 = tpu.memref_slice %arg3[%add3A_870] : memref<22020096xf32, #tpu.memory_space<hbm>> -> memref<16384xf32, #tpu.memory_space<hbm>>
    tpu.enqueue_dma source(%dma_start3A_872 : memref<16384xf32, #tpu.memory_space<hbm>>) target(%arg7 : memref<16384xf32, #tpu.memory_space<vmem>>) target_semaphore(%arg11 : memref<!tpu.dma_semaphore, #tpu.memory_space<semaphore_mem>>)
    %broadcast_in_dim3A_873 = arith.constant 13200 : i32
    %broadcast_in_dim3A_874 = vector.broadcast %broadcast_in_dim3A_873 : i32 to vector<16xi32>
    %get3A_875 = arith.constant 0 : index
    %get3A_876 = tpu.vector_load %arg6[%get3A_875] {strides = array<i32>} : memref<16384xi32, #tpu.memory_space<vmem>>, vector<16xi32>,
    %get3A_877 = arith.constant 0 : index
    %get3A_878 = tpu.vector_load %arg8[%get3A_877] {strides = array<i32>} : memref<16384xf32, #tpu.memory_space<vmem>>, vector<16xf32>,
    %scan3A_879 = arith.constant 0 : i32
    %scan3A_880 = arith.constant 1024 : i32
    %scan3A_881 = arith.addi %scan3A_879, %scan3A_880 : i32
    %scan3A_882 = arith.constant 4 : i32
    %scan3A_883:2 = scf.for %scan3A_1085 = %scan3A_879 to %scan3A_881 step %scan3A_882 iter_args(%scan3A_1086 = %get3A_876, %scan3A_1087 = %get3A_878) -> (vector<16xi32>, vector<16xf32>)  : i32 {
      %add3A_1088 = arith.constant 1 : i32
      %add3A_1089 = arith.addi %scan3A_1085, %add3A_1088 : i32
      %min3A = arith.constant 1023 : i32
      %min3A_1090 = arith.minsi %add3A_1089, %min3A : i32
      %mul3A_1091 = arith.constant 16 : i32
      %mul3A_1092 = arith.muli %min3A_1090, %mul3A_1091 : i32
      %get3A_1093 = arith.index_cast %mul3A_1092 : i32 to index
      %get3A_1094 = tpu.vector_load %arg6[%get3A_1093] {strides = array<i32>} : memref<16384xi32, #tpu.memory_space<vmem>>, vector<16xi32>,
      %get3A_1095 = arith.index_cast %mul3A_1092 : i32 to index
      %get3A_1096 = tpu.vector_load %arg8[%get3A_1095] {strides = array<i32>} : memref<16384xf32, #tpu.memory_space<vmem>>, vector<16xf32>,
      %add3A_1097 = arith.addi %scan3A_1086, %broadcast_in_dim3A_874 : vector<16xi32>
      tpu.vector_store_idx %arg9[%add3A_1097], %scan3A_1087 {add = true} : memref<25200xf32, #tpu.memory_space<vmem>>[vector<16xi32>], vector<16xf32>,
      %scan3A_1098 = arith.constant 1 : i32
      %scan3A_1099 = arith.addi %scan3A_1085, %scan3A_1098 : i32
      %add3A_1100 = arith.constant 1 : i32
      %add3A_1101 = arith.addi %scan3A_1099, %add3A_1100 : i32
      %min3A_1102 = arith.constant 1023 : i32
      %min3A_1103 = arith.minsi %add3A_1101, %min3A_1102 : i32
      %mul3A_1104 = arith.constant 16 : i32
      %mul3A_1105 = arith.muli %min3A_1103, %mul3A_1104 : i32
      %get3A_1106 = arith.index_cast %mul3A_1105 : i32 to index
      %get3A_1107 = tpu.vector_load %arg6[%get3A_1106] {strides = array<i32>} : memref<16384xi32, #tpu.memory_space<vmem>>, vector<16xi32>,
      %get3A_1108 = arith.index_cast %mul3A_1105 : i32 to index
      %get3A_1109 = tpu.vector_load %arg8[%get3A_1108] {strides = array<i32>} : memref<16384xf32, #tpu.memory_space<vmem>>, vector<16xf32>,
      %add3A_1110 = arith.addi %get3A_1094, %broadcast_in_dim3A_874 : vector<16xi32>
      tpu.vector_store_idx %arg9[%add3A_1110], %get3A_1096 {add = true} : memref<25200xf32, #tpu.memory_space<vmem>>[vector<16xi32>], vector<16xf32>,
      %scan3A_1111 = arith.constant 2 : i32
      %scan3A_1112 = arith.addi %scan3A_1085, %scan3A_1111 : i32
      %add3A_1113 = arith.constant 1 : i32
      %add3A_1114 = arith.addi %scan3A_1112, %add3A_1113 : i32
      %min3A_1115 = arith.constant 1023 : i32
      %min3A_1116 = arith.minsi %add3A_1114, %min3A_1115 : i32
      %mul3A_1117 = arith.constant 16 : i32
      %mul3A_1118 = arith.muli %min3A_1116, %mul3A_1117 : i32
      %get3A_1119 = arith.index_cast %mul3A_1118 : i32 to index
      %get3A_1120 = tpu.vector_load %arg6[%get3A_1119] {strides = array<i32>} : memref<16384xi32, #tpu.memory_space<vmem>>, vector<16xi32>,
      %get3A_1121 = arith.index_cast %mul3A_1118 : i32 to index
      %get3A_1122 = tpu.vector_load %arg8[%get3A_1121] {strides = array<i32>} : memref<16384xf32, #tpu.memory_space<vmem>>, vector<16xf32>,
      %add3A_1123 = arith.addi %get3A_1107, %broadcast_in_dim3A_874 : vector<16xi32>
      tpu.vector_store_idx %arg9[%add3A_1123], %get3A_1109 {add = true} : memref<25200xf32, #tpu.memory_space<vmem>>[vector<16xi32>], vector<16xf32>,
      %scan3A_1124 = arith.constant 3 : i32
      %scan3A_1125 = arith.addi %scan3A_1085, %scan3A_1124 : i32
      %add3A_1126 = arith.constant 1 : i32
      %add3A_1127 = arith.addi %scan3A_1125, %add3A_1126 : i32
      %min3A_1128 = arith.constant 1023 : i32
      %min3A_1129 = arith.minsi %add3A_1127, %min3A_1128 : i32
      %mul3A_1130 = arith.constant 16 : i32
      %mul3A_1131 = arith.muli %min3A_1129, %mul3A_1130 : i32
      %get3A_1132 = arith.index_cast %mul3A_1131 : i32 to index
      %get3A_1133 = tpu.vector_load %arg6[%get3A_1132] {strides = array<i32>} : memref<16384xi32, #tpu.memory_space<vmem>>, vector<16xi32>,
      %get3A_1134 = arith.index_cast %mul3A_1131 : i32 to index
      %get3A_1135 = tpu.vector_load %arg8[%get3A_1134] {strides = array<i32>} : memref<16384xf32, #tpu.memory_space<vmem>>, vector<16xf32>,
      %add3A_1136 = arith.addi %get3A_1120, %broadcast_in_dim3A_874 : vector<16xi32>
      tpu.vector_store_idx %arg9[%add3A_1136], %get3A_1122 {add = true} : memref<25200xf32, #tpu.memory_space<vmem>>[vector<16xi32>], vector<16xf32>,
      scf.yield %get3A_1133, %get3A_1135 : vector<16xi32>, vector<16xf32>
    }
    %scan3A_884 = arith.constant 1024 : i32
    %dma_wait3A_885 = tpu.memref_slice %arg3[%add3A_870] : memref<22020096xf32, #tpu.memory_space<hbm>> -> memref<16384xf32, #tpu.memory_space<hbm>>
    %dma_wait3A_886 = tpu.memref_slice %arg3[%add3A_870] : memref<22020096xf32, #tpu.memory_space<hbm>> -> memref<16384xf32, #tpu.memory_space<hbm>>
    tpu.wait_dma2 semaphore(%arg11 : memref<!tpu.dma_semaphore, #tpu.memory_space<semaphore_mem>>) src(%dma_wait3A_886 : memref<16384xf32, #tpu.memory_space<hbm>>) dst(%arg7 : memref<16384xf32, #tpu.memory_space<vmem>>)
    %mul3A_887 = arith.constant 21 : i32
    %mul3A_888 = arith.muli %select_n3A_560, %mul3A_887 : i32
    %add3A_889 = arith.constant 13 : i32
    %add3A_890 = arith.addi %mul3A_888, %add3A_889 : i32
    %mul3A_891 = arith.constant 262144 : i32
    %mul3A_892 = arith.muli %add3A_890, %mul3A_891 : i32
    %add3A_893 = arith.addi %mul3A_892, %mul3A_578 : i32
    %dma_start3A_894 = tpu.memref_slice %arg3[%add3A_893] : memref<22020096xf32, #tpu.memory_space<hbm>> -> memref<16384xf32, #tpu.memory_space<hbm>>
    %dma_start3A_895 = tpu.memref_slice %arg3[%add3A_893] : memref<22020096xf32, #tpu.memory_space<hbm>> -> memref<16384xf32, #tpu.memory_space<hbm>>
    tpu.enqueue_dma source(%dma_start3A_895 : memref<16384xf32, #tpu.memory_space<hbm>>) target(%arg8 : memref<16384xf32, #tpu.memory_space<vmem>>) target_semaphore(%arg12 : memref<!tpu.dma_semaphore, #tpu.memory_space<semaphore_mem>>)
    %broadcast_in_dim3A_896 = arith.constant 14400 : i32
    %broadcast_in_dim3A_897 = vector.broadcast %broadcast_in_dim3A_896 : i32 to vector<16xi32>
    %get3A_898 = arith.constant 0 : index
    %get3A_899 = tpu.vector_load %arg6[%get3A_898] {strides = array<i32>} : memref<16384xi32, #tpu.memory_space<vmem>>, vector<16xi32>,
    %get3A_900 = arith.constant 0 : index
    %get3A_901 = tpu.vector_load %arg7[%get3A_900] {strides = array<i32>} : memref<16384xf32, #tpu.memory_space<vmem>>, vector<16xf32>,
    %scan3A_902 = arith.constant 0 : i32
    %scan3A_903 = arith.constant 1024 : i32
    %scan3A_904 = arith.addi %scan3A_902, %scan3A_903 : i32
    %scan3A_905 = arith.constant 4 : i32
    %scan3A_906:2 = scf.for %scan3A_1085 = %scan3A_902 to %scan3A_904 step %scan3A_905 iter_args(%scan3A_1086 = %get3A_899, %scan3A_1087 = %get3A_901) -> (vector<16xi32>, vector<16xf32>)  : i32 {
      %add3A_1088 = arith.constant 1 : i32
      %add3A_1089 = arith.addi %scan3A_1085, %add3A_1088 : i32
      %min3A = arith.constant 1023 : i32
      %min3A_1090 = arith.minsi %add3A_1089, %min3A : i32
      %mul3A_1091 = arith.constant 16 : i32
      %mul3A_1092 = arith.muli %min3A_1090, %mul3A_1091 : i32
      %get3A_1093 = arith.index_cast %mul3A_1092 : i32 to index
      %get3A_1094 = tpu.vector_load %arg6[%get3A_1093] {strides = array<i32>} : memref<16384xi32, #tpu.memory_space<vmem>>, vector<16xi32>,
      %get3A_1095 = arith.index_cast %mul3A_1092 : i32 to index
      %get3A_1096 = tpu.vector_load %arg7[%get3A_1095] {strides = array<i32>} : memref<16384xf32, #tpu.memory_space<vmem>>, vector<16xf32>,
      %add3A_1097 = arith.addi %scan3A_1086, %broadcast_in_dim3A_897 : vector<16xi32>
      tpu.vector_store_idx %arg9[%add3A_1097], %scan3A_1087 {add = true} : memref<25200xf32, #tpu.memory_space<vmem>>[vector<16xi32>], vector<16xf32>,
      %scan3A_1098 = arith.constant 1 : i32
      %scan3A_1099 = arith.addi %scan3A_1085, %scan3A_1098 : i32
      %add3A_1100 = arith.constant 1 : i32
      %add3A_1101 = arith.addi %scan3A_1099, %add3A_1100 : i32
      %min3A_1102 = arith.constant 1023 : i32
      %min3A_1103 = arith.minsi %add3A_1101, %min3A_1102 : i32
      %mul3A_1104 = arith.constant 16 : i32
      %mul3A_1105 = arith.muli %min3A_1103, %mul3A_1104 : i32
      %get3A_1106 = arith.index_cast %mul3A_1105 : i32 to index
      %get3A_1107 = tpu.vector_load %arg6[%get3A_1106] {strides = array<i32>} : memref<16384xi32, #tpu.memory_space<vmem>>, vector<16xi32>,
      %get3A_1108 = arith.index_cast %mul3A_1105 : i32 to index
      %get3A_1109 = tpu.vector_load %arg7[%get3A_1108] {strides = array<i32>} : memref<16384xf32, #tpu.memory_space<vmem>>, vector<16xf32>,
      %add3A_1110 = arith.addi %get3A_1094, %broadcast_in_dim3A_897 : vector<16xi32>
      tpu.vector_store_idx %arg9[%add3A_1110], %get3A_1096 {add = true} : memref<25200xf32, #tpu.memory_space<vmem>>[vector<16xi32>], vector<16xf32>,
      %scan3A_1111 = arith.constant 2 : i32
      %scan3A_1112 = arith.addi %scan3A_1085, %scan3A_1111 : i32
      %add3A_1113 = arith.constant 1 : i32
      %add3A_1114 = arith.addi %scan3A_1112, %add3A_1113 : i32
      %min3A_1115 = arith.constant 1023 : i32
      %min3A_1116 = arith.minsi %add3A_1114, %min3A_1115 : i32
      %mul3A_1117 = arith.constant 16 : i32
      %mul3A_1118 = arith.muli %min3A_1116, %mul3A_1117 : i32
      %get3A_1119 = arith.index_cast %mul3A_1118 : i32 to index
      %get3A_1120 = tpu.vector_load %arg6[%get3A_1119] {strides = array<i32>} : memref<16384xi32, #tpu.memory_space<vmem>>, vector<16xi32>,
      %get3A_1121 = arith.index_cast %mul3A_1118 : i32 to index
      %get3A_1122 = tpu.vector_load %arg7[%get3A_1121] {strides = array<i32>} : memref<16384xf32, #tpu.memory_space<vmem>>, vector<16xf32>,
      %add3A_1123 = arith.addi %get3A_1107, %broadcast_in_dim3A_897 : vector<16xi32>
      tpu.vector_store_idx %arg9[%add3A_1123], %get3A_1109 {add = true} : memref<25200xf32, #tpu.memory_space<vmem>>[vector<16xi32>], vector<16xf32>,
      %scan3A_1124 = arith.constant 3 : i32
      %scan3A_1125 = arith.addi %scan3A_1085, %scan3A_1124 : i32
      %add3A_1126 = arith.constant 1 : i32
      %add3A_1127 = arith.addi %scan3A_1125, %add3A_1126 : i32
      %min3A_1128 = arith.constant 1023 : i32
      %min3A_1129 = arith.minsi %add3A_1127, %min3A_1128 : i32
      %mul3A_1130 = arith.constant 16 : i32
      %mul3A_1131 = arith.muli %min3A_1129, %mul3A_1130 : i32
      %get3A_1132 = arith.index_cast %mul3A_1131 : i32 to index
      %get3A_1133 = tpu.vector_load %arg6[%get3A_1132] {strides = array<i32>} : memref<16384xi32, #tpu.memory_space<vmem>>, vector<16xi32>,
      %get3A_1134 = arith.index_cast %mul3A_1131 : i32 to index
      %get3A_1135 = tpu.vector_load %arg7[%get3A_1134] {strides = array<i32>} : memref<16384xf32, #tpu.memory_space<vmem>>, vector<16xf32>,
      %add3A_1136 = arith.addi %get3A_1120, %broadcast_in_dim3A_897 : vector<16xi32>
      tpu.vector_store_idx %arg9[%add3A_1136], %get3A_1122 {add = true} : memref<25200xf32, #tpu.memory_space<vmem>>[vector<16xi32>], vector<16xf32>,
      scf.yield %get3A_1133, %get3A_1135 : vector<16xi32>, vector<16xf32>
    }
    %scan3A_907 = arith.constant 1024 : i32
    %dma_wait3A_908 = tpu.memref_slice %arg3[%add3A_893] : memref<22020096xf32, #tpu.memory_space<hbm>> -> memref<16384xf32, #tpu.memory_space<hbm>>
    %dma_wait3A_909 = tpu.memref_slice %arg3[%add3A_893] : memref<22020096xf32, #tpu.memory_space<hbm>> -> memref<16384xf32, #tpu.memory_space<hbm>>
    tpu.wait_dma2 semaphore(%arg12 : memref<!tpu.dma_semaphore, #tpu.memory_space<semaphore_mem>>) src(%dma_wait3A_909 : memref<16384xf32, #tpu.memory_space<hbm>>) dst(%arg8 : memref<16384xf32, #tpu.memory_space<vmem>>)
    %mul3A_910 = arith.constant 21 : i32
    %mul3A_911 = arith.muli %select_n3A_560, %mul3A_910 : i32
    %add3A_912 = arith.constant 14 : i32
    %add3A_913 = arith.addi %mul3A_911, %add3A_912 : i32
    %mul3A_914 = arith.constant 262144 : i32
    %mul3A_915 = arith.muli %add3A_913, %mul3A_914 : i32
    %add3A_916 = arith.addi %mul3A_915, %mul3A_578 : i32
    %dma_start3A_917 = tpu.memref_slice %arg3[%add3A_916] : memref<22020096xf32, #tpu.memory_space<hbm>> -> memref<16384xf32, #tpu.memory_space<hbm>>
    %dma_start3A_918 = tpu.memref_slice %arg3[%add3A_916] : memref<22020096xf32, #tpu.memory_space<hbm>> -> memref<16384xf32, #tpu.memory_space<hbm>>
    tpu.enqueue_dma source(%dma_start3A_918 : memref<16384xf32, #tpu.memory_space<hbm>>) target(%arg7 : memref<16384xf32, #tpu.memory_space<vmem>>) target_semaphore(%arg11 : memref<!tpu.dma_semaphore, #tpu.memory_space<semaphore_mem>>)
    %broadcast_in_dim3A_919 = arith.constant 15600 : i32
    %broadcast_in_dim3A_920 = vector.broadcast %broadcast_in_dim3A_919 : i32 to vector<16xi32>
    %get3A_921 = arith.constant 0 : index
    %get3A_922 = tpu.vector_load %arg6[%get3A_921] {strides = array<i32>} : memref<16384xi32, #tpu.memory_space<vmem>>, vector<16xi32>,
    %get3A_923 = arith.constant 0 : index
    %get3A_924 = tpu.vector_load %arg8[%get3A_923] {strides = array<i32>} : memref<16384xf32, #tpu.memory_space<vmem>>, vector<16xf32>,
    %scan3A_925 = arith.constant 0 : i32
    %scan3A_926 = arith.constant 1024 : i32
    %scan3A_927 = arith.addi %scan3A_925, %scan3A_926 : i32
    %scan3A_928 = arith.constant 4 : i32
    %scan3A_929:2 = scf.for %scan3A_1085 = %scan3A_925 to %scan3A_927 step %scan3A_928 iter_args(%scan3A_1086 = %get3A_922, %scan3A_1087 = %get3A_924) -> (vector<16xi32>, vector<16xf32>)  : i32 {
      %add3A_1088 = arith.constant 1 : i32
      %add3A_1089 = arith.addi %scan3A_1085, %add3A_1088 : i32
      %min3A = arith.constant 1023 : i32
      %min3A_1090 = arith.minsi %add3A_1089, %min3A : i32
      %mul3A_1091 = arith.constant 16 : i32
      %mul3A_1092 = arith.muli %min3A_1090, %mul3A_1091 : i32
      %get3A_1093 = arith.index_cast %mul3A_1092 : i32 to index
      %get3A_1094 = tpu.vector_load %arg6[%get3A_1093] {strides = array<i32>} : memref<16384xi32, #tpu.memory_space<vmem>>, vector<16xi32>,
      %get3A_1095 = arith.index_cast %mul3A_1092 : i32 to index
      %get3A_1096 = tpu.vector_load %arg8[%get3A_1095] {strides = array<i32>} : memref<16384xf32, #tpu.memory_space<vmem>>, vector<16xf32>,
      %add3A_1097 = arith.addi %scan3A_1086, %broadcast_in_dim3A_920 : vector<16xi32>
      tpu.vector_store_idx %arg9[%add3A_1097], %scan3A_1087 {add = true} : memref<25200xf32, #tpu.memory_space<vmem>>[vector<16xi32>], vector<16xf32>,
      %scan3A_1098 = arith.constant 1 : i32
      %scan3A_1099 = arith.addi %scan3A_1085, %scan3A_1098 : i32
      %add3A_1100 = arith.constant 1 : i32
      %add3A_1101 = arith.addi %scan3A_1099, %add3A_1100 : i32
      %min3A_1102 = arith.constant 1023 : i32
      %min3A_1103 = arith.minsi %add3A_1101, %min3A_1102 : i32
      %mul3A_1104 = arith.constant 16 : i32
      %mul3A_1105 = arith.muli %min3A_1103, %mul3A_1104 : i32
      %get3A_1106 = arith.index_cast %mul3A_1105 : i32 to index
      %get3A_1107 = tpu.vector_load %arg6[%get3A_1106] {strides = array<i32>} : memref<16384xi32, #tpu.memory_space<vmem>>, vector<16xi32>,
      %get3A_1108 = arith.index_cast %mul3A_1105 : i32 to index
      %get3A_1109 = tpu.vector_load %arg8[%get3A_1108] {strides = array<i32>} : memref<16384xf32, #tpu.memory_space<vmem>>, vector<16xf32>,
      %add3A_1110 = arith.addi %get3A_1094, %broadcast_in_dim3A_920 : vector<16xi32>
      tpu.vector_store_idx %arg9[%add3A_1110], %get3A_1096 {add = true} : memref<25200xf32, #tpu.memory_space<vmem>>[vector<16xi32>], vector<16xf32>,
      %scan3A_1111 = arith.constant 2 : i32
      %scan3A_1112 = arith.addi %scan3A_1085, %scan3A_1111 : i32
      %add3A_1113 = arith.constant 1 : i32
      %add3A_1114 = arith.addi %scan3A_1112, %add3A_1113 : i32
      %min3A_1115 = arith.constant 1023 : i32
      %min3A_1116 = arith.minsi %add3A_1114, %min3A_1115 : i32
      %mul3A_1117 = arith.constant 16 : i32
      %mul3A_1118 = arith.muli %min3A_1116, %mul3A_1117 : i32
      %get3A_1119 = arith.index_cast %mul3A_1118 : i32 to index
      %get3A_1120 = tpu.vector_load %arg6[%get3A_1119] {strides = array<i32>} : memref<16384xi32, #tpu.memory_space<vmem>>, vector<16xi32>,
      %get3A_1121 = arith.index_cast %mul3A_1118 : i32 to index
      %get3A_1122 = tpu.vector_load %arg8[%get3A_1121] {strides = array<i32>} : memref<16384xf32, #tpu.memory_space<vmem>>, vector<16xf32>,
      %add3A_1123 = arith.addi %get3A_1107, %broadcast_in_dim3A_920 : vector<16xi32>
      tpu.vector_store_idx %arg9[%add3A_1123], %get3A_1109 {add = true} : memref<25200xf32, #tpu.memory_space<vmem>>[vector<16xi32>], vector<16xf32>,
      %scan3A_1124 = arith.constant 3 : i32
      %scan3A_1125 = arith.addi %scan3A_1085, %scan3A_1124 : i32
      %add3A_1126 = arith.constant 1 : i32
      %add3A_1127 = arith.addi %scan3A_1125, %add3A_1126 : i32
      %min3A_1128 = arith.constant 1023 : i32
      %min3A_1129 = arith.minsi %add3A_1127, %min3A_1128 : i32
      %mul3A_1130 = arith.constant 16 : i32
      %mul3A_1131 = arith.muli %min3A_1129, %mul3A_1130 : i32
      %get3A_1132 = arith.index_cast %mul3A_1131 : i32 to index
      %get3A_1133 = tpu.vector_load %arg6[%get3A_1132] {strides = array<i32>} : memref<16384xi32, #tpu.memory_space<vmem>>, vector<16xi32>,
      %get3A_1134 = arith.index_cast %mul3A_1131 : i32 to index
      %get3A_1135 = tpu.vector_load %arg8[%get3A_1134] {strides = array<i32>} : memref<16384xf32, #tpu.memory_space<vmem>>, vector<16xf32>,
      %add3A_1136 = arith.addi %get3A_1120, %broadcast_in_dim3A_920 : vector<16xi32>
      tpu.vector_store_idx %arg9[%add3A_1136], %get3A_1122 {add = true} : memref<25200xf32, #tpu.memory_space<vmem>>[vector<16xi32>], vector<16xf32>,
      scf.yield %get3A_1133, %get3A_1135 : vector<16xi32>, vector<16xf32>
    }
    %scan3A_930 = arith.constant 1024 : i32
    %dma_wait3A_931 = tpu.memref_slice %arg3[%add3A_916] : memref<22020096xf32, #tpu.memory_space<hbm>> -> memref<16384xf32, #tpu.memory_space<hbm>>
    %dma_wait3A_932 = tpu.memref_slice %arg3[%add3A_916] : memref<22020096xf32, #tpu.memory_space<hbm>> -> memref<16384xf32, #tpu.memory_space<hbm>>
    tpu.wait_dma2 semaphore(%arg11 : memref<!tpu.dma_semaphore, #tpu.memory_space<semaphore_mem>>) src(%dma_wait3A_932 : memref<16384xf32, #tpu.memory_space<hbm>>) dst(%arg7 : memref<16384xf32, #tpu.memory_space<vmem>>)
    %mul3A_933 = arith.constant 21 : i32
    %mul3A_934 = arith.muli %select_n3A_560, %mul3A_933 : i32
    %add3A_935 = arith.constant 15 : i32
    %add3A_936 = arith.addi %mul3A_934, %add3A_935 : i32
    %mul3A_937 = arith.constant 262144 : i32
    %mul3A_938 = arith.muli %add3A_936, %mul3A_937 : i32
    %add3A_939 = arith.addi %mul3A_938, %mul3A_578 : i32
    %dma_start3A_940 = tpu.memref_slice %arg3[%add3A_939] : memref<22020096xf32, #tpu.memory_space<hbm>> -> memref<16384xf32, #tpu.memory_space<hbm>>
    %dma_start3A_941 = tpu.memref_slice %arg3[%add3A_939] : memref<22020096xf32, #tpu.memory_space<hbm>> -> memref<16384xf32, #tpu.memory_space<hbm>>
    tpu.enqueue_dma source(%dma_start3A_941 : memref<16384xf32, #tpu.memory_space<hbm>>) target(%arg8 : memref<16384xf32, #tpu.memory_space<vmem>>) target_semaphore(%arg12 : memref<!tpu.dma_semaphore, #tpu.memory_space<semaphore_mem>>)
    %broadcast_in_dim3A_942 = arith.constant 16800 : i32
    %broadcast_in_dim3A_943 = vector.broadcast %broadcast_in_dim3A_942 : i32 to vector<16xi32>
    %get3A_944 = arith.constant 0 : index
    %get3A_945 = tpu.vector_load %arg6[%get3A_944] {strides = array<i32>} : memref<16384xi32, #tpu.memory_space<vmem>>, vector<16xi32>,
    %get3A_946 = arith.constant 0 : index
    %get3A_947 = tpu.vector_load %arg7[%get3A_946] {strides = array<i32>} : memref<16384xf32, #tpu.memory_space<vmem>>, vector<16xf32>,
    %scan3A_948 = arith.constant 0 : i32
    %scan3A_949 = arith.constant 1024 : i32
    %scan3A_950 = arith.addi %scan3A_948, %scan3A_949 : i32
    %scan3A_951 = arith.constant 4 : i32
    %scan3A_952:2 = scf.for %scan3A_1085 = %scan3A_948 to %scan3A_950 step %scan3A_951 iter_args(%scan3A_1086 = %get3A_945, %scan3A_1087 = %get3A_947) -> (vector<16xi32>, vector<16xf32>)  : i32 {
      %add3A_1088 = arith.constant 1 : i32
      %add3A_1089 = arith.addi %scan3A_1085, %add3A_1088 : i32
      %min3A = arith.constant 1023 : i32
      %min3A_1090 = arith.minsi %add3A_1089, %min3A : i32
      %mul3A_1091 = arith.constant 16 : i32
      %mul3A_1092 = arith.muli %min3A_1090, %mul3A_1091 : i32
      %get3A_1093 = arith.index_cast %mul3A_1092 : i32 to index
      %get3A_1094 = tpu.vector_load %arg6[%get3A_1093] {strides = array<i32>} : memref<16384xi32, #tpu.memory_space<vmem>>, vector<16xi32>,
      %get3A_1095 = arith.index_cast %mul3A_1092 : i32 to index
      %get3A_1096 = tpu.vector_load %arg7[%get3A_1095] {strides = array<i32>} : memref<16384xf32, #tpu.memory_space<vmem>>, vector<16xf32>,
      %add3A_1097 = arith.addi %scan3A_1086, %broadcast_in_dim3A_943 : vector<16xi32>
      tpu.vector_store_idx %arg9[%add3A_1097], %scan3A_1087 {add = true} : memref<25200xf32, #tpu.memory_space<vmem>>[vector<16xi32>], vector<16xf32>,
      %scan3A_1098 = arith.constant 1 : i32
      %scan3A_1099 = arith.addi %scan3A_1085, %scan3A_1098 : i32
      %add3A_1100 = arith.constant 1 : i32
      %add3A_1101 = arith.addi %scan3A_1099, %add3A_1100 : i32
      %min3A_1102 = arith.constant 1023 : i32
      %min3A_1103 = arith.minsi %add3A_1101, %min3A_1102 : i32
      %mul3A_1104 = arith.constant 16 : i32
      %mul3A_1105 = arith.muli %min3A_1103, %mul3A_1104 : i32
      %get3A_1106 = arith.index_cast %mul3A_1105 : i32 to index
      %get3A_1107 = tpu.vector_load %arg6[%get3A_1106] {strides = array<i32>} : memref<16384xi32, #tpu.memory_space<vmem>>, vector<16xi32>,
      %get3A_1108 = arith.index_cast %mul3A_1105 : i32 to index
      %get3A_1109 = tpu.vector_load %arg7[%get3A_1108] {strides = array<i32>} : memref<16384xf32, #tpu.memory_space<vmem>>, vector<16xf32>,
      %add3A_1110 = arith.addi %get3A_1094, %broadcast_in_dim3A_943 : vector<16xi32>
      tpu.vector_store_idx %arg9[%add3A_1110], %get3A_1096 {add = true} : memref<25200xf32, #tpu.memory_space<vmem>>[vector<16xi32>], vector<16xf32>,
      %scan3A_1111 = arith.constant 2 : i32
      %scan3A_1112 = arith.addi %scan3A_1085, %scan3A_1111 : i32
      %add3A_1113 = arith.constant 1 : i32
      %add3A_1114 = arith.addi %scan3A_1112, %add3A_1113 : i32
      %min3A_1115 = arith.constant 1023 : i32
      %min3A_1116 = arith.minsi %add3A_1114, %min3A_1115 : i32
      %mul3A_1117 = arith.constant 16 : i32
      %mul3A_1118 = arith.muli %min3A_1116, %mul3A_1117 : i32
      %get3A_1119 = arith.index_cast %mul3A_1118 : i32 to index
      %get3A_1120 = tpu.vector_load %arg6[%get3A_1119] {strides = array<i32>} : memref<16384xi32, #tpu.memory_space<vmem>>, vector<16xi32>,
      %get3A_1121 = arith.index_cast %mul3A_1118 : i32 to index
      %get3A_1122 = tpu.vector_load %arg7[%get3A_1121] {strides = array<i32>} : memref<16384xf32, #tpu.memory_space<vmem>>, vector<16xf32>,
      %add3A_1123 = arith.addi %get3A_1107, %broadcast_in_dim3A_943 : vector<16xi32>
      tpu.vector_store_idx %arg9[%add3A_1123], %get3A_1109 {add = true} : memref<25200xf32, #tpu.memory_space<vmem>>[vector<16xi32>], vector<16xf32>,
      %scan3A_1124 = arith.constant 3 : i32
      %scan3A_1125 = arith.addi %scan3A_1085, %scan3A_1124 : i32
      %add3A_1126 = arith.constant 1 : i32
      %add3A_1127 = arith.addi %scan3A_1125, %add3A_1126 : i32
      %min3A_1128 = arith.constant 1023 : i32
      %min3A_1129 = arith.minsi %add3A_1127, %min3A_1128 : i32
      %mul3A_1130 = arith.constant 16 : i32
      %mul3A_1131 = arith.muli %min3A_1129, %mul3A_1130 : i32
      %get3A_1132 = arith.index_cast %mul3A_1131 : i32 to index
      %get3A_1133 = tpu.vector_load %arg6[%get3A_1132] {strides = array<i32>} : memref<16384xi32, #tpu.memory_space<vmem>>, vector<16xi32>,
      %get3A_1134 = arith.index_cast %mul3A_1131 : i32 to index
      %get3A_1135 = tpu.vector_load %arg7[%get3A_1134] {strides = array<i32>} : memref<16384xf32, #tpu.memory_space<vmem>>, vector<16xf32>,
      %add3A_1136 = arith.addi %get3A_1120, %broadcast_in_dim3A_943 : vector<16xi32>
      tpu.vector_store_idx %arg9[%add3A_1136], %get3A_1122 {add = true} : memref<25200xf32, #tpu.memory_space<vmem>>[vector<16xi32>], vector<16xf32>,
      scf.yield %get3A_1133, %get3A_1135 : vector<16xi32>, vector<16xf32>
    }
    %scan3A_953 = arith.constant 1024 : i32
    %dma_wait3A_954 = tpu.memref_slice %arg3[%add3A_939] : memref<22020096xf32, #tpu.memory_space<hbm>> -> memref<16384xf32, #tpu.memory_space<hbm>>
    %dma_wait3A_955 = tpu.memref_slice %arg3[%add3A_939] : memref<22020096xf32, #tpu.memory_space<hbm>> -> memref<16384xf32, #tpu.memory_space<hbm>>
    tpu.wait_dma2 semaphore(%arg12 : memref<!tpu.dma_semaphore, #tpu.memory_space<semaphore_mem>>) src(%dma_wait3A_955 : memref<16384xf32, #tpu.memory_space<hbm>>) dst(%arg8 : memref<16384xf32, #tpu.memory_space<vmem>>)
    %mul3A_956 = arith.constant 21 : i32
    %mul3A_957 = arith.muli %select_n3A_560, %mul3A_956 : i32
    %add3A_958 = arith.constant 16 : i32
    %add3A_959 = arith.addi %mul3A_957, %add3A_958 : i32
    %mul3A_960 = arith.constant 262144 : i32
    %mul3A_961 = arith.muli %add3A_959, %mul3A_960 : i32
    %add3A_962 = arith.addi %mul3A_961, %mul3A_578 : i32
    %dma_start3A_963 = tpu.memref_slice %arg3[%add3A_962] : memref<22020096xf32, #tpu.memory_space<hbm>> -> memref<16384xf32, #tpu.memory_space<hbm>>
    %dma_start3A_964 = tpu.memref_slice %arg3[%add3A_962] : memref<22020096xf32, #tpu.memory_space<hbm>> -> memref<16384xf32, #tpu.memory_space<hbm>>
    tpu.enqueue_dma source(%dma_start3A_964 : memref<16384xf32, #tpu.memory_space<hbm>>) target(%arg7 : memref<16384xf32, #tpu.memory_space<vmem>>) target_semaphore(%arg11 : memref<!tpu.dma_semaphore, #tpu.memory_space<semaphore_mem>>)
    %broadcast_in_dim3A_965 = arith.constant 18000 : i32
    %broadcast_in_dim3A_966 = vector.broadcast %broadcast_in_dim3A_965 : i32 to vector<16xi32>
    %get3A_967 = arith.constant 0 : index
    %get3A_968 = tpu.vector_load %arg6[%get3A_967] {strides = array<i32>} : memref<16384xi32, #tpu.memory_space<vmem>>, vector<16xi32>,
    %get3A_969 = arith.constant 0 : index
    %get3A_970 = tpu.vector_load %arg8[%get3A_969] {strides = array<i32>} : memref<16384xf32, #tpu.memory_space<vmem>>, vector<16xf32>,
    %scan3A_971 = arith.constant 0 : i32
    %scan3A_972 = arith.constant 1024 : i32
    %scan3A_973 = arith.addi %scan3A_971, %scan3A_972 : i32
    %scan3A_974 = arith.constant 4 : i32
    %scan3A_975:2 = scf.for %scan3A_1085 = %scan3A_971 to %scan3A_973 step %scan3A_974 iter_args(%scan3A_1086 = %get3A_968, %scan3A_1087 = %get3A_970) -> (vector<16xi32>, vector<16xf32>)  : i32 {
      %add3A_1088 = arith.constant 1 : i32
      %add3A_1089 = arith.addi %scan3A_1085, %add3A_1088 : i32
      %min3A = arith.constant 1023 : i32
      %min3A_1090 = arith.minsi %add3A_1089, %min3A : i32
      %mul3A_1091 = arith.constant 16 : i32
      %mul3A_1092 = arith.muli %min3A_1090, %mul3A_1091 : i32
      %get3A_1093 = arith.index_cast %mul3A_1092 : i32 to index
      %get3A_1094 = tpu.vector_load %arg6[%get3A_1093] {strides = array<i32>} : memref<16384xi32, #tpu.memory_space<vmem>>, vector<16xi32>,
      %get3A_1095 = arith.index_cast %mul3A_1092 : i32 to index
      %get3A_1096 = tpu.vector_load %arg8[%get3A_1095] {strides = array<i32>} : memref<16384xf32, #tpu.memory_space<vmem>>, vector<16xf32>,
      %add3A_1097 = arith.addi %scan3A_1086, %broadcast_in_dim3A_966 : vector<16xi32>
      tpu.vector_store_idx %arg9[%add3A_1097], %scan3A_1087 {add = true} : memref<25200xf32, #tpu.memory_space<vmem>>[vector<16xi32>], vector<16xf32>,
      %scan3A_1098 = arith.constant 1 : i32
      %scan3A_1099 = arith.addi %scan3A_1085, %scan3A_1098 : i32
      %add3A_1100 = arith.constant 1 : i32
      %add3A_1101 = arith.addi %scan3A_1099, %add3A_1100 : i32
      %min3A_1102 = arith.constant 1023 : i32
      %min3A_1103 = arith.minsi %add3A_1101, %min3A_1102 : i32
      %mul3A_1104 = arith.constant 16 : i32
      %mul3A_1105 = arith.muli %min3A_1103, %mul3A_1104 : i32
      %get3A_1106 = arith.index_cast %mul3A_1105 : i32 to index
      %get3A_1107 = tpu.vector_load %arg6[%get3A_1106] {strides = array<i32>} : memref<16384xi32, #tpu.memory_space<vmem>>, vector<16xi32>,
      %get3A_1108 = arith.index_cast %mul3A_1105 : i32 to index
      %get3A_1109 = tpu.vector_load %arg8[%get3A_1108] {strides = array<i32>} : memref<16384xf32, #tpu.memory_space<vmem>>, vector<16xf32>,
      %add3A_1110 = arith.addi %get3A_1094, %broadcast_in_dim3A_966 : vector<16xi32>
      tpu.vector_store_idx %arg9[%add3A_1110], %get3A_1096 {add = true} : memref<25200xf32, #tpu.memory_space<vmem>>[vector<16xi32>], vector<16xf32>,
      %scan3A_1111 = arith.constant 2 : i32
      %scan3A_1112 = arith.addi %scan3A_1085, %scan3A_1111 : i32
      %add3A_1113 = arith.constant 1 : i32
      %add3A_1114 = arith.addi %scan3A_1112, %add3A_1113 : i32
      %min3A_1115 = arith.constant 1023 : i32
      %min3A_1116 = arith.minsi %add3A_1114, %min3A_1115 : i32
      %mul3A_1117 = arith.constant 16 : i32
      %mul3A_1118 = arith.muli %min3A_1116, %mul3A_1117 : i32
      %get3A_1119 = arith.index_cast %mul3A_1118 : i32 to index
      %get3A_1120 = tpu.vector_load %arg6[%get3A_1119] {strides = array<i32>} : memref<16384xi32, #tpu.memory_space<vmem>>, vector<16xi32>,
      %get3A_1121 = arith.index_cast %mul3A_1118 : i32 to index
      %get3A_1122 = tpu.vector_load %arg8[%get3A_1121] {strides = array<i32>} : memref<16384xf32, #tpu.memory_space<vmem>>, vector<16xf32>,
      %add3A_1123 = arith.addi %get3A_1107, %broadcast_in_dim3A_966 : vector<16xi32>
      tpu.vector_store_idx %arg9[%add3A_1123], %get3A_1109 {add = true} : memref<25200xf32, #tpu.memory_space<vmem>>[vector<16xi32>], vector<16xf32>,
      %scan3A_1124 = arith.constant 3 : i32
      %scan3A_1125 = arith.addi %scan3A_1085, %scan3A_1124 : i32
      %add3A_1126 = arith.constant 1 : i32
      %add3A_1127 = arith.addi %scan3A_1125, %add3A_1126 : i32
      %min3A_1128 = arith.constant 1023 : i32
      %min3A_1129 = arith.minsi %add3A_1127, %min3A_1128 : i32
      %mul3A_1130 = arith.constant 16 : i32
      %mul3A_1131 = arith.muli %min3A_1129, %mul3A_1130 : i32
      %get3A_1132 = arith.index_cast %mul3A_1131 : i32 to index
      %get3A_1133 = tpu.vector_load %arg6[%get3A_1132] {strides = array<i32>} : memref<16384xi32, #tpu.memory_space<vmem>>, vector<16xi32>,
      %get3A_1134 = arith.index_cast %mul3A_1131 : i32 to index
      %get3A_1135 = tpu.vector_load %arg8[%get3A_1134] {strides = array<i32>} : memref<16384xf32, #tpu.memory_space<vmem>>, vector<16xf32>,
      %add3A_1136 = arith.addi %get3A_1120, %broadcast_in_dim3A_966 : vector<16xi32>
      tpu.vector_store_idx %arg9[%add3A_1136], %get3A_1122 {add = true} : memref<25200xf32, #tpu.memory_space<vmem>>[vector<16xi32>], vector<16xf32>,
      scf.yield %get3A_1133, %get3A_1135 : vector<16xi32>, vector<16xf32>
    }
    %scan3A_976 = arith.constant 1024 : i32
    %dma_wait3A_977 = tpu.memref_slice %arg3[%add3A_962] : memref<22020096xf32, #tpu.memory_space<hbm>> -> memref<16384xf32, #tpu.memory_space<hbm>>
    %dma_wait3A_978 = tpu.memref_slice %arg3[%add3A_962] : memref<22020096xf32, #tpu.memory_space<hbm>> -> memref<16384xf32, #tpu.memory_space<hbm>>
    tpu.wait_dma2 semaphore(%arg11 : memref<!tpu.dma_semaphore, #tpu.memory_space<semaphore_mem>>) src(%dma_wait3A_978 : memref<16384xf32, #tpu.memory_space<hbm>>) dst(%arg7 : memref<16384xf32, #tpu.memory_space<vmem>>)
    %mul3A_979 = arith.constant 21 : i32
    %mul3A_980 = arith.muli %select_n3A_560, %mul3A_979 : i32
    %add3A_981 = arith.constant 17 : i32
    %add3A_982 = arith.addi %mul3A_980, %add3A_981 : i32
    %mul3A_983 = arith.constant 262144 : i32
    %mul3A_984 = arith.muli %add3A_982, %mul3A_983 : i32
    %add3A_985 = arith.addi %mul3A_984, %mul3A_578 : i32
    %dma_start3A_986 = tpu.memref_slice %arg3[%add3A_985] : memref<22020096xf32, #tpu.memory_space<hbm>> -> memref<16384xf32, #tpu.memory_space<hbm>>
    %dma_start3A_987 = tpu.memref_slice %arg3[%add3A_985] : memref<22020096xf32, #tpu.memory_space<hbm>> -> memref<16384xf32, #tpu.memory_space<hbm>>
    tpu.enqueue_dma source(%dma_start3A_987 : memref<16384xf32, #tpu.memory_space<hbm>>) target(%arg8 : memref<16384xf32, #tpu.memory_space<vmem>>) target_semaphore(%arg12 : memref<!tpu.dma_semaphore, #tpu.memory_space<semaphore_mem>>)
    %broadcast_in_dim3A_988 = arith.constant 19200 : i32
    %broadcast_in_dim3A_989 = vector.broadcast %broadcast_in_dim3A_988 : i32 to vector<16xi32>
    %get3A_990 = arith.constant 0 : index
    %get3A_991 = tpu.vector_load %arg6[%get3A_990] {strides = array<i32>} : memref<16384xi32, #tpu.memory_space<vmem>>, vector<16xi32>,
    %get3A_992 = arith.constant 0 : index
    %get3A_993 = tpu.vector_load %arg7[%get3A_992] {strides = array<i32>} : memref<16384xf32, #tpu.memory_space<vmem>>, vector<16xf32>,
    %scan3A_994 = arith.constant 0 : i32
    %scan3A_995 = arith.constant 1024 : i32
    %scan3A_996 = arith.addi %scan3A_994, %scan3A_995 : i32
    %scan3A_997 = arith.constant 4 : i32
    %scan3A_998:2 = scf.for %scan3A_1085 = %scan3A_994 to %scan3A_996 step %scan3A_997 iter_args(%scan3A_1086 = %get3A_991, %scan3A_1087 = %get3A_993) -> (vector<16xi32>, vector<16xf32>)  : i32 {
      %add3A_1088 = arith.constant 1 : i32
      %add3A_1089 = arith.addi %scan3A_1085, %add3A_1088 : i32
      %min3A = arith.constant 1023 : i32
      %min3A_1090 = arith.minsi %add3A_1089, %min3A : i32
      %mul3A_1091 = arith.constant 16 : i32
      %mul3A_1092 = arith.muli %min3A_1090, %mul3A_1091 : i32
      %get3A_1093 = arith.index_cast %mul3A_1092 : i32 to index
      %get3A_1094 = tpu.vector_load %arg6[%get3A_1093] {strides = array<i32>} : memref<16384xi32, #tpu.memory_space<vmem>>, vector<16xi32>,
      %get3A_1095 = arith.index_cast %mul3A_1092 : i32 to index
      %get3A_1096 = tpu.vector_load %arg7[%get3A_1095] {strides = array<i32>} : memref<16384xf32, #tpu.memory_space<vmem>>, vector<16xf32>,
      %add3A_1097 = arith.addi %scan3A_1086, %broadcast_in_dim3A_989 : vector<16xi32>
      tpu.vector_store_idx %arg9[%add3A_1097], %scan3A_1087 {add = true} : memref<25200xf32, #tpu.memory_space<vmem>>[vector<16xi32>], vector<16xf32>,
      %scan3A_1098 = arith.constant 1 : i32
      %scan3A_1099 = arith.addi %scan3A_1085, %scan3A_1098 : i32
      %add3A_1100 = arith.constant 1 : i32
      %add3A_1101 = arith.addi %scan3A_1099, %add3A_1100 : i32
      %min3A_1102 = arith.constant 1023 : i32
      %min3A_1103 = arith.minsi %add3A_1101, %min3A_1102 : i32
      %mul3A_1104 = arith.constant 16 : i32
      %mul3A_1105 = arith.muli %min3A_1103, %mul3A_1104 : i32
      %get3A_1106 = arith.index_cast %mul3A_1105 : i32 to index
      %get3A_1107 = tpu.vector_load %arg6[%get3A_1106] {strides = array<i32>} : memref<16384xi32, #tpu.memory_space<vmem>>, vector<16xi32>,
      %get3A_1108 = arith.index_cast %mul3A_1105 : i32 to index
      %get3A_1109 = tpu.vector_load %arg7[%get3A_1108] {strides = array<i32>} : memref<16384xf32, #tpu.memory_space<vmem>>, vector<16xf32>,
      %add3A_1110 = arith.addi %get3A_1094, %broadcast_in_dim3A_989 : vector<16xi32>
      tpu.vector_store_idx %arg9[%add3A_1110], %get3A_1096 {add = true} : memref<25200xf32, #tpu.memory_space<vmem>>[vector<16xi32>], vector<16xf32>,
      %scan3A_1111 = arith.constant 2 : i32
      %scan3A_1112 = arith.addi %scan3A_1085, %scan3A_1111 : i32
      %add3A_1113 = arith.constant 1 : i32
      %add3A_1114 = arith.addi %scan3A_1112, %add3A_1113 : i32
      %min3A_1115 = arith.constant 1023 : i32
      %min3A_1116 = arith.minsi %add3A_1114, %min3A_1115 : i32
      %mul3A_1117 = arith.constant 16 : i32
      %mul3A_1118 = arith.muli %min3A_1116, %mul3A_1117 : i32
      %get3A_1119 = arith.index_cast %mul3A_1118 : i32 to index
      %get3A_1120 = tpu.vector_load %arg6[%get3A_1119] {strides = array<i32>} : memref<16384xi32, #tpu.memory_space<vmem>>, vector<16xi32>,
      %get3A_1121 = arith.index_cast %mul3A_1118 : i32 to index
      %get3A_1122 = tpu.vector_load %arg7[%get3A_1121] {strides = array<i32>} : memref<16384xf32, #tpu.memory_space<vmem>>, vector<16xf32>,
      %add3A_1123 = arith.addi %get3A_1107, %broadcast_in_dim3A_989 : vector<16xi32>
      tpu.vector_store_idx %arg9[%add3A_1123], %get3A_1109 {add = true} : memref<25200xf32, #tpu.memory_space<vmem>>[vector<16xi32>], vector<16xf32>,
      %scan3A_1124 = arith.constant 3 : i32
      %scan3A_1125 = arith.addi %scan3A_1085, %scan3A_1124 : i32
      %add3A_1126 = arith.constant 1 : i32
      %add3A_1127 = arith.addi %scan3A_1125, %add3A_1126 : i32
      %min3A_1128 = arith.constant 1023 : i32
      %min3A_1129 = arith.minsi %add3A_1127, %min3A_1128 : i32
      %mul3A_1130 = arith.constant 16 : i32
      %mul3A_1131 = arith.muli %min3A_1129, %mul3A_1130 : i32
      %get3A_1132 = arith.index_cast %mul3A_1131 : i32 to index
      %get3A_1133 = tpu.vector_load %arg6[%get3A_1132] {strides = array<i32>} : memref<16384xi32, #tpu.memory_space<vmem>>, vector<16xi32>,
      %get3A_1134 = arith.index_cast %mul3A_1131 : i32 to index
      %get3A_1135 = tpu.vector_load %arg7[%get3A_1134] {strides = array<i32>} : memref<16384xf32, #tpu.memory_space<vmem>>, vector<16xf32>,
      %add3A_1136 = arith.addi %get3A_1120, %broadcast_in_dim3A_989 : vector<16xi32>
      tpu.vector_store_idx %arg9[%add3A_1136], %get3A_1122 {add = true} : memref<25200xf32, #tpu.memory_space<vmem>>[vector<16xi32>], vector<16xf32>,
      scf.yield %get3A_1133, %get3A_1135 : vector<16xi32>, vector<16xf32>
    }
    %scan3A_999 = arith.constant 1024 : i32
    %dma_wait3A_1000 = tpu.memref_slice %arg3[%add3A_985] : memref<22020096xf32, #tpu.memory_space<hbm>> -> memref<16384xf32, #tpu.memory_space<hbm>>
    %dma_wait3A_1001 = tpu.memref_slice %arg3[%add3A_985] : memref<22020096xf32, #tpu.memory_space<hbm>> -> memref<16384xf32, #tpu.memory_space<hbm>>
    tpu.wait_dma2 semaphore(%arg12 : memref<!tpu.dma_semaphore, #tpu.memory_space<semaphore_mem>>) src(%dma_wait3A_1001 : memref<16384xf32, #tpu.memory_space<hbm>>) dst(%arg8 : memref<16384xf32, #tpu.memory_space<vmem>>)
    %mul3A_1002 = arith.constant 21 : i32
    %mul3A_1003 = arith.muli %select_n3A_560, %mul3A_1002 : i32
    %add3A_1004 = arith.constant 18 : i32
    %add3A_1005 = arith.addi %mul3A_1003, %add3A_1004 : i32
    %mul3A_1006 = arith.constant 262144 : i32
    %mul3A_1007 = arith.muli %add3A_1005, %mul3A_1006 : i32
    %add3A_1008 = arith.addi %mul3A_1007, %mul3A_578 : i32
    %dma_start3A_1009 = tpu.memref_slice %arg3[%add3A_1008] : memref<22020096xf32, #tpu.memory_space<hbm>> -> memref<16384xf32, #tpu.memory_space<hbm>>
    %dma_start3A_1010 = tpu.memref_slice %arg3[%add3A_1008] : memref<22020096xf32, #tpu.memory_space<hbm>> -> memref<16384xf32, #tpu.memory_space<hbm>>
    tpu.enqueue_dma source(%dma_start3A_1010 : memref<16384xf32, #tpu.memory_space<hbm>>) target(%arg7 : memref<16384xf32, #tpu.memory_space<vmem>>) target_semaphore(%arg11 : memref<!tpu.dma_semaphore, #tpu.memory_space<semaphore_mem>>)
    %broadcast_in_dim3A_1011 = arith.constant 20400 : i32
    %broadcast_in_dim3A_1012 = vector.broadcast %broadcast_in_dim3A_1011 : i32 to vector<16xi32>
    %get3A_1013 = arith.constant 0 : index
    %get3A_1014 = tpu.vector_load %arg6[%get3A_1013] {strides = array<i32>} : memref<16384xi32, #tpu.memory_space<vmem>>, vector<16xi32>,
    %get3A_1015 = arith.constant 0 : index
    %get3A_1016 = tpu.vector_load %arg8[%get3A_1015] {strides = array<i32>} : memref<16384xf32, #tpu.memory_space<vmem>>, vector<16xf32>,
    %scan3A_1017 = arith.constant 0 : i32
    %scan3A_1018 = arith.constant 1024 : i32
    %scan3A_1019 = arith.addi %scan3A_1017, %scan3A_1018 : i32
    %scan3A_1020 = arith.constant 4 : i32
    %scan3A_1021:2 = scf.for %scan3A_1085 = %scan3A_1017 to %scan3A_1019 step %scan3A_1020 iter_args(%scan3A_1086 = %get3A_1014, %scan3A_1087 = %get3A_1016) -> (vector<16xi32>, vector<16xf32>)  : i32 {
      %add3A_1088 = arith.constant 1 : i32
      %add3A_1089 = arith.addi %scan3A_1085, %add3A_1088 : i32
      %min3A = arith.constant 1023 : i32
      %min3A_1090 = arith.minsi %add3A_1089, %min3A : i32
      %mul3A_1091 = arith.constant 16 : i32
      %mul3A_1092 = arith.muli %min3A_1090, %mul3A_1091 : i32
      %get3A_1093 = arith.index_cast %mul3A_1092 : i32 to index
      %get3A_1094 = tpu.vector_load %arg6[%get3A_1093] {strides = array<i32>} : memref<16384xi32, #tpu.memory_space<vmem>>, vector<16xi32>,
      %get3A_1095 = arith.index_cast %mul3A_1092 : i32 to index
      %get3A_1096 = tpu.vector_load %arg8[%get3A_1095] {strides = array<i32>} : memref<16384xf32, #tpu.memory_space<vmem>>, vector<16xf32>,
      %add3A_1097 = arith.addi %scan3A_1086, %broadcast_in_dim3A_1012 : vector<16xi32>
      tpu.vector_store_idx %arg9[%add3A_1097], %scan3A_1087 {add = true} : memref<25200xf32, #tpu.memory_space<vmem>>[vector<16xi32>], vector<16xf32>,
      %scan3A_1098 = arith.constant 1 : i32
      %scan3A_1099 = arith.addi %scan3A_1085, %scan3A_1098 : i32
      %add3A_1100 = arith.constant 1 : i32
      %add3A_1101 = arith.addi %scan3A_1099, %add3A_1100 : i32
      %min3A_1102 = arith.constant 1023 : i32
      %min3A_1103 = arith.minsi %add3A_1101, %min3A_1102 : i32
      %mul3A_1104 = arith.constant 16 : i32
      %mul3A_1105 = arith.muli %min3A_1103, %mul3A_1104 : i32
      %get3A_1106 = arith.index_cast %mul3A_1105 : i32 to index
      %get3A_1107 = tpu.vector_load %arg6[%get3A_1106] {strides = array<i32>} : memref<16384xi32, #tpu.memory_space<vmem>>, vector<16xi32>,
      %get3A_1108 = arith.index_cast %mul3A_1105 : i32 to index
      %get3A_1109 = tpu.vector_load %arg8[%get3A_1108] {strides = array<i32>} : memref<16384xf32, #tpu.memory_space<vmem>>, vector<16xf32>,
      %add3A_1110 = arith.addi %get3A_1094, %broadcast_in_dim3A_1012 : vector<16xi32>
      tpu.vector_store_idx %arg9[%add3A_1110], %get3A_1096 {add = true} : memref<25200xf32, #tpu.memory_space<vmem>>[vector<16xi32>], vector<16xf32>,
      %scan3A_1111 = arith.constant 2 : i32
      %scan3A_1112 = arith.addi %scan3A_1085, %scan3A_1111 : i32
      %add3A_1113 = arith.constant 1 : i32
      %add3A_1114 = arith.addi %scan3A_1112, %add3A_1113 : i32
      %min3A_1115 = arith.constant 1023 : i32
      %min3A_1116 = arith.minsi %add3A_1114, %min3A_1115 : i32
      %mul3A_1117 = arith.constant 16 : i32
      %mul3A_1118 = arith.muli %min3A_1116, %mul3A_1117 : i32
      %get3A_1119 = arith.index_cast %mul3A_1118 : i32 to index
      %get3A_1120 = tpu.vector_load %arg6[%get3A_1119] {strides = array<i32>} : memref<16384xi32, #tpu.memory_space<vmem>>, vector<16xi32>,
      %get3A_1121 = arith.index_cast %mul3A_1118 : i32 to index
      %get3A_1122 = tpu.vector_load %arg8[%get3A_1121] {strides = array<i32>} : memref<16384xf32, #tpu.memory_space<vmem>>, vector<16xf32>,
      %add3A_1123 = arith.addi %get3A_1107, %broadcast_in_dim3A_1012 : vector<16xi32>
      tpu.vector_store_idx %arg9[%add3A_1123], %get3A_1109 {add = true} : memref<25200xf32, #tpu.memory_space<vmem>>[vector<16xi32>], vector<16xf32>,
      %scan3A_1124 = arith.constant 3 : i32
      %scan3A_1125 = arith.addi %scan3A_1085, %scan3A_1124 : i32
      %add3A_1126 = arith.constant 1 : i32
      %add3A_1127 = arith.addi %scan3A_1125, %add3A_1126 : i32
      %min3A_1128 = arith.constant 1023 : i32
      %min3A_1129 = arith.minsi %add3A_1127, %min3A_1128 : i32
      %mul3A_1130 = arith.constant 16 : i32
      %mul3A_1131 = arith.muli %min3A_1129, %mul3A_1130 : i32
      %get3A_1132 = arith.index_cast %mul3A_1131 : i32 to index
      %get3A_1133 = tpu.vector_load %arg6[%get3A_1132] {strides = array<i32>} : memref<16384xi32, #tpu.memory_space<vmem>>, vector<16xi32>,
      %get3A_1134 = arith.index_cast %mul3A_1131 : i32 to index
      %get3A_1135 = tpu.vector_load %arg8[%get3A_1134] {strides = array<i32>} : memref<16384xf32, #tpu.memory_space<vmem>>, vector<16xf32>,
      %add3A_1136 = arith.addi %get3A_1120, %broadcast_in_dim3A_1012 : vector<16xi32>
      tpu.vector_store_idx %arg9[%add3A_1136], %get3A_1122 {add = true} : memref<25200xf32, #tpu.memory_space<vmem>>[vector<16xi32>], vector<16xf32>,
      scf.yield %get3A_1133, %get3A_1135 : vector<16xi32>, vector<16xf32>
    }
    %scan3A_1022 = arith.constant 1024 : i32
    %dma_wait3A_1023 = tpu.memref_slice %arg3[%add3A_1008] : memref<22020096xf32, #tpu.memory_space<hbm>> -> memref<16384xf32, #tpu.memory_space<hbm>>
    %dma_wait3A_1024 = tpu.memref_slice %arg3[%add3A_1008] : memref<22020096xf32, #tpu.memory_space<hbm>> -> memref<16384xf32, #tpu.memory_space<hbm>>
    tpu.wait_dma2 semaphore(%arg11 : memref<!tpu.dma_semaphore, #tpu.memory_space<semaphore_mem>>) src(%dma_wait3A_1024 : memref<16384xf32, #tpu.memory_space<hbm>>) dst(%arg7 : memref<16384xf32, #tpu.memory_space<vmem>>)
    %mul3A_1025 = arith.constant 21 : i32
    %mul3A_1026 = arith.muli %select_n3A_560, %mul3A_1025 : i32
    %add3A_1027 = arith.constant 19 : i32
    %add3A_1028 = arith.addi %mul3A_1026, %add3A_1027 : i32
    %mul3A_1029 = arith.constant 262144 : i32
    %mul3A_1030 = arith.muli %add3A_1028, %mul3A_1029 : i32
    %add3A_1031 = arith.addi %mul3A_1030, %mul3A_578 : i32
    %dma_start3A_1032 = tpu.memref_slice %arg3[%add3A_1031] : memref<22020096xf32, #tpu.memory_space<hbm>> -> memref<16384xf32, #tpu.memory_space<hbm>>
    %dma_start3A_1033 = tpu.memref_slice %arg3[%add3A_1031] : memref<22020096xf32, #tpu.memory_space<hbm>> -> memref<16384xf32, #tpu.memory_space<hbm>>
    tpu.enqueue_dma source(%dma_start3A_1033 : memref<16384xf32, #tpu.memory_space<hbm>>) target(%arg8 : memref<16384xf32, #tpu.memory_space<vmem>>) target_semaphore(%arg12 : memref<!tpu.dma_semaphore, #tpu.memory_space<semaphore_mem>>)
    %broadcast_in_dim3A_1034 = arith.constant 21600 : i32
    %broadcast_in_dim3A_1035 = vector.broadcast %broadcast_in_dim3A_1034 : i32 to vector<16xi32>
    %get3A_1036 = arith.constant 0 : index
    %get3A_1037 = tpu.vector_load %arg6[%get3A_1036] {strides = array<i32>} : memref<16384xi32, #tpu.memory_space<vmem>>, vector<16xi32>,
    %get3A_1038 = arith.constant 0 : index
    %get3A_1039 = tpu.vector_load %arg7[%get3A_1038] {strides = array<i32>} : memref<16384xf32, #tpu.memory_space<vmem>>, vector<16xf32>,
    %scan3A_1040 = arith.constant 0 : i32
    %scan3A_1041 = arith.constant 1024 : i32
    %scan3A_1042 = arith.addi %scan3A_1040, %scan3A_1041 : i32
    %scan3A_1043 = arith.constant 4 : i32
    %scan3A_1044:2 = scf.for %scan3A_1085 = %scan3A_1040 to %scan3A_1042 step %scan3A_1043 iter_args(%scan3A_1086 = %get3A_1037, %scan3A_1087 = %get3A_1039) -> (vector<16xi32>, vector<16xf32>)  : i32 {
      %add3A_1088 = arith.constant 1 : i32
      %add3A_1089 = arith.addi %scan3A_1085, %add3A_1088 : i32
      %min3A = arith.constant 1023 : i32
      %min3A_1090 = arith.minsi %add3A_1089, %min3A : i32
      %mul3A_1091 = arith.constant 16 : i32
      %mul3A_1092 = arith.muli %min3A_1090, %mul3A_1091 : i32
      %get3A_1093 = arith.index_cast %mul3A_1092 : i32 to index
      %get3A_1094 = tpu.vector_load %arg6[%get3A_1093] {strides = array<i32>} : memref<16384xi32, #tpu.memory_space<vmem>>, vector<16xi32>,
      %get3A_1095 = arith.index_cast %mul3A_1092 : i32 to index
      %get3A_1096 = tpu.vector_load %arg7[%get3A_1095] {strides = array<i32>} : memref<16384xf32, #tpu.memory_space<vmem>>, vector<16xf32>,
      %add3A_1097 = arith.addi %scan3A_1086, %broadcast_in_dim3A_1035 : vector<16xi32>
      tpu.vector_store_idx %arg9[%add3A_1097], %scan3A_1087 {add = true} : memref<25200xf32, #tpu.memory_space<vmem>>[vector<16xi32>], vector<16xf32>,
      %scan3A_1098 = arith.constant 1 : i32
      %scan3A_1099 = arith.addi %scan3A_1085, %scan3A_1098 : i32
      %add3A_1100 = arith.constant 1 : i32
      %add3A_1101 = arith.addi %scan3A_1099, %add3A_1100 : i32
      %min3A_1102 = arith.constant 1023 : i32
      %min3A_1103 = arith.minsi %add3A_1101, %min3A_1102 : i32
      %mul3A_1104 = arith.constant 16 : i32
      %mul3A_1105 = arith.muli %min3A_1103, %mul3A_1104 : i32
      %get3A_1106 = arith.index_cast %mul3A_1105 : i32 to index
      %get3A_1107 = tpu.vector_load %arg6[%get3A_1106] {strides = array<i32>} : memref<16384xi32, #tpu.memory_space<vmem>>, vector<16xi32>,
      %get3A_1108 = arith.index_cast %mul3A_1105 : i32 to index
      %get3A_1109 = tpu.vector_load %arg7[%get3A_1108] {strides = array<i32>} : memref<16384xf32, #tpu.memory_space<vmem>>, vector<16xf32>,
      %add3A_1110 = arith.addi %get3A_1094, %broadcast_in_dim3A_1035 : vector<16xi32>
      tpu.vector_store_idx %arg9[%add3A_1110], %get3A_1096 {add = true} : memref<25200xf32, #tpu.memory_space<vmem>>[vector<16xi32>], vector<16xf32>,
      %scan3A_1111 = arith.constant 2 : i32
      %scan3A_1112 = arith.addi %scan3A_1085, %scan3A_1111 : i32
      %add3A_1113 = arith.constant 1 : i32
      %add3A_1114 = arith.addi %scan3A_1112, %add3A_1113 : i32
      %min3A_1115 = arith.constant 1023 : i32
      %min3A_1116 = arith.minsi %add3A_1114, %min3A_1115 : i32
      %mul3A_1117 = arith.constant 16 : i32
      %mul3A_1118 = arith.muli %min3A_1116, %mul3A_1117 : i32
      %get3A_1119 = arith.index_cast %mul3A_1118 : i32 to index
      %get3A_1120 = tpu.vector_load %arg6[%get3A_1119] {strides = array<i32>} : memref<16384xi32, #tpu.memory_space<vmem>>, vector<16xi32>,
      %get3A_1121 = arith.index_cast %mul3A_1118 : i32 to index
      %get3A_1122 = tpu.vector_load %arg7[%get3A_1121] {strides = array<i32>} : memref<16384xf32, #tpu.memory_space<vmem>>, vector<16xf32>,
      %add3A_1123 = arith.addi %get3A_1107, %broadcast_in_dim3A_1035 : vector<16xi32>
      tpu.vector_store_idx %arg9[%add3A_1123], %get3A_1109 {add = true} : memref<25200xf32, #tpu.memory_space<vmem>>[vector<16xi32>], vector<16xf32>,
      %scan3A_1124 = arith.constant 3 : i32
      %scan3A_1125 = arith.addi %scan3A_1085, %scan3A_1124 : i32
      %add3A_1126 = arith.constant 1 : i32
      %add3A_1127 = arith.addi %scan3A_1125, %add3A_1126 : i32
      %min3A_1128 = arith.constant 1023 : i32
      %min3A_1129 = arith.minsi %add3A_1127, %min3A_1128 : i32
      %mul3A_1130 = arith.constant 16 : i32
      %mul3A_1131 = arith.muli %min3A_1129, %mul3A_1130 : i32
      %get3A_1132 = arith.index_cast %mul3A_1131 : i32 to index
      %get3A_1133 = tpu.vector_load %arg6[%get3A_1132] {strides = array<i32>} : memref<16384xi32, #tpu.memory_space<vmem>>, vector<16xi32>,
      %get3A_1134 = arith.index_cast %mul3A_1131 : i32 to index
      %get3A_1135 = tpu.vector_load %arg7[%get3A_1134] {strides = array<i32>} : memref<16384xf32, #tpu.memory_space<vmem>>, vector<16xf32>,
      %add3A_1136 = arith.addi %get3A_1120, %broadcast_in_dim3A_1035 : vector<16xi32>
      tpu.vector_store_idx %arg9[%add3A_1136], %get3A_1122 {add = true} : memref<25200xf32, #tpu.memory_space<vmem>>[vector<16xi32>], vector<16xf32>,
      scf.yield %get3A_1133, %get3A_1135 : vector<16xi32>, vector<16xf32>
    }
    %scan3A_1045 = arith.constant 1024 : i32
    %dma_wait3A_1046 = tpu.memref_slice %arg3[%add3A_1031] : memref<22020096xf32, #tpu.memory_space<hbm>> -> memref<16384xf32, #tpu.memory_space<hbm>>
    %dma_wait3A_1047 = tpu.memref_slice %arg3[%add3A_1031] : memref<22020096xf32, #tpu.memory_space<hbm>> -> memref<16384xf32, #tpu.memory_space<hbm>>
    tpu.wait_dma2 semaphore(%arg12 : memref<!tpu.dma_semaphore, #tpu.memory_space<semaphore_mem>>) src(%dma_wait3A_1047 : memref<16384xf32, #tpu.memory_space<hbm>>) dst(%arg8 : memref<16384xf32, #tpu.memory_space<vmem>>)
    %mul3A_1048 = arith.constant 21 : i32
    %mul3A_1049 = arith.muli %select_n3A_560, %mul3A_1048 : i32
    %add3A_1050 = arith.constant 20 : i32
    %add3A_1051 = arith.addi %mul3A_1049, %add3A_1050 : i32
    %mul3A_1052 = arith.constant 262144 : i32
    %mul3A_1053 = arith.muli %add3A_1051, %mul3A_1052 : i32
    %add3A_1054 = arith.addi %mul3A_1053, %mul3A_578 : i32
    %dma_start3A_1055 = tpu.memref_slice %arg3[%add3A_1054] : memref<22020096xf32, #tpu.memory_space<hbm>> -> memref<16384xf32, #tpu.memory_space<hbm>>
    %dma_start3A_1056 = tpu.memref_slice %arg3[%add3A_1054] : memref<22020096xf32, #tpu.memory_space<hbm>> -> memref<16384xf32, #tpu.memory_space<hbm>>
    tpu.enqueue_dma source(%dma_start3A_1056 : memref<16384xf32, #tpu.memory_space<hbm>>) target(%arg7 : memref<16384xf32, #tpu.memory_space<vmem>>) target_semaphore(%arg11 : memref<!tpu.dma_semaphore, #tpu.memory_space<semaphore_mem>>)
    %broadcast_in_dim3A_1057 = arith.constant 22800 : i32
    %broadcast_in_dim3A_1058 = vector.broadcast %broadcast_in_dim3A_1057 : i32 to vector<16xi32>
    %get3A_1059 = arith.constant 0 : index
    %get3A_1060 = tpu.vector_load %arg6[%get3A_1059] {strides = array<i32>} : memref<16384xi32, #tpu.memory_space<vmem>>, vector<16xi32>,
    %get3A_1061 = arith.constant 0 : index
    %get3A_1062 = tpu.vector_load %arg8[%get3A_1061] {strides = array<i32>} : memref<16384xf32, #tpu.memory_space<vmem>>, vector<16xf32>,
    %scan3A_1063 = arith.constant 0 : i32
    %scan3A_1064 = arith.constant 1024 : i32
    %scan3A_1065 = arith.addi %scan3A_1063, %scan3A_1064 : i32
    %scan3A_1066 = arith.constant 4 : i32
    %scan3A_1067:2 = scf.for %scan3A_1085 = %scan3A_1063 to %scan3A_1065 step %scan3A_1066 iter_args(%scan3A_1086 = %get3A_1060, %scan3A_1087 = %get3A_1062) -> (vector<16xi32>, vector<16xf32>)  : i32 {
      %add3A_1088 = arith.constant 1 : i32
      %add3A_1089 = arith.addi %scan3A_1085, %add3A_1088 : i32
      %min3A = arith.constant 1023 : i32
      %min3A_1090 = arith.minsi %add3A_1089, %min3A : i32
      %mul3A_1091 = arith.constant 16 : i32
      %mul3A_1092 = arith.muli %min3A_1090, %mul3A_1091 : i32
      %get3A_1093 = arith.index_cast %mul3A_1092 : i32 to index
      %get3A_1094 = tpu.vector_load %arg6[%get3A_1093] {strides = array<i32>} : memref<16384xi32, #tpu.memory_space<vmem>>, vector<16xi32>,
      %get3A_1095 = arith.index_cast %mul3A_1092 : i32 to index
      %get3A_1096 = tpu.vector_load %arg8[%get3A_1095] {strides = array<i32>} : memref<16384xf32, #tpu.memory_space<vmem>>, vector<16xf32>,
      %add3A_1097 = arith.addi %scan3A_1086, %broadcast_in_dim3A_1058 : vector<16xi32>
      tpu.vector_store_idx %arg9[%add3A_1097], %scan3A_1087 {add = true} : memref<25200xf32, #tpu.memory_space<vmem>>[vector<16xi32>], vector<16xf32>,
      %scan3A_1098 = arith.constant 1 : i32
      %scan3A_1099 = arith.addi %scan3A_1085, %scan3A_1098 : i32
      %add3A_1100 = arith.constant 1 : i32
      %add3A_1101 = arith.addi %scan3A_1099, %add3A_1100 : i32
      %min3A_1102 = arith.constant 1023 : i32
      %min3A_1103 = arith.minsi %add3A_1101, %min3A_1102 : i32
      %mul3A_1104 = arith.constant 16 : i32
      %mul3A_1105 = arith.muli %min3A_1103, %mul3A_1104 : i32
      %get3A_1106 = arith.index_cast %mul3A_1105 : i32 to index
      %get3A_1107 = tpu.vector_load %arg6[%get3A_1106] {strides = array<i32>} : memref<16384xi32, #tpu.memory_space<vmem>>, vector<16xi32>,
      %get3A_1108 = arith.index_cast %mul3A_1105 : i32 to index
      %get3A_1109 = tpu.vector_load %arg8[%get3A_1108] {strides = array<i32>} : memref<16384xf32, #tpu.memory_space<vmem>>, vector<16xf32>,
      %add3A_1110 = arith.addi %get3A_1094, %broadcast_in_dim3A_1058 : vector<16xi32>
      tpu.vector_store_idx %arg9[%add3A_1110], %get3A_1096 {add = true} : memref<25200xf32, #tpu.memory_space<vmem>>[vector<16xi32>], vector<16xf32>,
      %scan3A_1111 = arith.constant 2 : i32
      %scan3A_1112 = arith.addi %scan3A_1085, %scan3A_1111 : i32
      %add3A_1113 = arith.constant 1 : i32
      %add3A_1114 = arith.addi %scan3A_1112, %add3A_1113 : i32
      %min3A_1115 = arith.constant 1023 : i32
      %min3A_1116 = arith.minsi %add3A_1114, %min3A_1115 : i32
      %mul3A_1117 = arith.constant 16 : i32
      %mul3A_1118 = arith.muli %min3A_1116, %mul3A_1117 : i32
      %get3A_1119 = arith.index_cast %mul3A_1118 : i32 to index
      %get3A_1120 = tpu.vector_load %arg6[%get3A_1119] {strides = array<i32>} : memref<16384xi32, #tpu.memory_space<vmem>>, vector<16xi32>,
      %get3A_1121 = arith.index_cast %mul3A_1118 : i32 to index
      %get3A_1122 = tpu.vector_load %arg8[%get3A_1121] {strides = array<i32>} : memref<16384xf32, #tpu.memory_space<vmem>>, vector<16xf32>,
      %add3A_1123 = arith.addi %get3A_1107, %broadcast_in_dim3A_1058 : vector<16xi32>
      tpu.vector_store_idx %arg9[%add3A_1123], %get3A_1109 {add = true} : memref<25200xf32, #tpu.memory_space<vmem>>[vector<16xi32>], vector<16xf32>,
      %scan3A_1124 = arith.constant 3 : i32
      %scan3A_1125 = arith.addi %scan3A_1085, %scan3A_1124 : i32
      %add3A_1126 = arith.constant 1 : i32
      %add3A_1127 = arith.addi %scan3A_1125, %add3A_1126 : i32
      %min3A_1128 = arith.constant 1023 : i32
      %min3A_1129 = arith.minsi %add3A_1127, %min3A_1128 : i32
      %mul3A_1130 = arith.constant 16 : i32
      %mul3A_1131 = arith.muli %min3A_1129, %mul3A_1130 : i32
      %get3A_1132 = arith.index_cast %mul3A_1131 : i32 to index
      %get3A_1133 = tpu.vector_load %arg6[%get3A_1132] {strides = array<i32>} : memref<16384xi32, #tpu.memory_space<vmem>>, vector<16xi32>,
      %get3A_1134 = arith.index_cast %mul3A_1131 : i32 to index
      %get3A_1135 = tpu.vector_load %arg8[%get3A_1134] {strides = array<i32>} : memref<16384xf32, #tpu.memory_space<vmem>>, vector<16xf32>,
      %add3A_1136 = arith.addi %get3A_1120, %broadcast_in_dim3A_1058 : vector<16xi32>
      tpu.vector_store_idx %arg9[%add3A_1136], %get3A_1122 {add = true} : memref<25200xf32, #tpu.memory_space<vmem>>[vector<16xi32>], vector<16xf32>,
      scf.yield %get3A_1133, %get3A_1135 : vector<16xi32>, vector<16xf32>
    }
    %scan3A_1068 = arith.constant 1024 : i32
    %dma_wait3A_1069 = tpu.memref_slice %arg3[%add3A_1054] : memref<22020096xf32, #tpu.memory_space<hbm>> -> memref<16384xf32, #tpu.memory_space<hbm>>
    %dma_wait3A_1070 = tpu.memref_slice %arg3[%add3A_1054] : memref<22020096xf32, #tpu.memory_space<hbm>> -> memref<16384xf32, #tpu.memory_space<hbm>>
    tpu.wait_dma2 semaphore(%arg11 : memref<!tpu.dma_semaphore, #tpu.memory_space<semaphore_mem>>) src(%dma_wait3A_1070 : memref<16384xf32, #tpu.memory_space<hbm>>) dst(%arg7 : memref<16384xf32, #tpu.memory_space<vmem>>)
    %broadcast_in_dim3A_1071 = arith.constant 24000 : i32
    %broadcast_in_dim3A_1072 = vector.broadcast %broadcast_in_dim3A_1071 : i32 to vector<16xi32>
    %get3A_1073 = arith.constant 0 : index
    %get3A_1074 = tpu.vector_load %arg6[%get3A_1073] {strides = array<i32>} : memref<16384xi32, #tpu.memory_space<vmem>>, vector<16xi32>,
    %get3A_1075 = arith.constant 0 : index
    %get3A_1076 = tpu.vector_load %arg7[%get3A_1075] {strides = array<i32>} : memref<16384xf32, #tpu.memory_space<vmem>>, vector<16xf32>,
    %scan3A_1077 = arith.constant 0 : i32
    %scan3A_1078 = arith.constant 1024 : i32
    %scan3A_1079 = arith.addi %scan3A_1077, %scan3A_1078 : i32
    %scan3A_1080 = arith.constant 4 : i32
    %scan3A_1081:2 = scf.for %scan3A_1085 = %scan3A_1077 to %scan3A_1079 step %scan3A_1080 iter_args(%scan3A_1086 = %get3A_1074, %scan3A_1087 = %get3A_1076) -> (vector<16xi32>, vector<16xf32>)  : i32 {
      %add3A_1088 = arith.constant 1 : i32
      %add3A_1089 = arith.addi %scan3A_1085, %add3A_1088 : i32
      %min3A = arith.constant 1023 : i32
      %min3A_1090 = arith.minsi %add3A_1089, %min3A : i32
      %mul3A_1091 = arith.constant 16 : i32
      %mul3A_1092 = arith.muli %min3A_1090, %mul3A_1091 : i32
      %get3A_1093 = arith.index_cast %mul3A_1092 : i32 to index
      %get3A_1094 = tpu.vector_load %arg6[%get3A_1093] {strides = array<i32>} : memref<16384xi32, #tpu.memory_space<vmem>>, vector<16xi32>,
      %get3A_1095 = arith.index_cast %mul3A_1092 : i32 to index
      %get3A_1096 = tpu.vector_load %arg7[%get3A_1095] {strides = array<i32>} : memref<16384xf32, #tpu.memory_space<vmem>>, vector<16xf32>,
      %add3A_1097 = arith.addi %scan3A_1086, %broadcast_in_dim3A_1072 : vector<16xi32>
      tpu.vector_store_idx %arg9[%add3A_1097], %scan3A_1087 {add = true} : memref<25200xf32, #tpu.memory_space<vmem>>[vector<16xi32>], vector<16xf32>,
      %scan3A_1098 = arith.constant 1 : i32
      %scan3A_1099 = arith.addi %scan3A_1085, %scan3A_1098 : i32
      %add3A_1100 = arith.constant 1 : i32
      %add3A_1101 = arith.addi %scan3A_1099, %add3A_1100 : i32
      %min3A_1102 = arith.constant 1023 : i32
      %min3A_1103 = arith.minsi %add3A_1101, %min3A_1102 : i32
      %mul3A_1104 = arith.constant 16 : i32
      %mul3A_1105 = arith.muli %min3A_1103, %mul3A_1104 : i32
      %get3A_1106 = arith.index_cast %mul3A_1105 : i32 to index
      %get3A_1107 = tpu.vector_load %arg6[%get3A_1106] {strides = array<i32>} : memref<16384xi32, #tpu.memory_space<vmem>>, vector<16xi32>,
      %get3A_1108 = arith.index_cast %mul3A_1105 : i32 to index
      %get3A_1109 = tpu.vector_load %arg7[%get3A_1108] {strides = array<i32>} : memref<16384xf32, #tpu.memory_space<vmem>>, vector<16xf32>,
      %add3A_1110 = arith.addi %get3A_1094, %broadcast_in_dim3A_1072 : vector<16xi32>
      tpu.vector_store_idx %arg9[%add3A_1110], %get3A_1096 {add = true} : memref<25200xf32, #tpu.memory_space<vmem>>[vector<16xi32>], vector<16xf32>,
      %scan3A_1111 = arith.constant 2 : i32
      %scan3A_1112 = arith.addi %scan3A_1085, %scan3A_1111 : i32
      %add3A_1113 = arith.constant 1 : i32
      %add3A_1114 = arith.addi %scan3A_1112, %add3A_1113 : i32
      %min3A_1115 = arith.constant 1023 : i32
      %min3A_1116 = arith.minsi %add3A_1114, %min3A_1115 : i32
      %mul3A_1117 = arith.constant 16 : i32
      %mul3A_1118 = arith.muli %min3A_1116, %mul3A_1117 : i32
      %get3A_1119 = arith.index_cast %mul3A_1118 : i32 to index
      %get3A_1120 = tpu.vector_load %arg6[%get3A_1119] {strides = array<i32>} : memref<16384xi32, #tpu.memory_space<vmem>>, vector<16xi32>,
      %get3A_1121 = arith.index_cast %mul3A_1118 : i32 to index
      %get3A_1122 = tpu.vector_load %arg7[%get3A_1121] {strides = array<i32>} : memref<16384xf32, #tpu.memory_space<vmem>>, vector<16xf32>,
      %add3A_1123 = arith.addi %get3A_1107, %broadcast_in_dim3A_1072 : vector<16xi32>
      tpu.vector_store_idx %arg9[%add3A_1123], %get3A_1109 {add = true} : memref<25200xf32, #tpu.memory_space<vmem>>[vector<16xi32>], vector<16xf32>,
      %scan3A_1124 = arith.constant 3 : i32
      %scan3A_1125 = arith.addi %scan3A_1085, %scan3A_1124 : i32
      %add3A_1126 = arith.constant 1 : i32
      %add3A_1127 = arith.addi %scan3A_1125, %add3A_1126 : i32
      %min3A_1128 = arith.constant 1023 : i32
      %min3A_1129 = arith.minsi %add3A_1127, %min3A_1128 : i32
      %mul3A_1130 = arith.constant 16 : i32
      %mul3A_1131 = arith.muli %min3A_1129, %mul3A_1130 : i32
      %get3A_1132 = arith.index_cast %mul3A_1131 : i32 to index
      %get3A_1133 = tpu.vector_load %arg6[%get3A_1132] {strides = array<i32>} : memref<16384xi32, #tpu.memory_space<vmem>>, vector<16xi32>,
      %get3A_1134 = arith.index_cast %mul3A_1131 : i32 to index
      %get3A_1135 = tpu.vector_load %arg7[%get3A_1134] {strides = array<i32>} : memref<16384xf32, #tpu.memory_space<vmem>>, vector<16xf32>,
      %add3A_1136 = arith.addi %get3A_1120, %broadcast_in_dim3A_1072 : vector<16xi32>
      tpu.vector_store_idx %arg9[%add3A_1136], %get3A_1122 {add = true} : memref<25200xf32, #tpu.memory_space<vmem>>[vector<16xi32>], vector<16xf32>,
      scf.yield %get3A_1133, %get3A_1135 : vector<16xi32>, vector<16xf32>
    }
    %scan3A_1082 = arith.constant 1024 : i32
    %mul3A_1083 = arith.constant 25200 : i32
    %mul3A_1084 = arith.muli %add3A_536, %mul3A_1083 : i32
    "tpu.region"() ({
      %run_scoped3A = tpu.sem_alloc : memref<!tpu.dma_semaphore, #tpu.memory_space<semaphore_mem>>
      %dma_start3A_1085 = tpu.memref_slice %arg4[%mul3A_1084] : memref<1612800xf32, #tpu.memory_space<hbm>> -> memref<25200xf32, #tpu.memory_space<hbm>>
      %dma_start3A_1086 = tpu.memref_slice %arg4[%mul3A_1084] : memref<1612800xf32, #tpu.memory_space<hbm>> -> memref<25200xf32, #tpu.memory_space<hbm>>
      tpu.enqueue_dma source(%arg9 : memref<25200xf32, #tpu.memory_space<vmem>>) target(%dma_start3A_1086 : memref<25200xf32, #tpu.memory_space<hbm>>) target_semaphore(%run_scoped3A : memref<!tpu.dma_semaphore, #tpu.memory_space<semaphore_mem>>)
      %dma_wait3A_1087 = tpu.memref_slice %arg4[%mul3A_1084] : memref<1612800xf32, #tpu.memory_space<hbm>> -> memref<25200xf32, #tpu.memory_space<hbm>>
      %dma_wait3A_1088 = tpu.memref_slice %arg4[%mul3A_1084] : memref<1612800xf32, #tpu.memory_space<hbm>> -> memref<25200xf32, #tpu.memory_space<hbm>>
      tpu.wait_dma2 semaphore(%run_scoped3A : memref<!tpu.dma_semaphore, #tpu.memory_space<semaphore_mem>>) src(%arg9 : memref<25200xf32, #tpu.memory_space<vmem>>) dst(%dma_wait3A_1088 : memref<25200xf32, #tpu.memory_space<hbm>>)
      tpu.yield
    }) : () -> ()
    return
  }
}

module attributes {stable_mosaic.version = 14 : i64} {
  func.func @_tc_finish_body(%arg0: i32, %arg1: memref<1x16x21x1200xf32, #tpu.memory_space<vmem>>, %arg2: memref<1x16x16xi32, #tpu.memory_space<vmem>>, %arg3: memref<1x1200x1200xf32, #tpu.memory_space<vmem>>, %arg4: memref<1x1200x1200xf32, #tpu.memory_space<vmem>>, %arg5: memref<1x1xf32, #tpu.memory_space<smem>>, %arg6: memref<21x1200xf32, #tpu.memory_space<vmem>>, %arg7: memref<21x1xf32, #tpu.memory_space<vmem>>, %arg8: memref<1x1xf32, #tpu.memory_space<smem>>) attributes {dimension_semantics = [#tpu.dimension_semantics<arbitrary>], iteration_bounds = array<i64: 4>, scalar_prefetch = 0 : i64, scratch_operands = 3 : i64, tpu.core_type = #tpu.core_type<tc>, window_params = [{transform_indices = @transform_0, window_bounds = array<i64: 1, 16, 21, 1200>}, {transform_indices = @transform_1, window_bounds = array<i64: 1, 16, 16>}, {transform_indices = @transform_2, window_bounds = array<i64: 1, 1200, 1200>}, {transform_indices = @transform_3, window_bounds = array<i64: 1, 1200, 1200>}, {transform_indices = @transform_4, window_bounds = array<i64: 1, 1>}]} {
    %eq3A = arith.constant 0 : i32
    %eq3A_0 = arith.cmpi eq, %arg0, %eq3A : i32
    %convert_element_type3A = arith.extui %eq3A_0 : i1 to i32
    %cond3A = arith.constant 0 : i32
    %cond3A_1 = arith.cmpi ne, %convert_element_type3A, %cond3A : i32
    scf.if %cond3A_1 {
      %broadcast_in_dim3A_63 = arith.constant 0.000000e+00 : f32
      %broadcast_in_dim3A_64 = vector.broadcast %broadcast_in_dim3A_63 : f32 to vector<21x1xf32>
      %swap3A_65 = arith.constant 0 : index
      %swap3A_66 = arith.constant 0 : index
      %swap3A_67 = vector.load %arg7[%swap3A_65, %swap3A_66] : memref<21x1xf32, #tpu.memory_space<vmem>>, vector<21x1xf32>
      tpu.vector_store %arg7[%swap3A_65, %swap3A_66], %broadcast_in_dim3A_64 {strides = array<i32>} : memref<21x1xf32, #tpu.memory_space<vmem>>, vector<21x1xf32>,
      %swap3A_68 = arith.constant 0.000000e+00 : f32
      %swap3A_69 = arith.constant 0 : index
      %swap3A_70 = arith.constant 0 : index
      %swap3A_71 = memref.load %arg8[%swap3A_69, %swap3A_70] : memref<1x1xf32, #tpu.memory_space<smem>>
      memref.store %swap3A_68, %arg8[%swap3A_69, %swap3A_70] : memref<1x1xf32, #tpu.memory_space<smem>>
    } else {
    }
    %get3A = arith.constant 0 : index
    %get3A_2 = arith.constant 0 : index
    %get3A_3 = arith.constant 0 : index
    %get3A_4 = vector.load %arg2[%get3A, %get3A_2, %get3A_3] : memref<1x16x16xi32, #tpu.memory_space<vmem>>, vector<1x16x16xi32>
    %reduce_sum3A = vector.shape_cast %get3A_4 : vector<1x16x16xi32> to vector<1x1x16x16xi32>
    %reduce_sum3A_5 = arith.constant dense<0> : vector<1xi32>
    %reduce_sum3A_6 = vector.multi_reduction <add>, %reduce_sum3A, %reduce_sum3A_5 [1, 2, 3] : vector<1x1x16x16xi32> to vector<1xi32>
    %reduce_sum3A_7 = vector.shape_cast %reduce_sum3A_6 : vector<1xi32> to vector<1x1x1x1xi32>
    %reduce_sum3A_8 = vector.extract %reduce_sum3A_7[0, 0, 0, 0] : i32 from vector<1x1x1x1xi32>
    %convert_element_type3A_9 = arith.sitofp %reduce_sum3A_8 : i32 to f32
    %add3A = arith.constant 1.000000e-16 : f32
    %add3A_10 = arith.addf %convert_element_type3A_9, %add3A : f32
    %get3A_11 = arith.constant 0 : index
    %get3A_12 = arith.constant 0 : index
    %get3A_13 = arith.constant 0 : index
    %get3A_14 = arith.constant 0 : index
    %get3A_15 = vector.load %arg1[%get3A_11, %get3A_12, %get3A_13, %get3A_14] : memref<1x16x21x1200xf32, #tpu.memory_space<vmem>>, vector<1x16x21x1200xf32>
    %get3A_16 = vector.shape_cast %get3A_15 : vector<1x16x21x1200xf32> to vector<16x21x1200xf32>
    %reduce_sum3A_17 = arith.constant dense<0.000000e+00> : vector<21x1200xf32>
    %reduce_sum3A_18 = vector.multi_reduction <add>, %get3A_16, %reduce_sum3A_17 [0] : vector<16x21x1200xf32> to vector<21x1200xf32>
    %div3A = vector.broadcast %add3A_10 : f32 to vector<21x1200xf32>
    %div3A_19 = arith.divf %reduce_sum3A_18, %div3A : vector<21x1200xf32>
    %swap3A = arith.constant 0 : index
    %swap3A_20 = arith.constant 0 : index
    %swap3A_21 = vector.load %arg6[%swap3A, %swap3A_20] : memref<21x1200xf32, #tpu.memory_space<vmem>>, vector<21x1200xf32>
    tpu.vector_store %arg6[%swap3A, %swap3A_20], %div3A_19 {strides = array<i32>} : memref<21x1200xf32, #tpu.memory_space<vmem>>, vector<21x1200xf32>,
    %get3A_22 = arith.constant 0 : index
    %get3A_23 = arith.constant 0 : index
    %get3A_24 = arith.constant 0 : index
    %get3A_25 = vector.load %arg4[%get3A_22, %get3A_23, %get3A_24] : memref<1x1200x1200xf32, #tpu.memory_space<vmem>>, vector<1x1200x1200xf32>
    %get3A_26 = vector.shape_cast %get3A_25 : vector<1x1200x1200xf32> to vector<1200x1200xf32>
    %get3A_27 = arith.constant 0 : index
    %get3A_28 = arith.constant 0 : index
    %get3A_29 = memref.load %arg8[%get3A_27, %get3A_28] : memref<1x1xf32, #tpu.memory_space<smem>>
    %mul3A = arith.mulf %get3A_26, %get3A_26 : vector<1200x1200xf32>
    %reduce_sum3A_30 = vector.shape_cast %mul3A : vector<1200x1200xf32> to vector<1x1200x1200xf32>
    %reduce_sum3A_31 = arith.constant dense<0.000000e+00> : vector<1xf32>
    %reduce_sum3A_32 = vector.multi_reduction <add>, %reduce_sum3A_30, %reduce_sum3A_31 [1, 2] : vector<1x1200x1200xf32> to vector<1xf32>
    %reduce_sum3A_33 = vector.shape_cast %reduce_sum3A_32 : vector<1xf32> to vector<1x1x1xf32>
    %reduce_sum3A_34 = vector.extract %reduce_sum3A_33[0, 0, 0] : f32 from vector<1x1x1xf32>
    %add3A_35 = arith.addf %get3A_29, %reduce_sum3A_34 : f32
    %swap3A_36 = arith.constant 0 : index
    %swap3A_37 = arith.constant 0 : index
    %swap3A_38 = memref.load %arg8[%swap3A_36, %swap3A_37] : memref<1x1xf32, #tpu.memory_space<smem>>
    memref.store %add3A_35, %arg8[%swap3A_36, %swap3A_37] : memref<1x1xf32, #tpu.memory_space<smem>>
    %get3A_39 = arith.constant 0 : index
    %get3A_40 = arith.constant 0 : index
    %get3A_41 = vector.load %arg6[%get3A_39, %get3A_40] : memref<21x1200xf32, #tpu.memory_space<vmem>>, vector<21x1200xf32>
    %get3A_42 = arith.constant 0 : index
    %get3A_43 = arith.constant 0 : index
    %get3A_44 = arith.constant 0 : index
    %get3A_45 = vector.load %arg3[%get3A_42, %get3A_43, %get3A_44] : memref<1x1200x1200xf32, #tpu.memory_space<vmem>>, vector<1x1200x1200xf32>
    %get3A_46 = vector.shape_cast %get3A_45 : vector<1x1200x1200xf32> to vector<1200x1200xf32>
    %dot_general3A = arith.constant dense<0.000000e+00> : vector<21x1200xf32>
    %dot_general3A_47 = tpu.matmul %get3A_41, %get3A_46, %dot_general3A {dimension_numbers = #tpu.dot_dimension_numbers<[1], [0], [0], [1], [0, 0, 1, 1], [], []>, precision = #tpu.contract_precision<fp32>, transpose_lhs_hint = false} : vector<21x1200xf32>, vector<1200x1200xf32>, vector<21x1200xf32> -> vector<21x1200xf32>
    %get3A_48 = arith.constant 0 : index
    %get3A_49 = arith.constant 0 : index
    %get3A_50 = vector.load %arg7[%get3A_48, %get3A_49] : memref<21x1xf32, #tpu.memory_space<vmem>>, vector<21x1xf32>
    %mul3A_51 = arith.mulf %dot_general3A_47, %get3A_41 : vector<21x1200xf32>
    %reduce_sum3A_52 = arith.constant dense<0.000000e+00> : vector<21xf32>
    %reduce_sum3A_53 = vector.multi_reduction <add>, %mul3A_51, %reduce_sum3A_52 [1] : vector<21x1200xf32> to vector<21xf32>
    %broadcast_in_dim3A = vector.shape_cast %reduce_sum3A_53 : vector<21xf32> to vector<21x1xf32>
    %add3A_54 = arith.addf %get3A_50, %broadcast_in_dim3A : vector<21x1xf32>
    %swap3A_55 = arith.constant 0 : index
    %swap3A_56 = arith.constant 0 : index
    %swap3A_57 = vector.load %arg7[%swap3A_55, %swap3A_56] : memref<21x1xf32, #tpu.memory_space<vmem>>, vector<21x1xf32>
    tpu.vector_store %arg7[%swap3A_55, %swap3A_56], %add3A_54 {strides = array<i32>} : memref<21x1xf32, #tpu.memory_space<vmem>>, vector<21x1xf32>,
    %eq3A_58 = arith.constant 3 : i32
    %eq3A_59 = arith.cmpi eq, %arg0, %eq3A_58 : i32
    %convert_element_type3A_60 = arith.extui %eq3A_59 : i1 to i32
    %cond3A_61 = arith.constant 0 : i32
    %cond3A_62 = arith.cmpi ne, %convert_element_type3A_60, %cond3A_61 : i32
    scf.if %cond3A_62 {
      %get3A_63 = arith.constant 0 : index
      %get3A_64 = arith.constant 0 : index
      %get3A_65 = memref.load %arg8[%get3A_63, %get3A_64] : memref<1x1xf32, #tpu.memory_space<smem>>
      %sqrt3A = math.sqrt %get3A_65 : f32
      %div3A_66 = arith.constant 2.000000e+00 : f32
      %div3A_67 = arith.divf %div3A_66, %sqrt3A : f32
      %get3A_68 = arith.constant 0 : index
      %get3A_69 = arith.constant 0 : index
      %get3A_70 = vector.load %arg7[%get3A_68, %get3A_69] : memref<21x1xf32, #tpu.memory_space<vmem>>, vector<21x1xf32>
      %reduce_sum3A_71 = vector.shape_cast %get3A_70 : vector<21x1xf32> to vector<1x21x1xf32>
      %reduce_sum3A_72 = arith.constant dense<0.000000e+00> : vector<1xf32>
      %reduce_sum3A_73 = vector.multi_reduction <add>, %reduce_sum3A_71, %reduce_sum3A_72 [1, 2] : vector<1x21x1xf32> to vector<1xf32>
      %reduce_sum3A_74 = vector.shape_cast %reduce_sum3A_73 : vector<1xf32> to vector<1x1x1xf32>
      %reduce_sum3A_75 = vector.extract %reduce_sum3A_74[0, 0, 0] : f32 from vector<1x1x1xf32>
      %div3A_76 = arith.constant 2.100000e+01 : f32
      %div3A_77 = arith.divf %reduce_sum3A_75, %div3A_76 : f32
      %mul3A_78 = arith.mulf %div3A_67, %div3A_77 : f32
      %swap3A_79 = arith.constant 0 : index
      %swap3A_80 = arith.constant 0 : index
      %swap3A_81 = memref.load %arg5[%swap3A_79, %swap3A_80] : memref<1x1xf32, #tpu.memory_space<smem>>
      memref.store %mul3A_78, %arg5[%swap3A_79, %swap3A_80] : memref<1x1xf32, #tpu.memory_space<smem>>
    } else {
    }
    return
  }
  func.func @transform_0(%arg0: i32) -> (i32, i32, i32, i32) {
    %c0_i32 = arith.constant 0 : i32
    %c0_i32_0 = arith.constant 0 : i32
    %c0_i32_1 = arith.constant 0 : i32
    %c0_i32_2 = arith.constant 0 : i32
    return %arg0, %c0_i32, %c0_i32_0, %c0_i32_1 : i32, i32, i32, i32
  }
  func.func @transform_1(%arg0: i32) -> (i32, i32, i32) {
    %c0_i32 = arith.constant 0 : i32
    %c0_i32_0 = arith.constant 0 : i32
    %c0_i32_1 = arith.constant 0 : i32
    return %arg0, %c0_i32, %c0_i32_0 : i32, i32, i32
  }
  func.func @transform_2(%arg0: i32) -> (i32, i32, i32) {
    %c0_i32 = arith.constant 0 : i32
    %c0_i32_0 = arith.constant 0 : i32
    %c0_i32_1 = arith.constant 0 : i32
    return %arg0, %c0_i32, %c0_i32_0 : i32, i32, i32
  }
  func.func @transform_3(%arg0: i32) -> (i32, i32, i32) {
    %c0_i32 = arith.constant 0 : i32
    %c0_i32_0 = arith.constant 0 : i32
    %c0_i32_1 = arith.constant 0 : i32
    return %arg0, %c0_i32, %c0_i32_0 : i32, i32, i32
  }
  func.func @transform_4(%arg0: i32) -> (i32, i32) {
    %c0_i32 = arith.constant 0 : i32
    %c0_i32_0 = arith.constant 0 : i32
    %c0_i32_1 = arith.constant 0 : i32
    return %c0_i32, %c0_i32_0 : i32, i32
  }
}

</mosaic_0001>

<sc_bundles>
// kernel: kernel.4.cloned.1.call-start
scs
__scs_entry_jumppad:
0x0: {  	(pc) =	sbr.rel $0x88, $3  }
0x1: {  	(tag) =	ssettag $0x0;
	lr =	simm.s32 $0x1  }
0x2: {  	[smem:$0x3F9C] =	sst lr;
	_ =	strace $0xD0000000  }
0x3: {  	_ = 	snop  }
0x4: {  	_ = 	snop  }
0x5: {  	_ = 	snop  }
0x6: {  	_ = 	snop  }
0x7: {  	_ = 	snop  }
__scs_overlays_trampoline_lowered:
0x8: {  	[smem:$0x3FAB] =	sst s0  }
0x9: {  	[smem:$0x3FAC] =	sst s1  }
0xa: {  	[smem:$0x3FAD] =	sst s2  }
0xb: {  	[smem:$0x3FAE] =	sst s3  }
0xc: {  	[smem:$0x3FAF] =	sst s4  }
0xd: {  	[smem:$0x3FB0] =	sst s5  }
0xe: {  	[smem:$0x3FB1] =	sst s6  }
0xf: {  	[smem:$0x3FB2] =	sst s7  }
0x10: {  	[smem:$0x3FB3] =	sst s8  }
0x11: {  	[smem:$0x3FB4] =	sst s9;
	s0 =	simm.s32 @!p0 $0x0  }
0x12: {  	s1 =	sld [smem:$0x3F9A];
	s0 =	simm.s32 @p0 $0x1  }
0x13: {  	[smem:$0x3FB5] =	sst s0;
	s0 =	simm.s32 @!p1 $0x0  }
0x14: {  	s2 =	sld [smem:$0x3F99];
	s0 =	simm.s32 @p1 $0x1  }
0x15: {  	[smem:$0x3FB6] =	sst s0;
	s0 =	simm.s32 @!p2 $0x0  }
0x16: {  	s3 =	sld [smem:$0x3FDB];
	s0 =	simm.s32 @p2 $0x1  }
0x17: {  	s4 =	simm.s32 $0x1BF5;
	[smem:$0x3FB8] =	sst s0  }
0x18: {  	s0 =	sld [smem:$0x3F9B];
	_ =	swait.ge [sflag:s4], $0x0  }
0x19: {  	s7 =	sld [smem:$0x3F9C]  }
0x1a: {  	s8 =	sadd.s32 $0xFFFFE003, lr  }
0x1b: {  	s9 =	sadd.s32 $0xFFFFFEF7, lr;
	s5 =	simm.s32 $0xFFFFFFFF;
	p2 =	slt.u32 s8, $0xFFFFF086  }
0x1c: {  	p1 =	slt.u32 s9, $0xF7A;
	s5 =	simm.s32 @!p2 $0x0  }
0x1d: {  	s5 =	simm.s32 @p1 $0x1;
	p0 =	seq.s32 s7, s2  }
0x1e: {  	s7 =	smul.u32 @!p0 $0xF7A, s2;
	p2 =	seq.s32 @!p0 s5, $0x0  }
0x1f: {  	s9 =	smul.u32 $0xF7A, s1;
	s8 =	simm.s32 @!p0 $0x1BF5;
	p2 =	por !p2, p0  }
0x20: {  	[sflag:s8] =	ssyncset.s32 @!p0 $0xFFFFF086;
	s6 =	sadd.s32 @!p0 s3, s7;
	s7 =	simm.s32 @!p0 $0x108  }
0x21: {  	s3 =	sadd.s32 s3, s9;
	s6 =	sadd.s32 @!p0 $0x88, s6;
	s7 =	simm.s32 @p2 $0x1082  }
0x22: {  	[simem:s7], [sflag:s8] =	dma.local @!p0 [hbm:s6], $0xF7A  }
0x23: {  	s9 =	sor.u32 $0xD0000000, s2;
	s6 =	simm.s32 $0x108;
	_ =	swait.ge @!p0 [sflag:s8], $0x0  }
0x24: {  	s3 =	sadd.s32 $0x88, s3;
	s6 =	simm.s32 @!p1 $0x1082;
	[sflag:s4] =	ssyncset.s32 $0xFFFFF086  }
0x25: {  	[simem:s6], [sflag:s4] =	dma.local [hbm:s3], $0xF7A  }
0x26: {  	[smem:$0x3F9C] =	sst s1;
	(tag) =	ssettag s2;
	_ =	strace s9  }
0x27: {  	s1 =	sld [smem:$0x3FAC]  }
0x28: {  	s2 =	sld [smem:$0x3FAD]  }
0x29: {  	s4 =	sld [smem:$0x3FAF]  }
0x2a: {  	p0 =	seq.s32 s5, $0x0;
	s5 =	sld [smem:$0x3FB0]  }
0x2b: {  	s6 =	sld [smem:$0x3FB1]  }
0x2c: {  	s7 =	sld [smem:$0x3FB2]  }
0x2d: {  	s3 =	simm.s32 $0x108;
	s8 =	sld [smem:$0x3FB3]  }
0x2e: {  	s3 =	simm.s32 @!p0 $0x1082;
	s9 =	sld [smem:$0x3FB4]  }
0x2f: {  	lr =	sadd.s32 s0, s3;
	s0 =	sld [smem:$0x3FAB]  }
0x30: {  	s3 =	sld [smem:$0x3FAE]  }
0x31: {  	[smem:$0x3FB7] =	sst s10  }
0x32: {  	s10 =	sld [smem:$0x3FB5];
	_ =	sdelay $0x3  }
0x33: {  	p0 =	seq.s32 s10, $0x1;
	s10 =	sld [smem:$0x3FB7];
	_ =	sdelay $0x3  }
0x34: {  	[smem:$0x3FB7] =	sst s10  }
0x35: {  	s10 =	sld [smem:$0x3FB6];
	_ =	sdelay $0x3  }
0x36: {  	p1 =	seq.s32 s10, $0x1;
	s10 =	sld [smem:$0x3FB7];
	_ =	sdelay $0x3  }
0x37: {  	[smem:$0x3FB7] =	sst s10  }
0x38: {  	s10 =	sld [smem:$0x3FB8]  }
0x39: {  	_ = 	snop;
	(pc) =	sbr.ind lr, $3  }
0x3a: {  	_ = 	snop  }
0x3b: {  	_ = 	snop  }
0x3c: {  	p2 =	seq.s32 s10, $0x1;
	s10 =	sld [smem:$0x3FB7]  }
0x3d: {  	_ =	shalt  }
0x3e: {  	_ =	shalt  }
0x3f: {  	_ =	shalt  }
0x40: {  	_ =	shalt  }
0x41: {  	_ =	shalt  }
0x42: {  	_ =	shalt  }
0x43: {  	_ =	shalt  }
0x44: {  	_ =	shalt  }
0x45: {  	_ =	shalt  }
0x46: {  	_ =	shalt  }
0x47: {  	_ =	shalt  }
0x48: {  	_ =	shalt  }
0x49: {  	_ =	shalt  }
0x4a: {  	_ =	shalt  }
0x4b: {  	_ =	shalt  }
0x4c: {  	_ =	shalt  }
0x4d: {  	_ =	shalt  }
0x4e: {  	_ =	shalt  }
0x4f: {  	_ =	shalt  }
0x50: {  	_ =	shalt  }
0x51: {  	_ =	shalt  }
0x52: {  	_ =	shalt  }
0x53: {  	_ =	shalt  }
0x54: {  	_ =	shalt  }
0x55: {  	_ =	shalt  }
0x56: {  	_ =	shalt  }
0x57: {  	_ =	shalt  }
0x58: {  	_ =	shalt  }
0x59: {  	_ =	shalt  }
0x5a: {  	_ =	shalt  }
0x5b: {  	_ =	shalt  }
0x5c: {  	_ =	shalt  }
0x5d: {  	_ =	shalt  }
0x5e: {  	_ =	shalt  }
0x5f: {  	_ =	shalt  }
0x60: {  	_ =	shalt  }
0x61: {  	_ =	shalt  }
0x62: {  	_ =	shalt  }
0x63: {  	_ =	shalt  }
0x64: {  	_ =	shalt  }
0x65: {  	_ =	shalt  }
0x66: {  	_ =	shalt  }
0x67: {  	_ =	shalt  }
0x68: {  	_ =	shalt  }
0x69: {  	_ =	shalt  }
0x6a: {  	_ =	shalt  }
0x6b: {  	_ =	shalt  }
0x6c: {  	_ =	shalt  }
0x6d: {  	_ =	shalt  }
0x6e: {  	_ =	shalt  }
0x6f: {  	_ =	shalt  }
0x70: {  	_ =	shalt  }
0x71: {  	_ =	shalt  }
0x72: {  	_ =	shalt  }
0x73: {  	_ =	shalt  }
0x74: {  	_ =	shalt  }
0x75: {  	_ =	shalt  }
0x76: {  	_ =	shalt  }
0x77: {  	_ =	shalt  }
0x78: {  	_ =	shalt  }
0x79: {  	_ =	shalt  }
0x7a: {  	_ =	shalt  }
0x7b: {  	_ =	shalt  }
0x7c: {  	_ =	shalt  }
0x7d: {  	_ =	shalt  }
0x7e: {  	_ =	shalt  }
0x7f: {  	_ =	shalt  }
0x80: {  	_ =	shalt  }
0x81: {  	_ =	shalt  }
0x82: {  	_ =	shalt  }
0x83: {  	_ =	shalt  }
0x84: {  	_ =	shalt  }
0x85: {  	_ =	shalt  }
0x86: {  	_ =	shalt  }
0x87: {  	_ =	shalt  }
.Lfunc_end0:
.L_simem_size_0:
called_computation.1_lowered:
.L_overlay_start_0:
0x88: {  	s2 =	sld [smem:$0x3FD9]  }
0x89: {  	s3 =	sld [smem:$0x3FFE];
	_ =	sdelay $0x1  }
0x8a: {  	s1 =	srdreg.scid  }
0x8b: {  	s0 =	sand.u32 $0x1, s1  }
0x8c: {  	s16 =	sshll.u32 s0, $0xA;
	s2 =	sadd.s32 s3, s2  }
0x8d: {  	s2 =	sadd.s32 s2, s16  }
0x8e: {  	[smem:$0x3FC3] =	sst s2  }
0x8f: {  	_ = 	snop  }
0x90: {  	(tm) =	ssettm $0x1  }
0x91: {  	s17 =	sld [smem:$0x3FFB];
	_ =	sdelay $0x3  }
0x92: {  	_ =	strace s17  }
0x93: {  	s2 =	sld [smem:$0x3FFC];
	_ =	sdelay $0x3  }
0x94: {  	_ =	strace s2  }
0x95: {  	s2 =	sld [smem:$0x3FFD];
	_ =	sdelay $0x3  }
0x96: {  	_ =	strace s2  }
0x97: {  	_ =	strace $0x8FFFFFFF  }
0x98: {  	s18 =	sld [smem:$0x3FDB];
	_ =	sdelay $0x1  }
0x99: {  	s19 =	simm.s32 $_scs_section_size  }
0x9a: {  	s4 =	simm.s32 $_size__tile_overlayer_lowered;
	s5 =	simm.s32 $_tile_overlayer_lowered  }
0x9b: {  	s22 =	simm.s32 $0x1BFF;
	s21 =	sshll.u32 s5, $0x1;
	s2 =	sadd.s32 s19, s18  }
0x9c: {  	s6 =	simm.s32 $0x0;
	s20 =	sshll.u32 s4, $0x1;
	s4 =	sadd.s32 s21, s2  }
0x9d: {  	[timem:s6], [sflag:s22] =	dma.local [hbm:s4], s20  }
0x9e: {  	_ =	swait.ge [sflag:s22], s20  }
0x9f: {  	s3 =	ssub.s32 $0x0, s20;
	[sflag:s22] =	ssyncset.done $0x0  }
0xa0: {  	[sflag:s22] =	ssyncadd.s32 s3;
	_ =	sdelay $0x1  }
0xa1: {  	s23 =	simm.s32 $0x1B8B  }
0xa2: {  	_ =	swait.ge [sflag:s23], $0x1  }
0xa3: {  	[sflag:s23] =	ssyncset.done $0x0  }
0xa4: {  	s25 =	simm.s32 $0x1B8E;
	s24 =	sld [smem:$0x3FFE];
	[sflag:s23] =	ssyncadd.s32 $0xFFFFFFFF  }
0xa5: {  	s26 =	simm.s32 $execute0_lowered;
	[smem:$0x3FD2] =	sst s25  }
0xa6: {  	s4 =	sshll.u32 s26, $0x1;
	_ =	strace $0x80000049;
	[dreg:$0x1] =	wrdreg $0xFFFFFFFF  }
0xa7: {  	s28 =	simm.s32 $_size_execute0_lowered;
	s2 =	sadd.s32 s2, s4;
	[dreg:$0x0] =	wrdreg $0x0  }
0xa8: {  	s4 =	sshll.u32 s28, $0x1;
	[dreg:$0x2] =	wrdreg s2  }
0xa9: {  	[dreg:$0x3] =	wrdreg s4  }
0xaa: {  	[dreg:$0x4] =	wrdreg $0xC0  }
0xab: {  	_ =	task [dreg:s6], $0x5FFFF  }
0xac: {  	[dreg:$0x1] =	wrdreg $0xFFFFFFFF  }
0xad: {  	[dreg:$0x0] =	wrdreg $0x60  }
0xae: {  	[dreg:$0x2] =	wrdreg s24  }
0xaf: {  	[dreg:$0x3] =	wrdreg $0x9  }
0xb0: {  	_ =	task.clear_ibuf [dreg:s6], $0x4FFFF;
	_ =	strace $0x90000049  }
0xb1: {  	s29 =	simm.s32 $0x9;
	_ =	strace $0x8000004B  }
0xb2: {  	_ =	swait.ge [sflag:s29], $0x1  }
0xb3: {  	[sflag:s29] =	ssyncadd.s32 $0xFFFFFFFF  }
0xb4: {  	_ =	strace $0x9000004B  }
0xb5: {  	_ =	sfence  }
0xb6: {  	s30 =	sld [smem:$0x0];
	_ =	sdelay $0x2  }
0xb7: {  	s31 =	sshll.u32 s1, $0xD;
	s1 =	sshrl.u32 s1, $0x2  }
0xb8: {  	s3 =	sand.u32 $0x4000, s31;
	s1 =	sadd.s32 s1, s30  }
0xb9: {  	s0 =	sor.u32 s3, s0;
	s1 =	sshll.u32 s1, $0x11  }
0xba: {  	s0 =	sor.u32 s1, s0  }
0xbb: {  	s0 =	sadd.s32 $0x8F2B, s0  }
0xbc: {  	[sflag:s0] =	ssyncadd.remote.s32 $0x1  }
0xbd: {  	_ =	sfence.sel $0xFFFF  }
0xbe: {  	[dreg:$0x0] =	wrdreg $0xFFFFFFFF;
	(pc) =	sbr.abs _section_cstart, $3  }
0xbf: {  	[dreg:$0x1] =	wrdreg $0xFFFFFFFF  }
0xc0: {  	_ =	task.clear_ibuf [dreg:s6], $0x2FFFF;
	_ =	strace $0x9FFFFFFF  }
0xc1: {  	(tm) =	ssettm $0x7FFFFFFF  }
tec
execute0_lowered:
.L_overlay_start_1:
0x0: {  	(tag) =	ssettag $0x1  }
0x1: {  	s18 =	rddreg [dreg:$0x0]  }
0x2: {  	s1 =	simm.s32 $0x0;
	s0 =	srdreg.scid;
	s4 =	stileid.u32  }
0x3: {  	s28 =	simm.s32 $0x2;
	s29 =	simm.s32 $0x0;
	[smem:$0x7FF] =	sst s1  }
0x4: {  	s2 =	sand.u32 $0x1, s0;
	s26 =	sshll.u32 s4, $0x1;
	s3 =	sadd.s32 $0x1000E00, s18  }
0x5: {  	s4 =	sshrl.u32 s4, $0x3;
	s17 =	sadd.s32 $0x1020E00, s18;
	s7 =	sadd.s32 $0x32200, s18  }
0x6: {  	s0 =	sor.u32 s2, s26;
	s6 =	smul.u32 $0x540000, s4;
	s8 =	ssub.s32 $0x2, s2  }
0x7: {  	s4 =	sshll.u32 s4, $0x12;
	s5 =	sshll.u32 s0, $0xE;
	s9 =	sshrl.u32 s8, $0x1  }
0x8: {  	s31 =	sshll.u32 s0, $0x1;
	s5 =	sand.u32 $0x3C000, s5;
	s20 =	ssub.s32 s8, s9  }
0x9: {  	s2 =	sor.u32 s6, s5;
	s4 =	sor.u32 s4, s5;
	s20 =	smax.u32 s20, $0x1  }
0xa: {  	s6 =	sshrl.u32 s2, $0x3;
	s4 =	sshrl.u32 s4, $0x3;
	s30 =	sadd.s32 $0x40000, s2  }
0xb: {  	s8 =	sadd.s32 $0x80000, s2;
	s9 =	sadd.s32 $0xC0000, s2;
	s10 =	sadd.s32 $0x100000, s2  }
0xc: {  	s14 =	sadd.s32 $0x140000, s2;
	s15 =	sadd.s32 $0x180000, s2;
	s16 =	sadd.s32 $0x1C0000, s2  }
0xd: {  	s23 =	sadd.s32 $0x200000, s2;
	s24 =	sadd.s32 $0x240000, s2;
	s6 =	sadd.s32 s17, s6  }
0xe: {  	s4 =	sadd.s32 s3, s4;
	s11 =	sshrl.u32 s9, $0x3;
	s12 =	sshrl.u32 s10, $0x3  }
0xf: {  	s19 =	sshrl.u32 s15, $0x3;
	s21 =	sshrl.u32 s16, $0x3;
	s25 =	sshrl.u32 s24, $0x3  }
0x10: {  	s15 =	sadd.s32 $0x340000, s2;
	s24 =	sadd.s32 $0x3C0000, s2;
	[dreg:$0x2] =	wrdreg s6  }
0x11: {  	[dreg:$0x3] =	wrdreg s4;
	s6 =	sshrl.u32 s30, $0x3;
	s4 =	sadd.s32 s7, s31  }
0x12: {  	s13 =	sadd.s32 s17, s12;
	s22 =	sadd.s32 s17, s21;
	[dreg:$0x4] =	wrdreg s4  }
0x13: {  	s30 =	sadd.s32 $0x280000, s2;
	s4 =	sshrl.u32 s8, $0x3;
	[dreg:$0x8] =	wrdreg s13  }
0x14: {  	s21 =	sadd.s32 $0x380000, s2;
	[dreg:$0xb] =	wrdreg s22;
	s4 =	sadd.s32 s17, s4  }
0x15: {  	s6 =	sadd.s32 s17, s6;
	[dreg:$0x6] =	wrdreg s4;
	s4 =	sadd.s32 s17, s11  }
0x16: {  	s10 =	sshrl.u32 s30, $0x3;
	[dreg:$0x7] =	wrdreg s4;
	s4 =	sshrl.u32 s14, $0x3  }
0x17: {  	[dreg:$0x5] =	wrdreg s6;
	s11 =	sadd.s32 $0x2C0000, s2;
	s4 =	sadd.s32 s17, s4  }
0x18: {  	s14 =	sadd.s32 $0x300000, s2;
	[dreg:$0x9] =	wrdreg s4;
	s4 =	sadd.s32 s17, s19  }
0x19: {  	s19 =	sor.u32 $0x20, s0;
	[dreg:$0xa] =	wrdreg s4;
	s4 =	sshrl.u32 s23, $0x3  }
0x1a: {  	s26 =	sshrl.u32 s19, $0x4;
	s12 =	sshll.u32 s19, $0x1;
	s4 =	sadd.s32 s17, s4  }
0x1b: {  	s31 =	smul.u32 $0x540000, s26;
	s6 =	sshll.u32 s26, $0x12;
	s26 =	sadd.s32 $0x440000, s2  }
0x1c: {  	[dreg:$0xc] =	wrdreg s4;
	s4 =	sadd.s32 s17, s25;
	s6 =	sor.u32 s5, s6  }
0x1d: {  	s25 =	sadd.s32 $0x400000, s2;
	[dreg:$0xd] =	wrdreg s4;
	s16 =	sor.u32 s5, s31  }
0x1e: {  	s6 =	sshrl.u32 s6, $0x3;
	s5 =	sshrl.u32 s11, $0x3;
	s4 =	sadd.s32 s17, s10  }
0x1f: {  	s3 =	sadd.s32 s3, s6;
	[dreg:$0xf] =	wrdreg s4;
	s13 =	sadd.s32 s17, s5  }
0x20: {  	s4 =	sshrl.u32 s15, $0x3;
	s5 =	sshrl.u32 s21, $0x3;
	s21 =	smul.u32 $0xC4E, s0  }
0x21: {  	s8 =	sadd.s32 $0x40000, s16;
	s10 =	sadd.s32 $0x80000, s16;
	[dreg:$0xe] =	wrdreg s3  }
0x22: {  	[dreg:$0x10] =	wrdreg s13;
	s3 =	sadd.s32 s7, s12;
	s22 =	sadd.s32 s17, s4  }
0x23: {  	s23 =	sadd.s32 s17, s5;
	s4 =	sshrl.u32 s25, $0x3;
	s5 =	sshrl.u32 s26, $0x3  }
0x24: {  	s7 =	sshrl.u32 s16, $0x3;
	s9 =	sshrl.u32 s8, $0x3;
	s11 =	sshrl.u32 s10, $0x3  }
0x25: {  	s12 =	sadd.s32 $0xC0000, s16;
	s26 =	sadd.s32 $0x1C0000, s16;
	[dreg:$0x11] =	wrdreg s3  }
0x26: {  	s8 =	sadd.s32 $0x280000, s16;
	s10 =	sadd.s32 $0x2C0000, s16;
	[dreg:$0x13] =	wrdreg s22  }
0x27: {  	s3 =	sshrl.u32 s14, $0x3;
	[dreg:$0x14] =	wrdreg s23;
	s30 =	sadd.s32 s17, s4  }
0x28: {  	s31 =	sadd.s32 s17, s5;
	s4 =	sadd.s32 $0x480000, s2;
	s5 =	sadd.s32 $0x4C0000, s2  }
0x29: {  	s2 =	sadd.s32 $0x500000, s2;
	s0 =	sadd.s32 s17, s7;
	s13 =	sshrl.u32 s12, $0x3  }
0x2a: {  	s14 =	sadd.s32 $0x100000, s16;
	s22 =	sadd.s32 $0x140000, s16;
	[dreg:$0x16] =	wrdreg s30  }
0x2b: {  	s12 =	sadd.s32 $0x300000, s16;
	s3 =	sadd.s32 s17, s3;
	[dreg:$0x17] =	wrdreg s31  }
0x2c: {  	s2 =	sshrl.u32 s2, $0x3;
	[dreg:$0x1b] =	wrdreg s0;
	s0 =	sadd.s32 s17, s9  }
0x2d: {  	s15 =	sshrl.u32 s14, $0x3;
	s23 =	sshrl.u32 s22, $0x3;
	s30 =	sshrl.u32 s26, $0x3  }
0x2e: {  	s31 =	sadd.s32 $0x200000, s16;
	s9 =	sshrl.u32 s8, $0x3;
	s14 =	sadd.s32 $0x340000, s16  }
0x2f: {  	s22 =	sadd.s32 $0x380000, s16;
	s26 =	sadd.s32 $0x400000, s16;
	[dreg:$0x12] =	wrdreg s3  }
0x30: {  	s3 =	sshrl.u32 s24, $0x3;
	s2 =	sadd.s32 s17, s2;
	[dreg:$0x1c] =	wrdreg s0  }
0x31: {  	s0 =	sadd.s32 s17, s11;
	s24 =	sadd.s32 $0x180000, s16;
	[dreg:$0x1a] =	wrdreg s2  }
0x32: {  	s11 =	sshrl.u32 s10, $0x3;
	s3 =	sadd.s32 s17, s3;
	[dreg:$0x1d] =	wrdreg s0  }
0x33: {  	s0 =	sadd.s32 s17, s13;
	s25 =	sshrl.u32 s24, $0x3;
	s8 =	sadd.s32 s17, s11  }
0x34: {  	s13 =	sshrl.u32 s12, $0x3;
	s24 =	sadd.s32 $0x3C0000, s16;
	[dreg:$0x15] =	wrdreg s3  }
0x35: {  	s3 =	sshrl.u32 s4, $0x3;
	s4 =	sshrl.u32 s5, $0x3;
	[dreg:$0x1e] =	wrdreg s0  }
0x36: {  	s0 =	sadd.s32 s17, s15;
	s5 =	sshrl.u32 s31, $0x3;
	s15 =	sshrl.u32 s14, $0x3  }
0x37: {  	s31 =	sadd.s32 $0x440000, s16;
	s3 =	sadd.s32 s17, s3;
	s6 =	sadd.s32 s17, s4  }
0x38: {  	[dreg:$0x1f] =	wrdreg s0;
	s0 =	sadd.s32 s17, s23;
	s4 =	sadd.s32 s17, s30  }
0x39: {  	s5 =	sadd.s32 s17, s5;
	s10 =	sadd.s32 s17, s15;
	s23 =	sshrl.u32 s22, $0x3  }
0x3a: {  	s30 =	sshrl.u32 s26, $0x3;
	s14 =	sshrl.u32 s31, $0x3;
	[dreg:$0x18] =	wrdreg s3  }
0x3b: {  	s15 =	sadd.s32 $0x480000, s16;
	s31 =	sadd.s32 $0xE00, s18;
	[dreg:$0x19] =	wrdreg s6  }
0x3c: {  	[smem:$0x7FD] =	sst s0;
	s3 =	sadd.s32 s17, s25;
	s6 =	sadd.s32 $0x240000, s16  }
0x3d: {  	s11 =	sadd.s32 s17, s23;
	s25 =	sshrl.u32 s24, $0x3;
	s14 =	sadd.s32 s17, s14  }
0x3e: {  	s22 =	sshrl.u32 s15, $0x3;
	s23 =	sadd.s32 $0x4C0000, s16;
	s18 =	sadd.s32 s31, s21  }
0x3f: {  	s21 =	simm.s32 $0x4000;
	s7 =	sshrl.u32 s6, $0x3;
	s12 =	sadd.s32 s17, s25  }
0x40: {  	s15 =	sadd.s32 s17, s22;
	s24 =	sshrl.u32 s23, $0x3;
	s25 =	sadd.s32 $0x500000, s16  }
0x41: {  	_ =	strace $0x8000004A;
	s22 =	simm.s32 $0x3;
	s23 =	simm.s32 $0x12280  }
0x42: {  	s6 =	sadd.s32 s17, s7;
	s7 =	sadd.s32 s17, s9;
	s9 =	sadd.s32 s17, s13  }
0x43: {  	s13 =	sadd.s32 s17, s30;
	s16 =	sadd.s32 s17, s24;
	s30 =	smul.u32 $0xC4E, s19  }
0x44: {  	s26 =	sshrl.u32 s25, $0x3;
	s24 =	simm.s32 $0x1;
	s25 =	simm.s32 $0x8000  }
0x45: {  	v0 =	vimm.f32 $0.0e+00;
	s17 =	sadd.s32 s17, s26;
	s26 =	simm.s32 $0xC000;
	s19 =	sadd.s32 s31, s30  }
.LBB2_1:
0x46: {  	s0 =	rddreg [dreg:$0x2]  }
0x47: {  	[tilespmem:s21], [sflag:$0x1] =	stream.linear.gather [hbm4b:s0+s1], $0x4000, $0x38;
	[tilespmem:$0x12300] =	vst v63  }
0x48: {  	s31 =	rddreg [dreg:$0x3]  }
0x49: {  	[tilespmem:s1], [sflag:$0x3] =	stream.linear.gather [hbm4b:s31+s1], $0x4000, $0x38;
	[tilespmem:$0x12300] =	vst v63  }
0x4a: {  	_ =	swait.ge [sflag:s22], $0x4000  }
0x4b: {  	[sflag:s22] =	ssyncset.done $0x0  }
0x4c: {  	s0 =	simm.s32 $0x0;
	[sflag:s22] =	ssyncadd.s32 $0xFFFFC000  }
.LBB2_2:
0x4d: {  	p0 =	sne.s32 s0, $0x18980  }
.Ltmp0:
0x4e: {  	_ = 	snop;
	(pc) =	sbr.rel @p0 .LBB2_2-.Ltmp0, $3  }
0x4f: {  	_ =	sdelay $0x1  }
0x50: {  	s2 =	sshra.s32 s0, $0x2  }
0x51: {  	s0 =	sadd.s32 $0x40, s0;
	[tilespmem:s2+$0xC000] =	vst v0  }
0x52: {  	s2 =	simm.s32 $0x0  }
0x53: {  	v1 =	vimm.s32 $0x0;
	s0 =	simm.s32 $0x40;
	v2 =	vld [tilespmem:s2+$0x0]  }
.LBB2_4:
0x54: {  	p0 =	sne.s32 s0, $0xFFC0  }
.Ltmp1:
0x55: {  	_ = 	snop;
	(pc) =	sbr.rel @p0 .LBB2_4-.Ltmp1, $3  }
0x56: {  	_ =	sdelay $0x1  }
0x57: {  	s2 =	sshra.s32 s0, $0x2;
	s0 =	sadd.s32 $0x40, s0;
	v1 =	vadd.s32 v1, v2  }
0x58: {  	v2 =	vld [tilespmem:s2+$0x0]  }
0x59: {  	_ =	sdelay $0x3  }
0x5a: {  	v1 =	vadd.s32 v1, v2  }
0x5b: {  	s0 =	rddreg [dreg:$0x4];
	[tilespmem:$0x12280] =	vst v1  }
0x5c: {  	[hbm4b:s0+s1] =	stream.linear.scatter [tilespmem:s23], [sflag:$0x3], $0x10, $0x38;
	[tilespmem:$0x12300] =	vst v63  }
0x5d: {  	_ =	swait.ge [sflag:s22], $0x10  }
0x5e: {  	[sflag:s22] =	ssyncset.done $0x0  }
0x5f: {  	[sflag:s22] =	ssyncadd.s32 $0xFFFFFFF0  }
0x60: {  	_ =	swait.ge [sflag:s24], $0x4000  }
0x61: {  	[sflag:s24] =	ssyncset.done $0x0  }
0x62: {  	s2 =	rddreg [dreg:$0x5];
	[sflag:s24] =	ssyncadd.s32 $0xFFFFC000  }
0x63: {  	[tilespmem:s25], [sflag:$0x2] =	stream.linear.gather [hbm4b:s2+s1], $0x4000, $0x38;
	[tilespmem:$0x12300] =	vst v63  }
0x64: {  	v1 =	vld [tilespmem:$0x0];
	_ =	sdelay $0x2  }
0x65: {  	s30 =	simm.s32 $0x30;
	v2 =	vld [tilespmem:$0x4000]  }
0x66: {  	v3 =	vld [tilespmem:s30+$0xFFFFFFE0];
	_ =	sdelay $0x1  }
0x67: {  	s31 =	simm.s32 $0x4020  }
0x68: {  	v4 =	vld [tilespmem:s31+$0xFFFFFFF0]  }
0x69: {  	[tilespmem:v1+s26+$0x0] =	vst.idx.add.f32.msk $0xffff, v2  }
0x6a: {  	v5 =	vld [tilespmem:s30+$0xFFFFFFF0];
	_ =	sdelay $0x1  }
0x6b: {  	v6 =	vld [tilespmem:s31+$0x0]  }
0x6c: {  	[tilespmem:v3+s26+$0x0] =	vst.idx.add.f32.msk $0xffff, v4  }
0x6d: {  	v1 =	vld [tilespmem:s30+$0x0];
	_ =	sdelay $0x1  }
0x6e: {  	s2 =	simm.s32 $0x4  }
0x6f: {  	s0 =	smin.u32 s2, $0x3FF;
	v2 =	vld [tilespmem:s31+$0x10]  }
0x70: {  	s2 =	sshll.u32 s0, $0x4;
	[tilespmem:v5+s26+$0x0] =	vst.idx.add.f32.msk $0xffff, v6  }
0x71: {  	s0 =	simm.s32 $0x0;
	v3 =	vld [tilespmem:s2+$0x0]  }
.LBB2_6:
0x72: {  	s31 =	sadd.s32 $0x40, s31  }
0x73: {  	v4 =	vld [tilespmem:s2+$0x4000];
	s30 =	sadd.s32 $0x40, s30;
	s2 =	smov.u32 s0;
	s0 =	sadd.s32 $0x4, s0  }
0x74: {  	p0 =	slt.u32 s0, $0x3FC;
	[tilespmem:v1+s26+$0x0] =	vst.idx.add.f32.msk $0xffff, v2  }
0x75: {  	v1 =	vld [tilespmem:s30+$0xFFFFFFE0];
	_ =	sdelay $0x1  }
0x76: {  	v2 =	vld [tilespmem:s31+$0xFFFFFFF0];
	_ =	sdelay $0x2  }
0x77: {  	[tilespmem:v3+s26+$0x0] =	vst.idx.add.f32.msk $0xffff, v4  }
0x78: {  	v3 =	vld [tilespmem:s30+$0xFFFFFFF0]  }
0x79: {  	v4 =	vld [tilespmem:s31+$0x0]  }
0x7a: {  	[tilespmem:v1+s26+$0x0] =	vst.idx.add.f32.msk $0xffff, v2  }
0x7b: {  	v1 =	vld [tilespmem:s30+$0x0];
	_ =	sdelay $0x1  }
.Ltmp2:
0x7c: {  	v2 =	vld [tilespmem:s31+$0x10];
	(pc) =	sbr.rel @p0 .LBB2_6-.Ltmp2, $4  }
0x7d: {  	s2 =	sadd.s32 $0x8, s2  }
0x7e: {  	s2 =	smin.u32 s2, $0x3FF  }
0x7f: {  	s2 =	sshll.u32 s2, $0x4;
	[tilespmem:v3+s26+$0x0] =	vst.idx.add.f32.msk $0xffff, v4  }
0x80: {  	v3 =	vld [tilespmem:s2+$0x0]  }
0x81: {  	_ =	sdelay $0x3  }
0x82: {  	[tilespmem:v1+s26+$0x0] =	vst.idx.add.f32.msk $0xffff, v2  }
0x83: {  	_ =	swait.ge [sflag:s28], $0x4000  }
0x84: {  	[sflag:s28] =	ssyncset.done $0x0  }
0x85: {  	s0 =	rddreg [dreg:$0x6];
	[sflag:s28] =	ssyncadd.s32 $0xFFFFC000  }
0x86: {  	[tilespmem:s21], [sflag:$0x1] =	stream.linear.gather [hbm4b:s0+s1], $0x4000, $0x38;
	[tilespmem:$0x12300] =	vst v63  }
0x87: {  	v1 =	vld [tilespmem:$0x0];
	_ =	sdelay $0x1  }
0x88: {  	s30 =	simm.s32 $0x8020;
	s31 =	simm.s32 $0x30;
	s0 =	simm.s32 $0xFFFFFFFC;
	v2 =	vld [tilespmem:$0x8000]  }
.LBB2_8:
0x89: {  	v3 =	vld [tilespmem:s31+$0xFFFFFFE0];
	_ =	sdelay $0x1  }
0x8a: {  	v1 =	vadd.s32 $0x4B0, v1;
	_ =	sdelay $0x2  }
0x8b: {  	v4 =	vld [tilespmem:s30+$0xFFFFFFF0];
	v3 =	vadd.s32 $0x4B0, v3;
	_ =	sdelay $0x1  }
0x8c: {  	[tilespmem:v1+s26+$0x0] =	vst.idx.add.f32.msk $0xffff, v2  }
0x8d: {  	v1 =	vld [tilespmem:s31+$0xFFFFFFF0]  }
0x8e: {  	v2 =	vld [tilespmem:s30+$0x0]  }
0x8f: {  	[tilespmem:v3+s26+$0x0] =	vst.idx.add.f32.msk $0xffff, v4  }
0x90: {  	v3 =	vld [tilespmem:s31+$0x0];
	_ =	sdelay $0x1  }
0x91: {  	v1 =	vadd.s32 $0x4B0, v1;
	_ =	sdelay $0x1  }
0x92: {  	s2 =	sadd.s32 $0x8, s0;
	s0 =	sadd.s32 $0x4, s0  }
0x93: {  	p0 =	slt.u32 s0, $0x3FC;
	v4 =	vld [tilespmem:s30+$0x10];
	v3 =	vadd.s32 $0x4B0, v3  }
.Ltmp3:
0x94: {  	s2 =	smin.u32 s2, $0x3FF;
	(pc) =	sbr.rel @p0 .LBB2_8-.Ltmp3, $4  }
0x95: {  	s2 =	sshll.u32 s2, $0x4;
	[tilespmem:v1+s26+$0x0] =	vst.idx.add.f32.msk $0xffff, v2  }
0x96: {  	v1 =	vld [tilespmem:s2+$0x0]  }
0x97: {  	v2 =	vld [tilespmem:s2+$0x8000]  }
0x98: {  	s30 =	sadd.s32 $0x40, s30;
	s31 =	sadd.s32 $0x40, s31;
	[tilespmem:v3+s26+$0x0] =	vst.idx.add.f32.msk $0xffff, v4  }
0x99: {  	_ =	swait.ge [sflag:s24], $0x4000  }
0x9a: {  	[sflag:s24] =	ssyncset.done $0x0  }
0x9b: {  	s0 =	rddreg [dreg:$0x7];
	[sflag:s24] =	ssyncadd.s32 $0xFFFFC000  }
0x9c: {  	[tilespmem:s25], [sflag:$0x2] =	stream.linear.gather [hbm4b:s0+s1], $0x4000, $0x38;
	[tilespmem:$0x12300] =	vst v63  }
0x9d: {  	v1 =	vld [tilespmem:$0x0];
	_ =	sdelay $0x1  }
0x9e: {  	s30 =	simm.s32 $0x4020;
	s31 =	simm.s32 $0x30;
	s0 =	simm.s32 $0xFFFFFFFC;
	v2 =	vld [tilespmem:$0x4000]  }
.LBB2_10:
0x9f: {  	v3 =	vld [tilespmem:s31+$0xFFFFFFE0];
	_ =	sdelay $0x1  }
0xa0: {  	v1 =	vadd.s32 $0x960, v1;
	_ =	sdelay $0x2  }
0xa1: {  	v4 =	vld [tilespmem:s30+$0xFFFFFFF0];
	v3 =	vadd.s32 $0x960, v3;
	_ =	sdelay $0x1  }
0xa2: {  	[tilespmem:v1+s26+$0x0] =	vst.idx.add.f32.msk $0xffff, v2  }
0xa3: {  	v1 =	vld [tilespmem:s31+$0xFFFFFFF0]  }
0xa4: {  	v2 =	vld [tilespmem:s30+$0x0]  }
0xa5: {  	[tilespmem:v3+s26+$0x0] =	vst.idx.add.f32.msk $0xffff, v4  }
0xa6: {  	v3 =	vld [tilespmem:s31+$0x0];
	_ =	sdelay $0x1  }
0xa7: {  	v1 =	vadd.s32 $0x960, v1;
	_ =	sdelay $0x1  }
0xa8: {  	s2 =	sadd.s32 $0x8, s0;
	s0 =	sadd.s32 $0x4, s0  }
0xa9: {  	p0 =	slt.u32 s0, $0x3FC;
	v4 =	vld [tilespmem:s30+$0x10];
	v3 =	vadd.s32 $0x960, v3  }
.Ltmp4:
0xaa: {  	s2 =	smin.u32 s2, $0x3FF;
	(pc) =	sbr.rel @p0 .LBB2_10-.Ltmp4, $4  }
0xab: {  	s2 =	sshll.u32 s2, $0x4;
	[tilespmem:v1+s26+$0x0] =	vst.idx.add.f32.msk $0xffff, v2  }
0xac: {  	v1 =	vld [tilespmem:s2+$0x0]  }
0xad: {  	v2 =	vld [tilespmem:s2+$0x4000]  }
0xae: {  	s30 =	sadd.s32 $0x40, s30;
	s31 =	sadd.s32 $0x40, s31;
	[tilespmem:v3+s26+$0x0] =	vst.idx.add.f32.msk $0xffff, v4  }
0xaf: {  	_ =	swait.ge [sflag:s28], $0x4000  }
0xb0: {  	[sflag:s28] =	ssyncset.done $0x0  }
0xb1: {  	s0 =	rddreg [dreg:$0x8];
	[sflag:s28] =	ssyncadd.s32 $0xFFFFC000  }
0xb2: {  	[tilespmem:s21], [sflag:$0x1] =	stream.linear.gather [hbm4b:s0+s1], $0x4000, $0x38;
	[tilespmem:$0x12300] =	vst v63  }
0xb3: {  	v1 =	vld [tilespmem:$0x0];
	_ =	sdelay $0x1  }
0xb4: {  	s30 =	simm.s32 $0x8020;
	s31 =	simm.s32 $0x30;
	s0 =	simm.s32 $0xFFFFFFFC;
	v2 =	vld [tilespmem:$0x8000]  }
.LBB2_12:
0xb5: {  	v3 =	vld [tilespmem:s31+$0xFFFFFFE0];
	_ =	sdelay $0x1  }
0xb6: {  	v1 =	vadd.s32 $0xE10, v1;
	_ =	sdelay $0x2  }
0xb7: {  	v4 =	vld [tilespmem:s30+$0xFFFFFFF0];
	v3 =	vadd.s32 $0xE10, v3;
	_ =	sdelay $0x1  }
0xb8: {  	[tilespmem:v1+s26+$0x0] =	vst.idx.add.f32.msk $0xffff, v2  }
0xb9: {  	v1 =	vld [tilespmem:s31+$0xFFFFFFF0]  }
0xba: {  	v2 =	vld [tilespmem:s30+$0x0]  }
0xbb: {  	[tilespmem:v3+s26+$0x0] =	vst.idx.add.f32.msk $0xffff, v4  }
0xbc: {  	v3 =	vld [tilespmem:s31+$0x0];
	_ =	sdelay $0x1  }
0xbd: {  	v1 =	vadd.s32 $0xE10, v1;
	_ =	sdelay $0x1  }
0xbe: {  	s2 =	sadd.s32 $0x8, s0;
	s0 =	sadd.s32 $0x4, s0  }
0xbf: {  	p0 =	slt.u32 s0, $0x3FC;
	v4 =	vld [tilespmem:s30+$0x10];
	v3 =	vadd.s32 $0xE10, v3  }
.Ltmp5:
0xc0: {  	s2 =	smin.u32 s2, $0x3FF;
	(pc) =	sbr.rel @p0 .LBB2_12-.Ltmp5, $4  }
0xc1: {  	s2 =	sshll.u32 s2, $0x4;
	[tilespmem:v1+s26+$0x0] =	vst.idx.add.f32.msk $0xffff, v2  }
0xc2: {  	v1 =	vld [tilespmem:s2+$0x0]  }
0xc3: {  	v2 =	vld [tilespmem:s2+$0x8000]  }
0xc4: {  	s30 =	sadd.s32 $0x40, s30;
	s31 =	sadd.s32 $0x40, s31;
	[tilespmem:v3+s26+$0x0] =	vst.idx.add.f32.msk $0xffff, v4  }
0xc5: {  	_ =	swait.ge [sflag:s24], $0x4000  }
0xc6: {  	[sflag:s24] =	ssyncset.done $0x0  }
0xc7: {  	s0 =	rddreg [dreg:$0x9];
	[sflag:s24] =	ssyncadd.s32 $0xFFFFC000  }
0xc8: {  	[tilespmem:s25], [sflag:$0x2] =	stream.linear.gather [hbm4b:s0+s1], $0x4000, $0x38;
	[tilespmem:$0x12300] =	vst v63  }
0xc9: {  	v1 =	vld [tilespmem:$0x0];
	_ =	sdelay $0x1  }
0xca: {  	s30 =	simm.s32 $0x4020;
	s31 =	simm.s32 $0x30;
	s0 =	simm.s32 $0xFFFFFFFC;
	v2 =	vld [tilespmem:$0x4000]  }
.LBB2_14:
0xcb: {  	v3 =	vld [tilespmem:s31+$0xFFFFFFE0];
	_ =	sdelay $0x1  }
0xcc: {  	v1 =	vadd.s32 $0x12C0, v1;
	_ =	sdelay $0x2  }
0xcd: {  	v4 =	vld [tilespmem:s30+$0xFFFFFFF0];
	v3 =	vadd.s32 $0x12C0, v3;
	_ =	sdelay $0x1  }
0xce: {  	[tilespmem:v1+s26+$0x0] =	vst.idx.add.f32.msk $0xffff, v2  }
0xcf: {  	v1 =	vld [tilespmem:s31+$0xFFFFFFF0]  }
0xd0: {  	v2 =	vld [tilespmem:s30+$0x0]  }
0xd1: {  	[tilespmem:v3+s26+$0x0] =	vst.idx.add.f32.msk $0xffff, v4  }
0xd2: {  	v3 =	vld [tilespmem:s31+$0x0];
	_ =	sdelay $0x1  }
0xd3: {  	v1 =	vadd.s32 $0x12C0, v1;
	_ =	sdelay $0x1  }
0xd4: {  	s2 =	sadd.s32 $0x8, s0;
	s0 =	sadd.s32 $0x4, s0  }
0xd5: {  	p0 =	slt.u32 s0, $0x3FC;
	v4 =	vld [tilespmem:s30+$0x10];
	v3 =	vadd.s32 $0x12C0, v3  }
.Ltmp6:
0xd6: {  	s2 =	smin.u32 s2, $0x3FF;
	(pc) =	sbr.rel @p0 .LBB2_14-.Ltmp6, $4  }
0xd7: {  	s2 =	sshll.u32 s2, $0x4;
	[tilespmem:v1+s26+$0x0] =	vst.idx.add.f32.msk $0xffff, v2  }
0xd8: {  	v1 =	vld [tilespmem:s2+$0x0]  }
0xd9: {  	v2 =	vld [tilespmem:s2+$0x4000]  }
0xda: {  	s30 =	sadd.s32 $0x40, s30;
	s31 =	sadd.s32 $0x40, s31;
	[tilespmem:v3+s26+$0x0] =	vst.idx.add.f32.msk $0xffff, v4  }
0xdb: {  	_ =	swait.ge [sflag:s28], $0x4000  }
0xdc: {  	[sflag:s28] =	ssyncset.done $0x0  }
0xdd: {  	s0 =	rddreg [dreg:$0xa];
	[sflag:s28] =	ssyncadd.s32 $0xFFFFC000  }
0xde: {  	[tilespmem:s21], [sflag:$0x1] =	stream.linear.gather [hbm4b:s0+s1], $0x4000, $0x38;
	[tilespmem:$0x12300] =	vst v63  }
0xdf: {  	v1 =	vld [tilespmem:$0x0];
	_ =	sdelay $0x1  }
0xe0: {  	s30 =	simm.s32 $0x8020;
	s31 =	simm.s32 $0x30;
	s0 =	simm.s32 $0xFFFFFFFC;
	v2 =	vld [tilespmem:$0x8000]  }
.LBB2_16:
0xe1: {  	v3 =	vld [tilespmem:s31+$0xFFFFFFE0];
	_ =	sdelay $0x1  }
0xe2: {  	v1 =	vadd.s32 $0x1770, v1;
	_ =	sdelay $0x2  }
0xe3: {  	v4 =	vld [tilespmem:s30+$0xFFFFFFF0];
	v3 =	vadd.s32 $0x1770, v3;
	_ =	sdelay $0x1  }
0xe4: {  	[tilespmem:v1+s26+$0x0] =	vst.idx.add.f32.msk $0xffff, v2  }
0xe5: {  	v1 =	vld [tilespmem:s31+$0xFFFFFFF0]  }
0xe6: {  	v2 =	vld [tilespmem:s30+$0x0]  }
0xe7: {  	[tilespmem:v3+s26+$0x0] =	vst.idx.add.f32.msk $0xffff, v4  }
0xe8: {  	v3 =	vld [tilespmem:s31+$0x0];
	_ =	sdelay $0x1  }
0xe9: {  	v1 =	vadd.s32 $0x1770, v1;
	_ =	sdelay $0x1  }
0xea: {  	s2 =	sadd.s32 $0x8, s0;
	s0 =	sadd.s32 $0x4, s0  }
0xeb: {  	p0 =	slt.u32 s0, $0x3FC;
	v4 =	vld [tilespmem:s30+$0x10];
	v3 =	vadd.s32 $0x1770, v3  }
.Ltmp7:
0xec: {  	s2 =	smin.u32 s2, $0x3FF;
	(pc) =	sbr.rel @p0 .LBB2_16-.Ltmp7, $4  }
0xed: {  	s2 =	sshll.u32 s2, $0x4;
	[tilespmem:v1+s26+$0x0] =	vst.idx.add.f32.msk $0xffff, v2  }
0xee: {  	v1 =	vld [tilespmem:s2+$0x0]  }
0xef: {  	v2 =	vld [tilespmem:s2+$0x8000]  }
0xf0: {  	s30 =	sadd.s32 $0x40, s30;
	s31 =	sadd.s32 $0x40, s31;
	[tilespmem:v3+s26+$0x0] =	vst.idx.add.f32.msk $0xffff, v4  }
0xf1: {  	_ =	swait.ge [sflag:s24], $0x4000  }
0xf2: {  	[sflag:s24] =	ssyncset.done $0x0  }
0xf3: {  	s0 =	rddreg [dreg:$0xb];
	[sflag:s24] =	ssyncadd.s32 $0xFFFFC000  }
0xf4: {  	[tilespmem:s25], [sflag:$0x2] =	stream.linear.gather [hbm4b:s0+s1], $0x4000, $0x38;
	[tilespmem:$0x12300] =	vst v63  }
0xf5: {  	v1 =	vld [tilespmem:$0x0];
	_ =	sdelay $0x1  }
0xf6: {  	s30 =	simm.s32 $0x4020;
	s31 =	simm.s32 $0x30;
	s0 =	simm.s32 $0xFFFFFFFC;
	v2 =	vld [tilespmem:$0x4000]  }
.LBB2_18:
0xf7: {  	v3 =	vld [tilespmem:s31+$0xFFFFFFE0];
	_ =	sdelay $0x1  }
0xf8: {  	v1 =	vadd.s32 $0x1C20, v1;
	_ =	sdelay $0x2  }
0xf9: {  	v4 =	vld [tilespmem:s30+$0xFFFFFFF0];
	v3 =	vadd.s32 $0x1C20, v3;
	_ =	sdelay $0x1  }
0xfa: {  	[tilespmem:v1+s26+$0x0] =	vst.idx.add.f32.msk $0xffff, v2  }
0xfb: {  	v1 =	vld [tilespmem:s31+$0xFFFFFFF0]  }
0xfc: {  	v2 =	vld [tilespmem:s30+$0x0]  }
0xfd: {  	[tilespmem:v3+s26+$0x0] =	vst.idx.add.f32.msk $0xffff, v4  }
0xfe: {  	v3 =	vld [tilespmem:s31+$0x0];
	_ =	sdelay $0x1  }
0xff: {  	v1 =	vadd.s32 $0x1C20, v1;
	_ =	sdelay $0x1  }
0x100: {  	s2 =	sadd.s32 $0x8, s0;
	s0 =	sadd.s32 $0x4, s0  }
0x101: {  	p0 =	slt.u32 s0, $0x3FC;
	v4 =	vld [tilespmem:s30+$0x10];
	v3 =	vadd.s32 $0x1C20, v3  }
.Ltmp8:
0x102: {  	s2 =	smin.u32 s2, $0x3FF;
	(pc) =	sbr.rel @p0 .LBB2_18-.Ltmp8, $4  }
0x103: {  	s2 =	sshll.u32 s2, $0x4;
	[tilespmem:v1+s26+$0x0] =	vst.idx.add.f32.msk $0xffff, v2  }
0x104: {  	v1 =	vld [tilespmem:s2+$0x0]  }
0x105: {  	v2 =	vld [tilespmem:s2+$0x4000]  }
0x106: {  	s30 =	sadd.s32 $0x40, s30;
	s31 =	sadd.s32 $0x40, s31;
	[tilespmem:v3+s26+$0x0] =	vst.idx.add.f32.msk $0xffff, v4  }
0x107: {  	_ =	swait.ge [sflag:s28], $0x4000  }
0x108: {  	[sflag:s28] =	ssyncset.done $0x0  }
0x109: {  	s0 =	rddreg [dreg:$0xc];
	[sflag:s28] =	ssyncadd.s32 $0xFFFFC000  }
0x10a: {  	[tilespmem:s21], [sflag:$0x1] =	stream.linear.gather [hbm4b:s0+s1], $0x4000, $0x38;
	[tilespmem:$0x12300] =	vst v63  }
0x10b: {  	v1 =	vld [tilespmem:$0x0];
	_ =	sdelay $0x1  }
0x10c: {  	s30 =	simm.s32 $0x8020;
	s31 =	simm.s32 $0x30;
	s0 =	simm.s32 $0xFFFFFFFC;
	v2 =	vld [tilespmem:$0x8000]  }
.LBB2_20:
0x10d: {  	v3 =	vld [tilespmem:s31+$0xFFFFFFE0];
	_ =	sdelay $0x1  }
0x10e: {  	v1 =	vadd.s32 $0x20D0, v1;
	_ =	sdelay $0x2  }
0x10f: {  	v4 =	vld [tilespmem:s30+$0xFFFFFFF0];
	v3 =	vadd.s32 $0x20D0, v3;
	_ =	sdelay $0x1  }
0x110: {  	[tilespmem:v1+s26+$0x0] =	vst.idx.add.f32.msk $0xffff, v2  }
0x111: {  	v1 =	vld [tilespmem:s31+$0xFFFFFFF0]  }
0x112: {  	v2 =	vld [tilespmem:s30+$0x0]  }
0x113: {  	[tilespmem:v3+s26+$0x0] =	vst.idx.add.f32.msk $0xffff, v4  }
0x114: {  	v3 =	vld [tilespmem:s31+$0x0];
	_ =	sdelay $0x1  }
0x115: {  	v1 =	vadd.s32 $0x20D0, v1;
	_ =	sdelay $0x1  }
0x116: {  	s2 =	sadd.s32 $0x8, s0;
	s0 =	sadd.s32 $0x4, s0  }
0x117: {  	p0 =	slt.u32 s0, $0x3FC;
	v4 =	vld [tilespmem:s30+$0x10];
	v3 =	vadd.s32 $0x20D0, v3  }
.Ltmp9:
0x118: {  	s2 =	smin.u32 s2, $0x3FF;
	(pc) =	sbr.rel @p0 .LBB2_20-.Ltmp9, $4  }
0x119: {  	s2 =	sshll.u32 s2, $0x4;
	[tilespmem:v1+s26+$0x0] =	vst.idx.add.f32.msk $0xffff, v2  }
0x11a: {  	v1 =	vld [tilespmem:s2+$0x0]  }
0x11b: {  	v2 =	vld [tilespmem:s2+$0x8000]  }
0x11c: {  	s30 =	sadd.s32 $0x40, s30;
	s31 =	sadd.s32 $0x40, s31;
	[tilespmem:v3+s26+$0x0] =	vst.idx.add.f32.msk $0xffff, v4  }
0x11d: {  	_ =	swait.ge [sflag:s24], $0x4000  }
0x11e: {  	[sflag:s24] =	ssyncset.done $0x0  }
0x11f: {  	s0 =	rddreg [dreg:$0xd];
	[sflag:s24] =	ssyncadd.s32 $0xFFFFC000  }
0x120: {  	[tilespmem:s25], [sflag:$0x2] =	stream.linear.gather [hbm4b:s0+s1], $0x4000, $0x38;
	[tilespmem:$0x12300] =	vst v63  }
0x121: {  	v1 =	vld [tilespmem:$0x0];
	_ =	sdelay $0x1  }
0x122: {  	s30 =	simm.s32 $0x4020;
	s31 =	simm.s32 $0x30;
	s0 =	simm.s32 $0xFFFFFFFC;
	v2 =	vld [tilespmem:$0x4000]  }
.LBB2_22:
0x123: {  	v3 =	vld [tilespmem:s31+$0xFFFFFFE0];
	_ =	sdelay $0x1  }
0x124: {  	v1 =	vadd.s32 $0x2580, v1;
	_ =	sdelay $0x2  }
0x125: {  	v4 =	vld [tilespmem:s30+$0xFFFFFFF0];
	v3 =	vadd.s32 $0x2580, v3;
	_ =	sdelay $0x1  }
0x126: {  	[tilespmem:v1+s26+$0x0] =	vst.idx.add.f32.msk $0xffff, v2  }
0x127: {  	v1 =	vld [tilespmem:s31+$0xFFFFFFF0]  }
0x128: {  	v2 =	vld [tilespmem:s30+$0x0]  }
0x129: {  	[tilespmem:v3+s26+$0x0] =	vst.idx.add.f32.msk $0xffff, v4  }
0x12a: {  	v3 =	vld [tilespmem:s31+$0x0];
	_ =	sdelay $0x1  }
0x12b: {  	v1 =	vadd.s32 $0x2580, v1;
	_ =	sdelay $0x1  }
0x12c: {  	s2 =	sadd.s32 $0x8, s0;
	s0 =	sadd.s32 $0x4, s0  }
0x12d: {  	p0 =	slt.u32 s0, $0x3FC;
	v4 =	vld [tilespmem:s30+$0x10];
	v3 =	vadd.s32 $0x2580, v3  }
.Ltmp10:
0x12e: {  	s2 =	smin.u32 s2, $0x3FF;
	(pc) =	sbr.rel @p0 .LBB2_22-.Ltmp10, $4  }
0x12f: {  	s2 =	sshll.u32 s2, $0x4;
	[tilespmem:v1+s26+$0x0] =	vst.idx.add.f32.msk $0xffff, v2  }
0x130: {  	v1 =	vld [tilespmem:s2+$0x0]  }
0x131: {  	v2 =	vld [tilespmem:s2+$0x4000]  }
0x132: {  	s30 =	sadd.s32 $0x40, s30;
	s31 =	sadd.s32 $0x40, s31;
	[tilespmem:v3+s26+$0x0] =	vst.idx.add.f32.msk $0xffff, v4  }
0x133: {  	_ =	swait.ge [sflag:s28], $0x4000  }
0x134: {  	[sflag:s28] =	ssyncset.done $0x0  }
0x135: {  	s0 =	rddreg [dreg:$0xf];
	[sflag:s28] =	ssyncadd.s32 $0xFFFFC000  }
0x136: {  	[tilespmem:s21], [sflag:$0x1] =	stream.linear.gather [hbm4b:s0+s1], $0x4000, $0x38;
	[tilespmem:$0x12300] =	vst v63  }
0x137: {  	v1 =	vld [tilespmem:$0x0];
	_ =	sdelay $0x1  }
0x138: {  	s30 =	simm.s32 $0x8020;
	s31 =	simm.s32 $0x30;
	s0 =	simm.s32 $0xFFFFFFFC;
	v2 =	vld [tilespmem:$0x8000]  }
.LBB2_24:
0x139: {  	v3 =	vld [tilespmem:s31+$0xFFFFFFE0];
	_ =	sdelay $0x1  }
0x13a: {  	v1 =	vadd.s32 $0x2A30, v1;
	_ =	sdelay $0x2  }
0x13b: {  	v4 =	vld [tilespmem:s30+$0xFFFFFFF0];
	v3 =	vadd.s32 $0x2A30, v3;
	_ =	sdelay $0x1  }
0x13c: {  	[tilespmem:v1+s26+$0x0] =	vst.idx.add.f32.msk $0xffff, v2  }
0x13d: {  	v1 =	vld [tilespmem:s31+$0xFFFFFFF0]  }
0x13e: {  	v2 =	vld [tilespmem:s30+$0x0]  }
0x13f: {  	[tilespmem:v3+s26+$0x0] =	vst.idx.add.f32.msk $0xffff, v4  }
0x140: {  	v3 =	vld [tilespmem:s31+$0x0];
	_ =	sdelay $0x1  }
0x141: {  	v1 =	vadd.s32 $0x2A30, v1;
	_ =	sdelay $0x1  }
0x142: {  	s2 =	sadd.s32 $0x8, s0;
	s0 =	sadd.s32 $0x4, s0  }
0x143: {  	p0 =	slt.u32 s0, $0x3FC;
	v4 =	vld [tilespmem:s30+$0x10];
	v3 =	vadd.s32 $0x2A30, v3  }
.Ltmp11:
0x144: {  	s2 =	smin.u32 s2, $0x3FF;
	(pc) =	sbr.rel @p0 .LBB2_24-.Ltmp11, $4  }
0x145: {  	s2 =	sshll.u32 s2, $0x4;
	[tilespmem:v1+s26+$0x0] =	vst.idx.add.f32.msk $0xffff, v2  }
0x146: {  	v1 =	vld [tilespmem:s2+$0x0]  }
0x147: {  	v2 =	vld [tilespmem:s2+$0x8000]  }
0x148: {  	s30 =	sadd.s32 $0x40, s30;
	s31 =	sadd.s32 $0x40, s31;
	[tilespmem:v3+s26+$0x0] =	vst.idx.add.f32.msk $0xffff, v4  }
0x149: {  	_ =	swait.ge [sflag:s24], $0x4000  }
0x14a: {  	[sflag:s24] =	ssyncset.done $0x0  }
0x14b: {  	s0 =	rddreg [dreg:$0x10];
	[sflag:s24] =	ssyncadd.s32 $0xFFFFC000  }
0x14c: {  	[tilespmem:s25], [sflag:$0x2] =	stream.linear.gather [hbm4b:s0+s1], $0x4000, $0x38;
	[tilespmem:$0x12300] =	vst v63  }
0x14d: {  	v1 =	vld [tilespmem:$0x0];
	_ =	sdelay $0x1  }
0x14e: {  	s30 =	simm.s32 $0x4020;
	s31 =	simm.s32 $0x30;
	s0 =	simm.s32 $0xFFFFFFFC;
	v2 =	vld [tilespmem:$0x4000]  }
.LBB2_26:
0x14f: {  	v3 =	vld [tilespmem:s31+$0xFFFFFFE0];
	_ =	sdelay $0x1  }
0x150: {  	v1 =	vadd.s32 $0x2EE0, v1;
	_ =	sdelay $0x2  }
0x151: {  	v4 =	vld [tilespmem:s30+$0xFFFFFFF0];
	v3 =	vadd.s32 $0x2EE0, v3;
	_ =	sdelay $0x1  }
0x152: {  	[tilespmem:v1+s26+$0x0] =	vst.idx.add.f32.msk $0xffff, v2  }
0x153: {  	v1 =	vld [tilespmem:s31+$0xFFFFFFF0]  }
0x154: {  	v2 =	vld [tilespmem:s30+$0x0]  }
0x155: {  	[tilespmem:v3+s26+$0x0] =	vst.idx.add.f32.msk $0xffff, v4  }
0x156: {  	v3 =	vld [tilespmem:s31+$0x0];
	_ =	sdelay $0x1  }
0x157: {  	v1 =	vadd.s32 $0x2EE0, v1;
	_ =	sdelay $0x1  }
0x158: {  	s2 =	sadd.s32 $0x8, s0;
	s0 =	sadd.s32 $0x4, s0  }
0x159: {  	p0 =	slt.u32 s0, $0x3FC;
	v4 =	vld [tilespmem:s30+$0x10];
	v3 =	vadd.s32 $0x2EE0, v3  }
.Ltmp12:
0x15a: {  	s2 =	smin.u32 s2, $0x3FF;
	(pc) =	sbr.rel @p0 .LBB2_26-.Ltmp12, $4  }
0x15b: {  	s2 =	sshll.u32 s2, $0x4;
	[tilespmem:v1+s26+$0x0] =	vst.idx.add.f32.msk $0xffff, v2  }
0x15c: {  	v1 =	vld [tilespmem:s2+$0x0]  }
0x15d: {  	v2 =	vld [tilespmem:s2+$0x4000]  }
0x15e: {  	s30 =	sadd.s32 $0x40, s30;
	s31 =	sadd.s32 $0x40, s31;
	[tilespmem:v3+s26+$0x0] =	vst.idx.add.f32.msk $0xffff, v4  }
0x15f: {  	_ =	swait.ge [sflag:s28], $0x4000  }
0x160: {  	[sflag:s28] =	ssyncset.done $0x0  }
0x161: {  	s0 =	rddreg [dreg:$0x12];
	[sflag:s28] =	ssyncadd.s32 $0xFFFFC000  }
0x162: {  	[tilespmem:s21], [sflag:$0x1] =	stream.linear.gather [hbm4b:s0+s1], $0x4000, $0x38;
	[tilespmem:$0x12300] =	vst v63  }
0x163: {  	v1 =	vld [tilespmem:$0x0];
	_ =	sdelay $0x1  }
0x164: {  	s30 =	simm.s32 $0x8020;
	s31 =	simm.s32 $0x30;
	s0 =	simm.s32 $0xFFFFFFFC;
	v2 =	vld [tilespmem:$0x8000]  }
.LBB2_28:
0x165: {  	v3 =	vld [tilespmem:s31+$0xFFFFFFE0];
	_ =	sdelay $0x1  }
0x166: {  	v1 =	vadd.s32 $0x3390, v1;
	_ =	sdelay $0x2  }
0x167: {  	v4 =	vld [tilespmem:s30+$0xFFFFFFF0];
	v3 =	vadd.s32 $0x3390, v3;
	_ =	sdelay $0x1  }
0x168: {  	[tilespmem:v1+s26+$0x0] =	vst.idx.add.f32.msk $0xffff, v2  }
0x169: {  	v1 =	vld [tilespmem:s31+$0xFFFFFFF0]  }
0x16a: {  	v2 =	vld [tilespmem:s30+$0x0]  }
0x16b: {  	[tilespmem:v3+s26+$0x0] =	vst.idx.add.f32.msk $0xffff, v4  }
0x16c: {  	v3 =	vld [tilespmem:s31+$0x0];
	_ =	sdelay $0x1  }
0x16d: {  	v1 =	vadd.s32 $0x3390, v1;
	_ =	sdelay $0x1  }
0x16e: {  	s2 =	sadd.s32 $0x8, s0;
	s0 =	sadd.s32 $0x4, s0  }
0x16f: {  	p0 =	slt.u32 s0, $0x3FC;
	v4 =	vld [tilespmem:s30+$0x10];
	v3 =	vadd.s32 $0x3390, v3  }
.Ltmp13:
0x170: {  	s2 =	smin.u32 s2, $0x3FF;
	(pc) =	sbr.rel @p0 .LBB2_28-.Ltmp13, $4  }
0x171: {  	s2 =	sshll.u32 s2, $0x4;
	[tilespmem:v1+s26+$0x0] =	vst.idx.add.f32.msk $0xffff, v2  }
0x172: {  	v1 =	vld [tilespmem:s2+$0x0]  }
0x173: {  	v2 =	vld [tilespmem:s2+$0x8000]  }
0x174: {  	s30 =	sadd.s32 $0x40, s30;
	s31 =	sadd.s32 $0x40, s31;
	[tilespmem:v3+s26+$0x0] =	vst.idx.add.f32.msk $0xffff, v4  }
0x175: {  	_ =	swait.ge [sflag:s24], $0x4000  }
0x176: {  	[sflag:s24] =	ssyncset.done $0x0  }
0x177: {  	s0 =	rddreg [dreg:$0x13];
	[sflag:s24] =	ssyncadd.s32 $0xFFFFC000  }
0x178: {  	[tilespmem:s25], [sflag:$0x2] =	stream.linear.gather [hbm4b:s0+s1], $0x4000, $0x38;
	[tilespmem:$0x12300] =	vst v63  }
0x179: {  	v1 =	vld [tilespmem:$0x0];
	_ =	sdelay $0x1  }
0x17a: {  	s30 =	simm.s32 $0x4020;
	s31 =	simm.s32 $0x30;
	s0 =	simm.s32 $0xFFFFFFFC;
	v2 =	vld [tilespmem:$0x4000]  }
.LBB2_30:
0x17b: {  	v3 =	vld [tilespmem:s31+$0xFFFFFFE0];
	_ =	sdelay $0x1  }
0x17c: {  	v1 =	vadd.s32 $0x3840, v1;
	_ =	sdelay $0x2  }
0x17d: {  	v4 =	vld [tilespmem:s30+$0xFFFFFFF0];
	v3 =	vadd.s32 $0x3840, v3;
	_ =	sdelay $0x1  }
0x17e: {  	[tilespmem:v1+s26+$0x0] =	vst.idx.add.f32.msk $0xffff, v2  }
0x17f: {  	v1 =	vld [tilespmem:s31+$0xFFFFFFF0]  }
0x180: {  	v2 =	vld [tilespmem:s30+$0x0]  }
0x181: {  	[tilespmem:v3+s26+$0x0] =	vst.idx.add.f32.msk $0xffff, v4  }
0x182: {  	v3 =	vld [tilespmem:s31+$0x0];
	_ =	sdelay $0x1  }
0x183: {  	v1 =	vadd.s32 $0x3840, v1;
	_ =	sdelay $0x1  }
0x184: {  	s2 =	sadd.s32 $0x8, s0;
	s0 =	sadd.s32 $0x4, s0  }
0x185: {  	p0 =	slt.u32 s0, $0x3FC;
	v4 =	vld [tilespmem:s30+$0x10];
	v3 =	vadd.s32 $0x3840, v3  }
.Ltmp14:
0x186: {  	s2 =	smin.u32 s2, $0x3FF;
	(pc) =	sbr.rel @p0 .LBB2_30-.Ltmp14, $4  }
0x187: {  	s2 =	sshll.u32 s2, $0x4;
	[tilespmem:v1+s26+$0x0] =	vst.idx.add.f32.msk $0xffff, v2  }
0x188: {  	v1 =	vld [tilespmem:s2+$0x0]  }
0x189: {  	v2 =	vld [tilespmem:s2+$0x4000]  }
0x18a: {  	s30 =	sadd.s32 $0x40, s30;
	s31 =	sadd.s32 $0x40, s31;
	[tilespmem:v3+s26+$0x0] =	vst.idx.add.f32.msk $0xffff, v4  }
0x18b: {  	_ =	swait.ge [sflag:s28], $0x4000  }
0x18c: {  	[sflag:s28] =	ssyncset.done $0x0  }
0x18d: {  	s0 =	rddreg [dreg:$0x14];
	[sflag:s28] =	ssyncadd.s32 $0xFFFFC000  }
0x18e: {  	[tilespmem:s21], [sflag:$0x1] =	stream.linear.gather [hbm4b:s0+s1], $0x4000, $0x38;
	[tilespmem:$0x12300] =	vst v63  }
0x18f: {  	v1 =	vld [tilespmem:$0x0];
	_ =	sdelay $0x1  }
0x190: {  	s30 =	simm.s32 $0x8020;
	s31 =	simm.s32 $0x30;
	s0 =	simm.s32 $0xFFFFFFFC;
	v2 =	vld [tilespmem:$0x8000]  }
.LBB2_32:
0x191: {  	v3 =	vld [tilespmem:s31+$0xFFFFFFE0];
	_ =	sdelay $0x1  }
0x192: {  	v1 =	vadd.s32 $0x3CF0, v1;
	_ =	sdelay $0x2  }
0x193: {  	v4 =	vld [tilespmem:s30+$0xFFFFFFF0];
	v3 =	vadd.s32 $0x3CF0, v3;
	_ =	sdelay $0x1  }
0x194: {  	[tilespmem:v1+s26+$0x0] =	vst.idx.add.f32.msk $0xffff, v2  }
0x195: {  	v1 =	vld [tilespmem:s31+$0xFFFFFFF0]  }
0x196: {  	v2 =	vld [tilespmem:s30+$0x0]  }
0x197: {  	[tilespmem:v3+s26+$0x0] =	vst.idx.add.f32.msk $0xffff, v4  }
0x198: {  	v3 =	vld [tilespmem:s31+$0x0];
	_ =	sdelay $0x1  }
0x199: {  	v1 =	vadd.s32 $0x3CF0, v1;
	_ =	sdelay $0x1  }
0x19a: {  	s2 =	sadd.s32 $0x8, s0;
	s0 =	sadd.s32 $0x4, s0  }
0x19b: {  	p0 =	slt.u32 s0, $0x3FC;
	v4 =	vld [tilespmem:s30+$0x10];
	v3 =	vadd.s32 $0x3CF0, v3  }
.Ltmp15:
0x19c: {  	s2 =	smin.u32 s2, $0x3FF;
	(pc) =	sbr.rel @p0 .LBB2_32-.Ltmp15, $4  }
0x19d: {  	s2 =	sshll.u32 s2, $0x4;
	[tilespmem:v1+s26+$0x0] =	vst.idx.add.f32.msk $0xffff, v2  }
0x19e: {  	v1 =	vld [tilespmem:s2+$0x0]  }
0x19f: {  	v2 =	vld [tilespmem:s2+$0x8000]  }
0x1a0: {  	s30 =	sadd.s32 $0x40, s30;
	s31 =	sadd.s32 $0x40, s31;
	[tilespmem:v3+s26+$0x0] =	vst.idx.add.f32.msk $0xffff, v4  }
0x1a1: {  	_ =	swait.ge [sflag:s24], $0x4000  }
0x1a2: {  	[sflag:s24] =	ssyncset.done $0x0  }
0x1a3: {  	s0 =	rddreg [dreg:$0x15];
	[sflag:s24] =	ssyncadd.s32 $0xFFFFC000  }
0x1a4: {  	[tilespmem:s25], [sflag:$0x2] =	stream.linear.gather [hbm4b:s0+s1], $0x4000, $0x38;
	[tilespmem:$0x12300] =	vst v63  }
0x1a5: {  	v1 =	vld [tilespmem:$0x0];
	_ =	sdelay $0x1  }
0x1a6: {  	s30 =	simm.s32 $0x4020;
	s31 =	simm.s32 $0x30;
	s0 =	simm.s32 $0xFFFFFFFC;
	v2 =	vld [tilespmem:$0x4000]  }
.LBB2_34:
0x1a7: {  	v3 =	vld [tilespmem:s31+$0xFFFFFFE0];
	_ =	sdelay $0x1  }
0x1a8: {  	v1 =	vadd.s32 $0x41A0, v1;
	_ =	sdelay $0x2  }
0x1a9: {  	v4 =	vld [tilespmem:s30+$0xFFFFFFF0];
	v3 =	vadd.s32 $0x41A0, v3;
	_ =	sdelay $0x1  }
0x1aa: {  	[tilespmem:v1+s26+$0x0] =	vst.idx.add.f32.msk $0xffff, v2  }
0x1ab: {  	v1 =	vld [tilespmem:s31+$0xFFFFFFF0]  }
0x1ac: {  	v2 =	vld [tilespmem:s30+$0x0]  }
0x1ad: {  	[tilespmem:v3+s26+$0x0] =	vst.idx.add.f32.msk $0xffff, v4  }
0x1ae: {  	v3 =	vld [tilespmem:s31+$0x0];
	_ =	sdelay $0x1  }
0x1af: {  	v1 =	vadd.s32 $0x41A0, v1;
	_ =	sdelay $0x1  }
0x1b0: {  	s2 =	sadd.s32 $0x8, s0;
	s0 =	sadd.s32 $0x4, s0  }
0x1b1: {  	p0 =	slt.u32 s0, $0x3FC;
	v4 =	vld [tilespmem:s30+$0x10];
	v3 =	vadd.s32 $0x41A0, v3  }
.Ltmp16:
0x1b2: {  	s2 =	smin.u32 s2, $0x3FF;
	(pc) =	sbr.rel @p0 .LBB2_34-.Ltmp16, $4  }
0x1b3: {  	s2 =	sshll.u32 s2, $0x4;
	[tilespmem:v1+s26+$0x0] =	vst.idx.add.f32.msk $0xffff, v2  }
0x1b4: {  	v1 =	vld [tilespmem:s2+$0x0]  }
0x1b5: {  	v2 =	vld [tilespmem:s2+$0x4000]  }
0x1b6: {  	s30 =	sadd.s32 $0x40, s30;
	s31 =	sadd.s32 $0x40, s31;
	[tilespmem:v3+s26+$0x0] =	vst.idx.add.f32.msk $0xffff, v4  }
0x1b7: {  	_ =	swait.ge [sflag:s28], $0x4000  }
0x1b8: {  	[sflag:s28] =	ssyncset.done $0x0  }
0x1b9: {  	s0 =	rddreg [dreg:$0x16];
	[sflag:s28] =	ssyncadd.s32 $0xFFFFC000  }
0x1ba: {  	[tilespmem:s21], [sflag:$0x1] =	stream.linear.gather [hbm4b:s0+s1], $0x4000, $0x38;
	[tilespmem:$0x12300] =	vst v63  }
0x1bb: {  	v1 =	vld [tilespmem:$0x0];
	_ =	sdelay $0x1  }
0x1bc: {  	s30 =	simm.s32 $0x8020;
	s31 =	simm.s32 $0x30;
	s0 =	simm.s32 $0xFFFFFFFC;
	v2 =	vld [tilespmem:$0x8000]  }
.LBB2_36:
0x1bd: {  	v3 =	vld [tilespmem:s31+$0xFFFFFFE0];
	_ =	sdelay $0x1  }
0x1be: {  	v1 =	vadd.s32 $0x4650, v1;
	_ =	sdelay $0x2  }
0x1bf: {  	v4 =	vld [tilespmem:s30+$0xFFFFFFF0];
	v3 =	vadd.s32 $0x4650, v3;
	_ =	sdelay $0x1  }
0x1c0: {  	[tilespmem:v1+s26+$0x0] =	vst.idx.add.f32.msk $0xffff, v2  }
0x1c1: {  	v1 =	vld [tilespmem:s31+$0xFFFFFFF0]  }
0x1c2: {  	v2 =	vld [tilespmem:s30+$0x0]  }
0x1c3: {  	[tilespmem:v3+s26+$0x0] =	vst.idx.add.f32.msk $0xffff, v4  }
0x1c4: {  	v3 =	vld [tilespmem:s31+$0x0];
	_ =	sdelay $0x1  }
0x1c5: {  	v1 =	vadd.s32 $0x4650, v1;
	_ =	sdelay $0x1  }
0x1c6: {  	s2 =	sadd.s32 $0x8, s0;
	s0 =	sadd.s32 $0x4, s0  }
0x1c7: {  	p0 =	slt.u32 s0, $0x3FC;
	v4 =	vld [tilespmem:s30+$0x10];
	v3 =	vadd.s32 $0x4650, v3  }
.Ltmp17:
0x1c8: {  	s2 =	smin.u32 s2, $0x3FF;
	(pc) =	sbr.rel @p0 .LBB2_36-.Ltmp17, $4  }
0x1c9: {  	s2 =	sshll.u32 s2, $0x4;
	[tilespmem:v1+s26+$0x0] =	vst.idx.add.f32.msk $0xffff, v2  }
0x1ca: {  	v1 =	vld [tilespmem:s2+$0x0]  }
0x1cb: {  	v2 =	vld [tilespmem:s2+$0x8000]  }
0x1cc: {  	s30 =	sadd.s32 $0x40, s30;
	s31 =	sadd.s32 $0x40, s31;
	[tilespmem:v3+s26+$0x0] =	vst.idx.add.f32.msk $0xffff, v4  }
0x1cd: {  	_ =	swait.ge [sflag:s24], $0x4000  }
0x1ce: {  	[sflag:s24] =	ssyncset.done $0x0  }
0x1cf: {  	s0 =	rddreg [dreg:$0x17];
	[sflag:s24] =	ssyncadd.s32 $0xFFFFC000  }
0x1d0: {  	[tilespmem:s25], [sflag:$0x2] =	stream.linear.gather [hbm4b:s0+s1], $0x4000, $0x38;
	[tilespmem:$0x12300] =	vst v63  }
0x1d1: {  	v1 =	vld [tilespmem:$0x0];
	_ =	sdelay $0x1  }
0x1d2: {  	s30 =	simm.s32 $0x4020;
	s31 =	simm.s32 $0x30;
	s0 =	simm.s32 $0xFFFFFFFC;
	v2 =	vld [tilespmem:$0x4000]  }
.LBB2_38:
0x1d3: {  	v3 =	vld [tilespmem:s31+$0xFFFFFFE0];
	_ =	sdelay $0x1  }
0x1d4: {  	v1 =	vadd.s32 $0x4B00, v1;
	_ =	sdelay $0x2  }
0x1d5: {  	v4 =	vld [tilespmem:s30+$0xFFFFFFF0];
	v3 =	vadd.s32 $0x4B00, v3;
	_ =	sdelay $0x1  }
0x1d6: {  	[tilespmem:v1+s26+$0x0] =	vst.idx.add.f32.msk $0xffff, v2  }
0x1d7: {  	v1 =	vld [tilespmem:s31+$0xFFFFFFF0]  }
0x1d8: {  	v2 =	vld [tilespmem:s30+$0x0]  }
0x1d9: {  	[tilespmem:v3+s26+$0x0] =	vst.idx.add.f32.msk $0xffff, v4  }
0x1da: {  	v3 =	vld [tilespmem:s31+$0x0];
	_ =	sdelay $0x1  }
0x1db: {  	v1 =	vadd.s32 $0x4B00, v1;
	_ =	sdelay $0x1  }
0x1dc: {  	s2 =	sadd.s32 $0x8, s0;
	s0 =	sadd.s32 $0x4, s0  }
0x1dd: {  	p0 =	slt.u32 s0, $0x3FC;
	v4 =	vld [tilespmem:s30+$0x10];
	v3 =	vadd.s32 $0x4B00, v3  }
.Ltmp18:
0x1de: {  	s2 =	smin.u32 s2, $0x3FF;
	(pc) =	sbr.rel @p0 .LBB2_38-.Ltmp18, $4  }
0x1df: {  	s2 =	sshll.u32 s2, $0x4;
	[tilespmem:v1+s26+$0x0] =	vst.idx.add.f32.msk $0xffff, v2  }
0x1e0: {  	v1 =	vld [tilespmem:s2+$0x0]  }
0x1e1: {  	v2 =	vld [tilespmem:s2+$0x4000]  }
0x1e2: {  	s30 =	sadd.s32 $0x40, s30;
	s31 =	sadd.s32 $0x40, s31;
	[tilespmem:v3+s26+$0x0] =	vst.idx.add.f32.msk $0xffff, v4  }
0x1e3: {  	_ =	swait.ge [sflag:s28], $0x4000  }
0x1e4: {  	[sflag:s28] =	ssyncset.done $0x0  }
0x1e5: {  	s0 =	rddreg [dreg:$0x18];
	[sflag:s28] =	ssyncadd.s32 $0xFFFFC000  }
0x1e6: {  	[tilespmem:s21], [sflag:$0x1] =	stream.linear.gather [hbm4b:s0+s1], $0x4000, $0x38;
	[tilespmem:$0x12300] =	vst v63  }
0x1e7: {  	v1 =	vld [tilespmem:$0x0];
	_ =	sdelay $0x1  }
0x1e8: {  	s30 =	simm.s32 $0x8020;
	s31 =	simm.s32 $0x30;
	s0 =	simm.s32 $0xFFFFFFFC;
	v2 =	vld [tilespmem:$0x8000]  }
.LBB2_40:
0x1e9: {  	v3 =	vld [tilespmem:s31+$0xFFFFFFE0];
	_ =	sdelay $0x1  }
0x1ea: {  	v1 =	vadd.s32 $0x4FB0, v1;
	_ =	sdelay $0x2  }
0x1eb: {  	v4 =	vld [tilespmem:s30+$0xFFFFFFF0];
	v3 =	vadd.s32 $0x4FB0, v3;
	_ =	sdelay $0x1  }
0x1ec: {  	[tilespmem:v1+s26+$0x0] =	vst.idx.add.f32.msk $0xffff, v2  }
0x1ed: {  	v1 =	vld [tilespmem:s31+$0xFFFFFFF0]  }
0x1ee: {  	v2 =	vld [tilespmem:s30+$0x0]  }
0x1ef: {  	[tilespmem:v3+s26+$0x0] =	vst.idx.add.f32.msk $0xffff, v4  }
0x1f0: {  	v3 =	vld [tilespmem:s31+$0x0];
	_ =	sdelay $0x1  }
0x1f1: {  	v1 =	vadd.s32 $0x4FB0, v1;
	_ =	sdelay $0x1  }
0x1f2: {  	s2 =	sadd.s32 $0x8, s0;
	s0 =	sadd.s32 $0x4, s0  }
0x1f3: {  	p0 =	slt.u32 s0, $0x3FC;
	v4 =	vld [tilespmem:s30+$0x10];
	v3 =	vadd.s32 $0x4FB0, v3  }
.Ltmp19:
0x1f4: {  	s2 =	smin.u32 s2, $0x3FF;
	(pc) =	sbr.rel @p0 .LBB2_40-.Ltmp19, $4  }
0x1f5: {  	s2 =	sshll.u32 s2, $0x4;
	[tilespmem:v1+s26+$0x0] =	vst.idx.add.f32.msk $0xffff, v2  }
0x1f6: {  	v1 =	vld [tilespmem:s2+$0x0]  }
0x1f7: {  	v2 =	vld [tilespmem:s2+$0x8000]  }
0x1f8: {  	s30 =	sadd.s32 $0x40, s30;
	s31 =	sadd.s32 $0x40, s31;
	[tilespmem:v3+s26+$0x0] =	vst.idx.add.f32.msk $0xffff, v4  }
0x1f9: {  	_ =	swait.ge [sflag:s24], $0x4000  }
0x1fa: {  	[sflag:s24] =	ssyncset.done $0x0  }
0x1fb: {  	s0 =	rddreg [dreg:$0x19];
	[sflag:s24] =	ssyncadd.s32 $0xFFFFC000  }
0x1fc: {  	[tilespmem:s25], [sflag:$0x2] =	stream.linear.gather [hbm4b:s0+s1], $0x4000, $0x38;
	[tilespmem:$0x12300] =	vst v63  }
0x1fd: {  	v1 =	vld [tilespmem:$0x0];
	_ =	sdelay $0x1  }
0x1fe: {  	s30 =	simm.s32 $0x4020;
	s31 =	simm.s32 $0x30;
	s0 =	simm.s32 $0xFFFFFFFC;
	v2 =	vld [tilespmem:$0x4000]  }
.LBB2_42:
0x1ff: {  	v3 =	vld [tilespmem:s31+$0xFFFFFFE0];
	_ =	sdelay $0x1  }
0x200: {  	v1 =	vadd.s32 $0x5460, v1;
	_ =	sdelay $0x2  }
0x201: {  	v4 =	vld [tilespmem:s30+$0xFFFFFFF0];
	v3 =	vadd.s32 $0x5460, v3;
	_ =	sdelay $0x1  }
0x202: {  	[tilespmem:v1+s26+$0x0] =	vst.idx.add.f32.msk $0xffff, v2  }
0x203: {  	v1 =	vld [tilespmem:s31+$0xFFFFFFF0]  }
0x204: {  	v2 =	vld [tilespmem:s30+$0x0]  }
0x205: {  	[tilespmem:v3+s26+$0x0] =	vst.idx.add.f32.msk $0xffff, v4  }
0x206: {  	v3 =	vld [tilespmem:s31+$0x0];
	_ =	sdelay $0x1  }
0x207: {  	v1 =	vadd.s32 $0x5460, v1;
	_ =	sdelay $0x1  }
0x208: {  	s2 =	sadd.s32 $0x8, s0;
	s0 =	sadd.s32 $0x4, s0  }
0x209: {  	p0 =	slt.u32 s0, $0x3FC;
	v4 =	vld [tilespmem:s30+$0x10];
	v3 =	vadd.s32 $0x5460, v3  }
.Ltmp20:
0x20a: {  	s2 =	smin.u32 s2, $0x3FF;
	(pc) =	sbr.rel @p0 .LBB2_42-.Ltmp20, $4  }
0x20b: {  	s2 =	sshll.u32 s2, $0x4;
	[tilespmem:v1+s26+$0x0] =	vst.idx.add.f32.msk $0xffff, v2  }
0x20c: {  	v1 =	vld [tilespmem:s2+$0x0]  }
0x20d: {  	v2 =	vld [tilespmem:s2+$0x4000]  }
0x20e: {  	s30 =	sadd.s32 $0x40, s30;
	s31 =	sadd.s32 $0x40, s31;
	[tilespmem:v3+s26+$0x0] =	vst.idx.add.f32.msk $0xffff, v4  }
0x20f: {  	_ =	swait.ge [sflag:s28], $0x4000  }
0x210: {  	[sflag:s28] =	ssyncset.done $0x0  }
0x211: {  	s0 =	rddreg [dreg:$0x1a];
	[sflag:s28] =	ssyncadd.s32 $0xFFFFC000  }
0x212: {  	[tilespmem:s21], [sflag:$0x1] =	stream.linear.gather [hbm4b:s0+s1], $0x4000, $0x38;
	[tilespmem:$0x12300] =	vst v63  }
0x213: {  	v1 =	vld [tilespmem:$0x0];
	_ =	sdelay $0x1  }
0x214: {  	s30 =	simm.s32 $0x8020;
	s31 =	simm.s32 $0x30;
	s0 =	simm.s32 $0xFFFFFFFC;
	v2 =	vld [tilespmem:$0x8000]  }
.LBB2_44:
0x215: {  	v3 =	vld [tilespmem:s31+$0xFFFFFFE0];
	_ =	sdelay $0x1  }
0x216: {  	v1 =	vadd.s32 $0x5910, v1;
	_ =	sdelay $0x2  }
0x217: {  	v4 =	vld [tilespmem:s30+$0xFFFFFFF0];
	v3 =	vadd.s32 $0x5910, v3;
	_ =	sdelay $0x1  }
0x218: {  	[tilespmem:v1+s26+$0x0] =	vst.idx.add.f32.msk $0xffff, v2  }
0x219: {  	v1 =	vld [tilespmem:s31+$0xFFFFFFF0]  }
0x21a: {  	v2 =	vld [tilespmem:s30+$0x0]  }
0x21b: {  	[tilespmem:v3+s26+$0x0] =	vst.idx.add.f32.msk $0xffff, v4  }
0x21c: {  	v3 =	vld [tilespmem:s31+$0x0];
	_ =	sdelay $0x1  }
0x21d: {  	v1 =	vadd.s32 $0x5910, v1;
	_ =	sdelay $0x1  }
0x21e: {  	s2 =	sadd.s32 $0x8, s0;
	s0 =	sadd.s32 $0x4, s0  }
0x21f: {  	p0 =	slt.u32 s0, $0x3FC;
	v4 =	vld [tilespmem:s30+$0x10];
	v3 =	vadd.s32 $0x5910, v3  }
.Ltmp21:
0x220: {  	s2 =	smin.u32 s2, $0x3FF;
	(pc) =	sbr.rel @p0 .LBB2_44-.Ltmp21, $4  }
0x221: {  	s2 =	sshll.u32 s2, $0x4;
	[tilespmem:v1+s26+$0x0] =	vst.idx.add.f32.msk $0xffff, v2  }
0x222: {  	v1 =	vld [tilespmem:s2+$0x0]  }
0x223: {  	v2 =	vld [tilespmem:s2+$0x8000]  }
0x224: {  	s30 =	sadd.s32 $0x40, s30;
	s31 =	sadd.s32 $0x40, s31;
	[tilespmem:v3+s26+$0x0] =	vst.idx.add.f32.msk $0xffff, v4  }
0x225: {  	_ =	swait.ge [sflag:s24], $0x4000  }
0x226: {  	[sflag:s24] =	ssyncset.done $0x0  }
0x227: {  	[sflag:s24] =	ssyncadd.s32 $0xFFFFC000  }
0x228: {  	v1 =	vld [tilespmem:$0x0];
	_ =	sdelay $0x1  }
0x229: {  	s0 =	simm.s32 $0xFFFFFFFC;
	s30 =	simm.s32 $0x4020;
	s31 =	simm.s32 $0x30;
	v2 =	vld [tilespmem:$0x4000]  }
.LBB2_46:
0x22a: {  	v3 =	vld [tilespmem:s31+$0xFFFFFFE0];
	_ =	sdelay $0x1  }
0x22b: {  	v1 =	vadd.s32 $0x5DC0, v1;
	_ =	sdelay $0x2  }
0x22c: {  	v4 =	vld [tilespmem:s30+$0xFFFFFFF0];
	v3 =	vadd.s32 $0x5DC0, v3;
	_ =	sdelay $0x1  }
0x22d: {  	[tilespmem:v1+s26+$0x0] =	vst.idx.add.f32.msk $0xffff, v2  }
0x22e: {  	v1 =	vld [tilespmem:s31+$0xFFFFFFF0]  }
0x22f: {  	v2 =	vld [tilespmem:s30+$0x0]  }
0x230: {  	[tilespmem:v3+s26+$0x0] =	vst.idx.add.f32.msk $0xffff, v4  }
0x231: {  	v3 =	vld [tilespmem:s31+$0x0];
	_ =	sdelay $0x1  }
0x232: {  	v1 =	vadd.s32 $0x5DC0, v1;
	_ =	sdelay $0x1  }
0x233: {  	s2 =	sadd.s32 $0x8, s0;
	s0 =	sadd.s32 $0x4, s0  }
0x234: {  	p0 =	slt.u32 s0, $0x3FC;
	v4 =	vld [tilespmem:s30+$0x10];
	v3 =	vadd.s32 $0x5DC0, v3  }
.Ltmp22:
0x235: {  	s2 =	smin.u32 s2, $0x3FF;
	(pc) =	sbr.rel @p0 .LBB2_46-.Ltmp22, $4  }
0x236: {  	s2 =	sshll.u32 s2, $0x4;
	[tilespmem:v1+s26+$0x0] =	vst.idx.add.f32.msk $0xffff, v2  }
0x237: {  	v1 =	vld [tilespmem:s2+$0x0]  }
0x238: {  	v2 =	vld [tilespmem:s2+$0x4000]  }
0x239: {  	s30 =	sadd.s32 $0x40, s30;
	s31 =	sadd.s32 $0x40, s31;
	[tilespmem:v3+s26+$0x0] =	vst.idx.add.f32.msk $0xffff, v4  }
0x23a: {  	s0 =	simm.s32 $0x0  }
0x23b: {  	[hbm4b:s18+s0] =	stream.linear.scatter [tilespmem:s26], [sflag:$0x3], $0x6270, $0x38;
	[tilespmem:$0x12300] =	vst v63  }
0x23c: {  	_ =	swait.ge [sflag:s22], $0x6270  }
0x23d: {  	[sflag:s22] =	ssyncset.done $0x0  }
0x23e: {  	s2 =	rddreg [dreg:$0x1b];
	[sflag:s22] =	ssyncadd.s32 $0xFFFF9D90  }
0x23f: {  	[tilespmem:s21], [sflag:$0x1] =	stream.linear.gather [hbm4b:s2+s0], $0x4000, $0x38;
	[tilespmem:$0x12300] =	vst v63  }
0x240: {  	s31 =	rddreg [dreg:$0xe]  }
0x241: {  	[tilespmem:s0], [sflag:$0x3] =	stream.linear.gather [hbm4b:s31+s0], $0x4000, $0x38;
	[tilespmem:$0x12300] =	vst v63  }
0x242: {  	_ =	swait.ge [sflag:s22], $0x4000  }
0x243: {  	[sflag:s22] =	ssyncset.done $0x0  }
0x244: {  	[sflag:s22] =	ssyncadd.s32 $0xFFFFC000  }
.LBB2_48:
0x245: {  	p0 =	sne.s32 s0, $0x18980  }
.Ltmp23:
0x246: {  	_ = 	snop;
	(pc) =	sbr.rel @p0 .LBB2_48-.Ltmp23, $3  }
0x247: {  	_ =	sdelay $0x1  }
0x248: {  	s2 =	sshra.s32 s0, $0x2  }
0x249: {  	s0 =	sadd.s32 $0x40, s0;
	[tilespmem:s2+$0xC000] =	vst v0  }
0x24a: {  	s2 =	simm.s32 $0x0  }
0x24b: {  	v1 =	vimm.s32 $0x0;
	s0 =	simm.s32 $0x40;
	v2 =	vld [tilespmem:s2+$0x0]  }
.LBB2_50:
0x24c: {  	p0 =	sne.s32 s0, $0xFFC0  }
.Ltmp24:
0x24d: {  	_ = 	snop;
	(pc) =	sbr.rel @p0 .LBB2_50-.Ltmp24, $3  }
0x24e: {  	_ =	sdelay $0x1  }
0x24f: {  	s2 =	sshra.s32 s0, $0x2;
	s0 =	sadd.s32 $0x40, s0;
	v1 =	vadd.s32 v1, v2  }
0x250: {  	v2 =	vld [tilespmem:s2+$0x0]  }
0x251: {  	_ =	sdelay $0x3  }
0x252: {  	v1 =	vadd.s32 v1, v2  }
0x253: {  	s0 =	rddreg [dreg:$0x11];
	[tilespmem:$0x12280] =	vst v1  }
0x254: {  	[hbm4b:s0+s1] =	stream.linear.scatter [tilespmem:s23], [sflag:$0x3], $0x10, $0x38;
	[tilespmem:$0x12300] =	vst v63  }
0x255: {  	_ =	swait.ge [sflag:s22], $0x10  }
0x256: {  	[sflag:s22] =	ssyncset.done $0x0  }
0x257: {  	[sflag:s22] =	ssyncadd.s32 $0xFFFFFFF0  }
0x258: {  	_ =	swait.ge [sflag:s24], $0x4000  }
0x259: {  	[sflag:s24] =	ssyncset.done $0x0  }
0x25a: {  	s2 =	rddreg [dreg:$0x1c];
	[sflag:s24] =	ssyncadd.s32 $0xFFFFC000  }
0x25b: {  	[tilespmem:s25], [sflag:$0x2] =	stream.linear.gather [hbm4b:s2+s1], $0x4000, $0x38;
	[tilespmem:$0x12300] =	vst v63  }
0x25c: {  	v1 =	vld [tilespmem:$0x0];
	_ =	sdelay $0x2  }
0x25d: {  	s30 =	simm.s32 $0x30;
	v2 =	vld [tilespmem:$0x4000]  }
0x25e: {  	v3 =	vld [tilespmem:s30+$0xFFFFFFE0];
	_ =	sdelay $0x1  }
0x25f: {  	s31 =	simm.s32 $0x4020  }
0x260: {  	v4 =	vld [tilespmem:s31+$0xFFFFFFF0]  }
0x261: {  	[tilespmem:v1+s26+$0x0] =	vst.idx.add.f32.msk $0xffff, v2  }
0x262: {  	v5 =	vld [tilespmem:s30+$0xFFFFFFF0];
	_ =	sdelay $0x1  }
0x263: {  	v6 =	vld [tilespmem:s31+$0x0]  }
0x264: {  	[tilespmem:v3+s26+$0x0] =	vst.idx.add.f32.msk $0xffff, v4  }
0x265: {  	v1 =	vld [tilespmem:s30+$0x0];
	_ =	sdelay $0x1  }
0x266: {  	s2 =	simm.s32 $0x4  }
0x267: {  	s0 =	smin.u32 s2, $0x3FF;
	v2 =	vld [tilespmem:s31+$0x10]  }
0x268: {  	s2 =	sshll.u32 s0, $0x4;
	[tilespmem:v5+s26+$0x0] =	vst.idx.add.f32.msk $0xffff, v6  }
0x269: {  	s0 =	simm.s32 $0x0;
	v3 =	vld [tilespmem:s2+$0x0]  }
.LBB2_52:
0x26a: {  	s31 =	sadd.s32 $0x40, s31  }
0x26b: {  	v4 =	vld [tilespmem:s2+$0x4000];
	s30 =	sadd.s32 $0x40, s30;
	s2 =	smov.u32 s0;
	s0 =	sadd.s32 $0x4, s0  }
0x26c: {  	p0 =	slt.u32 s0, $0x3FC;
	[tilespmem:v1+s26+$0x0] =	vst.idx.add.f32.msk $0xffff, v2  }
0x26d: {  	v1 =	vld [tilespmem:s30+$0xFFFFFFE0];
	_ =	sdelay $0x1  }
0x26e: {  	v2 =	vld [tilespmem:s31+$0xFFFFFFF0];
	_ =	sdelay $0x2  }
0x26f: {  	[tilespmem:v3+s26+$0x0] =	vst.idx.add.f32.msk $0xffff, v4  }
0x270: {  	v3 =	vld [tilespmem:s30+$0xFFFFFFF0]  }
0x271: {  	v4 =	vld [tilespmem:s31+$0x0]  }
0x272: {  	[tilespmem:v1+s26+$0x0] =	vst.idx.add.f32.msk $0xffff, v2  }
0x273: {  	v1 =	vld [tilespmem:s30+$0x0];
	_ =	sdelay $0x1  }
.Ltmp25:
0x274: {  	v2 =	vld [tilespmem:s31+$0x10];
	(pc) =	sbr.rel @p0 .LBB2_52-.Ltmp25, $4  }
0x275: {  	s2 =	sadd.s32 $0x8, s2  }
0x276: {  	s2 =	smin.u32 s2, $0x3FF  }
0x277: {  	s2 =	sshll.u32 s2, $0x4;
	[tilespmem:v3+s26+$0x0] =	vst.idx.add.f32.msk $0xffff, v4  }
0x278: {  	v3 =	vld [tilespmem:s2+$0x0]  }
0x279: {  	_ =	sdelay $0x3  }
0x27a: {  	[tilespmem:v1+s26+$0x0] =	vst.idx.add.f32.msk $0xffff, v2  }
0x27b: {  	_ =	swait.ge [sflag:s28], $0x4000  }
0x27c: {  	[sflag:s28] =	ssyncset.done $0x0  }
0x27d: {  	s0 =	rddreg [dreg:$0x1d];
	[sflag:s28] =	ssyncadd.s32 $0xFFFFC000  }
0x27e: {  	[tilespmem:s21], [sflag:$0x1] =	stream.linear.gather [hbm4b:s0+s1], $0x4000, $0x38;
	[tilespmem:$0x12300] =	vst v63  }
0x27f: {  	v1 =	vld [tilespmem:$0x0];
	_ =	sdelay $0x1  }
0x280: {  	s30 =	simm.s32 $0x8020;
	s31 =	simm.s32 $0x30;
	s0 =	simm.s32 $0xFFFFFFFC;
	v2 =	vld [tilespmem:$0x8000]  }
.LBB2_54:
0x281: {  	v3 =	vld [tilespmem:s31+$0xFFFFFFE0];
	_ =	sdelay $0x1  }
0x282: {  	v1 =	vadd.s32 $0x4B0, v1;
	_ =	sdelay $0x2  }
0x283: {  	v4 =	vld [tilespmem:s30+$0xFFFFFFF0];
	v3 =	vadd.s32 $0x4B0, v3;
	_ =	sdelay $0x1  }
0x284: {  	[tilespmem:v1+s26+$0x0] =	vst.idx.add.f32.msk $0xffff, v2  }
0x285: {  	v1 =	vld [tilespmem:s31+$0xFFFFFFF0]  }
0x286: {  	v2 =	vld [tilespmem:s30+$0x0]  }
0x287: {  	[tilespmem:v3+s26+$0x0] =	vst.idx.add.f32.msk $0xffff, v4  }
0x288: {  	v3 =	vld [tilespmem:s31+$0x0];
	_ =	sdelay $0x1  }
0x289: {  	v1 =	vadd.s32 $0x4B0, v1;
	_ =	sdelay $0x1  }
0x28a: {  	s2 =	sadd.s32 $0x8, s0;
	s0 =	sadd.s32 $0x4, s0  }
0x28b: {  	p0 =	slt.u32 s0, $0x3FC;
	v4 =	vld [tilespmem:s30+$0x10];
	v3 =	vadd.s32 $0x4B0, v3  }
.Ltmp26:
0x28c: {  	s2 =	smin.u32 s2, $0x3FF;
	(pc) =	sbr.rel @p0 .LBB2_54-.Ltmp26, $4  }
0x28d: {  	s2 =	sshll.u32 s2, $0x4;
	[tilespmem:v1+s26+$0x0] =	vst.idx.add.f32.msk $0xffff, v2  }
0x28e: {  	v1 =	vld [tilespmem:s2+$0x0]  }
0x28f: {  	v2 =	vld [tilespmem:s2+$0x8000]  }
0x290: {  	s30 =	sadd.s32 $0x40, s30;
	s31 =	sadd.s32 $0x40, s31;
	[tilespmem:v3+s26+$0x0] =	vst.idx.add.f32.msk $0xffff, v4  }
0x291: {  	_ =	swait.ge [sflag:s24], $0x4000  }
0x292: {  	[sflag:s24] =	ssyncset.done $0x0  }
0x293: {  	s0 =	rddreg [dreg:$0x1e];
	[sflag:s24] =	ssyncadd.s32 $0xFFFFC000  }
0x294: {  	[tilespmem:s25], [sflag:$0x2] =	stream.linear.gather [hbm4b:s0+s1], $0x4000, $0x38;
	[tilespmem:$0x12300] =	vst v63  }
0x295: {  	v1 =	vld [tilespmem:$0x0];
	_ =	sdelay $0x1  }
0x296: {  	s30 =	simm.s32 $0x4020;
	s31 =	simm.s32 $0x30;
	s0 =	simm.s32 $0xFFFFFFFC;
	v2 =	vld [tilespmem:$0x4000]  }
.LBB2_56:
0x297: {  	v3 =	vld [tilespmem:s31+$0xFFFFFFE0];
	_ =	sdelay $0x1  }
0x298: {  	v1 =	vadd.s32 $0x960, v1;
	_ =	sdelay $0x2  }
0x299: {  	v4 =	vld [tilespmem:s30+$0xFFFFFFF0];
	v3 =	vadd.s32 $0x960, v3;
	_ =	sdelay $0x1  }
0x29a: {  	[tilespmem:v1+s26+$0x0] =	vst.idx.add.f32.msk $0xffff, v2  }
0x29b: {  	v1 =	vld [tilespmem:s31+$0xFFFFFFF0]  }
0x29c: {  	v2 =	vld [tilespmem:s30+$0x0]  }
0x29d: {  	[tilespmem:v3+s26+$0x0] =	vst.idx.add.f32.msk $0xffff, v4  }
0x29e: {  	v3 =	vld [tilespmem:s31+$0x0];
	_ =	sdelay $0x1  }
0x29f: {  	v1 =	vadd.s32 $0x960, v1;
	_ =	sdelay $0x1  }
0x2a0: {  	s2 =	sadd.s32 $0x8, s0;
	s0 =	sadd.s32 $0x4, s0  }
0x2a1: {  	p0 =	slt.u32 s0, $0x3FC;
	v4 =	vld [tilespmem:s30+$0x10];
	v3 =	vadd.s32 $0x960, v3  }
.Ltmp27:
0x2a2: {  	s2 =	smin.u32 s2, $0x3FF;
	(pc) =	sbr.rel @p0 .LBB2_56-.Ltmp27, $4  }
0x2a3: {  	s2 =	sshll.u32 s2, $0x4;
	[tilespmem:v1+s26+$0x0] =	vst.idx.add.f32.msk $0xffff, v2  }
0x2a4: {  	v1 =	vld [tilespmem:s2+$0x0]  }
0x2a5: {  	v2 =	vld [tilespmem:s2+$0x4000]  }
0x2a6: {  	s30 =	sadd.s32 $0x40, s30;
	s31 =	sadd.s32 $0x40, s31;
	[tilespmem:v3+s26+$0x0] =	vst.idx.add.f32.msk $0xffff, v4  }
0x2a7: {  	_ =	swait.ge [sflag:s28], $0x4000  }
0x2a8: {  	[sflag:s28] =	ssyncset.done $0x0  }
0x2a9: {  	s0 =	rddreg [dreg:$0x1f];
	[sflag:s28] =	ssyncadd.s32 $0xFFFFC000  }
0x2aa: {  	[tilespmem:s21], [sflag:$0x1] =	stream.linear.gather [hbm4b:s0+s1], $0x4000, $0x38;
	[tilespmem:$0x12300] =	vst v63  }
0x2ab: {  	v1 =	vld [tilespmem:$0x0];
	_ =	sdelay $0x1  }
0x2ac: {  	s30 =	simm.s32 $0x8020;
	s31 =	simm.s32 $0x30;
	s0 =	simm.s32 $0xFFFFFFFC;
	v2 =	vld [tilespmem:$0x8000]  }
.LBB2_58:
0x2ad: {  	v3 =	vld [tilespmem:s31+$0xFFFFFFE0];
	_ =	sdelay $0x1  }
0x2ae: {  	v1 =	vadd.s32 $0xE10, v1;
	_ =	sdelay $0x2  }
0x2af: {  	v4 =	vld [tilespmem:s30+$0xFFFFFFF0];
	v3 =	vadd.s32 $0xE10, v3;
	_ =	sdelay $0x1  }
0x2b0: {  	[tilespmem:v1+s26+$0x0] =	vst.idx.add.f32.msk $0xffff, v2  }
0x2b1: {  	v1 =	vld [tilespmem:s31+$0xFFFFFFF0]  }
0x2b2: {  	v2 =	vld [tilespmem:s30+$0x0]  }
0x2b3: {  	[tilespmem:v3+s26+$0x0] =	vst.idx.add.f32.msk $0xffff, v4  }
0x2b4: {  	v3 =	vld [tilespmem:s31+$0x0];
	_ =	sdelay $0x1  }
0x2b5: {  	v1 =	vadd.s32 $0xE10, v1;
	_ =	sdelay $0x1  }
0x2b6: {  	s2 =	sadd.s32 $0x8, s0;
	s0 =	sadd.s32 $0x4, s0  }
0x2b7: {  	p0 =	slt.u32 s0, $0x3FC;
	v4 =	vld [tilespmem:s30+$0x10];
	v3 =	vadd.s32 $0xE10, v3  }
.Ltmp28:
0x2b8: {  	s2 =	smin.u32 s2, $0x3FF;
	(pc) =	sbr.rel @p0 .LBB2_58-.Ltmp28, $4  }
0x2b9: {  	s2 =	sshll.u32 s2, $0x4;
	[tilespmem:v1+s26+$0x0] =	vst.idx.add.f32.msk $0xffff, v2  }
0x2ba: {  	v1 =	vld [tilespmem:s2+$0x0]  }
0x2bb: {  	v2 =	vld [tilespmem:s2+$0x8000]  }
0x2bc: {  	s30 =	sadd.s32 $0x40, s30;
	s31 =	sadd.s32 $0x40, s31;
	[tilespmem:v3+s26+$0x0] =	vst.idx.add.f32.msk $0xffff, v4  }
0x2bd: {  	_ =	swait.ge [sflag:s24], $0x4000  }
0x2be: {  	s0 =	sld [smem:$0x7FD]  }
0x2bf: {  	[sflag:s24] =	ssyncset.done $0x0  }
0x2c0: {  	[sflag:s24] =	ssyncadd.s32 $0xFFFFC000  }
0x2c1: {  	[tilespmem:s25], [sflag:$0x2] =	stream.linear.gather [hbm4b:s0+s1], $0x4000, $0x38;
	[tilespmem:$0x12300] =	vst v63  }
0x2c2: {  	v1 =	vld [tilespmem:$0x0];
	_ =	sdelay $0x1  }
0x2c3: {  	s30 =	simm.s32 $0x4020;
	s31 =	simm.s32 $0x30;
	s0 =	simm.s32 $0xFFFFFFFC;
	v2 =	vld [tilespmem:$0x4000]  }
.LBB2_60:
0x2c4: {  	v3 =	vld [tilespmem:s31+$0xFFFFFFE0];
	_ =	sdelay $0x1  }
0x2c5: {  	v1 =	vadd.s32 $0x12C0, v1;
	_ =	sdelay $0x2  }
0x2c6: {  	v4 =	vld [tilespmem:s30+$0xFFFFFFF0];
	v3 =	vadd.s32 $0x12C0, v3;
	_ =	sdelay $0x1  }
0x2c7: {  	[tilespmem:v1+s26+$0x0] =	vst.idx.add.f32.msk $0xffff, v2  }
0x2c8: {  	v1 =	vld [tilespmem:s31+$0xFFFFFFF0]  }
0x2c9: {  	v2 =	vld [tilespmem:s30+$0x0]  }
0x2ca: {  	[tilespmem:v3+s26+$0x0] =	vst.idx.add.f32.msk $0xffff, v4  }
0x2cb: {  	v3 =	vld [tilespmem:s31+$0x0];
	_ =	sdelay $0x1  }
0x2cc: {  	v1 =	vadd.s32 $0x12C0, v1;
	_ =	sdelay $0x1  }
0x2cd: {  	s2 =	sadd.s32 $0x8, s0;
	s0 =	sadd.s32 $0x4, s0  }
0x2ce: {  	p0 =	slt.u32 s0, $0x3FC;
	v4 =	vld [tilespmem:s30+$0x10];
	v3 =	vadd.s32 $0x12C0, v3  }
.Ltmp29:
0x2cf: {  	s2 =	smin.u32 s2, $0x3FF;
	(pc) =	sbr.rel @p0 .LBB2_60-.Ltmp29, $4  }
0x2d0: {  	s2 =	sshll.u32 s2, $0x4;
	[tilespmem:v1+s26+$0x0] =	vst.idx.add.f32.msk $0xffff, v2  }
0x2d1: {  	v1 =	vld [tilespmem:s2+$0x0]  }
0x2d2: {  	v2 =	vld [tilespmem:s2+$0x4000]  }
0x2d3: {  	s30 =	sadd.s32 $0x40, s30;
	s31 =	sadd.s32 $0x40, s31;
	[tilespmem:v3+s26+$0x0] =	vst.idx.add.f32.msk $0xffff, v4  }
0x2d4: {  	_ =	swait.ge [sflag:s28], $0x4000  }
0x2d5: {  	[sflag:s28] =	ssyncset.done $0x0  }
0x2d6: {  	[sflag:s28] =	ssyncadd.s32 $0xFFFFC000  }
0x2d7: {  	[tilespmem:s21], [sflag:$0x1] =	stream.linear.gather [hbm4b:s3+s1], $0x4000, $0x38;
	[tilespmem:$0x12300] =	vst v63  }
0x2d8: {  	v1 =	vld [tilespmem:$0x0];
	_ =	sdelay $0x1  }
0x2d9: {  	s0 =	simm.s32 $0xFFFFFFFC;
	s30 =	simm.s32 $0x8020;
	s31 =	simm.s32 $0x30;
	v2 =	vld [tilespmem:$0x8000]  }
.LBB2_62:
0x2da: {  	v3 =	vld [tilespmem:s31+$0xFFFFFFE0];
	_ =	sdelay $0x1  }
0x2db: {  	v1 =	vadd.s32 $0x1770, v1;
	_ =	sdelay $0x2  }
0x2dc: {  	v4 =	vld [tilespmem:s30+$0xFFFFFFF0];
	v3 =	vadd.s32 $0x1770, v3;
	_ =	sdelay $0x1  }
0x2dd: {  	[tilespmem:v1+s26+$0x0] =	vst.idx.add.f32.msk $0xffff, v2  }
0x2de: {  	v1 =	vld [tilespmem:s31+$0xFFFFFFF0]  }
0x2df: {  	v2 =	vld [tilespmem:s30+$0x0]  }
0x2e0: {  	[tilespmem:v3+s26+$0x0] =	vst.idx.add.f32.msk $0xffff, v4  }
0x2e1: {  	v3 =	vld [tilespmem:s31+$0x0];
	_ =	sdelay $0x1  }
0x2e2: {  	v1 =	vadd.s32 $0x1770, v1;
	_ =	sdelay $0x1  }
0x2e3: {  	s2 =	sadd.s32 $0x8, s0;
	s0 =	sadd.s32 $0x4, s0  }
0x2e4: {  	p0 =	slt.u32 s0, $0x3FC;
	v4 =	vld [tilespmem:s30+$0x10];
	v3 =	vadd.s32 $0x1770, v3  }
.Ltmp30:
0x2e5: {  	s2 =	smin.u32 s2, $0x3FF;
	(pc) =	sbr.rel @p0 .LBB2_62-.Ltmp30, $4  }
0x2e6: {  	s2 =	sshll.u32 s2, $0x4;
	[tilespmem:v1+s26+$0x0] =	vst.idx.add.f32.msk $0xffff, v2  }
0x2e7: {  	v1 =	vld [tilespmem:s2+$0x0]  }
0x2e8: {  	v2 =	vld [tilespmem:s2+$0x8000]  }
0x2e9: {  	s30 =	sadd.s32 $0x40, s30;
	s31 =	sadd.s32 $0x40, s31;
	[tilespmem:v3+s26+$0x0] =	vst.idx.add.f32.msk $0xffff, v4  }
0x2ea: {  	_ =	swait.ge [sflag:s24], $0x4000  }
0x2eb: {  	[sflag:s24] =	ssyncset.done $0x0  }
0x2ec: {  	[sflag:s24] =	ssyncadd.s32 $0xFFFFC000  }
0x2ed: {  	[tilespmem:s25], [sflag:$0x2] =	stream.linear.gather [hbm4b:s4+s1], $0x4000, $0x38;
	[tilespmem:$0x12300] =	vst v63  }
0x2ee: {  	v1 =	vld [tilespmem:$0x0];
	_ =	sdelay $0x1  }
0x2ef: {  	s0 =	simm.s32 $0xFFFFFFFC;
	s30 =	simm.s32 $0x4020;
	s31 =	simm.s32 $0x30;
	v2 =	vld [tilespmem:$0x4000]  }
.LBB2_64:
0x2f0: {  	v3 =	vld [tilespmem:s31+$0xFFFFFFE0];
	_ =	sdelay $0x1  }
0x2f1: {  	v1 =	vadd.s32 $0x1C20, v1;
	_ =	sdelay $0x2  }
0x2f2: {  	v4 =	vld [tilespmem:s30+$0xFFFFFFF0];
	v3 =	vadd.s32 $0x1C20, v3;
	_ =	sdelay $0x1  }
0x2f3: {  	[tilespmem:v1+s26+$0x0] =	vst.idx.add.f32.msk $0xffff, v2  }
0x2f4: {  	v1 =	vld [tilespmem:s31+$0xFFFFFFF0]  }
0x2f5: {  	v2 =	vld [tilespmem:s30+$0x0]  }
0x2f6: {  	[tilespmem:v3+s26+$0x0] =	vst.idx.add.f32.msk $0xffff, v4  }
0x2f7: {  	v3 =	vld [tilespmem:s31+$0x0];
	_ =	sdelay $0x1  }
0x2f8: {  	v1 =	vadd.s32 $0x1C20, v1;
	_ =	sdelay $0x1  }
0x2f9: {  	s2 =	sadd.s32 $0x8, s0;
	s0 =	sadd.s32 $0x4, s0  }
0x2fa: {  	p0 =	slt.u32 s0, $0x3FC;
	v4 =	vld [tilespmem:s30+$0x10];
	v3 =	vadd.s32 $0x1C20, v3  }
.Ltmp31:
0x2fb: {  	s2 =	smin.u32 s2, $0x3FF;
	(pc) =	sbr.rel @p0 .LBB2_64-.Ltmp31, $4  }
0x2fc: {  	s2 =	sshll.u32 s2, $0x4;
	[tilespmem:v1+s26+$0x0] =	vst.idx.add.f32.msk $0xffff, v2  }
0x2fd: {  	v1 =	vld [tilespmem:s2+$0x0]  }
0x2fe: {  	v2 =	vld [tilespmem:s2+$0x4000]  }
0x2ff: {  	s30 =	sadd.s32 $0x40, s30;
	s31 =	sadd.s32 $0x40, s31;
	[tilespmem:v3+s26+$0x0] =	vst.idx.add.f32.msk $0xffff, v4  }
0x300: {  	_ =	swait.ge [sflag:s28], $0x4000  }
0x301: {  	[sflag:s28] =	ssyncset.done $0x0  }
0x302: {  	[sflag:s28] =	ssyncadd.s32 $0xFFFFC000  }
0x303: {  	[tilespmem:s21], [sflag:$0x1] =	stream.linear.gather [hbm4b:s5+s1], $0x4000, $0x38;
	[tilespmem:$0x12300] =	vst v63  }
0x304: {  	v1 =	vld [tilespmem:$0x0];
	_ =	sdelay $0x1  }
0x305: {  	s0 =	simm.s32 $0xFFFFFFFC;
	s30 =	simm.s32 $0x8020;
	s31 =	simm.s32 $0x30;
	v2 =	vld [tilespmem:$0x8000]  }
.LBB2_66:
0x306: {  	v3 =	vld [tilespmem:s31+$0xFFFFFFE0];
	_ =	sdelay $0x1  }
0x307: {  	v1 =	vadd.s32 $0x20D0, v1;
	_ =	sdelay $0x2  }
0x308: {  	v4 =	vld [tilespmem:s30+$0xFFFFFFF0];
	v3 =	vadd.s32 $0x20D0, v3;
	_ =	sdelay $0x1  }
0x309: {  	[tilespmem:v1+s26+$0x0] =	vst.idx.add.f32.msk $0xffff, v2  }
0x30a: {  	v1 =	vld [tilespmem:s31+$0xFFFFFFF0]  }
0x30b: {  	v2 =	vld [tilespmem:s30+$0x0]  }
0x30c: {  	[tilespmem:v3+s26+$0x0] =	vst.idx.add.f32.msk $0xffff, v4  }
0x30d: {  	v3 =	vld [tilespmem:s31+$0x0];
	_ =	sdelay $0x1  }
0x30e: {  	v1 =	vadd.s32 $0x20D0, v1;
	_ =	sdelay $0x1  }
0x30f: {  	s2 =	sadd.s32 $0x8, s0;
	s0 =	sadd.s32 $0x4, s0  }
0x310: {  	p0 =	slt.u32 s0, $0x3FC;
	v4 =	vld [tilespmem:s30+$0x10];
	v3 =	vadd.s32 $0x20D0, v3  }
.Ltmp32:
0x311: {  	s2 =	smin.u32 s2, $0x3FF;
	(pc) =	sbr.rel @p0 .LBB2_66-.Ltmp32, $4  }
0x312: {  	s2 =	sshll.u32 s2, $0x4;
	[tilespmem:v1+s26+$0x0] =	vst.idx.add.f32.msk $0xffff, v2  }
0x313: {  	v1 =	vld [tilespmem:s2+$0x0]  }
0x314: {  	v2 =	vld [tilespmem:s2+$0x8000]  }
0x315: {  	s30 =	sadd.s32 $0x40, s30;
	s31 =	sadd.s32 $0x40, s31;
	[tilespmem:v3+s26+$0x0] =	vst.idx.add.f32.msk $0xffff, v4  }
0x316: {  	_ =	swait.ge [sflag:s24], $0x4000  }
0x317: {  	[sflag:s24] =	ssyncset.done $0x0  }
0x318: {  	[sflag:s24] =	ssyncadd.s32 $0xFFFFC000  }
0x319: {  	[tilespmem:s25], [sflag:$0x2] =	stream.linear.gather [hbm4b:s6+s1], $0x4000, $0x38;
	[tilespmem:$0x12300] =	vst v63  }
0x31a: {  	v1 =	vld [tilespmem:$0x0];
	_ =	sdelay $0x1  }
0x31b: {  	s0 =	simm.s32 $0xFFFFFFFC;
	s30 =	simm.s32 $0x4020;
	s31 =	simm.s32 $0x30;
	v2 =	vld [tilespmem:$0x4000]  }
.LBB2_68:
0x31c: {  	v3 =	vld [tilespmem:s31+$0xFFFFFFE0];
	_ =	sdelay $0x1  }
0x31d: {  	v1 =	vadd.s32 $0x2580, v1;
	_ =	sdelay $0x2  }
0x31e: {  	v4 =	vld [tilespmem:s30+$0xFFFFFFF0];
	v3 =	vadd.s32 $0x2580, v3;
	_ =	sdelay $0x1  }
0x31f: {  	[tilespmem:v1+s26+$0x0] =	vst.idx.add.f32.msk $0xffff, v2  }
0x320: {  	v1 =	vld [tilespmem:s31+$0xFFFFFFF0]  }
0x321: {  	v2 =	vld [tilespmem:s30+$0x0]  }
0x322: {  	[tilespmem:v3+s26+$0x0] =	vst.idx.add.f32.msk $0xffff, v4  }
0x323: {  	v3 =	vld [tilespmem:s31+$0x0];
	_ =	sdelay $0x1  }
0x324: {  	v1 =	vadd.s32 $0x2580, v1;
	_ =	sdelay $0x1  }
0x325: {  	s2 =	sadd.s32 $0x8, s0;
	s0 =	sadd.s32 $0x4, s0  }
0x326: {  	p0 =	slt.u32 s0, $0x3FC;
	v4 =	vld [tilespmem:s30+$0x10];
	v3 =	vadd.s32 $0x2580, v3  }
.Ltmp33:
0x327: {  	s2 =	smin.u32 s2, $0x3FF;
	(pc) =	sbr.rel @p0 .LBB2_68-.Ltmp33, $4  }
0x328: {  	s2 =	sshll.u32 s2, $0x4;
	[tilespmem:v1+s26+$0x0] =	vst.idx.add.f32.msk $0xffff, v2  }
0x329: {  	v1 =	vld [tilespmem:s2+$0x0]  }
0x32a: {  	v2 =	vld [tilespmem:s2+$0x4000]  }
0x32b: {  	s30 =	sadd.s32 $0x40, s30;
	s31 =	sadd.s32 $0x40, s31;
	[tilespmem:v3+s26+$0x0] =	vst.idx.add.f32.msk $0xffff, v4  }
0x32c: {  	_ =	swait.ge [sflag:s28], $0x4000  }
0x32d: {  	[sflag:s28] =	ssyncset.done $0x0  }
0x32e: {  	[sflag:s28] =	ssyncadd.s32 $0xFFFFC000  }
0x32f: {  	[tilespmem:s21], [sflag:$0x1] =	stream.linear.gather [hbm4b:s7+s1], $0x4000, $0x38;
	[tilespmem:$0x12300] =	vst v63  }
0x330: {  	v1 =	vld [tilespmem:$0x0];
	_ =	sdelay $0x1  }
0x331: {  	s0 =	simm.s32 $0xFFFFFFFC;
	s30 =	simm.s32 $0x8020;
	s31 =	simm.s32 $0x30;
	v2 =	vld [tilespmem:$0x8000]  }
.LBB2_70:
0x332: {  	v3 =	vld [tilespmem:s31+$0xFFFFFFE0];
	_ =	sdelay $0x1  }
0x333: {  	v1 =	vadd.s32 $0x2A30, v1;
	_ =	sdelay $0x2  }
0x334: {  	v4 =	vld [tilespmem:s30+$0xFFFFFFF0];
	v3 =	vadd.s32 $0x2A30, v3;
	_ =	sdelay $0x1  }
0x335: {  	[tilespmem:v1+s26+$0x0] =	vst.idx.add.f32.msk $0xffff, v2  }
0x336: {  	v1 =	vld [tilespmem:s31+$0xFFFFFFF0]  }
0x337: {  	v2 =	vld [tilespmem:s30+$0x0]  }
0x338: {  	[tilespmem:v3+s26+$0x0] =	vst.idx.add.f32.msk $0xffff, v4  }
0x339: {  	v3 =	vld [tilespmem:s31+$0x0];
	_ =	sdelay $0x1  }
0x33a: {  	v1 =	vadd.s32 $0x2A30, v1;
	_ =	sdelay $0x1  }
0x33b: {  	s2 =	sadd.s32 $0x8, s0;
	s0 =	sadd.s32 $0x4, s0  }
0x33c: {  	p0 =	slt.u32 s0, $0x3FC;
	v4 =	vld [tilespmem:s30+$0x10];
	v3 =	vadd.s32 $0x2A30, v3  }
.Ltmp34:
0x33d: {  	s2 =	smin.u32 s2, $0x3FF;
	(pc) =	sbr.rel @p0 .LBB2_70-.Ltmp34, $4  }
0x33e: {  	s2 =	sshll.u32 s2, $0x4;
	[tilespmem:v1+s26+$0x0] =	vst.idx.add.f32.msk $0xffff, v2  }
0x33f: {  	v1 =	vld [tilespmem:s2+$0x0]  }
0x340: {  	v2 =	vld [tilespmem:s2+$0x8000]  }
0x341: {  	s30 =	sadd.s32 $0x40, s30;
	s31 =	sadd.s32 $0x40, s31;
	[tilespmem:v3+s26+$0x0] =	vst.idx.add.f32.msk $0xffff, v4  }
0x342: {  	_ =	swait.ge [sflag:s24], $0x4000  }
0x343: {  	[sflag:s24] =	ssyncset.done $0x0  }
0x344: {  	[sflag:s24] =	ssyncadd.s32 $0xFFFFC000  }
0x345: {  	[tilespmem:s25], [sflag:$0x2] =	stream.linear.gather [hbm4b:s8+s1], $0x4000, $0x38;
	[tilespmem:$0x12300] =	vst v63  }
0x346: {  	v1 =	vld [tilespmem:$0x0];
	_ =	sdelay $0x1  }
0x347: {  	s0 =	simm.s32 $0xFFFFFFFC;
	s30 =	simm.s32 $0x4020;
	s31 =	simm.s32 $0x30;
	v2 =	vld [tilespmem:$0x4000]  }
.LBB2_72:
0x348: {  	v3 =	vld [tilespmem:s31+$0xFFFFFFE0];
	_ =	sdelay $0x1  }
0x349: {  	v1 =	vadd.s32 $0x2EE0, v1;
	_ =	sdelay $0x2  }
0x34a: {  	v4 =	vld [tilespmem:s30+$0xFFFFFFF0];
	v3 =	vadd.s32 $0x2EE0, v3;
	_ =	sdelay $0x1  }
0x34b: {  	[tilespmem:v1+s26+$0x0] =	vst.idx.add.f32.msk $0xffff, v2  }
0x34c: {  	v1 =	vld [tilespmem:s31+$0xFFFFFFF0]  }
0x34d: {  	v2 =	vld [tilespmem:s30+$0x0]  }
0x34e: {  	[tilespmem:v3+s26+$0x0] =	vst.idx.add.f32.msk $0xffff, v4  }
0x34f: {  	v3 =	vld [tilespmem:s31+$0x0];
	_ =	sdelay $0x1  }
0x350: {  	v1 =	vadd.s32 $0x2EE0, v1;
	_ =	sdelay $0x1  }
0x351: {  	s2 =	sadd.s32 $0x8, s0;
	s0 =	sadd.s32 $0x4, s0  }
0x352: {  	p0 =	slt.u32 s0, $0x3FC;
	v4 =	vld [tilespmem:s30+$0x10];
	v3 =	vadd.s32 $0x2EE0, v3  }
.Ltmp35:
0x353: {  	s2 =	smin.u32 s2, $0x3FF;
	(pc) =	sbr.rel @p0 .LBB2_72-.Ltmp35, $4  }
0x354: {  	s2 =	sshll.u32 s2, $0x4;
	[tilespmem:v1+s26+$0x0] =	vst.idx.add.f32.msk $0xffff, v2  }
0x355: {  	v1 =	vld [tilespmem:s2+$0x0]  }
0x356: {  	v2 =	vld [tilespmem:s2+$0x4000]  }
0x357: {  	s30 =	sadd.s32 $0x40, s30;
	s31 =	sadd.s32 $0x40, s31;
	[tilespmem:v3+s26+$0x0] =	vst.idx.add.f32.msk $0xffff, v4  }
0x358: {  	_ =	swait.ge [sflag:s28], $0x4000  }
0x359: {  	[sflag:s28] =	ssyncset.done $0x0  }
0x35a: {  	[sflag:s28] =	ssyncadd.s32 $0xFFFFC000  }
0x35b: {  	[tilespmem:s21], [sflag:$0x1] =	stream.linear.gather [hbm4b:s9+s1], $0x4000, $0x38;
	[tilespmem:$0x12300] =	vst v63  }
0x35c: {  	v1 =	vld [tilespmem:$0x0];
	_ =	sdelay $0x1  }
0x35d: {  	s0 =	simm.s32 $0xFFFFFFFC;
	s30 =	simm.s32 $0x8020;
	s31 =	simm.s32 $0x30;
	v2 =	vld [tilespmem:$0x8000]  }
.LBB2_74:
0x35e: {  	v3 =	vld [tilespmem:s31+$0xFFFFFFE0];
	_ =	sdelay $0x1  }
0x35f: {  	v1 =	vadd.s32 $0x3390, v1;
	_ =	sdelay $0x2  }
0x360: {  	v4 =	vld [tilespmem:s30+$0xFFFFFFF0];
	v3 =	vadd.s32 $0x3390, v3;
	_ =	sdelay $0x1  }
0x361: {  	[tilespmem:v1+s26+$0x0] =	vst.idx.add.f32.msk $0xffff, v2  }
0x362: {  	v1 =	vld [tilespmem:s31+$0xFFFFFFF0]  }
0x363: {  	v2 =	vld [tilespmem:s30+$0x0]  }
0x364: {  	[tilespmem:v3+s26+$0x0] =	vst.idx.add.f32.msk $0xffff, v4  }
0x365: {  	v3 =	vld [tilespmem:s31+$0x0];
	_ =	sdelay $0x1  }
0x366: {  	v1 =	vadd.s32 $0x3390, v1;
	_ =	sdelay $0x1  }
0x367: {  	s2 =	sadd.s32 $0x8, s0;
	s0 =	sadd.s32 $0x4, s0  }
0x368: {  	p0 =	slt.u32 s0, $0x3FC;
	v4 =	vld [tilespmem:s30+$0x10];
	v3 =	vadd.s32 $0x3390, v3  }
.Ltmp36:
0x369: {  	s2 =	smin.u32 s2, $0x3FF;
	(pc) =	sbr.rel @p0 .LBB2_74-.Ltmp36, $4  }
0x36a: {  	s2 =	sshll.u32 s2, $0x4;
	[tilespmem:v1+s26+$0x0] =	vst.idx.add.f32.msk $0xffff, v2  }
0x36b: {  	v1 =	vld [tilespmem:s2+$0x0]  }
0x36c: {  	v2 =	vld [tilespmem:s2+$0x8000]  }
0x36d: {  	s30 =	sadd.s32 $0x40, s30;
	s31 =	sadd.s32 $0x40, s31;
	[tilespmem:v3+s26+$0x0] =	vst.idx.add.f32.msk $0xffff, v4  }
0x36e: {  	_ =	swait.ge [sflag:s24], $0x4000  }
0x36f: {  	[sflag:s24] =	ssyncset.done $0x0  }
0x370: {  	[sflag:s24] =	ssyncadd.s32 $0xFFFFC000  }
0x371: {  	[tilespmem:s25], [sflag:$0x2] =	stream.linear.gather [hbm4b:s10+s1], $0x4000, $0x38;
	[tilespmem:$0x12300] =	vst v63  }
0x372: {  	v1 =	vld [tilespmem:$0x0];
	_ =	sdelay $0x1  }
0x373: {  	s0 =	simm.s32 $0xFFFFFFFC;
	s30 =	simm.s32 $0x4020;
	s31 =	simm.s32 $0x30;
	v2 =	vld [tilespmem:$0x4000]  }
.LBB2_76:
0x374: {  	v3 =	vld [tilespmem:s31+$0xFFFFFFE0];
	_ =	sdelay $0x1  }
0x375: {  	v1 =	vadd.s32 $0x3840, v1;
	_ =	sdelay $0x2  }
0x376: {  	v4 =	vld [tilespmem:s30+$0xFFFFFFF0];
	v3 =	vadd.s32 $0x3840, v3;
	_ =	sdelay $0x1  }
0x377: {  	[tilespmem:v1+s26+$0x0] =	vst.idx.add.f32.msk $0xffff, v2  }
0x378: {  	v1 =	vld [tilespmem:s31+$0xFFFFFFF0]  }
0x379: {  	v2 =	vld [tilespmem:s30+$0x0]  }
0x37a: {  	[tilespmem:v3+s26+$0x0] =	vst.idx.add.f32.msk $0xffff, v4  }
0x37b: {  	v3 =	vld [tilespmem:s31+$0x0];
	_ =	sdelay $0x1  }
0x37c: {  	v1 =	vadd.s32 $0x3840, v1;
	_ =	sdelay $0x1  }
0x37d: {  	s2 =	sadd.s32 $0x8, s0;
	s0 =	sadd.s32 $0x4, s0  }
0x37e: {  	p0 =	slt.u32 s0, $0x3FC;
	v4 =	vld [tilespmem:s30+$0x10];
	v3 =	vadd.s32 $0x3840, v3  }
.Ltmp37:
0x37f: {  	s2 =	smin.u32 s2, $0x3FF;
	(pc) =	sbr.rel @p0 .LBB2_76-.Ltmp37, $4  }
0x380: {  	s2 =	sshll.u32 s2, $0x4;
	[tilespmem:v1+s26+$0x0] =	vst.idx.add.f32.msk $0xffff, v2  }
0x381: {  	v1 =	vld [tilespmem:s2+$0x0]  }
0x382: {  	v2 =	vld [tilespmem:s2+$0x4000]  }
0x383: {  	s30 =	sadd.s32 $0x40, s30;
	s31 =	sadd.s32 $0x40, s31;
	[tilespmem:v3+s26+$0x0] =	vst.idx.add.f32.msk $0xffff, v4  }
0x384: {  	_ =	swait.ge [sflag:s28], $0x4000  }
0x385: {  	[sflag:s28] =	ssyncset.done $0x0  }
0x386: {  	[sflag:s28] =	ssyncadd.s32 $0xFFFFC000  }
0x387: {  	[tilespmem:s21], [sflag:$0x1] =	stream.linear.gather [hbm4b:s11+s1], $0x4000, $0x38;
	[tilespmem:$0x12300] =	vst v63  }
0x388: {  	v1 =	vld [tilespmem:$0x0];
	_ =	sdelay $0x1  }
0x389: {  	s0 =	simm.s32 $0xFFFFFFFC;
	s30 =	simm.s32 $0x8020;
	s31 =	simm.s32 $0x30;
	v2 =	vld [tilespmem:$0x8000]  }
.LBB2_78:
0x38a: {  	v3 =	vld [tilespmem:s31+$0xFFFFFFE0];
	_ =	sdelay $0x1  }
0x38b: {  	v1 =	vadd.s32 $0x3CF0, v1;
	_ =	sdelay $0x2  }
0x38c: {  	v4 =	vld [tilespmem:s30+$0xFFFFFFF0];
	v3 =	vadd.s32 $0x3CF0, v3;
	_ =	sdelay $0x1  }
0x38d: {  	[tilespmem:v1+s26+$0x0] =	vst.idx.add.f32.msk $0xffff, v2  }
0x38e: {  	v1 =	vld [tilespmem:s31+$0xFFFFFFF0]  }
0x38f: {  	v2 =	vld [tilespmem:s30+$0x0]  }
0x390: {  	[tilespmem:v3+s26+$0x0] =	vst.idx.add.f32.msk $0xffff, v4  }
0x391: {  	v3 =	vld [tilespmem:s31+$0x0];
	_ =	sdelay $0x1  }
0x392: {  	v1 =	vadd.s32 $0x3CF0, v1;
	_ =	sdelay $0x1  }
0x393: {  	s2 =	sadd.s32 $0x8, s0;
	s0 =	sadd.s32 $0x4, s0  }
0x394: {  	p0 =	slt.u32 s0, $0x3FC;
	v4 =	vld [tilespmem:s30+$0x10];
	v3 =	vadd.s32 $0x3CF0, v3  }
.Ltmp38:
0x395: {  	s2 =	smin.u32 s2, $0x3FF;
	(pc) =	sbr.rel @p0 .LBB2_78-.Ltmp38, $4  }
0x396: {  	s2 =	sshll.u32 s2, $0x4;
	[tilespmem:v1+s26+$0x0] =	vst.idx.add.f32.msk $0xffff, v2  }
0x397: {  	v1 =	vld [tilespmem:s2+$0x0]  }
0x398: {  	v2 =	vld [tilespmem:s2+$0x8000]  }
0x399: {  	s30 =	sadd.s32 $0x40, s30;
	s31 =	sadd.s32 $0x40, s31;
	[tilespmem:v3+s26+$0x0] =	vst.idx.add.f32.msk $0xffff, v4  }
0x39a: {  	_ =	swait.ge [sflag:s24], $0x4000  }
0x39b: {  	[sflag:s24] =	ssyncset.done $0x0  }
0x39c: {  	[sflag:s24] =	ssyncadd.s32 $0xFFFFC000  }
0x39d: {  	[tilespmem:s25], [sflag:$0x2] =	stream.linear.gather [hbm4b:s12+s1], $0x4000, $0x38;
	[tilespmem:$0x12300] =	vst v63  }
0x39e: {  	v1 =	vld [tilespmem:$0x0];
	_ =	sdelay $0x1  }
0x39f: {  	s0 =	simm.s32 $0xFFFFFFFC;
	s30 =	simm.s32 $0x4020;
	s31 =	simm.s32 $0x30;
	v2 =	vld [tilespmem:$0x4000]  }
.LBB2_80:
0x3a0: {  	v3 =	vld [tilespmem:s31+$0xFFFFFFE0];
	_ =	sdelay $0x1  }
0x3a1: {  	v1 =	vadd.s32 $0x41A0, v1;
	_ =	sdelay $0x2  }
0x3a2: {  	v4 =	vld [tilespmem:s30+$0xFFFFFFF0];
	v3 =	vadd.s32 $0x41A0, v3;
	_ =	sdelay $0x1  }
0x3a3: {  	[tilespmem:v1+s26+$0x0] =	vst.idx.add.f32.msk $0xffff, v2  }
0x3a4: {  	v1 =	vld [tilespmem:s31+$0xFFFFFFF0]  }
0x3a5: {  	v2 =	vld [tilespmem:s30+$0x0]  }
0x3a6: {  	[tilespmem:v3+s26+$0x0] =	vst.idx.add.f32.msk $0xffff, v4  }
0x3a7: {  	v3 =	vld [tilespmem:s31+$0x0];
	_ =	sdelay $0x1  }
0x3a8: {  	v1 =	vadd.s32 $0x41A0, v1;
	_ =	sdelay $0x1  }
0x3a9: {  	s2 =	sadd.s32 $0x8, s0;
	s0 =	sadd.s32 $0x4, s0  }
0x3aa: {  	p0 =	slt.u32 s0, $0x3FC;
	v4 =	vld [tilespmem:s30+$0x10];
	v3 =	vadd.s32 $0x41A0, v3  }
.Ltmp39:
0x3ab: {  	s2 =	smin.u32 s2, $0x3FF;
	(pc) =	sbr.rel @p0 .LBB2_80-.Ltmp39, $4  }
0x3ac: {  	s2 =	sshll.u32 s2, $0x4;
	[tilespmem:v1+s26+$0x0] =	vst.idx.add.f32.msk $0xffff, v2  }
0x3ad: {  	v1 =	vld [tilespmem:s2+$0x0]  }
0x3ae: {  	v2 =	vld [tilespmem:s2+$0x4000]  }
0x3af: {  	s30 =	sadd.s32 $0x40, s30;
	s31 =	sadd.s32 $0x40, s31;
	[tilespmem:v3+s26+$0x0] =	vst.idx.add.f32.msk $0xffff, v4  }
0x3b0: {  	_ =	swait.ge [sflag:s28], $0x4000  }
0x3b1: {  	[sflag:s28] =	ssyncset.done $0x0  }
0x3b2: {  	[sflag:s28] =	ssyncadd.s32 $0xFFFFC000  }
0x3b3: {  	[tilespmem:s21], [sflag:$0x1] =	stream.linear.gather [hbm4b:s13+s1], $0x4000, $0x38;
	[tilespmem:$0x12300] =	vst v63  }
0x3b4: {  	v1 =	vld [tilespmem:$0x0];
	_ =	sdelay $0x1  }
0x3b5: {  	s0 =	simm.s32 $0xFFFFFFFC;
	s30 =	simm.s32 $0x8020;
	s31 =	simm.s32 $0x30;
	v2 =	vld [tilespmem:$0x8000]  }
.LBB2_82:
0x3b6: {  	v3 =	vld [tilespmem:s31+$0xFFFFFFE0];
	_ =	sdelay $0x1  }
0x3b7: {  	v1 =	vadd.s32 $0x4650, v1;
	_ =	sdelay $0x2  }
0x3b8: {  	v4 =	vld [tilespmem:s30+$0xFFFFFFF0];
	v3 =	vadd.s32 $0x4650, v3;
	_ =	sdelay $0x1  }
0x3b9: {  	[tilespmem:v1+s26+$0x0] =	vst.idx.add.f32.msk $0xffff, v2  }
0x3ba: {  	v1 =	vld [tilespmem:s31+$0xFFFFFFF0]  }
0x3bb: {  	v2 =	vld [tilespmem:s30+$0x0]  }
0x3bc: {  	[tilespmem:v3+s26+$0x0] =	vst.idx.add.f32.msk $0xffff, v4  }
0x3bd: {  	v3 =	vld [tilespmem:s31+$0x0];
	_ =	sdelay $0x1  }
0x3be: {  	v1 =	vadd.s32 $0x4650, v1;
	_ =	sdelay $0x1  }
0x3bf: {  	s2 =	sadd.s32 $0x8, s0;
	s0 =	sadd.s32 $0x4, s0  }
0x3c0: {  	p0 =	slt.u32 s0, $0x3FC;
	v4 =	vld [tilespmem:s30+$0x10];
	v3 =	vadd.s32 $0x4650, v3  }
.Ltmp40:
0x3c1: {  	s2 =	smin.u32 s2, $0x3FF;
	(pc) =	sbr.rel @p0 .LBB2_82-.Ltmp40, $4  }
0x3c2: {  	s2 =	sshll.u32 s2, $0x4;
	[tilespmem:v1+s26+$0x0] =	vst.idx.add.f32.msk $0xffff, v2  }
0x3c3: {  	v1 =	vld [tilespmem:s2+$0x0]  }
0x3c4: {  	v2 =	vld [tilespmem:s2+$0x8000]  }
0x3c5: {  	s30 =	sadd.s32 $0x40, s30;
	s31 =	sadd.s32 $0x40, s31;
	[tilespmem:v3+s26+$0x0] =	vst.idx.add.f32.msk $0xffff, v4  }
0x3c6: {  	_ =	swait.ge [sflag:s24], $0x4000  }
0x3c7: {  	[sflag:s24] =	ssyncset.done $0x0  }
0x3c8: {  	[sflag:s24] =	ssyncadd.s32 $0xFFFFC000  }
0x3c9: {  	[tilespmem:s25], [sflag:$0x2] =	stream.linear.gather [hbm4b:s14+s1], $0x4000, $0x38;
	[tilespmem:$0x12300] =	vst v63  }
0x3ca: {  	v1 =	vld [tilespmem:$0x0];
	_ =	sdelay $0x1  }
0x3cb: {  	s0 =	simm.s32 $0xFFFFFFFC;
	s30 =	simm.s32 $0x4020;
	s31 =	simm.s32 $0x30;
	v2 =	vld [tilespmem:$0x4000]  }
.LBB2_84:
0x3cc: {  	v3 =	vld [tilespmem:s31+$0xFFFFFFE0];
	_ =	sdelay $0x1  }
0x3cd: {  	v1 =	vadd.s32 $0x4B00, v1;
	_ =	sdelay $0x2  }
0x3ce: {  	v4 =	vld [tilespmem:s30+$0xFFFFFFF0];
	v3 =	vadd.s32 $0x4B00, v3;
	_ =	sdelay $0x1  }
0x3cf: {  	[tilespmem:v1+s26+$0x0] =	vst.idx.add.f32.msk $0xffff, v2  }
0x3d0: {  	v1 =	vld [tilespmem:s31+$0xFFFFFFF0]  }
0x3d1: {  	v2 =	vld [tilespmem:s30+$0x0]  }
0x3d2: {  	[tilespmem:v3+s26+$0x0] =	vst.idx.add.f32.msk $0xffff, v4  }
0x3d3: {  	v3 =	vld [tilespmem:s31+$0x0];
	_ =	sdelay $0x1  }
0x3d4: {  	v1 =	vadd.s32 $0x4B00, v1;
	_ =	sdelay $0x1  }
0x3d5: {  	s2 =	sadd.s32 $0x8, s0;
	s0 =	sadd.s32 $0x4, s0  }
0x3d6: {  	p0 =	slt.u32 s0, $0x3FC;
	v4 =	vld [tilespmem:s30+$0x10];
	v3 =	vadd.s32 $0x4B00, v3  }
.Ltmp41:
0x3d7: {  	s2 =	smin.u32 s2, $0x3FF;
	(pc) =	sbr.rel @p0 .LBB2_84-.Ltmp41, $4  }
0x3d8: {  	s2 =	sshll.u32 s2, $0x4;
	[tilespmem:v1+s26+$0x0] =	vst.idx.add.f32.msk $0xffff, v2  }
0x3d9: {  	v1 =	vld [tilespmem:s2+$0x0]  }
0x3da: {  	v2 =	vld [tilespmem:s2+$0x4000]  }
0x3db: {  	s30 =	sadd.s32 $0x40, s30;
	s31 =	sadd.s32 $0x40, s31;
	[tilespmem:v3+s26+$0x0] =	vst.idx.add.f32.msk $0xffff, v4  }
0x3dc: {  	_ =	swait.ge [sflag:s28], $0x4000  }
0x3dd: {  	[sflag:s28] =	ssyncset.done $0x0  }
0x3de: {  	[sflag:s28] =	ssyncadd.s32 $0xFFFFC000  }
0x3df: {  	[tilespmem:s21], [sflag:$0x1] =	stream.linear.gather [hbm4b:s15+s1], $0x4000, $0x38;
	[tilespmem:$0x12300] =	vst v63  }
0x3e0: {  	v1 =	vld [tilespmem:$0x0];
	_ =	sdelay $0x1  }
0x3e1: {  	s0 =	simm.s32 $0xFFFFFFFC;
	s30 =	simm.s32 $0x8020;
	s31 =	simm.s32 $0x30;
	v2 =	vld [tilespmem:$0x8000]  }
.LBB2_86:
0x3e2: {  	v3 =	vld [tilespmem:s31+$0xFFFFFFE0];
	_ =	sdelay $0x1  }
0x3e3: {  	v1 =	vadd.s32 $0x4FB0, v1;
	_ =	sdelay $0x2  }
0x3e4: {  	v4 =	vld [tilespmem:s30+$0xFFFFFFF0];
	v3 =	vadd.s32 $0x4FB0, v3;
	_ =	sdelay $0x1  }
0x3e5: {  	[tilespmem:v1+s26+$0x0] =	vst.idx.add.f32.msk $0xffff, v2  }
0x3e6: {  	v1 =	vld [tilespmem:s31+$0xFFFFFFF0]  }
0x3e7: {  	v2 =	vld [tilespmem:s30+$0x0]  }
0x3e8: {  	[tilespmem:v3+s26+$0x0] =	vst.idx.add.f32.msk $0xffff, v4  }
0x3e9: {  	v3 =	vld [tilespmem:s31+$0x0];
	_ =	sdelay $0x1  }
0x3ea: {  	v1 =	vadd.s32 $0x4FB0, v1;
	_ =	sdelay $0x1  }
0x3eb: {  	s2 =	sadd.s32 $0x8, s0;
	s0 =	sadd.s32 $0x4, s0  }
0x3ec: {  	p0 =	slt.u32 s0, $0x3FC;
	v4 =	vld [tilespmem:s30+$0x10];
	v3 =	vadd.s32 $0x4FB0, v3  }
.Ltmp42:
0x3ed: {  	s2 =	smin.u32 s2, $0x3FF;
	(pc) =	sbr.rel @p0 .LBB2_86-.Ltmp42, $4  }
0x3ee: {  	s2 =	sshll.u32 s2, $0x4;
	[tilespmem:v1+s26+$0x0] =	vst.idx.add.f32.msk $0xffff, v2  }
0x3ef: {  	v1 =	vld [tilespmem:s2+$0x0]  }
0x3f0: {  	v2 =	vld [tilespmem:s2+$0x8000]  }
0x3f1: {  	s30 =	sadd.s32 $0x40, s30;
	s31 =	sadd.s32 $0x40, s31;
	[tilespmem:v3+s26+$0x0] =	vst.idx.add.f32.msk $0xffff, v4  }
0x3f2: {  	_ =	swait.ge [sflag:s24], $0x4000  }
0x3f3: {  	[sflag:s24] =	ssyncset.done $0x0  }
0x3f4: {  	[sflag:s24] =	ssyncadd.s32 $0xFFFFC000  }
0x3f5: {  	[tilespmem:s25], [sflag:$0x2] =	stream.linear.gather [hbm4b:s16+s1], $0x4000, $0x38;
	[tilespmem:$0x12300] =	vst v63  }
0x3f6: {  	v1 =	vld [tilespmem:$0x0];
	_ =	sdelay $0x1  }
0x3f7: {  	s0 =	simm.s32 $0xFFFFFFFC;
	s30 =	simm.s32 $0x4020;
	s31 =	simm.s32 $0x30;
	v2 =	vld [tilespmem:$0x4000]  }
.LBB2_88:
0x3f8: {  	v3 =	vld [tilespmem:s31+$0xFFFFFFE0];
	_ =	sdelay $0x1  }
0x3f9: {  	v1 =	vadd.s32 $0x5460, v1;
	_ =	sdelay $0x2  }
0x3fa: {  	v4 =	vld [tilespmem:s30+$0xFFFFFFF0];
	v3 =	vadd.s32 $0x5460, v3;
	_ =	sdelay $0x1  }
0x3fb: {  	[tilespmem:v1+s26+$0x0] =	vst.idx.add.f32.msk $0xffff, v2  }
0x3fc: {  	v1 =	vld [tilespmem:s31+$0xFFFFFFF0]  }
0x3fd: {  	v2 =	vld [tilespmem:s30+$0x0]  }
0x3fe: {  	[tilespmem:v3+s26+$0x0] =	vst.idx.add.f32.msk $0xffff, v4  }
0x3ff: {  	v3 =	vld [tilespmem:s31+$0x0];
	_ =	sdelay $0x1  }
0x400: {  	v1 =	vadd.s32 $0x5460, v1;
	_ =	sdelay $0x1  }
0x401: {  	s2 =	sadd.s32 $0x8, s0;
	s0 =	sadd.s32 $0x4, s0  }
0x402: {  	p0 =	slt.u32 s0, $0x3FC;
	v4 =	vld [tilespmem:s30+$0x10];
	v3 =	vadd.s32 $0x5460, v3  }
.Ltmp43:
0x403: {  	s2 =	smin.u32 s2, $0x3FF;
	(pc) =	sbr.rel @p0 .LBB2_88-.Ltmp43, $4  }
0x404: {  	s2 =	sshll.u32 s2, $0x4;
	[tilespmem:v1+s26+$0x0] =	vst.idx.add.f32.msk $0xffff, v2  }
0x405: {  	v1 =	vld [tilespmem:s2+$0x0]  }
0x406: {  	v2 =	vld [tilespmem:s2+$0x4000]  }
0x407: {  	s30 =	sadd.s32 $0x40, s30;
	s31 =	sadd.s32 $0x40, s31;
	[tilespmem:v3+s26+$0x0] =	vst.idx.add.f32.msk $0xffff, v4  }
0x408: {  	_ =	swait.ge [sflag:s28], $0x4000  }
0x409: {  	[sflag:s28] =	ssyncset.done $0x0  }
0x40a: {  	[sflag:s28] =	ssyncadd.s32 $0xFFFFC000  }
0x40b: {  	[tilespmem:s21], [sflag:$0x1] =	stream.linear.gather [hbm4b:s17+s1], $0x4000, $0x38;
	[tilespmem:$0x12300] =	vst v63  }
0x40c: {  	v1 =	vld [tilespmem:$0x0];
	_ =	sdelay $0x1  }
0x40d: {  	s0 =	simm.s32 $0xFFFFFFFC;
	s30 =	simm.s32 $0x8020;
	s31 =	simm.s32 $0x30;
	v2 =	vld [tilespmem:$0x8000]  }
.LBB2_90:
0x40e: {  	v3 =	vld [tilespmem:s31+$0xFFFFFFE0];
	_ =	sdelay $0x1  }
0x40f: {  	v1 =	vadd.s32 $0x5910, v1;
	_ =	sdelay $0x2  }
0x410: {  	v4 =	vld [tilespmem:s30+$0xFFFFFFF0];
	v3 =	vadd.s32 $0x5910, v3;
	_ =	sdelay $0x1  }
0x411: {  	[tilespmem:v1+s26+$0x0] =	vst.idx.add.f32.msk $0xffff, v2  }
0x412: {  	v1 =	vld [tilespmem:s31+$0xFFFFFFF0]  }
0x413: {  	v2 =	vld [tilespmem:s30+$0x0]  }
0x414: {  	[tilespmem:v3+s26+$0x0] =	vst.idx.add.f32.msk $0xffff, v4  }
0x415: {  	v3 =	vld [tilespmem:s31+$0x0];
	_ =	sdelay $0x1  }
0x416: {  	v1 =	vadd.s32 $0x5910, v1;
	_ =	sdelay $0x1  }
0x417: {  	s2 =	sadd.s32 $0x8, s0;
	s0 =	sadd.s32 $0x4, s0  }
0x418: {  	p0 =	slt.u32 s0, $0x3FC;
	v4 =	vld [tilespmem:s30+$0x10];
	v3 =	vadd.s32 $0x5910, v3  }
.Ltmp44:
0x419: {  	s2 =	smin.u32 s2, $0x3FF;
	(pc) =	sbr.rel @p0 .LBB2_90-.Ltmp44, $4  }
0x41a: {  	s2 =	sshll.u32 s2, $0x4;
	[tilespmem:v1+s26+$0x0] =	vst.idx.add.f32.msk $0xffff, v2  }
0x41b: {  	v1 =	vld [tilespmem:s2+$0x0]  }
0x41c: {  	v2 =	vld [tilespmem:s2+$0x8000]  }
0x41d: {  	s30 =	sadd.s32 $0x40, s30;
	s31 =	sadd.s32 $0x40, s31;
	[tilespmem:v3+s26+$0x0] =	vst.idx.add.f32.msk $0xffff, v4  }
0x41e: {  	_ =	swait.ge [sflag:s24], $0x4000  }
0x41f: {  	[sflag:s24] =	ssyncset.done $0x0  }
0x420: {  	[sflag:s24] =	ssyncadd.s32 $0xFFFFC000  }
0x421: {  	v1 =	vld [tilespmem:$0x0];
	_ =	sdelay $0x1  }
0x422: {  	s0 =	simm.s32 $0xFFFFFFFC;
	s30 =	simm.s32 $0x4020;
	s31 =	simm.s32 $0x30;
	v2 =	vld [tilespmem:$0x4000]  }
.LBB2_92:
0x423: {  	v3 =	vld [tilespmem:s31+$0xFFFFFFE0];
	_ =	sdelay $0x1  }
0x424: {  	v1 =	vadd.s32 $0x5DC0, v1;
	_ =	sdelay $0x2  }
0x425: {  	v4 =	vld [tilespmem:s30+$0xFFFFFFF0];
	v3 =	vadd.s32 $0x5DC0, v3;
	_ =	sdelay $0x1  }
0x426: {  	[tilespmem:v1+s26+$0x0] =	vst.idx.add.f32.msk $0xffff, v2  }
0x427: {  	v1 =	vld [tilespmem:s31+$0xFFFFFFF0]  }
0x428: {  	v2 =	vld [tilespmem:s30+$0x0]  }
0x429: {  	[tilespmem:v3+s26+$0x0] =	vst.idx.add.f32.msk $0xffff, v4  }
0x42a: {  	v3 =	vld [tilespmem:s31+$0x0];
	_ =	sdelay $0x1  }
0x42b: {  	v1 =	vadd.s32 $0x5DC0, v1;
	_ =	sdelay $0x1  }
0x42c: {  	s2 =	sadd.s32 $0x8, s0;
	s0 =	sadd.s32 $0x4, s0  }
0x42d: {  	p0 =	slt.u32 s0, $0x3FC;
	v4 =	vld [tilespmem:s30+$0x10];
	v3 =	vadd.s32 $0x5DC0, v3  }
.Ltmp45:
0x42e: {  	s2 =	smin.u32 s2, $0x3FF;
	(pc) =	sbr.rel @p0 .LBB2_92-.Ltmp45, $4  }
0x42f: {  	s2 =	sshll.u32 s2, $0x4;
	[tilespmem:v1+s26+$0x0] =	vst.idx.add.f32.msk $0xffff, v2  }
0x430: {  	v1 =	vld [tilespmem:s2+$0x0]  }
0x431: {  	v2 =	vld [tilespmem:s2+$0x4000]  }
0x432: {  	s30 =	sadd.s32 $0x40, s30;
	s31 =	sadd.s32 $0x40, s31;
	[tilespmem:v3+s26+$0x0] =	vst.idx.add.f32.msk $0xffff, v4  }
0x433: {  	s29 =	sadd.s32 $0x1, s29  }
0x434: {  	p0 =	sne.s32 s29, s20  }
.Ltmp46:
0x435: {  	_ = 	snop;
	(pc) =	sbr.rel @p0 .LBB2_1-.Ltmp46, $4  }
0x436: {  	[hbm4b:s19+s1] =	stream.linear.scatter [tilespmem:s26], [sflag:$0x3], $0x6270, $0x38;
	[tilespmem:$0x12300] =	vst v63  }
0x437: {  	_ =	swait.ge [sflag:s22], $0x6270  }
0x438: {  	[sflag:s22] =	ssyncset.done $0x0  }
0x439: {  	[sflag:s22] =	ssyncadd.s32 $0xFFFF9D90  }
0x43a: {  	_ =	sfence.sel $0x180000  }
0x43b: {  	[bflag:$0x0] =	sbarrier.arrive $0xFFFF  }
0x43c: {  	_ =	strace $0x9000004A  }
0x43d: {  	s0 =	stileid.u32;
	[bflag:$0x2] =	sbarrier.arrive $0xFFFF  }
0x43e: {  	p0 =	sne.s32 s0, $0x0;
	s0 =	rddreg [dreg:$0x1]  }
0x43f: {  	s0 =	sadd.s32 @!p0 $0x100000, s0  }
0x440: {  	[sflag:s0] =	ssyncadd.tile.s32 @!p0 $0x1;
	_ =	shalt  }
.Lfunc_end2:
_tile_overlayer_lowered:
.L_overlay_start_2:
0x441: {  	(tag) =	ssettag $0x2  }
0x442: {  	s0 =	rddreg [dreg:$0x0];
	s2 =	stileid.u32  }
0x443: {  	s1 =	rddreg [dreg:$0x1];
	p0 =	sne.s32 s2, $0x0  }
0x444: {  	s3 =	rddreg [dreg:$0x2];
	[bflag:$0x3] =	sbarrier.arrive $0xFFFF;
	s2 =	simm.s32 @!p0 $0x1C03  }
0x445: {  	[timem:s3], [sflag:s2] =	dma.local @!p0 [hbm:s0], s1  }
0x446: {  	s0 =	simm.s32 @!p0 $0x3  }
0x447: {  	_ =	swait.ge @!p0 [sflag:s0], s1  }
0x448: {  	s1 =	ssub.s32 @!p0 $0x0, s1;
	[sflag:s0] =	ssyncset.done @!p0 $0x0  }
0x449: {  	[sflag:s0] =	ssyncadd.s32 @!p0 s1  }
0x44a: {  	[bflag:$0x3] =	sbarrier.arrive $0xFFFF  }
0x44b: {  	_ =	shalt  }

// kernel: sparse-core-data-format-call.cloned.1.call-start
scs
called_computation_lowered:
.L_overlay_start_0:
0x0: {  	s2 =	sld [smem:$0x3FD9]  }
0x1: {  	s3 =	sld [smem:$0x3FFE];
	_ =	sdelay $0x1  }
0x2: {  	s1 =	srdreg.scid  }
0x3: {  	s0 =	sand.u32 $0x1, s1  }
0x4: {  	s18 =	sshll.u32 s0, $0xA;
	s2 =	sadd.s32 s3, s2  }
0x5: {  	s2 =	sadd.s32 s2, s18  }
0x6: {  	[smem:$0x3FC3] =	sst s2  }
0x7: {  	_ = 	snop  }
0x8: {  	s2 =	sld [smem:$0x3FC9];
	(tm) =	ssettm $0x1  }
0x9: {  	s19 =	sld [smem:$0x3FFB];
	_ =	sdelay $0x3  }
0xa: {  	_ =	strace s19  }
0xb: {  	s3 =	sld [smem:$0x3FFC];
	_ =	sdelay $0x3  }
0xc: {  	_ =	strace s3  }
0xd: {  	s3 =	sld [smem:$0x3FFD];
	_ =	sdelay $0x3  }
0xe: {  	_ =	strace s3  }
0xf: {  	_ =	strace $0x8FFFFFFF  }
0x10: {  	s20 =	sld [smem:$0x3FDB];
	_ =	sdelay $0x1  }
0x11: {  	s4 =	simm.s32 $_scs_section_size  }
0x12: {  	s5 =	simm.s32 $_size__tile_overlayer_lowered;
	s6 =	simm.s32 $_tile_overlayer_lowered  }
0x13: {  	s23 =	simm.s32 $0x1BFF;
	s22 =	sshll.u32 s6, $0x1;
	s3 =	sadd.s32 s4, s20  }
0x14: {  	s7 =	simm.s32 $0x0;
	s21 =	sshll.u32 s5, $0x1;
	s5 =	sadd.s32 s22, s3  }
0x15: {  	[timem:s7], [sflag:s23] =	dma.local [hbm:s5], s21  }
0x16: {  	_ =	swait.ge [sflag:s23], s21  }
0x17: {  	s4 =	ssub.s32 $0x0, s21;
	[sflag:s23] =	ssyncset.done $0x0  }
0x18: {  	[sflag:s23] =	ssyncadd.s32 s4;
	_ =	sdelay $0x1  }
0x19: {  	s24 =	simm.s32 $0x1B8B  }
0x1a: {  	_ =	swait.ge [sflag:s24], $0x1  }
0x1b: {  	[sflag:s24] =	ssyncset.done $0x0  }
0x1c: {  	s26 =	simm.s32 $0x1B8E;
	s25 =	sld [smem:$0x3FFE];
	[sflag:s24] =	ssyncadd.s32 $0xFFFFFFFF  }
0x1d: {  	s27 =	simm.s32 $execute0_lowered;
	[smem:$0x3FD2] =	sst s26  }
0x1e: {  	s5 =	sshll.u32 s27, $0x1;
	_ =	strace $0x80000046;
	[dreg:$0x1] =	wrdreg $0xFFFFFFFF  }
0x1f: {  	s28 =	simm.s32 $_size_execute0_lowered;
	s3 =	sadd.s32 s3, s5;
	[dreg:$0x0] =	wrdreg $0x0  }
0x20: {  	s5 =	sshll.u32 s28, $0x1;
	[dreg:$0x2] =	wrdreg s3  }
0x21: {  	[dreg:$0x3] =	wrdreg s5  }
0x22: {  	[dreg:$0x4] =	wrdreg $0xC0  }
0x23: {  	_ =	task [dreg:s7], $0x5FFFF  }
0x24: {  	[dreg:$0x1] =	wrdreg $0xFFFFFFFF  }
0x25: {  	[dreg:$0x0] =	wrdreg $0x60  }
0x26: {  	[dreg:$0x2] =	wrdreg s2  }
0x27: {  	[dreg:$0x3] =	wrdreg s25  }
0x28: {  	[dreg:$0x4] =	wrdreg $0x9  }
0x29: {  	_ =	task.clear_ibuf [dreg:s7], $0x5FFFF;
	_ =	strace $0x90000046  }
0x2a: {  	s29 =	simm.s32 $0x9;
	_ =	strace $0x80000048  }
0x2b: {  	_ =	swait.ge [sflag:s29], $0x1  }
0x2c: {  	[sflag:s29] =	ssyncadd.s32 $0xFFFFFFFF  }
0x2d: {  	_ =	strace $0x90000048  }
0x2e: {  	_ =	sfence  }
0x2f: {  	s30 =	sld [smem:$0x0];
	_ =	sdelay $0x2  }
0x30: {  	s31 =	sshll.u32 s1, $0xD;
	s1 =	sshrl.u32 s1, $0x2  }
0x31: {  	s3 =	sand.u32 $0x4000, s31;
	s1 =	sadd.s32 s1, s30  }
0x32: {  	s0 =	sor.u32 s3, s0;
	s1 =	sshll.u32 s1, $0x11  }
0x33: {  	s0 =	sor.u32 s1, s0  }
0x34: {  	s0 =	sadd.s32 $0x8F2B, s0  }
0x35: {  	[sflag:s0] =	ssyncadd.remote.s32 $0x1  }
0x36: {  	_ =	sfence.sel $0xFFFF  }
0x37: {  	[dreg:$0x0] =	wrdreg $0xFFFFFFFF;
	(pc) =	sbr.abs _section_cstart, $3  }
0x38: {  	[dreg:$0x1] =	wrdreg $0xFFFFFFFF  }
0x39: {  	_ =	task.clear_ibuf [dreg:s7], $0x2FFFF;
	_ =	strace $0x9FFFFFFF  }
0x3a: {  	(tm) =	ssettm $0x7FFFFFFF  }
0x3b: {  	_ =	shalt  }
tec
execute0_lowered:
.L_overlay_start_1:
0x0: {  	(tag) =	ssettag $0x1  }
0x1: {  	s6 =	stileid.u32;
	s0 =	srdreg.scid  }
0x2: {  	s26 =	rddreg [dreg:$0x1];
	_ =	strace $0x80000047;
	s5 =	simm.s32 $0x1  }
0x3: {  	s27 =	simm.s32 $0x2;
	s25 =	simm.s32 $0x0;
	s17 =	simm.s32 $0x80  }
0x4: {  	s24 =	simm.s32 $0x0;
	s23 =	simm.s32 $0x0;
	s18 =	simm.s32 $0x0  }
0x5: {  	s20 =	simm.s32 $0x0;
	s22 =	simm.s32 $0x0;
	s1 =	sshll.u32 s6, $0x1  }
0x6: {  	s0 =	sshll.u32 s0, $0x5;
	s4 =	sadd.s32 $0xE00, s26;
	[sflag:s5] =	ssyncpa.u1 $0x0  }
0x7: {  	s6 =	sand.u32 $0x3, s6;
	s28 =	sadd.s32 $0x2E00, s26;
	s0 =	sor.u32 s1, s0  }
0x8: {  	s29 =	sadd.s32 $0x4E00, s26;
	s30 =	sadd.s32 $0x6E00, s26;
	s3 =	sand.u32 $0x38, s0  }
0x9: {  	s31 =	sadd.s32 $0x8E00, s26;
	s12 =	sadd.s32 $0xAE00, s26;
	s0 =	ssub.s32 $0x200, s3  }
0xa: {  	s13 =	sadd.s32 $0xCE00, s26;
	[dreg:$0x3] =	wrdreg s4;
	s2 =	sand.u32 $0x38, s0  }
0xb: {  	[dreg:$0x4] =	wrdreg s28;
	p0 =	sne.s32 s2, $0x0;
	s2 =	simm.s32 $0x1  }
.Ltmp0:
0xc: {  	s0 =	sshrl.u32 s0, $0x6;
	s2 =	simm.s32 @!p0 $0x0;
	(pc) =	sbr.rel .LBB1_1-.Ltmp0, $4  }
0xd: {  	s14 =	sadd.s32 $0xEE00, s26;
	[dreg:$0x5] =	wrdreg s29;
	s0 =	sadd.s32 s2, s0  }
0xe: {  	s26 =	simm.s32 $0x0;
	[dreg:$0x6] =	wrdreg s30;
	s7 =	smul.u32 $0x6, s0  }
0xf: {  	[sflag:s27] =	ssyncpa.u1 $0x0;
	[dreg:$0x7] =	wrdreg s31;
	s21 =	smov.u32 s6  }
0x10: {  	s19 =	smov.u32 s3;
	p0 =	por $0x0, $0x0;
	s15 =	sor.u32 $0x1, s7  }
.LBB1_9:
0x11: {  	s0 =	sadd.s32 $0x100, s18  }
0x12: {  	s1 =	sadd.s32 $0x40, s19;
	s2 =	smov.u32 s19;
	p2 =	sgt.s32 s0, $0x1FF  }
0x13: {  	s2 =	smov.u32 @p2 s1  }
0x14: {  	s4 =	smov.u32 s20;
	s1 =	sadd.s32 $0x8, s20;
	p3 =	sgt.s32 s2, $0x1FF  }
0x15: {  	s4 =	smov.u32 @p3 s1  }
0x16: {  	s8 =	smov.u32 s21;
	s1 =	sadd.s32 $0x4, s21;
	p4 =	sgt.s32 s4, $0x14  }
0x17: {  	p1 =	slt.u32 s22, $0x2;
	s8 =	smov.u32 @p4 s1  }
0x18: {  	s25 =	smov.u32 s18;
	s0 =	simm.s32 @p2 $0x0;
	p2 =	sgt.s32 s8, $0x3  }
0x19: {  	s24 =	smov.u32 s19;
	s8 =	smov.u32 @p2 s6;
	p2 =	sne.s32 s22, s15  }
.Ltmp1:
0x1a: {  	s23 =	smov.u32 s20;
	s26 =	smov.u32 s21;
	(pc) =	sbr.rel @!p2 .LBB1_10-.Ltmp1, $4  }
0x1b: {  	p0 =	por !p0, !p0;
	s18 =	smov.u32 s0;
	s1 =	simm.s32 @!p1 $0x2  }
0x1c: {  	s2 =	smov.u32 @p3 s3;
	s4 =	simm.s32 @p4 $0x0;
	_ =	swait.ge @!p1 [sflag:s1], $0x4000  }
0x1d: {  	s19 =	smov.u32 s2;
	s20 =	smov.u32 s4;
	[sflag:s1] =	ssyncset.done @!p1 $0x0  }
0x1e: {  	s22 =	sadd.s32 $0x1, s22;
	[sflag:s1] =	ssyncadd.s32 @!p1 $0xFFFFC000;
	s21 =	smov.u32 s8  }
.LBB1_1:
0x1f: {  	p1 =	sge.u32 s22, s7  }
.Ltmp2:
0x20: {  	_ = 	snop;
	(pc) =	sbr.rel @p1 .LBB1_3-.Ltmp2, $1  }
0x21: {  	_ =	sdelay $0x3  }
0x22: {  	s0 =	sshll.u32 s19, $0x9;
	s1 =	sshll.u32 s18, $0x3;
	s11 =	sshll.u32 s19, $0x7  }
0x23: {  	p1 =	sgt.s32 s21, $0x3;
	s4 =	smov.u32 s21;
	s8 =	sshra.s32 s21, $0x1F  }
0x24: {  	s27 =	sshra.s32 s20, $0x1F;
	s10 =	sshra.s32 s19, $0x1F;
	s28 =	sand.u32 $0x78, s18  }
0x25: {  	s30 =	sshra.s32 s18, $0x1F;
	s31 =	sxor.u32 $0xFFFFFFFF, s22;
	s0 =	sand.u32 $0x3F000, s0  }
0x26: {  	s1 =	sand.u32 $0x3FC00, s1;
	s2 =	sand.u32 $0x200, s11;
	s4 =	simm.s32 @!p1 $0x3  }
0x27: {  	s16 =	sand.u32 s8, s21;
	p1 =	sgt.s32 s20, $0xD;
	s8 =	sand.u32 s27, s20  }
0x28: {  	s10 =	sand.u32 s10, s19;
	s27 =	rddreg [dreg:$0x0];
	s0 =	sadd.s32 s0, s1  }
0x29: {  	s1 =	sand.u32 $0x180, s11;
	s11 =	smul.u32 $0xA8000, s21;
	s0 =	sor.u32 s2, s0  }
0x2a: {  	s2 =	ssub.s32 s4, s16;
	s4 =	smov.u32 s20;
	s1 =	sor.u32 s28, s1  }
0x2b: {  	s28 =	sand.u32 $0x7, s18;
	s9 =	sadd.s32 $0xFFFFFFFD, s2;
	s4 =	simm.s32 @!p1 $0xD  }
0x2c: {  	p1 =	sgt.s32 s19, $0x1F8;
	s2 =	ssub.s32 $0x4, s2;
	s0 =	sshrl.u32 s0, $0x3  }
0x2d: {  	s1 =	sshrl.u32 s1, $0x3;
	s4 =	ssub.s32 s4, s8;
	s8 =	smov.u32 s19  }
0x2e: {  	s0 =	sand.u32 $0x7FC0, s0;
	s16 =	sadd.s32 $0xFFFFFFF3, s4;
	s8 =	simm.s32 @!p1 $0x1F8  }
0x2f: {  	p1 =	sgt.s32 s9, $0x0;
	s4 =	ssub.s32 $0x15, s4;
	p2 =	sgt.s32 s16, $0x7  }
0x30: {  	s8 =	ssub.s32 s8, s10;
	s2 =	simm.s32 @p1 $0x0;
	s4 =	simm.s32 @p2 $0x0  }
0x31: {  	p2 =	sgt.s32 s18, $0x100;
	s2 =	smul.u32 s2, s4;
	s4 =	smov.u32 s18  }
0x32: {  	s9 =	sand.u32 s30, s18;
	s29 =	sadd.s32 $0xFFFFFE08, s8;
	s4 =	simm.s32 @!p2 $0x100  }
0x33: {  	s8 =	ssub.s32 $0x200, s8;
	p1 =	sgt.s32 s29, $0x7;
	s4 =	ssub.s32 s4, s9  }
0x34: {  	s16 =	sshll.u32 s20, $0xF;
	s8 =	simm.s32 @p1 $0x0;
	s10 =	sadd.s32 $0xFFFFFF00, s4  }
0x35: {  	s2 =	smul.u32 s8, s2;
	s4 =	ssub.s32 $0x200, s4;
	p1 =	sgt.s32 s10, $0xFF  }
0x36: {  	s29 =	sshll.u32 s28, $0x12;
	s8 =	sadd.s32 s27, s11;
	s4 =	simm.s32 @p1 $0x0  }
0x37: {  	s30 =	sor.u32 $0x800, s29;
	s2 =	smul.u32 s4, s2;
	s4 =	sadd.s32 s16, s8  }
0x38: {  	s9 =	sshll.u32 s31, $0xE;
	s31 =	simm.s32 $0x40000;
	s1 =	sadd.s32 s1, s4  }
0x39: {  	s9 =	sand.u32 $0x4000, s9;
	s2 =	sand.u32 $0x3FFFFFFF, s2;
	s0 =	sadd.s32 s0, s1  }
0x3a: {  	[tilespmem:s9], [sflag:$0x1] =	stream.strided.gather [hbm4b:s0+s30], s2, s31, s30, $0x38;
	[tilespmem:$0x11000] =	vst v63  }
.LBB1_3:
0x3b: {  	s0 =	sadd.s32 $0xFFFFFFFF, s22  }
0x3c: {  	p1 =	sge.u32 s0, s7  }
.Ltmp3:
0x3d: {  	_ = 	snop;
	(pc) =	sbr.rel @p1 .LBB1_9-.Ltmp3, $1  }
0x3e: {  	_ =	sdelay $0x3  }
0x3f: {  	p1 =	sgt.s32 s26, $0x3;
	s0 =	smov.u32 s26;
	s1 =	sshra.s32 s26, $0x1F  }
0x40: {  	s2 =	smov.u32 s23;
	s4 =	sshra.s32 s23, $0x1F;
	s11 =	sshra.s32 s24, $0x1F  }
0x41: {  	s0 =	simm.s32 @!p1 $0x3;
	s1 =	sand.u32 s1, s26;
	p1 =	sgt.s32 s23, $0xD  }
0x42: {  	s10 =	sand.u32 s4, s23;
	s0 =	ssub.s32 s0, s1;
	s2 =	simm.s32 @!p1 $0xD  }
0x43: {  	s30 =	sshra.s32 s25, $0x1F;
	s8 =	sadd.s32 $0xFFFFFFFD, s0;
	s1 =	ssub.s32 s2, s10  }
0x44: {  	s0 =	ssub.s32 $0x4, s0;
	p1 =	sgt.s32 s8, $0x0;
	s2 =	sadd.s32 $0xFFFFFFF3, s1  }
0x45: {  	s1 =	ssub.s32 $0x15, s1;
	s0 =	simm.s32 @p1 $0x0;
	p1 =	sgt.s32 s2, $0x7  }
0x46: {  	s2 =	smov.u32 s24;
	s1 =	simm.s32 @p1 $0x0;
	p1 =	sgt.s32 s24, $0x1F8  }
0x47: {  	s16 =	sand.u32 s11, s24;
	s0 =	smul.u32 s0, s1;
	s2 =	simm.s32 @!p1 $0x1F8  }
0x48: {  	p1 =	sgt.s32 s25, $0x100;
	s1 =	ssub.s32 s2, s16;
	s2 =	smov.u32 s25  }
0x49: {  	s8 =	sand.u32 s30, s25;
	s9 =	sadd.s32 $0xFFFFFE08, s1;
	s2 =	simm.s32 @!p1 $0x100  }
0x4a: {  	s1 =	ssub.s32 $0x200, s1;
	p1 =	sgt.s32 s9, $0x7;
	s2 =	ssub.s32 s2, s8  }
0x4b: {  	s11 =	sand.u32 $0x1, s22;
	s1 =	simm.s32 @p1 $0x0;
	s8 =	sadd.s32 $0xFFFFFF00, s2  }
0x4c: {  	s0 =	smul.u32 s1, s0;
	p1 =	sgt.s32 s8, $0xFF;
	s1 =	ssub.s32 $0x200, s2  }
0x4d: {  	s4 =	simm.s32 $0x1;
	s30 =	smul.u32 $0x12000, s11;
	s1 =	simm.s32 @p1 $0x0  }
0x4e: {  	s4 =	simm.s32 @!p0 $0x0;
	s0 =	smul.u32 s1, s0  }
0x4f: {  	s31 =	sshll.u32 s11, $0xE;
	s27 =	sshrl.u32 s30, $0x2;
	s9 =	smul.u32 $0x12000, s4  }
0x50: {  	s28 =	sor.u32 $0x8000, s27;
	s16 =	sshll.u32 s4, $0xE;
	s0 =	sand.u32 $0x3FFFFFFF, s0  }
0x51: {  	s4 =	sor.u32 $0x410, s16;
	s10 =	sshrl.u32 s9, $0x2;
	_ =	swait.ge [sflag:s5], s0  }
0x52: {  	s29 =	sor.u32 $0x8000, s10;
	s0 =	ssub.s32 $0x0, s0;
	[sflag:s5] =	ssyncset.done $0x0  }
0x53: {  	s1 =	simm.s32 $0x0;
	[sflag:s5] =	ssyncadd.s32 s0;
	s0 =	simm.s32 $0x0  }
.LBB1_5:
0x54: {  	s2 =	sshll.u32 s0, $0xB  }
0x55: {  	v2 =	vld [tilespmem:s4+$0xFFFFFBF0];
	v0 =	vmov s2  }
0x56: {  	v3 =	vld [tilespmem:s4+$0xFFFFFC00]  }
0x57: {  	s16 =	sand.u32 $0x300, s1;
	v4 =	vld [tilespmem:s4+$0xFFFFFC10]  }
0x58: {  	s8 =	sand.u32 $0x80, s1;
	v6 =	vld [tilespmem:s4+$0xFFFFFC20];
	s2 =	sadd.s32 s16, s31  }
0x59: {  	v7 =	vld [tilespmem:s4+$0xFFFFFC30];
	s2 =	sadd.s32 s8, s2  }
0x5a: {  	v1 =	vld.idx.msk [tilespmem:v0+s2+$0x400 ss:$0x1], $0xffff;
	s2 =	sadd.s32 $0x0, s29  }
0x5b: {  	v8 =	vld [tilespmem:s4+$0xFFFFFC40];
	[tilespmem:s2+$0x0 ss:$0x9] =	vst.msk $0xffff, v2  }
0x5c: {  	v9 =	vld [tilespmem:s4+$0xFFFFFC50];
	[tilespmem:s2+$0x90 ss:$0x9] =	vst.msk $0xffff, v3  }
0x5d: {  	v5 =	vld [tilespmem:s4+$0xFFFFFC60];
	[tilespmem:s2+$0x120 ss:$0x9] =	vst.msk $0xffff, v4  }
0x5e: {  	v4 =	vld [tilespmem:s4+$0x0];
	[tilespmem:s2+$0x1B0 ss:$0x9] =	vst.msk $0xffff, v6  }
0x5f: {  	v3 =	vld [tilespmem:s4+$0x10];
	[tilespmem:s2+$0x240 ss:$0x9] =	vst.msk $0xffff, v7  }
0x60: {  	[tilespmem:s2+$0x2D0 ss:$0x9] =	vst.msk $0xffff, v8;
	v2 =	vld [tilespmem:s4+$0x30]  }
0x61: {  	s9 =	simm.s32 $0x4800;
	s8 =	simm.s32 $0x80;
	[tilespmem:s2+$0x480 ss:$0x9] =	vst.msk $0xffff, v1;
	v1 =	vld [tilespmem:s4+$0x20]  }
0x62: {  	s30 =	smov.u32 s4;
	s16 =	simm.s32 $0x2400;
	s10 =	sand.u32 $0x300, s8;
	[tilespmem:s2+$0x360 ss:$0x9] =	vst.msk $0xffff, v9;
	v6 =	vld [tilespmem:s4+$0x40]  }
.LBB1_6:
0x63: {  	p1 =	sne.s32 s9, $0xFC00;
	s11 =	sand.u32 $0x80, s8;
	s10 =	sadd.s32 s10, s31;
	[tilespmem:s2+$0x3F0 ss:$0x9] =	vst.msk $0xffff, v5;
	v5 =	vld [tilespmem:s30+$0x50]  }
0x64: {  	s10 =	sadd.s32 s11, s10;
	[tilespmem:s2+$0x510 ss:$0x9] =	vst.msk $0xffff, v4;
	v4 =	vld [tilespmem:s30+$0x60]  }
0x65: {  	s30 =	sadd.s32 $0x80, s30;
	v7 =	vld.idx.msk [tilespmem:v0+s10+$0x400 ss:$0x1], $0xffff;
	[tilespmem:s2+$0x5A0 ss:$0x9] =	vst.msk $0xffff, v3  }
0x66: {  	v3 =	vld [tilespmem:s30+$0xFFFFFBF0];
	[tilespmem:s2+$0x630 ss:$0x9] =	vst.msk $0xffff, v1  }
0x67: {  	v1 =	vld [tilespmem:s30+$0xFFFFFC00];
	[tilespmem:s2+$0x6C0 ss:$0x9] =	vst.msk $0xffff, v2  }
0x68: {  	v2 =	vld [tilespmem:s30+$0xFFFFFC10];
	[tilespmem:s2+$0x750 ss:$0x9] =	vst.msk $0xffff, v6  }
0x69: {  	s10 =	sshra.s32 s16, $0x2;
	s16 =	smov.u32 s9;
	v6 =	vld [tilespmem:s30+$0xFFFFFC20];
	[tilespmem:s2+$0x7E0 ss:$0x9] =	vst.msk $0xffff, v5  }
0x6a: {  	v8 =	vld [tilespmem:s30+$0xFFFFFC30];
	[tilespmem:s2+$0x870 ss:$0x9] =	vst.msk $0xffff, v4;
	s2 =	sadd.s32 s10, s29  }
0x6b: {  	v9 =	vld [tilespmem:s30+$0xFFFFFC40];
	[tilespmem:s2+$0x480 ss:$0x9] =	vst.msk $0xffff, v7  }
0x6c: {  	[tilespmem:s2+$0x0 ss:$0x9] =	vst.msk $0xffff, v3;
	v7 =	vld [tilespmem:s30+$0xFFFFFC50]  }
0x6d: {  	[tilespmem:s2+$0x90 ss:$0x9] =	vst.msk $0xffff, v1;
	v5 =	vld [tilespmem:s30+$0xFFFFFC60]  }
.Ltmp4:
0x6e: {  	[tilespmem:s2+$0x120 ss:$0x9] =	vst.msk $0xffff, v2;
	v4 =	vld [tilespmem:s30+$0x0];
	(pc) =	sbr.rel @p1 .LBB1_6-.Ltmp4, $4  }
0x6f: {  	[tilespmem:s2+$0x1B0 ss:$0x9] =	vst.msk $0xffff, v6;
	v3 =	vld [tilespmem:s30+$0x10]  }
0x70: {  	[tilespmem:s2+$0x240 ss:$0x9] =	vst.msk $0xffff, v8;
	v1 =	vld [tilespmem:s30+$0x20]  }
0x71: {  	s8 =	sadd.s32 $0x80, s8;
	[tilespmem:s2+$0x2D0 ss:$0x9] =	vst.msk $0xffff, v9;
	v2 =	vld [tilespmem:s30+$0x30]  }
0x72: {  	s9 =	sadd.s32 $0x2400, s9;
	s10 =	sand.u32 $0x300, s8;
	[tilespmem:s2+$0x360 ss:$0x9] =	vst.msk $0xffff, v7;
	v6 =	vld [tilespmem:s30+$0x40]  }
0x73: {  	[tilespmem:s2+$0x3F0 ss:$0x9] =	vst.msk $0xffff, v5  }
0x74: {  	v47 =	vld [tilespmem:s30+$0x50];
	[tilespmem:s2+$0x510 ss:$0x9] =	vst.msk $0xffff, v4  }
0x75: {  	v48 =	vld [tilespmem:s30+$0x60];
	s11 =	sadd.s32 $0x80, s30;
	[tilespmem:s2+$0x5A0 ss:$0x9] =	vst.msk $0xffff, v3  }
0x76: {  	v49 =	vld [tilespmem:s11+$0xFFFFFBF0];
	[tilespmem:s2+$0x630 ss:$0x9] =	vst.msk $0xffff, v1  }
0x77: {  	v50 =	vld [tilespmem:s11+$0xFFFFFC00];
	[tilespmem:s2+$0x6C0 ss:$0x9] =	vst.msk $0xffff, v2  }
0x78: {  	v51 =	vld [tilespmem:s11+$0xFFFFFC10];
	[tilespmem:s2+$0x750 ss:$0x9] =	vst.msk $0xffff, v6  }
0x79: {  	s8 =	sand.u32 $0x80, s8;
	s9 =	sadd.s32 s10, s31;
	s30 =	sshra.s32 s16, $0x2;
	v52 =	vld [tilespmem:s11+$0xFFFFFC20];
	[tilespmem:s2+$0x7E0 ss:$0x9] =	vst.msk $0xffff, v47  }
0x7a: {  	s8 =	sadd.s32 s8, s9;
	s9 =	sadd.s32 s30, s29;
	v53 =	vld [tilespmem:s11+$0xFFFFFC30];
	[tilespmem:s2+$0x870 ss:$0x9] =	vst.msk $0xffff, v48  }
0x7b: {  	v54 =	vld [tilespmem:s11+$0xFFFFFC40];
	[tilespmem:s9+$0x0 ss:$0x9] =	vst.msk $0xffff, v49  }
0x7c: {  	v55 =	vld [tilespmem:s11+$0xFFFFFC50];
	[tilespmem:s9+$0x90 ss:$0x9] =	vst.msk $0xffff, v50  }
0x7d: {  	v56 =	vld [tilespmem:s11+$0xFFFFFC60];
	[tilespmem:s9+$0x120 ss:$0x9] =	vst.msk $0xffff, v51  }
0x7e: {  	v57 =	vld [tilespmem:s11+$0x0];
	[tilespmem:s9+$0x1B0 ss:$0x9] =	vst.msk $0xffff, v52  }
0x7f: {  	v58 =	vld [tilespmem:s11+$0x10];
	[tilespmem:s9+$0x240 ss:$0x9] =	vst.msk $0xffff, v53  }
0x80: {  	v59 =	vld [tilespmem:s11+$0x20];
	[tilespmem:s9+$0x2D0 ss:$0x9] =	vst.msk $0xffff, v54  }
0x81: {  	v60 =	vld [tilespmem:s11+$0x30];
	[tilespmem:s9+$0x360 ss:$0x9] =	vst.msk $0xffff, v55  }
0x82: {  	v61 =	vld [tilespmem:s11+$0x40];
	[tilespmem:s9+$0x3F0 ss:$0x9] =	vst.msk $0xffff, v56  }
0x83: {  	v62 =	vld [tilespmem:s11+$0x50];
	[tilespmem:s9+$0x510 ss:$0x9] =	vst.msk $0xffff, v57  }
0x84: {  	s0 =	sadd.s32 $0x1, s0;
	v63 =	vld [tilespmem:s11+$0x60];
	[tilespmem:s9+$0x5A0 ss:$0x9] =	vst.msk $0xffff, v58  }
0x85: {  	p1 =	sne.s32 s0, $0x8;
	v0 =	vld.idx.msk [tilespmem:v0+s8+$0x400 ss:$0x1], $0xffff;
	[tilespmem:s9+$0x630 ss:$0x9] =	vst.msk $0xffff, v59  }
.Ltmp5:
0x86: {  	[tilespmem:s9+$0x6C0 ss:$0x9] =	vst.msk $0xffff, v60;
	(pc) =	sbr.rel @p1 .LBB1_5-.Ltmp5, $4  }
0x87: {  	[tilespmem:s9+$0x750 ss:$0x9] =	vst.msk $0xffff, v61  }
0x88: {  	[tilespmem:s9+$0x7E0 ss:$0x9] =	vst.msk $0xffff, v62  }
0x89: {  	[tilespmem:s9+$0x870 ss:$0x9] =	vst.msk $0xffff, v63  }
0x8a: {  	s4 =	sadd.s32 $0x800, s4;
	s29 =	sadd.s32 $0x1, s29;
	[tilespmem:s9+$0x480 ss:$0x9] =	vst.msk $0xffff, v0  }
0x8b: {  	s0 =	sshll.u32 s25, $0x7;
	s1 =	sshll.u32 s23, $0x3  }
0x8c: {  	s2 =	sand.u32 $0xFC00, s0;
	s1 =	sand.u32 $0xFC00, s1  }
0x8d: {  	s4 =	sshrl.u32 s23, $0x3;
	s0 =	sand.u32 $0x380, s0;
	s1 =	sadd.s32 s1, s2  }
0x8e: {  	s2 =	sshll.u32 s24, $0xD;
	s0 =	sor.u32 s0, s1;
	s1 =	sshll.u32 s26, $0x16  }
0x8f: {  	s9 =	rddreg [dreg:$0x3];
	s30 =	sand.u32 $0x7, s23;
	s8 =	sadd.s32 s1, s2  }
0x90: {  	s4 =	sand.u32 $0xF, s4;
	s0 =	sshrl.u32 s0, $0x3;
	s8 =	sadd.s32 s9, s8  }
0x91: {  	s0 =	sand.u32 $0x1FF0, s0;
	s9 =	sshll.u32 s30, $0x12;
	s8 =	sadd.s32 s4, s8  }
0x92: {  	s31 =	rddreg [dreg:$0x4];
	s9 =	sor.u32 $0x8, s9;
	s8 =	sadd.s32 s0, s8  }
0x93: {  	[hbm4b:s8+s9] =	stream.strided.scatter [tilespmem:s28], [sflag:$0x2], $0x800, s17, s9, $0x0;
	[tilespmem:$0x11000] =	vst v63  }
0x94: {  	s8 =	sadd.s32 s1, s31  }
0x95: {  	s8 =	sadd.s32 s2, s8  }
0x96: {  	s8 =	sadd.s32 s4, s8  }
0x97: {  	s10 =	sadd.s32 $0x8900, s27;
	s8 =	sadd.s32 s0, s8  }
0x98: {  	[hbm4b:s8+s9] =	stream.strided.scatter [tilespmem:s10], [sflag:$0x2], $0x800, s17, s9, $0x0;
	[tilespmem:$0x11000] =	vst v63  }
0x99: {  	s10 =	rddreg [dreg:$0x5]  }
0x9a: {  	s8 =	sadd.s32 s1, s10  }
0x9b: {  	s8 =	sadd.s32 s2, s8  }
0x9c: {  	s8 =	sadd.s32 s4, s8  }
0x9d: {  	s11 =	sadd.s32 $0x9200, s27;
	s16 =	rddreg [dreg:$0x6];
	s8 =	sadd.s32 s0, s8  }
0x9e: {  	[hbm4b:s8+s9] =	stream.strided.scatter [tilespmem:s11], [sflag:$0x2], $0x800, s17, s9, $0x0;
	[tilespmem:$0x11000] =	vst v63  }
0x9f: {  	s8 =	sadd.s32 s1, s16  }
0xa0: {  	s8 =	sadd.s32 s2, s8  }
0xa1: {  	s8 =	sadd.s32 s4, s8  }
0xa2: {  	s23 =	sadd.s32 $0x9B00, s27;
	s24 =	rddreg [dreg:$0x7];
	s8 =	sadd.s32 s0, s8  }
0xa3: {  	[hbm4b:s8+s9] =	stream.strided.scatter [tilespmem:s23], [sflag:$0x2], $0x800, s17, s9, $0x0;
	[tilespmem:$0x11000] =	vst v63  }
0xa4: {  	s8 =	sadd.s32 s1, s24  }
0xa5: {  	s8 =	sadd.s32 s2, s8  }
0xa6: {  	s8 =	sadd.s32 s4, s8  }
0xa7: {  	s25 =	sadd.s32 $0xA400, s27;
	s26 =	sadd.s32 s1, s12;
	s8 =	sadd.s32 s0, s8  }
0xa8: {  	[hbm4b:s8+s9] =	stream.strided.scatter [tilespmem:s25], [sflag:$0x2], $0x800, s17, s9, $0x0;
	[tilespmem:$0x11000] =	vst v63  }
0xa9: {  	s8 =	sadd.s32 s2, s26  }
0xaa: {  	s8 =	sadd.s32 s4, s8  }
0xab: {  	s29 =	sadd.s32 s1, s13;
	s28 =	sadd.s32 $0xAD00, s27;
	s8 =	sadd.s32 s0, s8  }
0xac: {  	[hbm4b:s8+s9] =	stream.strided.scatter [tilespmem:s28], [sflag:$0x2], $0x800, s17, s9, $0x0;
	[tilespmem:$0x11000] =	vst v63  }
0xad: {  	s1 =	sadd.s32 s1, s14;
	s8 =	sadd.s32 s2, s29  }
.Ltmp6:
0xae: {  	s1 =	sadd.s32 s2, s1;
	s8 =	sadd.s32 s4, s8;
	(pc) =	sbr.rel .LBB1_9-.Ltmp6, $4  }
0xaf: {  	s30 =	sadd.s32 $0xB600, s27;
	s1 =	sadd.s32 s4, s1;
	s8 =	sadd.s32 s0, s8  }
0xb0: {  	[hbm4b:s8+s9] =	stream.strided.scatter [tilespmem:s30], [sflag:$0x2], $0x800, s17, s9, $0x0;
	[tilespmem:$0x11000] =	vst v63  }
0xb1: {  	s31 =	sadd.s32 $0xBF00, s27;
	s0 =	sadd.s32 s0, s1  }
0xb2: {  	[hbm4b:s0+s9] =	stream.strided.scatter [tilespmem:s31], [sflag:$0x2], $0x800, s17, s9, $0x0;
	[tilespmem:$0x11000] =	vst v63  }
.LBB1_10:
0xb3: {  	_ =	sfence.sel $0x180000  }
0xb4: {  	s0 =	simm.s32 $0x1;
	[bflag:$0x0] =	sbarrier.arrive $0xFFFF  }
0xb5: {  	s30 =	simm.s32 $0x2;
	[sflag:s0] =	ssyncpa.u1 $0x1  }
0xb6: {  	[sflag:s30] =	ssyncpa.u1 $0x1  }
0xb7: {  	_ =	strace $0x90000047  }
0xb8: {  	s31 =	stileid.u32;
	[bflag:$0x2] =	sbarrier.arrive $0xFFFF  }
0xb9: {  	p0 =	sne.s32 s31, $0x0;
	s0 =	rddreg [dreg:$0x2]  }
0xba: {  	s0 =	sadd.s32 @!p0 $0x100000, s0  }
0xbb: {  	[sflag:s0] =	ssyncadd.tile.s32 @!p0 $0x1;
	_ =	shalt  }
.Lfunc_end1:
_tile_overlayer_lowered:
.L_overlay_start_2:
0xbc: {  	(tag) =	ssettag $0x2  }
0xbd: {  	s0 =	rddreg [dreg:$0x0];
	s2 =	stileid.u32  }
0xbe: {  	s1 =	rddreg [dreg:$0x1];
	p0 =	sne.s32 s2, $0x0  }
0xbf: {  	s3 =	rddreg [dreg:$0x2];
	[bflag:$0x3] =	sbarrier.arrive $0xFFFF;
	s2 =	simm.s32 @!p0 $0x1C01  }
0xc0: {  	[timem:s3], [sflag:s2] =	dma.local @!p0 [hbm:s0], s1  }
0xc1: {  	s0 =	simm.s32 @!p0 $0x1  }
0xc2: {  	_ =	swait.ge @!p0 [sflag:s0], s1  }
0xc3: {  	s1 =	ssub.s32 @!p0 $0x0, s1;
	[sflag:s0] =	ssyncset.done @!p0 $0x0  }
0xc4: {  	[sflag:s0] =	ssyncadd.s32 @!p0 s1  }
0xc5: {  	[bflag:$0x3] =	sbarrier.arrive $0xFFFF  }
0xc6: {  	_ =	shalt  }

</sc_bundles>
